<compile_context>
chip_gen: v7x
topology: tpu7x:2x2x1
jax: 0.10.2.dev20260603
libtpu: 0.0.44.dev20260713+nightly
codegen_flags: <defaults>
</compile_context>

<pallas_src>
import math

import jax
import jax.numpy as jnp
import numpy as np
from jax import lax
from jax.experimental import pallas as pl
from jax.experimental.pallas import tpu as pltpu
from jax.experimental.pallas import tpu_sc as plsc

VOCAB = 1000000
MAX_LEN = 512
DIM = 64
BATCH = 1024
SEQ = 200

NW = 32
SPW = BATCH // NW
HALF = SEQ // 2
NB = 4
NG = SPW // NB

def _pos_table():
    den = np.exp(-np.arange(0, DIM, 2, dtype=np.float64) * math.log(10000.0) / DIM)
    pos = np.arange(0, SEQ, dtype=np.float64).reshape(SEQ, 1)
    pe = np.zeros((SEQ, DIM), dtype=np.float64)
    pe[:, 0::2] = np.sin(pos * den)
    pe[:, 1::2] = np.cos(pos * den)
    return jnp.asarray(pe, dtype=jnp.float32)


def _gather_body(table_hbm, tok_hbm, pos_hbm, out_hbm, idx_v, pos_v, *bufs_and_sems):
    bufs = bufs_and_sems[:NB]
    sem_g = bufs_and_sems[NB:2 * NB]
    sem_o = bufs_and_sems[2 * NB:3 * NB]

    wid = lax.axis_index("s") * 2 + lax.axis_index("c")
    sbase = wid * SPW

    pltpu.sync_copy(tok_hbm.at[pl.ds(sbase, SPW)], idx_v)
    pltpu.sync_copy(pos_hbm, pos_v)

    def gather_halves(s, b):
        for h in range(2):
            yield pltpu.make_async_copy(
                table_hbm.at[idx_v.at[s, h]],
                bufs[b].at[pl.ds(h * HALF, HALF)],
                sem_g[b],
            )

    def start_gather(s, b):
        for cp in gather_halves(s, b):
            cp.start()

    def wait_gather(s, b):
        for cp in gather_halves(s, b):
            cp.wait()

    def start_out(s, b):
        pltpu.async_copy(bufs[b], out_hbm.at[sbase + s], sem_o[b])

    def wait_out(s, b):
        pltpu.make_async_copy(bufs[b], out_hbm.at[sbase + s], sem_o[b]).wait()

    def add_pos(b):
        buf = bufs[b]

        @plsc.parallel_loop(0, SEQ, step=1, unroll=8)
        def _add(r):
            for t in range(4):
                sl = pl.ds(t * 16, 16)
                buf[r, sl] = buf[r, sl] + pos_v[r, sl]

    for b in range(NB - 1):
        start_gather(b, b)

    def step(s, b, first, issue_ahead=True):
        bn = (b - 1) % NB
        if issue_ahead:
            if not first:
                wait_out(s - 1, bn)
            start_gather(s + NB - 1, bn)
        wait_gather(s, b)
        add_pos(b)
        start_out(s, b)

    for b in range(NB):
        step(b, b, first=(b == 0))

    def group(g, carry):
        for b in range(NB):
            step(g * NB + b, b, first=False)
        return carry

    lax.fori_loop(1, NG - 1, group, 0)
    for b in range(NB):
        s = (NG - 1) * NB + b
        step(s, b, first=False, issue_ahead=(s + NB - 1 < SPW))

    for b in range(NB):
        wait_out((NG - 1) * NB + b, b)


def kernel(tokens, table):
    tok = tokens.astype(jnp.int32).reshape(BATCH, 2, HALF)
    pos = _pos_table()

    mesh = plsc.VectorSubcoreMesh(core_axis_name="c", subcore_axis_name="s")
    run = pl.kernel(
        _gather_body,
        mesh=mesh,
        compiler_params=pltpu.CompilerParams(use_tc_tiling_on_sc=False),
        out_type=jax.ShapeDtypeStruct((BATCH, SEQ, DIM), jnp.float32),
        scratch_types=(
            [pltpu.VMEM((SPW, 2, HALF), jnp.int32),
             pltpu.VMEM((SEQ, DIM), jnp.float32)]
            + [pltpu.VMEM((SEQ, DIM), jnp.float32) for _ in range(NB)]
            + [pltpu.SemaphoreType.DMA for _ in range(2 * NB)]
        ),
    )
    return run(table, tok, pos)

# --- scband reference (transcript-rebuilt; emitter-appended) ---
"""Pipeline reference for scband-positional-embedding-601295422177 (READ-ONLY COPY).

The authoritative reference and input builder live on the scoring server;
editing this copy changes nothing except your own understanding.
"""

import math
import jax, jax.numpy as jnp
import numpy as np

VOCAB = 1000000
PAD_IDX = 0
MAX_LEN = 512
DIM = 64
BATCH = 1024
SEQ = 200


def _make_pos_embedding(max_length, dim):
    den = np.exp(-np.arange(0, dim, 2, dtype=np.float64) * math.log(10000.0) / dim)
    pos = np.arange(0, max_length, dtype=np.float64).reshape(max_length, 1)
    pe = np.zeros((max_length, dim), dtype=np.float64)
    pe[:, 0::2] = np.sin(pos * den)
    pe[:, 1::2] = np.cos(pos * den)
    return jnp.asarray(pe, dtype=jnp.float32)


def setup_inputs(seed: int = 0) -> dict:
    key = jax.random.key(seed)
    k_tok, k_tab = jax.random.split(key)
    tokens = jax.random.randint(k_tok, (BATCH, SEQ), 0, VOCAB, dtype=jnp.int64)
    # Embedding table (learned parameter). padding_idx row is zero-initialized in torch.
    table = jax.random.normal(k_tab, (VOCAB, DIM), dtype=jnp.float32)
    table = table.at[PAD_IDX].set(0.0)
    return {"tokens": tokens, "table": table}


def reference(tokens, table):
    # nn.Embedding lookup with padding_idx: the pad row is zero (output independent of it).
    table0 = table.at[PAD_IDX].set(0.0)
    embeds = jnp.take(table0, tokens, axis=0)  # [B, L, D]
    pos_embedding = _make_pos_embedding(MAX_LEN, DIM)
    pos = pos_embedding[: tokens.shape[1]]  # [L, D]
    out = embeds + pos[None, :, :]
    # dropout p=0.0 -> identity
    return out

if __name__ == "__main__":
    import jax
    _d = setup_inputs()
    print(jax.jit(kernel)(*tuple(_d.values())))

</pallas_src>

<mosaic_0001>
#map = affine_map<(d0, d1) -> (0, 0)>
#map1 = affine_map<(d0, d1) -> (0, 0, 0)>
module attributes {stable_mosaic.version = 14 : i64} {
  func.func @_gather_body(%arg0: i32, %arg1: i32, %arg2: memref<1000000x64xf32, #tpu.memory_space<hbm>>, %arg3: memref<1024x2x100xi32, #tpu.memory_space<hbm>>, %arg4: memref<200x64xf32, #tpu.memory_space<hbm>>, %arg5: memref<1024x200x64xf32, #tpu.memory_space<hbm>>, %arg6: memref<32x2x100xi32, #tpu.memory_space<vmem>>, %arg7: memref<200x64xf32, #tpu.memory_space<vmem>>, %arg8: memref<200x64xf32, #tpu.memory_space<vmem>>, %arg9: memref<200x64xf32, #tpu.memory_space<vmem>>, %arg10: memref<200x64xf32, #tpu.memory_space<vmem>>, %arg11: memref<200x64xf32, #tpu.memory_space<vmem>>, %arg12: memref<!tpu.dma_semaphore, #tpu.memory_space<semaphore_mem>>, %arg13: memref<!tpu.dma_semaphore, #tpu.memory_space<semaphore_mem>>, %arg14: memref<!tpu.dma_semaphore, #tpu.memory_space<semaphore_mem>>, %arg15: memref<!tpu.dma_semaphore, #tpu.memory_space<semaphore_mem>>, %arg16: memref<!tpu.dma_semaphore, #tpu.memory_space<semaphore_mem>>, %arg17: memref<!tpu.dma_semaphore, #tpu.memory_space<semaphore_mem>>, %arg18: memref<!tpu.dma_semaphore, #tpu.memory_space<semaphore_mem>>, %arg19: memref<!tpu.dma_semaphore, #tpu.memory_space<semaphore_mem>>) attributes {dimension_semantics = [#tpu.dimension_semantics<core_parallel>, #tpu.dimension_semantics<subcore_parallel>], iteration_bounds = array<i64: 2, 16>, scalar_prefetch = 0 : i64, scratch_operands = 14 : i64, tpu.core_type = #tpu.core_type<sc_vector_subcore>, window_params = [{transform_indices = #map}, {transform_indices = #map1}, {transform_indices = #map}, {transform_indices = #map1}]} {
    %mul3A = arith.constant 2 : i32
    %mul3A_0 = arith.muli %arg1, %mul3A : i32
    %add3A = arith.addi %mul3A_0, %arg0 : i32
    %mul3A_1 = arith.constant 32 : i32
    %mul3A_2 = arith.muli %add3A, %mul3A_1 : i32
    "tpu.region"() ({
      %run_scoped3A = tpu.sem_alloc : memref<!tpu.dma_semaphore, #tpu.memory_space<semaphore_mem>>
      %dma_start3A_541 = arith.constant 0 : i32
      %dma_start3A_542 = arith.constant 0 : i32
      %dma_start3A_543 = tpu.memref_slice %arg3[%mul3A_2, %dma_start3A_541, %dma_start3A_542] : memref<1024x2x100xi32, #tpu.memory_space<hbm>> -> memref<32x2x100xi32, #tpu.memory_space<hbm>>
      %dma_start3A_544 = arith.constant 0 : i32
      %dma_start3A_545 = arith.constant 0 : i32
      %dma_start3A_546 = tpu.memref_slice %arg3[%mul3A_2, %dma_start3A_544, %dma_start3A_545] : memref<1024x2x100xi32, #tpu.memory_space<hbm>> -> memref<32x2x100xi32, #tpu.memory_space<hbm>>
      tpu.enqueue_dma source(%dma_start3A_546 : memref<32x2x100xi32, #tpu.memory_space<hbm>>) target(%arg6 : memref<32x2x100xi32, #tpu.memory_space<vmem>>) target_semaphore(%run_scoped3A : memref<!tpu.dma_semaphore, #tpu.memory_space<semaphore_mem>>)
      %dma_wait3A_547 = arith.constant 0 : i32
      %dma_wait3A_548 = arith.constant 0 : i32
      %dma_wait3A_549 = tpu.memref_slice %arg3[%mul3A_2, %dma_wait3A_547, %dma_wait3A_548] : memref<1024x2x100xi32, #tpu.memory_space<hbm>> -> memref<32x2x100xi32, #tpu.memory_space<hbm>>
      %dma_wait3A_550 = arith.constant 0 : i32
      %dma_wait3A_551 = arith.constant 0 : i32
      %dma_wait3A_552 = tpu.memref_slice %arg3[%mul3A_2, %dma_wait3A_550, %dma_wait3A_551] : memref<1024x2x100xi32, #tpu.memory_space<hbm>> -> memref<32x2x100xi32, #tpu.memory_space<hbm>>
      tpu.wait_dma2 semaphore(%run_scoped3A : memref<!tpu.dma_semaphore, #tpu.memory_space<semaphore_mem>>) src(%dma_wait3A_552 : memref<32x2x100xi32, #tpu.memory_space<hbm>>) dst(%arg6 : memref<32x2x100xi32, #tpu.memory_space<vmem>>)
      tpu.yield
    }) : () -> ()
    "tpu.region"() ({
      %run_scoped3A = tpu.sem_alloc : memref<!tpu.dma_semaphore, #tpu.memory_space<semaphore_mem>>
      tpu.enqueue_dma source(%arg4 : memref<200x64xf32, #tpu.memory_space<hbm>>) target(%arg7 : memref<200x64xf32, #tpu.memory_space<vmem>>) target_semaphore(%run_scoped3A : memref<!tpu.dma_semaphore, #tpu.memory_space<semaphore_mem>>)
      tpu.wait_dma2 semaphore(%run_scoped3A : memref<!tpu.dma_semaphore, #tpu.memory_space<semaphore_mem>>) src(%arg4 : memref<200x64xf32, #tpu.memory_space<hbm>>) dst(%arg7 : memref<200x64xf32, #tpu.memory_space<vmem>>)
      tpu.yield
    }) : () -> ()
    %dma_start3A = arith.constant 0 : i32
    %dma_start3A_3 = arith.constant 0 : i32
    %dma_start3A_4 = arith.constant 0 : i32
    %dma_start3A_5 = arith.constant 0 : i32
    %dma_start3A_6 = tpu.memref_slice %arg8[%dma_start3A_4, %dma_start3A_5] : memref<200x64xf32, #tpu.memory_space<vmem>> -> memref<100x64xf32, #tpu.memory_space<vmem>>
    %dma_start3A_7 = arith.constant 0 : i32
    %dma_start3A_8 = tpu.memref_slice %arg6[%dma_start3A, %dma_start3A_3, %dma_start3A_7] : memref<32x2x100xi32, #tpu.memory_space<vmem>> -> memref<1x1x100xi32, #tpu.memory_space<vmem>>
    %dma_start3A_9 = tpu.memref_squeeze %dma_start3A_8 : memref<1x1x100xi32, #tpu.memory_space<vmem>> -> memref<100xi32, #tpu.memory_space<vmem>>
    %dma_start3A_10 = arith.constant 0 : i32
    %dma_start3A_11 = arith.constant 0 : i32
    %dma_start3A_12 = tpu.memref_slice %arg2[%dma_start3A_10, %dma_start3A_11] : memref<1000000x64xf32, #tpu.memory_space<hbm>> -> memref<1000000x64xf32, #tpu.memory_space<hbm>>
    tpu.enqueue_indirect_dma source(%dma_start3A_12 : memref<1000000x64xf32, #tpu.memory_space<hbm>>) target(%dma_start3A_6 : memref<100x64xf32, #tpu.memory_space<vmem>>) offsets(%dma_start3A_9 : memref<100xi32, #tpu.memory_space<vmem>>) semaphore(%arg12 : memref<!tpu.dma_semaphore, #tpu.memory_space<semaphore_mem>>)
    %dma_start3A_13 = arith.constant 0 : i32
    %dma_start3A_14 = arith.constant 1 : i32
    %dma_start3A_15 = arith.constant 100 : i32
    %dma_start3A_16 = arith.constant 0 : i32
    %dma_start3A_17 = tpu.memref_slice %arg8[%dma_start3A_15, %dma_start3A_16] : memref<200x64xf32, #tpu.memory_space<vmem>> -> memref<100x64xf32, #tpu.memory_space<vmem>>
    %dma_start3A_18 = arith.constant 0 : i32
    %dma_start3A_19 = tpu.memref_slice %arg6[%dma_start3A_13, %dma_start3A_14, %dma_start3A_18] : memref<32x2x100xi32, #tpu.memory_space<vmem>> -> memref<1x1x100xi32, #tpu.memory_space<vmem>>
    %dma_start3A_20 = tpu.memref_squeeze %dma_start3A_19 : memref<1x1x100xi32, #tpu.memory_space<vmem>> -> memref<100xi32, #tpu.memory_space<vmem>>
    %dma_start3A_21 = arith.constant 0 : i32
    %dma_start3A_22 = arith.constant 0 : i32
    %dma_start3A_23 = tpu.memref_slice %arg2[%dma_start3A_21, %dma_start3A_22] : memref<1000000x64xf32, #tpu.memory_space<hbm>> -> memref<1000000x64xf32, #tpu.memory_space<hbm>>
    tpu.enqueue_indirect_dma source(%dma_start3A_23 : memref<1000000x64xf32, #tpu.memory_space<hbm>>) target(%dma_start3A_17 : memref<100x64xf32, #tpu.memory_space<vmem>>) offsets(%dma_start3A_20 : memref<100xi32, #tpu.memory_space<vmem>>) semaphore(%arg12 : memref<!tpu.dma_semaphore, #tpu.memory_space<semaphore_mem>>)
    %dma_start3A_24 = arith.constant 1 : i32
    %dma_start3A_25 = arith.constant 0 : i32
    %dma_start3A_26 = arith.constant 0 : i32
    %dma_start3A_27 = arith.constant 0 : i32
    %dma_start3A_28 = tpu.memref_slice %arg9[%dma_start3A_26, %dma_start3A_27] : memref<200x64xf32, #tpu.memory_space<vmem>> -> memref<100x64xf32, #tpu.memory_space<vmem>>
    %dma_start3A_29 = arith.constant 0 : i32
    %dma_start3A_30 = tpu.memref_slice %arg6[%dma_start3A_24, %dma_start3A_25, %dma_start3A_29] : memref<32x2x100xi32, #tpu.memory_space<vmem>> -> memref<1x1x100xi32, #tpu.memory_space<vmem>>
    %dma_start3A_31 = tpu.memref_squeeze %dma_start3A_30 : memref<1x1x100xi32, #tpu.memory_space<vmem>> -> memref<100xi32, #tpu.memory_space<vmem>>
    %dma_start3A_32 = arith.constant 0 : i32
    %dma_start3A_33 = arith.constant 0 : i32
    %dma_start3A_34 = tpu.memref_slice %arg2[%dma_start3A_32, %dma_start3A_33] : memref<1000000x64xf32, #tpu.memory_space<hbm>> -> memref<1000000x64xf32, #tpu.memory_space<hbm>>
    tpu.enqueue_indirect_dma source(%dma_start3A_34 : memref<1000000x64xf32, #tpu.memory_space<hbm>>) target(%dma_start3A_28 : memref<100x64xf32, #tpu.memory_space<vmem>>) offsets(%dma_start3A_31 : memref<100xi32, #tpu.memory_space<vmem>>) semaphore(%arg13 : memref<!tpu.dma_semaphore, #tpu.memory_space<semaphore_mem>>)
    %dma_start3A_35 = arith.constant 1 : i32
    %dma_start3A_36 = arith.constant 1 : i32
    %dma_start3A_37 = arith.constant 100 : i32
    %dma_start3A_38 = arith.constant 0 : i32
    %dma_start3A_39 = tpu.memref_slice %arg9[%dma_start3A_37, %dma_start3A_38] : memref<200x64xf32, #tpu.memory_space<vmem>> -> memref<100x64xf32, #tpu.memory_space<vmem>>
    %dma_start3A_40 = arith.constant 0 : i32
    %dma_start3A_41 = tpu.memref_slice %arg6[%dma_start3A_35, %dma_start3A_36, %dma_start3A_40] : memref<32x2x100xi32, #tpu.memory_space<vmem>> -> memref<1x1x100xi32, #tpu.memory_space<vmem>>
    %dma_start3A_42 = tpu.memref_squeeze %dma_start3A_41 : memref<1x1x100xi32, #tpu.memory_space<vmem>> -> memref<100xi32, #tpu.memory_space<vmem>>
    %dma_start3A_43 = arith.constant 0 : i32
    %dma_start3A_44 = arith.constant 0 : i32
    %dma_start3A_45 = tpu.memref_slice %arg2[%dma_start3A_43, %dma_start3A_44] : memref<1000000x64xf32, #tpu.memory_space<hbm>> -> memref<1000000x64xf32, #tpu.memory_space<hbm>>
    tpu.enqueue_indirect_dma source(%dma_start3A_45 : memref<1000000x64xf32, #tpu.memory_space<hbm>>) target(%dma_start3A_39 : memref<100x64xf32, #tpu.memory_space<vmem>>) offsets(%dma_start3A_42 : memref<100xi32, #tpu.memory_space<vmem>>) semaphore(%arg13 : memref<!tpu.dma_semaphore, #tpu.memory_space<semaphore_mem>>)
    %dma_start3A_46 = arith.constant 2 : i32
    %dma_start3A_47 = arith.constant 0 : i32
    %dma_start3A_48 = arith.constant 0 : i32
    %dma_start3A_49 = arith.constant 0 : i32
    %dma_start3A_50 = tpu.memref_slice %arg10[%dma_start3A_48, %dma_start3A_49] : memref<200x64xf32, #tpu.memory_space<vmem>> -> memref<100x64xf32, #tpu.memory_space<vmem>>
    %dma_start3A_51 = arith.constant 0 : i32
    %dma_start3A_52 = tpu.memref_slice %arg6[%dma_start3A_46, %dma_start3A_47, %dma_start3A_51] : memref<32x2x100xi32, #tpu.memory_space<vmem>> -> memref<1x1x100xi32, #tpu.memory_space<vmem>>
    %dma_start3A_53 = tpu.memref_squeeze %dma_start3A_52 : memref<1x1x100xi32, #tpu.memory_space<vmem>> -> memref<100xi32, #tpu.memory_space<vmem>>
    %dma_start3A_54 = arith.constant 0 : i32
    %dma_start3A_55 = arith.constant 0 : i32
    %dma_start3A_56 = tpu.memref_slice %arg2[%dma_start3A_54, %dma_start3A_55] : memref<1000000x64xf32, #tpu.memory_space<hbm>> -> memref<1000000x64xf32, #tpu.memory_space<hbm>>
    tpu.enqueue_indirect_dma source(%dma_start3A_56 : memref<1000000x64xf32, #tpu.memory_space<hbm>>) target(%dma_start3A_50 : memref<100x64xf32, #tpu.memory_space<vmem>>) offsets(%dma_start3A_53 : memref<100xi32, #tpu.memory_space<vmem>>) semaphore(%arg14 : memref<!tpu.dma_semaphore, #tpu.memory_space<semaphore_mem>>)
    %dma_start3A_57 = arith.constant 2 : i32
    %dma_start3A_58 = arith.constant 1 : i32
    %dma_start3A_59 = arith.constant 100 : i32
    %dma_start3A_60 = arith.constant 0 : i32
    %dma_start3A_61 = tpu.memref_slice %arg10[%dma_start3A_59, %dma_start3A_60] : memref<200x64xf32, #tpu.memory_space<vmem>> -> memref<100x64xf32, #tpu.memory_space<vmem>>
    %dma_start3A_62 = arith.constant 0 : i32
    %dma_start3A_63 = tpu.memref_slice %arg6[%dma_start3A_57, %dma_start3A_58, %dma_start3A_62] : memref<32x2x100xi32, #tpu.memory_space<vmem>> -> memref<1x1x100xi32, #tpu.memory_space<vmem>>
    %dma_start3A_64 = tpu.memref_squeeze %dma_start3A_63 : memref<1x1x100xi32, #tpu.memory_space<vmem>> -> memref<100xi32, #tpu.memory_space<vmem>>
    %dma_start3A_65 = arith.constant 0 : i32
    %dma_start3A_66 = arith.constant 0 : i32
    %dma_start3A_67 = tpu.memref_slice %arg2[%dma_start3A_65, %dma_start3A_66] : memref<1000000x64xf32, #tpu.memory_space<hbm>> -> memref<1000000x64xf32, #tpu.memory_space<hbm>>
    tpu.enqueue_indirect_dma source(%dma_start3A_67 : memref<1000000x64xf32, #tpu.memory_space<hbm>>) target(%dma_start3A_61 : memref<100x64xf32, #tpu.memory_space<vmem>>) offsets(%dma_start3A_64 : memref<100xi32, #tpu.memory_space<vmem>>) semaphore(%arg14 : memref<!tpu.dma_semaphore, #tpu.memory_space<semaphore_mem>>)
    %dma_start3A_68 = arith.constant 3 : i32
    %dma_start3A_69 = arith.constant 0 : i32
    %dma_start3A_70 = arith.constant 0 : i32
    %dma_start3A_71 = arith.constant 0 : i32
    %dma_start3A_72 = tpu.memref_slice %arg11[%dma_start3A_70, %dma_start3A_71] : memref<200x64xf32, #tpu.memory_space<vmem>> -> memref<100x64xf32, #tpu.memory_space<vmem>>
    %dma_start3A_73 = arith.constant 0 : i32
    %dma_start3A_74 = tpu.memref_slice %arg6[%dma_start3A_68, %dma_start3A_69, %dma_start3A_73] : memref<32x2x100xi32, #tpu.memory_space<vmem>> -> memref<1x1x100xi32, #tpu.memory_space<vmem>>
    %dma_start3A_75 = tpu.memref_squeeze %dma_start3A_74 : memref<1x1x100xi32, #tpu.memory_space<vmem>> -> memref<100xi32, #tpu.memory_space<vmem>>
    %dma_start3A_76 = arith.constant 0 : i32
    %dma_start3A_77 = arith.constant 0 : i32
    %dma_start3A_78 = tpu.memref_slice %arg2[%dma_start3A_76, %dma_start3A_77] : memref<1000000x64xf32, #tpu.memory_space<hbm>> -> memref<1000000x64xf32, #tpu.memory_space<hbm>>
    tpu.enqueue_indirect_dma source(%dma_start3A_78 : memref<1000000x64xf32, #tpu.memory_space<hbm>>) target(%dma_start3A_72 : memref<100x64xf32, #tpu.memory_space<vmem>>) offsets(%dma_start3A_75 : memref<100xi32, #tpu.memory_space<vmem>>) semaphore(%arg15 : memref<!tpu.dma_semaphore, #tpu.memory_space<semaphore_mem>>)
    %dma_start3A_79 = arith.constant 3 : i32
    %dma_start3A_80 = arith.constant 1 : i32
    %dma_start3A_81 = arith.constant 100 : i32
    %dma_start3A_82 = arith.constant 0 : i32
    %dma_start3A_83 = tpu.memref_slice %arg11[%dma_start3A_81, %dma_start3A_82] : memref<200x64xf32, #tpu.memory_space<vmem>> -> memref<100x64xf32, #tpu.memory_space<vmem>>
    %dma_start3A_84 = arith.constant 0 : i32
    %dma_start3A_85 = tpu.memref_slice %arg6[%dma_start3A_79, %dma_start3A_80, %dma_start3A_84] : memref<32x2x100xi32, #tpu.memory_space<vmem>> -> memref<1x1x100xi32, #tpu.memory_space<vmem>>
    %dma_start3A_86 = tpu.memref_squeeze %dma_start3A_85 : memref<1x1x100xi32, #tpu.memory_space<vmem>> -> memref<100xi32, #tpu.memory_space<vmem>>
    %dma_start3A_87 = arith.constant 0 : i32
    %dma_start3A_88 = arith.constant 0 : i32
    %dma_start3A_89 = tpu.memref_slice %arg2[%dma_start3A_87, %dma_start3A_88] : memref<1000000x64xf32, #tpu.memory_space<hbm>> -> memref<1000000x64xf32, #tpu.memory_space<hbm>>
    tpu.enqueue_indirect_dma source(%dma_start3A_89 : memref<1000000x64xf32, #tpu.memory_space<hbm>>) target(%dma_start3A_83 : memref<100x64xf32, #tpu.memory_space<vmem>>) offsets(%dma_start3A_86 : memref<100xi32, #tpu.memory_space<vmem>>) semaphore(%arg15 : memref<!tpu.dma_semaphore, #tpu.memory_space<semaphore_mem>>)
    %dma_wait3A = arith.constant 0 : i32
    %dma_wait3A_90 = arith.constant 0 : i32
    %dma_wait3A_91 = arith.constant 0 : i32
    %dma_wait3A_92 = arith.constant 0 : i32
    %dma_wait3A_93 = tpu.memref_slice %arg8[%dma_wait3A_91, %dma_wait3A_92] : memref<200x64xf32, #tpu.memory_space<vmem>> -> memref<100x64xf32, #tpu.memory_space<vmem>>
    %dma_wait3A_94 = arith.constant 0 : i32
    %dma_wait3A_95 = tpu.memref_slice %arg6[%dma_wait3A, %dma_wait3A_90, %dma_wait3A_94] : memref<32x2x100xi32, #tpu.memory_space<vmem>> -> memref<1x1x100xi32, #tpu.memory_space<vmem>>
    %dma_wait3A_96 = tpu.memref_squeeze %dma_wait3A_95 : memref<1x1x100xi32, #tpu.memory_space<vmem>> -> memref<100xi32, #tpu.memory_space<vmem>>
    %dma_wait3A_97 = arith.constant 0 : i32
    %dma_wait3A_98 = arith.constant 0 : i32
    %dma_wait3A_99 = tpu.memref_slice %arg2[%dma_wait3A_97, %dma_wait3A_98] : memref<1000000x64xf32, #tpu.memory_space<hbm>> -> memref<1000000x64xf32, #tpu.memory_space<hbm>>
    tpu.wait_indirect_dma semaphore(%arg12 : memref<!tpu.dma_semaphore, #tpu.memory_space<semaphore_mem>>) src(%dma_wait3A_99 : memref<1000000x64xf32, #tpu.memory_space<hbm>>) dst(%dma_wait3A_93 : memref<100x64xf32, #tpu.memory_space<vmem>>)
    %dma_wait3A_100 = arith.constant 0 : i32
    %dma_wait3A_101 = arith.constant 1 : i32
    %dma_wait3A_102 = arith.constant 100 : i32
    %dma_wait3A_103 = arith.constant 0 : i32
    %dma_wait3A_104 = tpu.memref_slice %arg8[%dma_wait3A_102, %dma_wait3A_103] : memref<200x64xf32, #tpu.memory_space<vmem>> -> memref<100x64xf32, #tpu.memory_space<vmem>>
    %dma_wait3A_105 = arith.constant 0 : i32
    %dma_wait3A_106 = tpu.memref_slice %arg6[%dma_wait3A_100, %dma_wait3A_101, %dma_wait3A_105] : memref<32x2x100xi32, #tpu.memory_space<vmem>> -> memref<1x1x100xi32, #tpu.memory_space<vmem>>
    %dma_wait3A_107 = tpu.memref_squeeze %dma_wait3A_106 : memref<1x1x100xi32, #tpu.memory_space<vmem>> -> memref<100xi32, #tpu.memory_space<vmem>>
    %dma_wait3A_108 = arith.constant 0 : i32
    %dma_wait3A_109 = arith.constant 0 : i32
    %dma_wait3A_110 = tpu.memref_slice %arg2[%dma_wait3A_108, %dma_wait3A_109] : memref<1000000x64xf32, #tpu.memory_space<hbm>> -> memref<1000000x64xf32, #tpu.memory_space<hbm>>
    tpu.wait_indirect_dma semaphore(%arg12 : memref<!tpu.dma_semaphore, #tpu.memory_space<semaphore_mem>>) src(%dma_wait3A_110 : memref<1000000x64xf32, #tpu.memory_space<hbm>>) dst(%dma_wait3A_104 : memref<100x64xf32, #tpu.memory_space<vmem>>)
    %parallel_loop3A = arith.constant 0 : i32
    %parallel_loop3A_111 = arith.constant 200 : i32
    %parallel_loop3A_112 = arith.constant 1 : i32
    scf.for %parallel_loop3A_541 = %parallel_loop3A to %parallel_loop3A_111 step %parallel_loop3A_112  : i32 {
      %parallel_loop3A_542 = arith.index_cast %parallel_loop3A_541 : i32 to index
      %parallel_loop3A_543 = arith.constant 0 : index
      %parallel_loop3A_544 = tpu.vector_load %arg8[%parallel_loop3A_542, %parallel_loop3A_543] {strides = array<i32>} : memref<200x64xf32, #tpu.memory_space<vmem>>, vector<1x16xf32>,
      %parallel_loop3A_545 = vector.shape_cast %parallel_loop3A_544 : vector<1x16xf32> to vector<16xf32>
      %parallel_loop3A_546 = arith.index_cast %parallel_loop3A_541 : i32 to index
      %parallel_loop3A_547 = arith.constant 0 : index
      %parallel_loop3A_548 = tpu.vector_load %arg7[%parallel_loop3A_546, %parallel_loop3A_547] {strides = array<i32>} : memref<200x64xf32, #tpu.memory_space<vmem>>, vector<1x16xf32>,
      %parallel_loop3A_549 = vector.shape_cast %parallel_loop3A_548 : vector<1x16xf32> to vector<16xf32>
      %parallel_loop3A_550 = arith.addf %parallel_loop3A_545, %parallel_loop3A_549 : vector<16xf32>
      %parallel_loop3A_551 = arith.index_cast %parallel_loop3A_541 : i32 to index
      %parallel_loop3A_552 = arith.constant 0 : index
      %parallel_loop3A_553 = tpu.vector_load %arg8[%parallel_loop3A_551, %parallel_loop3A_552] {strides = array<i32>} : memref<200x64xf32, #tpu.memory_space<vmem>>, vector<1x16xf32>,
      %parallel_loop3A_554 = vector.shape_cast %parallel_loop3A_553 : vector<1x16xf32> to vector<16xf32>
      %parallel_loop3A_555 = vector.shape_cast %parallel_loop3A_550 : vector<16xf32> to vector<1x16xf32>
      tpu.vector_store %arg8[%parallel_loop3A_551, %parallel_loop3A_552], %parallel_loop3A_555 {strides = array<i32>} : memref<200x64xf32, #tpu.memory_space<vmem>>, vector<1x16xf32>,
      %parallel_loop3A_556 = arith.index_cast %parallel_loop3A_541 : i32 to index
      %parallel_loop3A_557 = arith.constant 16 : index
      %parallel_loop3A_558 = tpu.vector_load %arg8[%parallel_loop3A_556, %parallel_loop3A_557] {strides = array<i32>} : memref<200x64xf32, #tpu.memory_space<vmem>>, vector<1x16xf32>,
      %parallel_loop3A_559 = vector.shape_cast %parallel_loop3A_558 : vector<1x16xf32> to vector<16xf32>
      %parallel_loop3A_560 = arith.index_cast %parallel_loop3A_541 : i32 to index
      %parallel_loop3A_561 = arith.constant 16 : index
      %parallel_loop3A_562 = tpu.vector_load %arg7[%parallel_loop3A_560, %parallel_loop3A_561] {strides = array<i32>} : memref<200x64xf32, #tpu.memory_space<vmem>>, vector<1x16xf32>,
      %parallel_loop3A_563 = vector.shape_cast %parallel_loop3A_562 : vector<1x16xf32> to vector<16xf32>
      %parallel_loop3A_564 = arith.addf %parallel_loop3A_559, %parallel_loop3A_563 : vector<16xf32>
      %parallel_loop3A_565 = arith.index_cast %parallel_loop3A_541 : i32 to index
      %parallel_loop3A_566 = arith.constant 16 : index
      %parallel_loop3A_567 = tpu.vector_load %arg8[%parallel_loop3A_565, %parallel_loop3A_566] {strides = array<i32>} : memref<200x64xf32, #tpu.memory_space<vmem>>, vector<1x16xf32>,
      %parallel_loop3A_568 = vector.shape_cast %parallel_loop3A_567 : vector<1x16xf32> to vector<16xf32>
      %parallel_loop3A_569 = vector.shape_cast %parallel_loop3A_564 : vector<16xf32> to vector<1x16xf32>
      tpu.vector_store %arg8[%parallel_loop3A_565, %parallel_loop3A_566], %parallel_loop3A_569 {strides = array<i32>} : memref<200x64xf32, #tpu.memory_space<vmem>>, vector<1x16xf32>,
      %parallel_loop3A_570 = arith.index_cast %parallel_loop3A_541 : i32 to index
      %parallel_loop3A_571 = arith.constant 32 : index
      %parallel_loop3A_572 = tpu.vector_load %arg8[%parallel_loop3A_570, %parallel_loop3A_571] {strides = array<i32>} : memref<200x64xf32, #tpu.memory_space<vmem>>, vector<1x16xf32>,
      %parallel_loop3A_573 = vector.shape_cast %parallel_loop3A_572 : vector<1x16xf32> to vector<16xf32>
      %parallel_loop3A_574 = arith.index_cast %parallel_loop3A_541 : i32 to index
      %parallel_loop3A_575 = arith.constant 32 : index
      %parallel_loop3A_576 = tpu.vector_load %arg7[%parallel_loop3A_574, %parallel_loop3A_575] {strides = array<i32>} : memref<200x64xf32, #tpu.memory_space<vmem>>, vector<1x16xf32>,
      %parallel_loop3A_577 = vector.shape_cast %parallel_loop3A_576 : vector<1x16xf32> to vector<16xf32>
      %parallel_loop3A_578 = arith.addf %parallel_loop3A_573, %parallel_loop3A_577 : vector<16xf32>
      %parallel_loop3A_579 = arith.index_cast %parallel_loop3A_541 : i32 to index
      %parallel_loop3A_580 = arith.constant 32 : index
      %parallel_loop3A_581 = tpu.vector_load %arg8[%parallel_loop3A_579, %parallel_loop3A_580] {strides = array<i32>} : memref<200x64xf32, #tpu.memory_space<vmem>>, vector<1x16xf32>,
      %parallel_loop3A_582 = vector.shape_cast %parallel_loop3A_581 : vector<1x16xf32> to vector<16xf32>
      %parallel_loop3A_583 = vector.shape_cast %parallel_loop3A_578 : vector<16xf32> to vector<1x16xf32>
      tpu.vector_store %arg8[%parallel_loop3A_579, %parallel_loop3A_580], %parallel_loop3A_583 {strides = array<i32>} : memref<200x64xf32, #tpu.memory_space<vmem>>, vector<1x16xf32>,
      %parallel_loop3A_584 = arith.index_cast %parallel_loop3A_541 : i32 to index
      %parallel_loop3A_585 = arith.constant 48 : index
      %parallel_loop3A_586 = tpu.vector_load %arg8[%parallel_loop3A_584, %parallel_loop3A_585] {strides = array<i32>} : memref<200x64xf32, #tpu.memory_space<vmem>>, vector<1x16xf32>,
      %parallel_loop3A_587 = vector.shape_cast %parallel_loop3A_586 : vector<1x16xf32> to vector<16xf32>
      %parallel_loop3A_588 = arith.index_cast %parallel_loop3A_541 : i32 to index
      %parallel_loop3A_589 = arith.constant 48 : index
      %parallel_loop3A_590 = tpu.vector_load %arg7[%parallel_loop3A_588, %parallel_loop3A_589] {strides = array<i32>} : memref<200x64xf32, #tpu.memory_space<vmem>>, vector<1x16xf32>,
      %parallel_loop3A_591 = vector.shape_cast %parallel_loop3A_590 : vector<1x16xf32> to vector<16xf32>
      %parallel_loop3A_592 = arith.addf %parallel_loop3A_587, %parallel_loop3A_591 : vector<16xf32>
      %parallel_loop3A_593 = arith.index_cast %parallel_loop3A_541 : i32 to index
      %parallel_loop3A_594 = arith.constant 48 : index
      %parallel_loop3A_595 = tpu.vector_load %arg8[%parallel_loop3A_593, %parallel_loop3A_594] {strides = array<i32>} : memref<200x64xf32, #tpu.memory_space<vmem>>, vector<1x16xf32>,
      %parallel_loop3A_596 = vector.shape_cast %parallel_loop3A_595 : vector<1x16xf32> to vector<16xf32>
      %parallel_loop3A_597 = vector.shape_cast %parallel_loop3A_592 : vector<16xf32> to vector<1x16xf32>
      tpu.vector_store %arg8[%parallel_loop3A_593, %parallel_loop3A_594], %parallel_loop3A_597 {strides = array<i32>} : memref<200x64xf32, #tpu.memory_space<vmem>>, vector<1x16xf32>,
    } {sc.loop_unroll_factor = 8 : i64, sc.parallel_access}
    %add3A_113 = arith.constant 0 : i32
    %add3A_114 = arith.addi %mul3A_2, %add3A_113 : i32
    %dma_start3A_115 = arith.constant 0 : i32
    %dma_start3A_116 = arith.constant 0 : i32
    %dma_start3A_117 = tpu.memref_slice %arg5[%add3A_114, %dma_start3A_115, %dma_start3A_116] : memref<1024x200x64xf32, #tpu.memory_space<hbm>> -> memref<1x200x64xf32, #tpu.memory_space<hbm>>
    %dma_start3A_118 = tpu.memref_squeeze %dma_start3A_117 : memref<1x200x64xf32, #tpu.memory_space<hbm>> -> memref<200x64xf32, #tpu.memory_space<hbm>>
    %dma_start3A_119 = arith.constant 0 : i32
    %dma_start3A_120 = arith.constant 0 : i32
    %dma_start3A_121 = tpu.memref_slice %arg5[%add3A_114, %dma_start3A_119, %dma_start3A_120] : memref<1024x200x64xf32, #tpu.memory_space<hbm>> -> memref<1x200x64xf32, #tpu.memory_space<hbm>>
    %dma_start3A_122 = tpu.memref_squeeze %dma_start3A_121 : memref<1x200x64xf32, #tpu.memory_space<hbm>> -> memref<200x64xf32, #tpu.memory_space<hbm>>
    tpu.enqueue_dma source(%arg8 : memref<200x64xf32, #tpu.memory_space<vmem>>) target(%dma_start3A_122 : memref<200x64xf32, #tpu.memory_space<hbm>>) target_semaphore(%arg16 : memref<!tpu.dma_semaphore, #tpu.memory_space<semaphore_mem>>)
    %add3A_123 = arith.constant 0 : i32
    %add3A_124 = arith.addi %mul3A_2, %add3A_123 : i32
    %dma_wait3A_125 = arith.constant 0 : i32
    %dma_wait3A_126 = arith.constant 0 : i32
    %dma_wait3A_127 = tpu.memref_slice %arg5[%add3A_124, %dma_wait3A_125, %dma_wait3A_126] : memref<1024x200x64xf32, #tpu.memory_space<hbm>> -> memref<1x200x64xf32, #tpu.memory_space<hbm>>
    %dma_wait3A_128 = tpu.memref_squeeze %dma_wait3A_127 : memref<1x200x64xf32, #tpu.memory_space<hbm>> -> memref<200x64xf32, #tpu.memory_space<hbm>>
    %dma_wait3A_129 = arith.constant 0 : i32
    %dma_wait3A_130 = arith.constant 0 : i32
    %dma_wait3A_131 = tpu.memref_slice %arg5[%add3A_124, %dma_wait3A_129, %dma_wait3A_130] : memref<1024x200x64xf32, #tpu.memory_space<hbm>> -> memref<1x200x64xf32, #tpu.memory_space<hbm>>
    %dma_wait3A_132 = tpu.memref_squeeze %dma_wait3A_131 : memref<1x200x64xf32, #tpu.memory_space<hbm>> -> memref<200x64xf32, #tpu.memory_space<hbm>>
    tpu.wait_dma2 semaphore(%arg16 : memref<!tpu.dma_semaphore, #tpu.memory_space<semaphore_mem>>) src(%arg8 : memref<200x64xf32, #tpu.memory_space<vmem>>) dst(%dma_wait3A_132 : memref<200x64xf32, #tpu.memory_space<hbm>>)
    %dma_start3A_133 = arith.constant 4 : i32
    %dma_start3A_134 = arith.constant 0 : i32
    %dma_start3A_135 = arith.constant 0 : i32
    %dma_start3A_136 = arith.constant 0 : i32
    %dma_start3A_137 = tpu.memref_slice %arg8[%dma_start3A_135, %dma_start3A_136] : memref<200x64xf32, #tpu.memory_space<vmem>> -> memref<100x64xf32, #tpu.memory_space<vmem>>
    %dma_start3A_138 = arith.constant 0 : i32
    %dma_start3A_139 = tpu.memref_slice %arg6[%dma_start3A_133, %dma_start3A_134, %dma_start3A_138] : memref<32x2x100xi32, #tpu.memory_space<vmem>> -> memref<1x1x100xi32, #tpu.memory_space<vmem>>
    %dma_start3A_140 = tpu.memref_squeeze %dma_start3A_139 : memref<1x1x100xi32, #tpu.memory_space<vmem>> -> memref<100xi32, #tpu.memory_space<vmem>>
    %dma_start3A_141 = arith.constant 0 : i32
    %dma_start3A_142 = arith.constant 0 : i32
    %dma_start3A_143 = tpu.memref_slice %arg2[%dma_start3A_141, %dma_start3A_142] : memref<1000000x64xf32, #tpu.memory_space<hbm>> -> memref<1000000x64xf32, #tpu.memory_space<hbm>>
    tpu.enqueue_indirect_dma source(%dma_start3A_143 : memref<1000000x64xf32, #tpu.memory_space<hbm>>) target(%dma_start3A_137 : memref<100x64xf32, #tpu.memory_space<vmem>>) offsets(%dma_start3A_140 : memref<100xi32, #tpu.memory_space<vmem>>) semaphore(%arg12 : memref<!tpu.dma_semaphore, #tpu.memory_space<semaphore_mem>>)
    %dma_start3A_144 = arith.constant 4 : i32
    %dma_start3A_145 = arith.constant 1 : i32
    %dma_start3A_146 = arith.constant 100 : i32
    %dma_start3A_147 = arith.constant 0 : i32
    %dma_start3A_148 = tpu.memref_slice %arg8[%dma_start3A_146, %dma_start3A_147] : memref<200x64xf32, #tpu.memory_space<vmem>> -> memref<100x64xf32, #tpu.memory_space<vmem>>
    %dma_start3A_149 = arith.constant 0 : i32
    %dma_start3A_150 = tpu.memref_slice %arg6[%dma_start3A_144, %dma_start3A_145, %dma_start3A_149] : memref<32x2x100xi32, #tpu.memory_space<vmem>> -> memref<1x1x100xi32, #tpu.memory_space<vmem>>
    %dma_start3A_151 = tpu.memref_squeeze %dma_start3A_150 : memref<1x1x100xi32, #tpu.memory_space<vmem>> -> memref<100xi32, #tpu.memory_space<vmem>>
    %dma_start3A_152 = arith.constant 0 : i32
    %dma_start3A_153 = arith.constant 0 : i32
    %dma_start3A_154 = tpu.memref_slice %arg2[%dma_start3A_152, %dma_start3A_153] : memref<1000000x64xf32, #tpu.memory_space<hbm>> -> memref<1000000x64xf32, #tpu.memory_space<hbm>>
    tpu.enqueue_indirect_dma source(%dma_start3A_154 : memref<1000000x64xf32, #tpu.memory_space<hbm>>) target(%dma_start3A_148 : memref<100x64xf32, #tpu.memory_space<vmem>>) offsets(%dma_start3A_151 : memref<100xi32, #tpu.memory_space<vmem>>) semaphore(%arg12 : memref<!tpu.dma_semaphore, #tpu.memory_space<semaphore_mem>>)
    %dma_wait3A_155 = arith.constant 1 : i32
    %dma_wait3A_156 = arith.constant 0 : i32
    %dma_wait3A_157 = arith.constant 0 : i32
    %dma_wait3A_158 = arith.constant 0 : i32
    %dma_wait3A_159 = tpu.memref_slice %arg9[%dma_wait3A_157, %dma_wait3A_158] : memref<200x64xf32, #tpu.memory_space<vmem>> -> memref<100x64xf32, #tpu.memory_space<vmem>>
    %dma_wait3A_160 = arith.constant 0 : i32
    %dma_wait3A_161 = tpu.memref_slice %arg6[%dma_wait3A_155, %dma_wait3A_156, %dma_wait3A_160] : memref<32x2x100xi32, #tpu.memory_space<vmem>> -> memref<1x1x100xi32, #tpu.memory_space<vmem>>
    %dma_wait3A_162 = tpu.memref_squeeze %dma_wait3A_161 : memref<1x1x100xi32, #tpu.memory_space<vmem>> -> memref<100xi32, #tpu.memory_space<vmem>>
    %dma_wait3A_163 = arith.constant 0 : i32
    %dma_wait3A_164 = arith.constant 0 : i32
    %dma_wait3A_165 = tpu.memref_slice %arg2[%dma_wait3A_163, %dma_wait3A_164] : memref<1000000x64xf32, #tpu.memory_space<hbm>> -> memref<1000000x64xf32, #tpu.memory_space<hbm>>
    tpu.wait_indirect_dma semaphore(%arg13 : memref<!tpu.dma_semaphore, #tpu.memory_space<semaphore_mem>>) src(%dma_wait3A_165 : memref<1000000x64xf32, #tpu.memory_space<hbm>>) dst(%dma_wait3A_159 : memref<100x64xf32, #tpu.memory_space<vmem>>)
    %dma_wait3A_166 = arith.constant 1 : i32
    %dma_wait3A_167 = arith.constant 1 : i32
    %dma_wait3A_168 = arith.constant 100 : i32
    %dma_wait3A_169 = arith.constant 0 : i32
    %dma_wait3A_170 = tpu.memref_slice %arg9[%dma_wait3A_168, %dma_wait3A_169] : memref<200x64xf32, #tpu.memory_space<vmem>> -> memref<100x64xf32, #tpu.memory_space<vmem>>
    %dma_wait3A_171 = arith.constant 0 : i32
    %dma_wait3A_172 = tpu.memref_slice %arg6[%dma_wait3A_166, %dma_wait3A_167, %dma_wait3A_171] : memref<32x2x100xi32, #tpu.memory_space<vmem>> -> memref<1x1x100xi32, #tpu.memory_space<vmem>>
    %dma_wait3A_173 = tpu.memref_squeeze %dma_wait3A_172 : memref<1x1x100xi32, #tpu.memory_space<vmem>> -> memref<100xi32, #tpu.memory_space<vmem>>
    %dma_wait3A_174 = arith.constant 0 : i32
    %dma_wait3A_175 = arith.constant 0 : i32
    %dma_wait3A_176 = tpu.memref_slice %arg2[%dma_wait3A_174, %dma_wait3A_175] : memref<1000000x64xf32, #tpu.memory_space<hbm>> -> memref<1000000x64xf32, #tpu.memory_space<hbm>>
    tpu.wait_indirect_dma semaphore(%arg13 : memref<!tpu.dma_semaphore, #tpu.memory_space<semaphore_mem>>) src(%dma_wait3A_176 : memref<1000000x64xf32, #tpu.memory_space<hbm>>) dst(%dma_wait3A_170 : memref<100x64xf32, #tpu.memory_space<vmem>>)
    %parallel_loop3A_177 = arith.constant 0 : i32
    %parallel_loop3A_178 = arith.constant 200 : i32
    %parallel_loop3A_179 = arith.constant 1 : i32
    scf.for %parallel_loop3A_541 = %parallel_loop3A_177 to %parallel_loop3A_178 step %parallel_loop3A_179  : i32 {
      %parallel_loop3A_542 = arith.index_cast %parallel_loop3A_541 : i32 to index
      %parallel_loop3A_543 = arith.constant 0 : index
      %parallel_loop3A_544 = tpu.vector_load %arg9[%parallel_loop3A_542, %parallel_loop3A_543] {strides = array<i32>} : memref<200x64xf32, #tpu.memory_space<vmem>>, vector<1x16xf32>,
      %parallel_loop3A_545 = vector.shape_cast %parallel_loop3A_544 : vector<1x16xf32> to vector<16xf32>
      %parallel_loop3A_546 = arith.index_cast %parallel_loop3A_541 : i32 to index
      %parallel_loop3A_547 = arith.constant 0 : index
      %parallel_loop3A_548 = tpu.vector_load %arg7[%parallel_loop3A_546, %parallel_loop3A_547] {strides = array<i32>} : memref<200x64xf32, #tpu.memory_space<vmem>>, vector<1x16xf32>,
      %parallel_loop3A_549 = vector.shape_cast %parallel_loop3A_548 : vector<1x16xf32> to vector<16xf32>
      %parallel_loop3A_550 = arith.addf %parallel_loop3A_545, %parallel_loop3A_549 : vector<16xf32>
      %parallel_loop3A_551 = arith.index_cast %parallel_loop3A_541 : i32 to index
      %parallel_loop3A_552 = arith.constant 0 : index
      %parallel_loop3A_553 = tpu.vector_load %arg9[%parallel_loop3A_551, %parallel_loop3A_552] {strides = array<i32>} : memref<200x64xf32, #tpu.memory_space<vmem>>, vector<1x16xf32>,
      %parallel_loop3A_554 = vector.shape_cast %parallel_loop3A_553 : vector<1x16xf32> to vector<16xf32>
      %parallel_loop3A_555 = vector.shape_cast %parallel_loop3A_550 : vector<16xf32> to vector<1x16xf32>
      tpu.vector_store %arg9[%parallel_loop3A_551, %parallel_loop3A_552], %parallel_loop3A_555 {strides = array<i32>} : memref<200x64xf32, #tpu.memory_space<vmem>>, vector<1x16xf32>,
      %parallel_loop3A_556 = arith.index_cast %parallel_loop3A_541 : i32 to index
      %parallel_loop3A_557 = arith.constant 16 : index
      %parallel_loop3A_558 = tpu.vector_load %arg9[%parallel_loop3A_556, %parallel_loop3A_557] {strides = array<i32>} : memref<200x64xf32, #tpu.memory_space<vmem>>, vector<1x16xf32>,
      %parallel_loop3A_559 = vector.shape_cast %parallel_loop3A_558 : vector<1x16xf32> to vector<16xf32>
      %parallel_loop3A_560 = arith.index_cast %parallel_loop3A_541 : i32 to index
      %parallel_loop3A_561 = arith.constant 16 : index
      %parallel_loop3A_562 = tpu.vector_load %arg7[%parallel_loop3A_560, %parallel_loop3A_561] {strides = array<i32>} : memref<200x64xf32, #tpu.memory_space<vmem>>, vector<1x16xf32>,
      %parallel_loop3A_563 = vector.shape_cast %parallel_loop3A_562 : vector<1x16xf32> to vector<16xf32>
      %parallel_loop3A_564 = arith.addf %parallel_loop3A_559, %parallel_loop3A_563 : vector<16xf32>
      %parallel_loop3A_565 = arith.index_cast %parallel_loop3A_541 : i32 to index
      %parallel_loop3A_566 = arith.constant 16 : index
      %parallel_loop3A_567 = tpu.vector_load %arg9[%parallel_loop3A_565, %parallel_loop3A_566] {strides = array<i32>} : memref<200x64xf32, #tpu.memory_space<vmem>>, vector<1x16xf32>,
      %parallel_loop3A_568 = vector.shape_cast %parallel_loop3A_567 : vector<1x16xf32> to vector<16xf32>
      %parallel_loop3A_569 = vector.shape_cast %parallel_loop3A_564 : vector<16xf32> to vector<1x16xf32>
      tpu.vector_store %arg9[%parallel_loop3A_565, %parallel_loop3A_566], %parallel_loop3A_569 {strides = array<i32>} : memref<200x64xf32, #tpu.memory_space<vmem>>, vector<1x16xf32>,
      %parallel_loop3A_570 = arith.index_cast %parallel_loop3A_541 : i32 to index
      %parallel_loop3A_571 = arith.constant 32 : index
      %parallel_loop3A_572 = tpu.vector_load %arg9[%parallel_loop3A_570, %parallel_loop3A_571] {strides = array<i32>} : memref<200x64xf32, #tpu.memory_space<vmem>>, vector<1x16xf32>,
      %parallel_loop3A_573 = vector.shape_cast %parallel_loop3A_572 : vector<1x16xf32> to vector<16xf32>
      %parallel_loop3A_574 = arith.index_cast %parallel_loop3A_541 : i32 to index
      %parallel_loop3A_575 = arith.constant 32 : index
      %parallel_loop3A_576 = tpu.vector_load %arg7[%parallel_loop3A_574, %parallel_loop3A_575] {strides = array<i32>} : memref<200x64xf32, #tpu.memory_space<vmem>>, vector<1x16xf32>,
      %parallel_loop3A_577 = vector.shape_cast %parallel_loop3A_576 : vector<1x16xf32> to vector<16xf32>
      %parallel_loop3A_578 = arith.addf %parallel_loop3A_573, %parallel_loop3A_577 : vector<16xf32>
      %parallel_loop3A_579 = arith.index_cast %parallel_loop3A_541 : i32 to index
      %parallel_loop3A_580 = arith.constant 32 : index
      %parallel_loop3A_581 = tpu.vector_load %arg9[%parallel_loop3A_579, %parallel_loop3A_580] {strides = array<i32>} : memref<200x64xf32, #tpu.memory_space<vmem>>, vector<1x16xf32>,
      %parallel_loop3A_582 = vector.shape_cast %parallel_loop3A_581 : vector<1x16xf32> to vector<16xf32>
      %parallel_loop3A_583 = vector.shape_cast %parallel_loop3A_578 : vector<16xf32> to vector<1x16xf32>
      tpu.vector_store %arg9[%parallel_loop3A_579, %parallel_loop3A_580], %parallel_loop3A_583 {strides = array<i32>} : memref<200x64xf32, #tpu.memory_space<vmem>>, vector<1x16xf32>,
      %parallel_loop3A_584 = arith.index_cast %parallel_loop3A_541 : i32 to index
      %parallel_loop3A_585 = arith.constant 48 : index
      %parallel_loop3A_586 = tpu.vector_load %arg9[%parallel_loop3A_584, %parallel_loop3A_585] {strides = array<i32>} : memref<200x64xf32, #tpu.memory_space<vmem>>, vector<1x16xf32>,
      %parallel_loop3A_587 = vector.shape_cast %parallel_loop3A_586 : vector<1x16xf32> to vector<16xf32>
      %parallel_loop3A_588 = arith.index_cast %parallel_loop3A_541 : i32 to index
      %parallel_loop3A_589 = arith.constant 48 : index
      %parallel_loop3A_590 = tpu.vector_load %arg7[%parallel_loop3A_588, %parallel_loop3A_589] {strides = array<i32>} : memref<200x64xf32, #tpu.memory_space<vmem>>, vector<1x16xf32>,
      %parallel_loop3A_591 = vector.shape_cast %parallel_loop3A_590 : vector<1x16xf32> to vector<16xf32>
      %parallel_loop3A_592 = arith.addf %parallel_loop3A_587, %parallel_loop3A_591 : vector<16xf32>
      %parallel_loop3A_593 = arith.index_cast %parallel_loop3A_541 : i32 to index
      %parallel_loop3A_594 = arith.constant 48 : index
      %parallel_loop3A_595 = tpu.vector_load %arg9[%parallel_loop3A_593, %parallel_loop3A_594] {strides = array<i32>} : memref<200x64xf32, #tpu.memory_space<vmem>>, vector<1x16xf32>,
      %parallel_loop3A_596 = vector.shape_cast %parallel_loop3A_595 : vector<1x16xf32> to vector<16xf32>
      %parallel_loop3A_597 = vector.shape_cast %parallel_loop3A_592 : vector<16xf32> to vector<1x16xf32>
      tpu.vector_store %arg9[%parallel_loop3A_593, %parallel_loop3A_594], %parallel_loop3A_597 {strides = array<i32>} : memref<200x64xf32, #tpu.memory_space<vmem>>, vector<1x16xf32>,
    } {sc.loop_unroll_factor = 8 : i64, sc.parallel_access}
    %add3A_180 = arith.constant 1 : i32
    %add3A_181 = arith.addi %mul3A_2, %add3A_180 : i32
    %dma_start3A_182 = arith.constant 0 : i32
    %dma_start3A_183 = arith.constant 0 : i32
    %dma_start3A_184 = tpu.memref_slice %arg5[%add3A_181, %dma_start3A_182, %dma_start3A_183] : memref<1024x200x64xf32, #tpu.memory_space<hbm>> -> memref<1x200x64xf32, #tpu.memory_space<hbm>>
    %dma_start3A_185 = tpu.memref_squeeze %dma_start3A_184 : memref<1x200x64xf32, #tpu.memory_space<hbm>> -> memref<200x64xf32, #tpu.memory_space<hbm>>
    %dma_start3A_186 = arith.constant 0 : i32
    %dma_start3A_187 = arith.constant 0 : i32
    %dma_start3A_188 = tpu.memref_slice %arg5[%add3A_181, %dma_start3A_186, %dma_start3A_187] : memref<1024x200x64xf32, #tpu.memory_space<hbm>> -> memref<1x200x64xf32, #tpu.memory_space<hbm>>
    %dma_start3A_189 = tpu.memref_squeeze %dma_start3A_188 : memref<1x200x64xf32, #tpu.memory_space<hbm>> -> memref<200x64xf32, #tpu.memory_space<hbm>>
    tpu.enqueue_dma source(%arg9 : memref<200x64xf32, #tpu.memory_space<vmem>>) target(%dma_start3A_189 : memref<200x64xf32, #tpu.memory_space<hbm>>) target_semaphore(%arg17 : memref<!tpu.dma_semaphore, #tpu.memory_space<semaphore_mem>>)
    %add3A_190 = arith.constant 1 : i32
    %add3A_191 = arith.addi %mul3A_2, %add3A_190 : i32
    %dma_wait3A_192 = arith.constant 0 : i32
    %dma_wait3A_193 = arith.constant 0 : i32
    %dma_wait3A_194 = tpu.memref_slice %arg5[%add3A_191, %dma_wait3A_192, %dma_wait3A_193] : memref<1024x200x64xf32, #tpu.memory_space<hbm>> -> memref<1x200x64xf32, #tpu.memory_space<hbm>>
    %dma_wait3A_195 = tpu.memref_squeeze %dma_wait3A_194 : memref<1x200x64xf32, #tpu.memory_space<hbm>> -> memref<200x64xf32, #tpu.memory_space<hbm>>
    %dma_wait3A_196 = arith.constant 0 : i32
    %dma_wait3A_197 = arith.constant 0 : i32
    %dma_wait3A_198 = tpu.memref_slice %arg5[%add3A_191, %dma_wait3A_196, %dma_wait3A_197] : memref<1024x200x64xf32, #tpu.memory_space<hbm>> -> memref<1x200x64xf32, #tpu.memory_space<hbm>>
    %dma_wait3A_199 = tpu.memref_squeeze %dma_wait3A_198 : memref<1x200x64xf32, #tpu.memory_space<hbm>> -> memref<200x64xf32, #tpu.memory_space<hbm>>
    tpu.wait_dma2 semaphore(%arg17 : memref<!tpu.dma_semaphore, #tpu.memory_space<semaphore_mem>>) src(%arg9 : memref<200x64xf32, #tpu.memory_space<vmem>>) dst(%dma_wait3A_199 : memref<200x64xf32, #tpu.memory_space<hbm>>)
    %dma_start3A_200 = arith.constant 5 : i32
    %dma_start3A_201 = arith.constant 0 : i32
    %dma_start3A_202 = arith.constant 0 : i32
    %dma_start3A_203 = arith.constant 0 : i32
    %dma_start3A_204 = tpu.memref_slice %arg9[%dma_start3A_202, %dma_start3A_203] : memref<200x64xf32, #tpu.memory_space<vmem>> -> memref<100x64xf32, #tpu.memory_space<vmem>>
    %dma_start3A_205 = arith.constant 0 : i32
    %dma_start3A_206 = tpu.memref_slice %arg6[%dma_start3A_200, %dma_start3A_201, %dma_start3A_205] : memref<32x2x100xi32, #tpu.memory_space<vmem>> -> memref<1x1x100xi32, #tpu.memory_space<vmem>>
    %dma_start3A_207 = tpu.memref_squeeze %dma_start3A_206 : memref<1x1x100xi32, #tpu.memory_space<vmem>> -> memref<100xi32, #tpu.memory_space<vmem>>
    %dma_start3A_208 = arith.constant 0 : i32
    %dma_start3A_209 = arith.constant 0 : i32
    %dma_start3A_210 = tpu.memref_slice %arg2[%dma_start3A_208, %dma_start3A_209] : memref<1000000x64xf32, #tpu.memory_space<hbm>> -> memref<1000000x64xf32, #tpu.memory_space<hbm>>
    tpu.enqueue_indirect_dma source(%dma_start3A_210 : memref<1000000x64xf32, #tpu.memory_space<hbm>>) target(%dma_start3A_204 : memref<100x64xf32, #tpu.memory_space<vmem>>) offsets(%dma_start3A_207 : memref<100xi32, #tpu.memory_space<vmem>>) semaphore(%arg13 : memref<!tpu.dma_semaphore, #tpu.memory_space<semaphore_mem>>)
    %dma_start3A_211 = arith.constant 5 : i32
    %dma_start3A_212 = arith.constant 1 : i32
    %dma_start3A_213 = arith.constant 100 : i32
    %dma_start3A_214 = arith.constant 0 : i32
    %dma_start3A_215 = tpu.memref_slice %arg9[%dma_start3A_213, %dma_start3A_214] : memref<200x64xf32, #tpu.memory_space<vmem>> -> memref<100x64xf32, #tpu.memory_space<vmem>>
    %dma_start3A_216 = arith.constant 0 : i32
    %dma_start3A_217 = tpu.memref_slice %arg6[%dma_start3A_211, %dma_start3A_212, %dma_start3A_216] : memref<32x2x100xi32, #tpu.memory_space<vmem>> -> memref<1x1x100xi32, #tpu.memory_space<vmem>>
    %dma_start3A_218 = tpu.memref_squeeze %dma_start3A_217 : memref<1x1x100xi32, #tpu.memory_space<vmem>> -> memref<100xi32, #tpu.memory_space<vmem>>
    %dma_start3A_219 = arith.constant 0 : i32
    %dma_start3A_220 = arith.constant 0 : i32
    %dma_start3A_221 = tpu.memref_slice %arg2[%dma_start3A_219, %dma_start3A_220] : memref<1000000x64xf32, #tpu.memory_space<hbm>> -> memref<1000000x64xf32, #tpu.memory_space<hbm>>
    tpu.enqueue_indirect_dma source(%dma_start3A_221 : memref<1000000x64xf32, #tpu.memory_space<hbm>>) target(%dma_start3A_215 : memref<100x64xf32, #tpu.memory_space<vmem>>) offsets(%dma_start3A_218 : memref<100xi32, #tpu.memory_space<vmem>>) semaphore(%arg13 : memref<!tpu.dma_semaphore, #tpu.memory_space<semaphore_mem>>)
    %dma_wait3A_222 = arith.constant 2 : i32
    %dma_wait3A_223 = arith.constant 0 : i32
    %dma_wait3A_224 = arith.constant 0 : i32
    %dma_wait3A_225 = arith.constant 0 : i32
    %dma_wait3A_226 = tpu.memref_slice %arg10[%dma_wait3A_224, %dma_wait3A_225] : memref<200x64xf32, #tpu.memory_space<vmem>> -> memref<100x64xf32, #tpu.memory_space<vmem>>
    %dma_wait3A_227 = arith.constant 0 : i32
    %dma_wait3A_228 = tpu.memref_slice %arg6[%dma_wait3A_222, %dma_wait3A_223, %dma_wait3A_227] : memref<32x2x100xi32, #tpu.memory_space<vmem>> -> memref<1x1x100xi32, #tpu.memory_space<vmem>>
    %dma_wait3A_229 = tpu.memref_squeeze %dma_wait3A_228 : memref<1x1x100xi32, #tpu.memory_space<vmem>> -> memref<100xi32, #tpu.memory_space<vmem>>
    %dma_wait3A_230 = arith.constant 0 : i32
    %dma_wait3A_231 = arith.constant 0 : i32
    %dma_wait3A_232 = tpu.memref_slice %arg2[%dma_wait3A_230, %dma_wait3A_231] : memref<1000000x64xf32, #tpu.memory_space<hbm>> -> memref<1000000x64xf32, #tpu.memory_space<hbm>>
    tpu.wait_indirect_dma semaphore(%arg14 : memref<!tpu.dma_semaphore, #tpu.memory_space<semaphore_mem>>) src(%dma_wait3A_232 : memref<1000000x64xf32, #tpu.memory_space<hbm>>) dst(%dma_wait3A_226 : memref<100x64xf32, #tpu.memory_space<vmem>>)
    %dma_wait3A_233 = arith.constant 2 : i32
    %dma_wait3A_234 = arith.constant 1 : i32
    %dma_wait3A_235 = arith.constant 100 : i32
    %dma_wait3A_236 = arith.constant 0 : i32
    %dma_wait3A_237 = tpu.memref_slice %arg10[%dma_wait3A_235, %dma_wait3A_236] : memref<200x64xf32, #tpu.memory_space<vmem>> -> memref<100x64xf32, #tpu.memory_space<vmem>>
    %dma_wait3A_238 = arith.constant 0 : i32
    %dma_wait3A_239 = tpu.memref_slice %arg6[%dma_wait3A_233, %dma_wait3A_234, %dma_wait3A_238] : memref<32x2x100xi32, #tpu.memory_space<vmem>> -> memref<1x1x100xi32, #tpu.memory_space<vmem>>
    %dma_wait3A_240 = tpu.memref_squeeze %dma_wait3A_239 : memref<1x1x100xi32, #tpu.memory_space<vmem>> -> memref<100xi32, #tpu.memory_space<vmem>>
    %dma_wait3A_241 = arith.constant 0 : i32
    %dma_wait3A_242 = arith.constant 0 : i32
    %dma_wait3A_243 = tpu.memref_slice %arg2[%dma_wait3A_241, %dma_wait3A_242] : memref<1000000x64xf32, #tpu.memory_space<hbm>> -> memref<1000000x64xf32, #tpu.memory_space<hbm>>
    tpu.wait_indirect_dma semaphore(%arg14 : memref<!tpu.dma_semaphore, #tpu.memory_space<semaphore_mem>>) src(%dma_wait3A_243 : memref<1000000x64xf32, #tpu.memory_space<hbm>>) dst(%dma_wait3A_237 : memref<100x64xf32, #tpu.memory_space<vmem>>)
    %parallel_loop3A_244 = arith.constant 0 : i32
    %parallel_loop3A_245 = arith.constant 200 : i32
    %parallel_loop3A_246 = arith.constant 1 : i32
    scf.for %parallel_loop3A_541 = %parallel_loop3A_244 to %parallel_loop3A_245 step %parallel_loop3A_246  : i32 {
      %parallel_loop3A_542 = arith.index_cast %parallel_loop3A_541 : i32 to index
      %parallel_loop3A_543 = arith.constant 0 : index
      %parallel_loop3A_544 = tpu.vector_load %arg10[%parallel_loop3A_542, %parallel_loop3A_543] {strides = array<i32>} : memref<200x64xf32, #tpu.memory_space<vmem>>, vector<1x16xf32>,
      %parallel_loop3A_545 = vector.shape_cast %parallel_loop3A_544 : vector<1x16xf32> to vector<16xf32>
      %parallel_loop3A_546 = arith.index_cast %parallel_loop3A_541 : i32 to index
      %parallel_loop3A_547 = arith.constant 0 : index
      %parallel_loop3A_548 = tpu.vector_load %arg7[%parallel_loop3A_546, %parallel_loop3A_547] {strides = array<i32>} : memref<200x64xf32, #tpu.memory_space<vmem>>, vector<1x16xf32>,
      %parallel_loop3A_549 = vector.shape_cast %parallel_loop3A_548 : vector<1x16xf32> to vector<16xf32>
      %parallel_loop3A_550 = arith.addf %parallel_loop3A_545, %parallel_loop3A_549 : vector<16xf32>
      %parallel_loop3A_551 = arith.index_cast %parallel_loop3A_541 : i32 to index
      %parallel_loop3A_552 = arith.constant 0 : index
      %parallel_loop3A_553 = tpu.vector_load %arg10[%parallel_loop3A_551, %parallel_loop3A_552] {strides = array<i32>} : memref<200x64xf32, #tpu.memory_space<vmem>>, vector<1x16xf32>,
      %parallel_loop3A_554 = vector.shape_cast %parallel_loop3A_553 : vector<1x16xf32> to vector<16xf32>
      %parallel_loop3A_555 = vector.shape_cast %parallel_loop3A_550 : vector<16xf32> to vector<1x16xf32>
      tpu.vector_store %arg10[%parallel_loop3A_551, %parallel_loop3A_552], %parallel_loop3A_555 {strides = array<i32>} : memref<200x64xf32, #tpu.memory_space<vmem>>, vector<1x16xf32>,
      %parallel_loop3A_556 = arith.index_cast %parallel_loop3A_541 : i32 to index
      %parallel_loop3A_557 = arith.constant 16 : index
      %parallel_loop3A_558 = tpu.vector_load %arg10[%parallel_loop3A_556, %parallel_loop3A_557] {strides = array<i32>} : memref<200x64xf32, #tpu.memory_space<vmem>>, vector<1x16xf32>,
      %parallel_loop3A_559 = vector.shape_cast %parallel_loop3A_558 : vector<1x16xf32> to vector<16xf32>
      %parallel_loop3A_560 = arith.index_cast %parallel_loop3A_541 : i32 to index
      %parallel_loop3A_561 = arith.constant 16 : index
      %parallel_loop3A_562 = tpu.vector_load %arg7[%parallel_loop3A_560, %parallel_loop3A_561] {strides = array<i32>} : memref<200x64xf32, #tpu.memory_space<vmem>>, vector<1x16xf32>,
      %parallel_loop3A_563 = vector.shape_cast %parallel_loop3A_562 : vector<1x16xf32> to vector<16xf32>
      %parallel_loop3A_564 = arith.addf %parallel_loop3A_559, %parallel_loop3A_563 : vector<16xf32>
      %parallel_loop3A_565 = arith.index_cast %parallel_loop3A_541 : i32 to index
      %parallel_loop3A_566 = arith.constant 16 : index
      %parallel_loop3A_567 = tpu.vector_load %arg10[%parallel_loop3A_565, %parallel_loop3A_566] {strides = array<i32>} : memref<200x64xf32, #tpu.memory_space<vmem>>, vector<1x16xf32>,
      %parallel_loop3A_568 = vector.shape_cast %parallel_loop3A_567 : vector<1x16xf32> to vector<16xf32>
      %parallel_loop3A_569 = vector.shape_cast %parallel_loop3A_564 : vector<16xf32> to vector<1x16xf32>
      tpu.vector_store %arg10[%parallel_loop3A_565, %parallel_loop3A_566], %parallel_loop3A_569 {strides = array<i32>} : memref<200x64xf32, #tpu.memory_space<vmem>>, vector<1x16xf32>,
      %parallel_loop3A_570 = arith.index_cast %parallel_loop3A_541 : i32 to index
      %parallel_loop3A_571 = arith.constant 32 : index
      %parallel_loop3A_572 = tpu.vector_load %arg10[%parallel_loop3A_570, %parallel_loop3A_571] {strides = array<i32>} : memref<200x64xf32, #tpu.memory_space<vmem>>, vector<1x16xf32>,
      %parallel_loop3A_573 = vector.shape_cast %parallel_loop3A_572 : vector<1x16xf32> to vector<16xf32>
      %parallel_loop3A_574 = arith.index_cast %parallel_loop3A_541 : i32 to index
      %parallel_loop3A_575 = arith.constant 32 : index
      %parallel_loop3A_576 = tpu.vector_load %arg7[%parallel_loop3A_574, %parallel_loop3A_575] {strides = array<i32>} : memref<200x64xf32, #tpu.memory_space<vmem>>, vector<1x16xf32>,
      %parallel_loop3A_577 = vector.shape_cast %parallel_loop3A_576 : vector<1x16xf32> to vector<16xf32>
      %parallel_loop3A_578 = arith.addf %parallel_loop3A_573, %parallel_loop3A_577 : vector<16xf32>
      %parallel_loop3A_579 = arith.index_cast %parallel_loop3A_541 : i32 to index
      %parallel_loop3A_580 = arith.constant 32 : index
      %parallel_loop3A_581 = tpu.vector_load %arg10[%parallel_loop3A_579, %parallel_loop3A_580] {strides = array<i32>} : memref<200x64xf32, #tpu.memory_space<vmem>>, vector<1x16xf32>,
      %parallel_loop3A_582 = vector.shape_cast %parallel_loop3A_581 : vector<1x16xf32> to vector<16xf32>
      %parallel_loop3A_583 = vector.shape_cast %parallel_loop3A_578 : vector<16xf32> to vector<1x16xf32>
      tpu.vector_store %arg10[%parallel_loop3A_579, %parallel_loop3A_580], %parallel_loop3A_583 {strides = array<i32>} : memref<200x64xf32, #tpu.memory_space<vmem>>, vector<1x16xf32>,
      %parallel_loop3A_584 = arith.index_cast %parallel_loop3A_541 : i32 to index
      %parallel_loop3A_585 = arith.constant 48 : index
      %parallel_loop3A_586 = tpu.vector_load %arg10[%parallel_loop3A_584, %parallel_loop3A_585] {strides = array<i32>} : memref<200x64xf32, #tpu.memory_space<vmem>>, vector<1x16xf32>,
      %parallel_loop3A_587 = vector.shape_cast %parallel_loop3A_586 : vector<1x16xf32> to vector<16xf32>
      %parallel_loop3A_588 = arith.index_cast %parallel_loop3A_541 : i32 to index
      %parallel_loop3A_589 = arith.constant 48 : index
      %parallel_loop3A_590 = tpu.vector_load %arg7[%parallel_loop3A_588, %parallel_loop3A_589] {strides = array<i32>} : memref<200x64xf32, #tpu.memory_space<vmem>>, vector<1x16xf32>,
      %parallel_loop3A_591 = vector.shape_cast %parallel_loop3A_590 : vector<1x16xf32> to vector<16xf32>
      %parallel_loop3A_592 = arith.addf %parallel_loop3A_587, %parallel_loop3A_591 : vector<16xf32>
      %parallel_loop3A_593 = arith.index_cast %parallel_loop3A_541 : i32 to index
      %parallel_loop3A_594 = arith.constant 48 : index
      %parallel_loop3A_595 = tpu.vector_load %arg10[%parallel_loop3A_593, %parallel_loop3A_594] {strides = array<i32>} : memref<200x64xf32, #tpu.memory_space<vmem>>, vector<1x16xf32>,
      %parallel_loop3A_596 = vector.shape_cast %parallel_loop3A_595 : vector<1x16xf32> to vector<16xf32>
      %parallel_loop3A_597 = vector.shape_cast %parallel_loop3A_592 : vector<16xf32> to vector<1x16xf32>
      tpu.vector_store %arg10[%parallel_loop3A_593, %parallel_loop3A_594], %parallel_loop3A_597 {strides = array<i32>} : memref<200x64xf32, #tpu.memory_space<vmem>>, vector<1x16xf32>,
    } {sc.loop_unroll_factor = 8 : i64, sc.parallel_access}
    %add3A_247 = arith.constant 2 : i32
    %add3A_248 = arith.addi %mul3A_2, %add3A_247 : i32
    %dma_start3A_249 = arith.constant 0 : i32
    %dma_start3A_250 = arith.constant 0 : i32
    %dma_start3A_251 = tpu.memref_slice %arg5[%add3A_248, %dma_start3A_249, %dma_start3A_250] : memref<1024x200x64xf32, #tpu.memory_space<hbm>> -> memref<1x200x64xf32, #tpu.memory_space<hbm>>
    %dma_start3A_252 = tpu.memref_squeeze %dma_start3A_251 : memref<1x200x64xf32, #tpu.memory_space<hbm>> -> memref<200x64xf32, #tpu.memory_space<hbm>>
    %dma_start3A_253 = arith.constant 0 : i32
    %dma_start3A_254 = arith.constant 0 : i32
    %dma_start3A_255 = tpu.memref_slice %arg5[%add3A_248, %dma_start3A_253, %dma_start3A_254] : memref<1024x200x64xf32, #tpu.memory_space<hbm>> -> memref<1x200x64xf32, #tpu.memory_space<hbm>>
    %dma_start3A_256 = tpu.memref_squeeze %dma_start3A_255 : memref<1x200x64xf32, #tpu.memory_space<hbm>> -> memref<200x64xf32, #tpu.memory_space<hbm>>
    tpu.enqueue_dma source(%arg10 : memref<200x64xf32, #tpu.memory_space<vmem>>) target(%dma_start3A_256 : memref<200x64xf32, #tpu.memory_space<hbm>>) target_semaphore(%arg18 : memref<!tpu.dma_semaphore, #tpu.memory_space<semaphore_mem>>)
    %add3A_257 = arith.constant 2 : i32
    %add3A_258 = arith.addi %mul3A_2, %add3A_257 : i32
    %dma_wait3A_259 = arith.constant 0 : i32
    %dma_wait3A_260 = arith.constant 0 : i32
    %dma_wait3A_261 = tpu.memref_slice %arg5[%add3A_258, %dma_wait3A_259, %dma_wait3A_260] : memref<1024x200x64xf32, #tpu.memory_space<hbm>> -> memref<1x200x64xf32, #tpu.memory_space<hbm>>
    %dma_wait3A_262 = tpu.memref_squeeze %dma_wait3A_261 : memref<1x200x64xf32, #tpu.memory_space<hbm>> -> memref<200x64xf32, #tpu.memory_space<hbm>>
    %dma_wait3A_263 = arith.constant 0 : i32
    %dma_wait3A_264 = arith.constant 0 : i32
    %dma_wait3A_265 = tpu.memref_slice %arg5[%add3A_258, %dma_wait3A_263, %dma_wait3A_264] : memref<1024x200x64xf32, #tpu.memory_space<hbm>> -> memref<1x200x64xf32, #tpu.memory_space<hbm>>
    %dma_wait3A_266 = tpu.memref_squeeze %dma_wait3A_265 : memref<1x200x64xf32, #tpu.memory_space<hbm>> -> memref<200x64xf32, #tpu.memory_space<hbm>>
    tpu.wait_dma2 semaphore(%arg18 : memref<!tpu.dma_semaphore, #tpu.memory_space<semaphore_mem>>) src(%arg10 : memref<200x64xf32, #tpu.memory_space<vmem>>) dst(%dma_wait3A_266 : memref<200x64xf32, #tpu.memory_space<hbm>>)
    %dma_start3A_267 = arith.constant 6 : i32
    %dma_start3A_268 = arith.constant 0 : i32
    %dma_start3A_269 = arith.constant 0 : i32
    %dma_start3A_270 = arith.constant 0 : i32
    %dma_start3A_271 = tpu.memref_slice %arg10[%dma_start3A_269, %dma_start3A_270] : memref<200x64xf32, #tpu.memory_space<vmem>> -> memref<100x64xf32, #tpu.memory_space<vmem>>
    %dma_start3A_272 = arith.constant 0 : i32
    %dma_start3A_273 = tpu.memref_slice %arg6[%dma_start3A_267, %dma_start3A_268, %dma_start3A_272] : memref<32x2x100xi32, #tpu.memory_space<vmem>> -> memref<1x1x100xi32, #tpu.memory_space<vmem>>
    %dma_start3A_274 = tpu.memref_squeeze %dma_start3A_273 : memref<1x1x100xi32, #tpu.memory_space<vmem>> -> memref<100xi32, #tpu.memory_space<vmem>>
    %dma_start3A_275 = arith.constant 0 : i32
    %dma_start3A_276 = arith.constant 0 : i32
    %dma_start3A_277 = tpu.memref_slice %arg2[%dma_start3A_275, %dma_start3A_276] : memref<1000000x64xf32, #tpu.memory_space<hbm>> -> memref<1000000x64xf32, #tpu.memory_space<hbm>>
    tpu.enqueue_indirect_dma source(%dma_start3A_277 : memref<1000000x64xf32, #tpu.memory_space<hbm>>) target(%dma_start3A_271 : memref<100x64xf32, #tpu.memory_space<vmem>>) offsets(%dma_start3A_274 : memref<100xi32, #tpu.memory_space<vmem>>) semaphore(%arg14 : memref<!tpu.dma_semaphore, #tpu.memory_space<semaphore_mem>>)
    %dma_start3A_278 = arith.constant 6 : i32
    %dma_start3A_279 = arith.constant 1 : i32
    %dma_start3A_280 = arith.constant 100 : i32
    %dma_start3A_281 = arith.constant 0 : i32
    %dma_start3A_282 = tpu.memref_slice %arg10[%dma_start3A_280, %dma_start3A_281] : memref<200x64xf32, #tpu.memory_space<vmem>> -> memref<100x64xf32, #tpu.memory_space<vmem>>
    %dma_start3A_283 = arith.constant 0 : i32
    %dma_start3A_284 = tpu.memref_slice %arg6[%dma_start3A_278, %dma_start3A_279, %dma_start3A_283] : memref<32x2x100xi32, #tpu.memory_space<vmem>> -> memref<1x1x100xi32, #tpu.memory_space<vmem>>
    %dma_start3A_285 = tpu.memref_squeeze %dma_start3A_284 : memref<1x1x100xi32, #tpu.memory_space<vmem>> -> memref<100xi32, #tpu.memory_space<vmem>>
    %dma_start3A_286 = arith.constant 0 : i32
    %dma_start3A_287 = arith.constant 0 : i32
    %dma_start3A_288 = tpu.memref_slice %arg2[%dma_start3A_286, %dma_start3A_287] : memref<1000000x64xf32, #tpu.memory_space<hbm>> -> memref<1000000x64xf32, #tpu.memory_space<hbm>>
    tpu.enqueue_indirect_dma source(%dma_start3A_288 : memref<1000000x64xf32, #tpu.memory_space<hbm>>) target(%dma_start3A_282 : memref<100x64xf32, #tpu.memory_space<vmem>>) offsets(%dma_start3A_285 : memref<100xi32, #tpu.memory_space<vmem>>) semaphore(%arg14 : memref<!tpu.dma_semaphore, #tpu.memory_space<semaphore_mem>>)
    %dma_wait3A_289 = arith.constant 3 : i32
    %dma_wait3A_290 = arith.constant 0 : i32
    %dma_wait3A_291 = arith.constant 0 : i32
    %dma_wait3A_292 = arith.constant 0 : i32
    %dma_wait3A_293 = tpu.memref_slice %arg11[%dma_wait3A_291, %dma_wait3A_292] : memref<200x64xf32, #tpu.memory_space<vmem>> -> memref<100x64xf32, #tpu.memory_space<vmem>>
    %dma_wait3A_294 = arith.constant 0 : i32
    %dma_wait3A_295 = tpu.memref_slice %arg6[%dma_wait3A_289, %dma_wait3A_290, %dma_wait3A_294] : memref<32x2x100xi32, #tpu.memory_space<vmem>> -> memref<1x1x100xi32, #tpu.memory_space<vmem>>
    %dma_wait3A_296 = tpu.memref_squeeze %dma_wait3A_295 : memref<1x1x100xi32, #tpu.memory_space<vmem>> -> memref<100xi32, #tpu.memory_space<vmem>>
    %dma_wait3A_297 = arith.constant 0 : i32
    %dma_wait3A_298 = arith.constant 0 : i32
    %dma_wait3A_299 = tpu.memref_slice %arg2[%dma_wait3A_297, %dma_wait3A_298] : memref<1000000x64xf32, #tpu.memory_space<hbm>> -> memref<1000000x64xf32, #tpu.memory_space<hbm>>
    tpu.wait_indirect_dma semaphore(%arg15 : memref<!tpu.dma_semaphore, #tpu.memory_space<semaphore_mem>>) src(%dma_wait3A_299 : memref<1000000x64xf32, #tpu.memory_space<hbm>>) dst(%dma_wait3A_293 : memref<100x64xf32, #tpu.memory_space<vmem>>)
    %dma_wait3A_300 = arith.constant 3 : i32
    %dma_wait3A_301 = arith.constant 1 : i32
    %dma_wait3A_302 = arith.constant 100 : i32
    %dma_wait3A_303 = arith.constant 0 : i32
    %dma_wait3A_304 = tpu.memref_slice %arg11[%dma_wait3A_302, %dma_wait3A_303] : memref<200x64xf32, #tpu.memory_space<vmem>> -> memref<100x64xf32, #tpu.memory_space<vmem>>
    %dma_wait3A_305 = arith.constant 0 : i32
    %dma_wait3A_306 = tpu.memref_slice %arg6[%dma_wait3A_300, %dma_wait3A_301, %dma_wait3A_305] : memref<32x2x100xi32, #tpu.memory_space<vmem>> -> memref<1x1x100xi32, #tpu.memory_space<vmem>>
    %dma_wait3A_307 = tpu.memref_squeeze %dma_wait3A_306 : memref<1x1x100xi32, #tpu.memory_space<vmem>> -> memref<100xi32, #tpu.memory_space<vmem>>
    %dma_wait3A_308 = arith.constant 0 : i32
    %dma_wait3A_309 = arith.constant 0 : i32
    %dma_wait3A_310 = tpu.memref_slice %arg2[%dma_wait3A_308, %dma_wait3A_309] : memref<1000000x64xf32, #tpu.memory_space<hbm>> -> memref<1000000x64xf32, #tpu.memory_space<hbm>>
    tpu.wait_indirect_dma semaphore(%arg15 : memref<!tpu.dma_semaphore, #tpu.memory_space<semaphore_mem>>) src(%dma_wait3A_310 : memref<1000000x64xf32, #tpu.memory_space<hbm>>) dst(%dma_wait3A_304 : memref<100x64xf32, #tpu.memory_space<vmem>>)
    %parallel_loop3A_311 = arith.constant 0 : i32
    %parallel_loop3A_312 = arith.constant 200 : i32
    %parallel_loop3A_313 = arith.constant 1 : i32
    scf.for %parallel_loop3A_541 = %parallel_loop3A_311 to %parallel_loop3A_312 step %parallel_loop3A_313  : i32 {
      %parallel_loop3A_542 = arith.index_cast %parallel_loop3A_541 : i32 to index
      %parallel_loop3A_543 = arith.constant 0 : index
      %parallel_loop3A_544 = tpu.vector_load %arg11[%parallel_loop3A_542, %parallel_loop3A_543] {strides = array<i32>} : memref<200x64xf32, #tpu.memory_space<vmem>>, vector<1x16xf32>,
      %parallel_loop3A_545 = vector.shape_cast %parallel_loop3A_544 : vector<1x16xf32> to vector<16xf32>
      %parallel_loop3A_546 = arith.index_cast %parallel_loop3A_541 : i32 to index
      %parallel_loop3A_547 = arith.constant 0 : index
      %parallel_loop3A_548 = tpu.vector_load %arg7[%parallel_loop3A_546, %parallel_loop3A_547] {strides = array<i32>} : memref<200x64xf32, #tpu.memory_space<vmem>>, vector<1x16xf32>,
      %parallel_loop3A_549 = vector.shape_cast %parallel_loop3A_548 : vector<1x16xf32> to vector<16xf32>
      %parallel_loop3A_550 = arith.addf %parallel_loop3A_545, %parallel_loop3A_549 : vector<16xf32>
      %parallel_loop3A_551 = arith.index_cast %parallel_loop3A_541 : i32 to index
      %parallel_loop3A_552 = arith.constant 0 : index
      %parallel_loop3A_553 = tpu.vector_load %arg11[%parallel_loop3A_551, %parallel_loop3A_552] {strides = array<i32>} : memref<200x64xf32, #tpu.memory_space<vmem>>, vector<1x16xf32>,
      %parallel_loop3A_554 = vector.shape_cast %parallel_loop3A_553 : vector<1x16xf32> to vector<16xf32>
      %parallel_loop3A_555 = vector.shape_cast %parallel_loop3A_550 : vector<16xf32> to vector<1x16xf32>
      tpu.vector_store %arg11[%parallel_loop3A_551, %parallel_loop3A_552], %parallel_loop3A_555 {strides = array<i32>} : memref<200x64xf32, #tpu.memory_space<vmem>>, vector<1x16xf32>,
      %parallel_loop3A_556 = arith.index_cast %parallel_loop3A_541 : i32 to index
      %parallel_loop3A_557 = arith.constant 16 : index
      %parallel_loop3A_558 = tpu.vector_load %arg11[%parallel_loop3A_556, %parallel_loop3A_557] {strides = array<i32>} : memref<200x64xf32, #tpu.memory_space<vmem>>, vector<1x16xf32>,
      %parallel_loop3A_559 = vector.shape_cast %parallel_loop3A_558 : vector<1x16xf32> to vector<16xf32>
      %parallel_loop3A_560 = arith.index_cast %parallel_loop3A_541 : i32 to index
      %parallel_loop3A_561 = arith.constant 16 : index
      %parallel_loop3A_562 = tpu.vector_load %arg7[%parallel_loop3A_560, %parallel_loop3A_561] {strides = array<i32>} : memref<200x64xf32, #tpu.memory_space<vmem>>, vector<1x16xf32>,
      %parallel_loop3A_563 = vector.shape_cast %parallel_loop3A_562 : vector<1x16xf32> to vector<16xf32>
      %parallel_loop3A_564 = arith.addf %parallel_loop3A_559, %parallel_loop3A_563 : vector<16xf32>
      %parallel_loop3A_565 = arith.index_cast %parallel_loop3A_541 : i32 to index
      %parallel_loop3A_566 = arith.constant 16 : index
      %parallel_loop3A_567 = tpu.vector_load %arg11[%parallel_loop3A_565, %parallel_loop3A_566] {strides = array<i32>} : memref<200x64xf32, #tpu.memory_space<vmem>>, vector<1x16xf32>,
      %parallel_loop3A_568 = vector.shape_cast %parallel_loop3A_567 : vector<1x16xf32> to vector<16xf32>
      %parallel_loop3A_569 = vector.shape_cast %parallel_loop3A_564 : vector<16xf32> to vector<1x16xf32>
      tpu.vector_store %arg11[%parallel_loop3A_565, %parallel_loop3A_566], %parallel_loop3A_569 {strides = array<i32>} : memref<200x64xf32, #tpu.memory_space<vmem>>, vector<1x16xf32>,
      %parallel_loop3A_570 = arith.index_cast %parallel_loop3A_541 : i32 to index
      %parallel_loop3A_571 = arith.constant 32 : index
      %parallel_loop3A_572 = tpu.vector_load %arg11[%parallel_loop3A_570, %parallel_loop3A_571] {strides = array<i32>} : memref<200x64xf32, #tpu.memory_space<vmem>>, vector<1x16xf32>,
      %parallel_loop3A_573 = vector.shape_cast %parallel_loop3A_572 : vector<1x16xf32> to vector<16xf32>
      %parallel_loop3A_574 = arith.index_cast %parallel_loop3A_541 : i32 to index
      %parallel_loop3A_575 = arith.constant 32 : index
      %parallel_loop3A_576 = tpu.vector_load %arg7[%parallel_loop3A_574, %parallel_loop3A_575] {strides = array<i32>} : memref<200x64xf32, #tpu.memory_space<vmem>>, vector<1x16xf32>,
      %parallel_loop3A_577 = vector.shape_cast %parallel_loop3A_576 : vector<1x16xf32> to vector<16xf32>
      %parallel_loop3A_578 = arith.addf %parallel_loop3A_573, %parallel_loop3A_577 : vector<16xf32>
      %parallel_loop3A_579 = arith.index_cast %parallel_loop3A_541 : i32 to index
      %parallel_loop3A_580 = arith.constant 32 : index
      %parallel_loop3A_581 = tpu.vector_load %arg11[%parallel_loop3A_579, %parallel_loop3A_580] {strides = array<i32>} : memref<200x64xf32, #tpu.memory_space<vmem>>, vector<1x16xf32>,
      %parallel_loop3A_582 = vector.shape_cast %parallel_loop3A_581 : vector<1x16xf32> to vector<16xf32>
      %parallel_loop3A_583 = vector.shape_cast %parallel_loop3A_578 : vector<16xf32> to vector<1x16xf32>
      tpu.vector_store %arg11[%parallel_loop3A_579, %parallel_loop3A_580], %parallel_loop3A_583 {strides = array<i32>} : memref<200x64xf32, #tpu.memory_space<vmem>>, vector<1x16xf32>,
      %parallel_loop3A_584 = arith.index_cast %parallel_loop3A_541 : i32 to index
      %parallel_loop3A_585 = arith.constant 48 : index
      %parallel_loop3A_586 = tpu.vector_load %arg11[%parallel_loop3A_584, %parallel_loop3A_585] {strides = array<i32>} : memref<200x64xf32, #tpu.memory_space<vmem>>, vector<1x16xf32>,
      %parallel_loop3A_587 = vector.shape_cast %parallel_loop3A_586 : vector<1x16xf32> to vector<16xf32>
      %parallel_loop3A_588 = arith.index_cast %parallel_loop3A_541 : i32 to index
      %parallel_loop3A_589 = arith.constant 48 : index
      %parallel_loop3A_590 = tpu.vector_load %arg7[%parallel_loop3A_588, %parallel_loop3A_589] {strides = array<i32>} : memref<200x64xf32, #tpu.memory_space<vmem>>, vector<1x16xf32>,
      %parallel_loop3A_591 = vector.shape_cast %parallel_loop3A_590 : vector<1x16xf32> to vector<16xf32>
      %parallel_loop3A_592 = arith.addf %parallel_loop3A_587, %parallel_loop3A_591 : vector<16xf32>
      %parallel_loop3A_593 = arith.index_cast %parallel_loop3A_541 : i32 to index
      %parallel_loop3A_594 = arith.constant 48 : index
      %parallel_loop3A_595 = tpu.vector_load %arg11[%parallel_loop3A_593, %parallel_loop3A_594] {strides = array<i32>} : memref<200x64xf32, #tpu.memory_space<vmem>>, vector<1x16xf32>,
      %parallel_loop3A_596 = vector.shape_cast %parallel_loop3A_595 : vector<1x16xf32> to vector<16xf32>
      %parallel_loop3A_597 = vector.shape_cast %parallel_loop3A_592 : vector<16xf32> to vector<1x16xf32>
      tpu.vector_store %arg11[%parallel_loop3A_593, %parallel_loop3A_594], %parallel_loop3A_597 {strides = array<i32>} : memref<200x64xf32, #tpu.memory_space<vmem>>, vector<1x16xf32>,
    } {sc.loop_unroll_factor = 8 : i64, sc.parallel_access}
    %add3A_314 = arith.constant 3 : i32
    %add3A_315 = arith.addi %mul3A_2, %add3A_314 : i32
    %dma_start3A_316 = arith.constant 0 : i32
    %dma_start3A_317 = arith.constant 0 : i32
    %dma_start3A_318 = tpu.memref_slice %arg5[%add3A_315, %dma_start3A_316, %dma_start3A_317] : memref<1024x200x64xf32, #tpu.memory_space<hbm>> -> memref<1x200x64xf32, #tpu.memory_space<hbm>>
    %dma_start3A_319 = tpu.memref_squeeze %dma_start3A_318 : memref<1x200x64xf32, #tpu.memory_space<hbm>> -> memref<200x64xf32, #tpu.memory_space<hbm>>
    %dma_start3A_320 = arith.constant 0 : i32
    %dma_start3A_321 = arith.constant 0 : i32
    %dma_start3A_322 = tpu.memref_slice %arg5[%add3A_315, %dma_start3A_320, %dma_start3A_321] : memref<1024x200x64xf32, #tpu.memory_space<hbm>> -> memref<1x200x64xf32, #tpu.memory_space<hbm>>
    %dma_start3A_323 = tpu.memref_squeeze %dma_start3A_322 : memref<1x200x64xf32, #tpu.memory_space<hbm>> -> memref<200x64xf32, #tpu.memory_space<hbm>>
    tpu.enqueue_dma source(%arg11 : memref<200x64xf32, #tpu.memory_space<vmem>>) target(%dma_start3A_323 : memref<200x64xf32, #tpu.memory_space<hbm>>) target_semaphore(%arg19 : memref<!tpu.dma_semaphore, #tpu.memory_space<semaphore_mem>>)
    %scan3A = arith.constant 0 : i32
    %scan3A_324 = arith.constant 1 : i32
    %scan3A_325 = arith.constant 6 : i32
    %scan3A_326 = arith.addi %scan3A_324, %scan3A_325 : i32
    %scan3A_327 = arith.constant 1 : i32
    scf.for %scan3A_541 = %scan3A_324 to %scan3A_326 step %scan3A_327  : i32 {
      %mul3A_542 = arith.constant 4 : i32
      %mul3A_543 = arith.muli %scan3A_541, %mul3A_542 : i32
      %add3A_544 = arith.constant 0 : i32
      %add3A_545 = arith.addi %mul3A_543, %add3A_544 : i32
      %sub3A = arith.constant 1 : i32
      %sub3A_546 = arith.subi %add3A_545, %sub3A : i32
      %add3A_547 = arith.addi %mul3A_2, %sub3A_546 : i32
      %dma_wait3A_548 = arith.constant 0 : i32
      %dma_wait3A_549 = arith.constant 0 : i32
      %dma_wait3A_550 = tpu.memref_slice %arg5[%add3A_547, %dma_wait3A_548, %dma_wait3A_549] : memref<1024x200x64xf32, #tpu.memory_space<hbm>> -> memref<1x200x64xf32, #tpu.memory_space<hbm>>
      %dma_wait3A_551 = tpu.memref_squeeze %dma_wait3A_550 : memref<1x200x64xf32, #tpu.memory_space<hbm>> -> memref<200x64xf32, #tpu.memory_space<hbm>>
      %dma_wait3A_552 = arith.constant 0 : i32
      %dma_wait3A_553 = arith.constant 0 : i32
      %dma_wait3A_554 = tpu.memref_slice %arg5[%add3A_547, %dma_wait3A_552, %dma_wait3A_553] : memref<1024x200x64xf32, #tpu.memory_space<hbm>> -> memref<1x200x64xf32, #tpu.memory_space<hbm>>
      %dma_wait3A_555 = tpu.memref_squeeze %dma_wait3A_554 : memref<1x200x64xf32, #tpu.memory_space<hbm>> -> memref<200x64xf32, #tpu.memory_space<hbm>>
      tpu.wait_dma2 semaphore(%arg19 : memref<!tpu.dma_semaphore, #tpu.memory_space<semaphore_mem>>) src(%arg11 : memref<200x64xf32, #tpu.memory_space<vmem>>) dst(%dma_wait3A_555 : memref<200x64xf32, #tpu.memory_space<hbm>>)
      %add3A_556 = arith.constant 4 : i32
      %add3A_557 = arith.addi %add3A_545, %add3A_556 : i32
      %sub3A_558 = arith.constant 1 : i32
      %sub3A_559 = arith.subi %add3A_557, %sub3A_558 : i32
      %dma_start3A_560 = arith.constant 0 : i32
      %dma_start3A_561 = arith.constant 0 : i32
      %dma_start3A_562 = arith.constant 0 : i32
      %dma_start3A_563 = tpu.memref_slice %arg11[%dma_start3A_561, %dma_start3A_562] : memref<200x64xf32, #tpu.memory_space<vmem>> -> memref<100x64xf32, #tpu.memory_space<vmem>>
      %dma_start3A_564 = arith.constant 0 : i32
      %dma_start3A_565 = tpu.memref_slice %arg6[%sub3A_559, %dma_start3A_560, %dma_start3A_564] : memref<32x2x100xi32, #tpu.memory_space<vmem>> -> memref<1x1x100xi32, #tpu.memory_space<vmem>>
      %dma_start3A_566 = tpu.memref_squeeze %dma_start3A_565 : memref<1x1x100xi32, #tpu.memory_space<vmem>> -> memref<100xi32, #tpu.memory_space<vmem>>
      %dma_start3A_567 = arith.constant 0 : i32
      %dma_start3A_568 = arith.constant 0 : i32
      %dma_start3A_569 = tpu.memref_slice %arg2[%dma_start3A_567, %dma_start3A_568] : memref<1000000x64xf32, #tpu.memory_space<hbm>> -> memref<1000000x64xf32, #tpu.memory_space<hbm>>
      tpu.enqueue_indirect_dma source(%dma_start3A_569 : memref<1000000x64xf32, #tpu.memory_space<hbm>>) target(%dma_start3A_563 : memref<100x64xf32, #tpu.memory_space<vmem>>) offsets(%dma_start3A_566 : memref<100xi32, #tpu.memory_space<vmem>>) semaphore(%arg15 : memref<!tpu.dma_semaphore, #tpu.memory_space<semaphore_mem>>)
      %dma_start3A_570 = arith.constant 1 : i32
      %dma_start3A_571 = arith.constant 100 : i32
      %dma_start3A_572 = arith.constant 0 : i32
      %dma_start3A_573 = tpu.memref_slice %arg11[%dma_start3A_571, %dma_start3A_572] : memref<200x64xf32, #tpu.memory_space<vmem>> -> memref<100x64xf32, #tpu.memory_space<vmem>>
      %dma_start3A_574 = arith.constant 0 : i32
      %dma_start3A_575 = tpu.memref_slice %arg6[%sub3A_559, %dma_start3A_570, %dma_start3A_574] : memref<32x2x100xi32, #tpu.memory_space<vmem>> -> memref<1x1x100xi32, #tpu.memory_space<vmem>>
      %dma_start3A_576 = tpu.memref_squeeze %dma_start3A_575 : memref<1x1x100xi32, #tpu.memory_space<vmem>> -> memref<100xi32, #tpu.memory_space<vmem>>
      %dma_start3A_577 = arith.constant 0 : i32
      %dma_start3A_578 = arith.constant 0 : i32
      %dma_start3A_579 = tpu.memref_slice %arg2[%dma_start3A_577, %dma_start3A_578] : memref<1000000x64xf32, #tpu.memory_space<hbm>> -> memref<1000000x64xf32, #tpu.memory_space<hbm>>
      tpu.enqueue_indirect_dma source(%dma_start3A_579 : memref<1000000x64xf32, #tpu.memory_space<hbm>>) target(%dma_start3A_573 : memref<100x64xf32, #tpu.memory_space<vmem>>) offsets(%dma_start3A_576 : memref<100xi32, #tpu.memory_space<vmem>>) semaphore(%arg15 : memref<!tpu.dma_semaphore, #tpu.memory_space<semaphore_mem>>)
      %dma_wait3A_580 = arith.constant 0 : i32
      %dma_wait3A_581 = arith.constant 0 : i32
      %dma_wait3A_582 = arith.constant 0 : i32
      %dma_wait3A_583 = tpu.memref_slice %arg8[%dma_wait3A_581, %dma_wait3A_582] : memref<200x64xf32, #tpu.memory_space<vmem>> -> memref<100x64xf32, #tpu.memory_space<vmem>>
      %dma_wait3A_584 = arith.constant 0 : i32
      %dma_wait3A_585 = tpu.memref_slice %arg6[%add3A_545, %dma_wait3A_580, %dma_wait3A_584] : memref<32x2x100xi32, #tpu.memory_space<vmem>> -> memref<1x1x100xi32, #tpu.memory_space<vmem>>
      %dma_wait3A_586 = tpu.memref_squeeze %dma_wait3A_585 : memref<1x1x100xi32, #tpu.memory_space<vmem>> -> memref<100xi32, #tpu.memory_space<vmem>>
      %dma_wait3A_587 = arith.constant 0 : i32
      %dma_wait3A_588 = arith.constant 0 : i32
      %dma_wait3A_589 = tpu.memref_slice %arg2[%dma_wait3A_587, %dma_wait3A_588] : memref<1000000x64xf32, #tpu.memory_space<hbm>> -> memref<1000000x64xf32, #tpu.memory_space<hbm>>
      tpu.wait_indirect_dma semaphore(%arg12 : memref<!tpu.dma_semaphore, #tpu.memory_space<semaphore_mem>>) src(%dma_wait3A_589 : memref<1000000x64xf32, #tpu.memory_space<hbm>>) dst(%dma_wait3A_583 : memref<100x64xf32, #tpu.memory_space<vmem>>)
      %dma_wait3A_590 = arith.constant 1 : i32
      %dma_wait3A_591 = arith.constant 100 : i32
      %dma_wait3A_592 = arith.constant 0 : i32
      %dma_wait3A_593 = tpu.memref_slice %arg8[%dma_wait3A_591, %dma_wait3A_592] : memref<200x64xf32, #tpu.memory_space<vmem>> -> memref<100x64xf32, #tpu.memory_space<vmem>>
      %dma_wait3A_594 = arith.constant 0 : i32
      %dma_wait3A_595 = tpu.memref_slice %arg6[%add3A_545, %dma_wait3A_590, %dma_wait3A_594] : memref<32x2x100xi32, #tpu.memory_space<vmem>> -> memref<1x1x100xi32, #tpu.memory_space<vmem>>
      %dma_wait3A_596 = tpu.memref_squeeze %dma_wait3A_595 : memref<1x1x100xi32, #tpu.memory_space<vmem>> -> memref<100xi32, #tpu.memory_space<vmem>>
      %dma_wait3A_597 = arith.constant 0 : i32
      %dma_wait3A_598 = arith.constant 0 : i32
      %dma_wait3A_599 = tpu.memref_slice %arg2[%dma_wait3A_597, %dma_wait3A_598] : memref<1000000x64xf32, #tpu.memory_space<hbm>> -> memref<1000000x64xf32, #tpu.memory_space<hbm>>
      tpu.wait_indirect_dma semaphore(%arg12 : memref<!tpu.dma_semaphore, #tpu.memory_space<semaphore_mem>>) src(%dma_wait3A_599 : memref<1000000x64xf32, #tpu.memory_space<hbm>>) dst(%dma_wait3A_593 : memref<100x64xf32, #tpu.memory_space<vmem>>)
      %parallel_loop3A_600 = arith.constant 0 : i32
      %parallel_loop3A_601 = arith.constant 200 : i32
      %parallel_loop3A_602 = arith.constant 1 : i32
      scf.for %parallel_loop3A_825 = %parallel_loop3A_600 to %parallel_loop3A_601 step %parallel_loop3A_602  : i32 {
        %parallel_loop3A_826 = arith.index_cast %parallel_loop3A_825 : i32 to index
        %parallel_loop3A_827 = arith.constant 0 : index
        %parallel_loop3A_828 = tpu.vector_load %arg8[%parallel_loop3A_826, %parallel_loop3A_827] {strides = array<i32>} : memref<200x64xf32, #tpu.memory_space<vmem>>, vector<1x16xf32>,
        %parallel_loop3A_829 = vector.shape_cast %parallel_loop3A_828 : vector<1x16xf32> to vector<16xf32>
        %parallel_loop3A_830 = arith.index_cast %parallel_loop3A_825 : i32 to index
        %parallel_loop3A_831 = arith.constant 0 : index
        %parallel_loop3A_832 = tpu.vector_load %arg7[%parallel_loop3A_830, %parallel_loop3A_831] {strides = array<i32>} : memref<200x64xf32, #tpu.memory_space<vmem>>, vector<1x16xf32>,
        %parallel_loop3A_833 = vector.shape_cast %parallel_loop3A_832 : vector<1x16xf32> to vector<16xf32>
        %parallel_loop3A_834 = arith.addf %parallel_loop3A_829, %parallel_loop3A_833 : vector<16xf32>
        %parallel_loop3A_835 = arith.index_cast %parallel_loop3A_825 : i32 to index
        %parallel_loop3A_836 = arith.constant 0 : index
        %parallel_loop3A_837 = tpu.vector_load %arg8[%parallel_loop3A_835, %parallel_loop3A_836] {strides = array<i32>} : memref<200x64xf32, #tpu.memory_space<vmem>>, vector<1x16xf32>,
        %parallel_loop3A_838 = vector.shape_cast %parallel_loop3A_837 : vector<1x16xf32> to vector<16xf32>
        %parallel_loop3A_839 = vector.shape_cast %parallel_loop3A_834 : vector<16xf32> to vector<1x16xf32>
        tpu.vector_store %arg8[%parallel_loop3A_835, %parallel_loop3A_836], %parallel_loop3A_839 {strides = array<i32>} : memref<200x64xf32, #tpu.memory_space<vmem>>, vector<1x16xf32>,
        %parallel_loop3A_840 = arith.index_cast %parallel_loop3A_825 : i32 to index
        %parallel_loop3A_841 = arith.constant 16 : index
        %parallel_loop3A_842 = tpu.vector_load %arg8[%parallel_loop3A_840, %parallel_loop3A_841] {strides = array<i32>} : memref<200x64xf32, #tpu.memory_space<vmem>>, vector<1x16xf32>,
        %parallel_loop3A_843 = vector.shape_cast %parallel_loop3A_842 : vector<1x16xf32> to vector<16xf32>
        %parallel_loop3A_844 = arith.index_cast %parallel_loop3A_825 : i32 to index
        %parallel_loop3A_845 = arith.constant 16 : index
        %parallel_loop3A_846 = tpu.vector_load %arg7[%parallel_loop3A_844, %parallel_loop3A_845] {strides = array<i32>} : memref<200x64xf32, #tpu.memory_space<vmem>>, vector<1x16xf32>,
        %parallel_loop3A_847 = vector.shape_cast %parallel_loop3A_846 : vector<1x16xf32> to vector<16xf32>
        %parallel_loop3A_848 = arith.addf %parallel_loop3A_843, %parallel_loop3A_847 : vector<16xf32>
        %parallel_loop3A_849 = arith.index_cast %parallel_loop3A_825 : i32 to index
        %parallel_loop3A_850 = arith.constant 16 : index
        %parallel_loop3A_851 = tpu.vector_load %arg8[%parallel_loop3A_849, %parallel_loop3A_850] {strides = array<i32>} : memref<200x64xf32, #tpu.memory_space<vmem>>, vector<1x16xf32>,
        %parallel_loop3A_852 = vector.shape_cast %parallel_loop3A_851 : vector<1x16xf32> to vector<16xf32>
        %parallel_loop3A_853 = vector.shape_cast %parallel_loop3A_848 : vector<16xf32> to vector<1x16xf32>
        tpu.vector_store %arg8[%parallel_loop3A_849, %parallel_loop3A_850], %parallel_loop3A_853 {strides = array<i32>} : memref<200x64xf32, #tpu.memory_space<vmem>>, vector<1x16xf32>,
        %parallel_loop3A_854 = arith.index_cast %parallel_loop3A_825 : i32 to index
        %parallel_loop3A_855 = arith.constant 32 : index
        %parallel_loop3A_856 = tpu.vector_load %arg8[%parallel_loop3A_854, %parallel_loop3A_855] {strides = array<i32>} : memref<200x64xf32, #tpu.memory_space<vmem>>, vector<1x16xf32>,
        %parallel_loop3A_857 = vector.shape_cast %parallel_loop3A_856 : vector<1x16xf32> to vector<16xf32>
        %parallel_loop3A_858 = arith.index_cast %parallel_loop3A_825 : i32 to index
        %parallel_loop3A_859 = arith.constant 32 : index
        %parallel_loop3A_860 = tpu.vector_load %arg7[%parallel_loop3A_858, %parallel_loop3A_859] {strides = array<i32>} : memref<200x64xf32, #tpu.memory_space<vmem>>, vector<1x16xf32>,
        %parallel_loop3A_861 = vector.shape_cast %parallel_loop3A_860 : vector<1x16xf32> to vector<16xf32>
        %parallel_loop3A_862 = arith.addf %parallel_loop3A_857, %parallel_loop3A_861 : vector<16xf32>
        %parallel_loop3A_863 = arith.index_cast %parallel_loop3A_825 : i32 to index
        %parallel_loop3A_864 = arith.constant 32 : index
        %parallel_loop3A_865 = tpu.vector_load %arg8[%parallel_loop3A_863, %parallel_loop3A_864] {strides = array<i32>} : memref<200x64xf32, #tpu.memory_space<vmem>>, vector<1x16xf32>,
        %parallel_loop3A_866 = vector.shape_cast %parallel_loop3A_865 : vector<1x16xf32> to vector<16xf32>
        %parallel_loop3A_867 = vector.shape_cast %parallel_loop3A_862 : vector<16xf32> to vector<1x16xf32>
        tpu.vector_store %arg8[%parallel_loop3A_863, %parallel_loop3A_864], %parallel_loop3A_867 {strides = array<i32>} : memref<200x64xf32, #tpu.memory_space<vmem>>, vector<1x16xf32>,
        %parallel_loop3A_868 = arith.index_cast %parallel_loop3A_825 : i32 to index
        %parallel_loop3A_869 = arith.constant 48 : index
        %parallel_loop3A_870 = tpu.vector_load %arg8[%parallel_loop3A_868, %parallel_loop3A_869] {strides = array<i32>} : memref<200x64xf32, #tpu.memory_space<vmem>>, vector<1x16xf32>,
        %parallel_loop3A_871 = vector.shape_cast %parallel_loop3A_870 : vector<1x16xf32> to vector<16xf32>
        %parallel_loop3A_872 = arith.index_cast %parallel_loop3A_825 : i32 to index
        %parallel_loop3A_873 = arith.constant 48 : index
        %parallel_loop3A_874 = tpu.vector_load %arg7[%parallel_loop3A_872, %parallel_loop3A_873] {strides = array<i32>} : memref<200x64xf32, #tpu.memory_space<vmem>>, vector<1x16xf32>,
        %parallel_loop3A_875 = vector.shape_cast %parallel_loop3A_874 : vector<1x16xf32> to vector<16xf32>
        %parallel_loop3A_876 = arith.addf %parallel_loop3A_871, %parallel_loop3A_875 : vector<16xf32>
        %parallel_loop3A_877 = arith.index_cast %parallel_loop3A_825 : i32 to index
        %parallel_loop3A_878 = arith.constant 48 : index
        %parallel_loop3A_879 = tpu.vector_load %arg8[%parallel_loop3A_877, %parallel_loop3A_878] {strides = array<i32>} : memref<200x64xf32, #tpu.memory_space<vmem>>, vector<1x16xf32>,
        %parallel_loop3A_880 = vector.shape_cast %parallel_loop3A_879 : vector<1x16xf32> to vector<16xf32>
        %parallel_loop3A_881 = vector.shape_cast %parallel_loop3A_876 : vector<16xf32> to vector<1x16xf32>
        tpu.vector_store %arg8[%parallel_loop3A_877, %parallel_loop3A_878], %parallel_loop3A_881 {strides = array<i32>} : memref<200x64xf32, #tpu.memory_space<vmem>>, vector<1x16xf32>,
      } {sc.loop_unroll_factor = 8 : i64, sc.parallel_access}
      %add3A_603 = arith.addi %mul3A_2, %add3A_545 : i32
      %dma_start3A_604 = arith.constant 0 : i32
      %dma_start3A_605 = arith.constant 0 : i32
      %dma_start3A_606 = tpu.memref_slice %arg5[%add3A_603, %dma_start3A_604, %dma_start3A_605] : memref<1024x200x64xf32, #tpu.memory_space<hbm>> -> memref<1x200x64xf32, #tpu.memory_space<hbm>>
      %dma_start3A_607 = tpu.memref_squeeze %dma_start3A_606 : memref<1x200x64xf32, #tpu.memory_space<hbm>> -> memref<200x64xf32, #tpu.memory_space<hbm>>
      %dma_start3A_608 = arith.constant 0 : i32
      %dma_start3A_609 = arith.constant 0 : i32
      %dma_start3A_610 = tpu.memref_slice %arg5[%add3A_603, %dma_start3A_608, %dma_start3A_609] : memref<1024x200x64xf32, #tpu.memory_space<hbm>> -> memref<1x200x64xf32, #tpu.memory_space<hbm>>
      %dma_start3A_611 = tpu.memref_squeeze %dma_start3A_610 : memref<1x200x64xf32, #tpu.memory_space<hbm>> -> memref<200x64xf32, #tpu.memory_space<hbm>>
      tpu.enqueue_dma source(%arg8 : memref<200x64xf32, #tpu.memory_space<vmem>>) target(%dma_start3A_611 : memref<200x64xf32, #tpu.memory_space<hbm>>) target_semaphore(%arg16 : memref<!tpu.dma_semaphore, #tpu.memory_space<semaphore_mem>>)
      %mul3A_612 = arith.constant 4 : i32
      %mul3A_613 = arith.muli %scan3A_541, %mul3A_612 : i32
      %add3A_614 = arith.constant 1 : i32
      %add3A_615 = arith.addi %mul3A_613, %add3A_614 : i32
      %sub3A_616 = arith.constant 1 : i32
      %sub3A_617 = arith.subi %add3A_615, %sub3A_616 : i32
      %add3A_618 = arith.addi %mul3A_2, %sub3A_617 : i32
      %dma_wait3A_619 = arith.constant 0 : i32
      %dma_wait3A_620 = arith.constant 0 : i32
      %dma_wait3A_621 = tpu.memref_slice %arg5[%add3A_618, %dma_wait3A_619, %dma_wait3A_620] : memref<1024x200x64xf32, #tpu.memory_space<hbm>> -> memref<1x200x64xf32, #tpu.memory_space<hbm>>
      %dma_wait3A_622 = tpu.memref_squeeze %dma_wait3A_621 : memref<1x200x64xf32, #tpu.memory_space<hbm>> -> memref<200x64xf32, #tpu.memory_space<hbm>>
      %dma_wait3A_623 = arith.constant 0 : i32
      %dma_wait3A_624 = arith.constant 0 : i32
      %dma_wait3A_625 = tpu.memref_slice %arg5[%add3A_618, %dma_wait3A_623, %dma_wait3A_624] : memref<1024x200x64xf32, #tpu.memory_space<hbm>> -> memref<1x200x64xf32, #tpu.memory_space<hbm>>
      %dma_wait3A_626 = tpu.memref_squeeze %dma_wait3A_625 : memref<1x200x64xf32, #tpu.memory_space<hbm>> -> memref<200x64xf32, #tpu.memory_space<hbm>>
      tpu.wait_dma2 semaphore(%arg16 : memref<!tpu.dma_semaphore, #tpu.memory_space<semaphore_mem>>) src(%arg8 : memref<200x64xf32, #tpu.memory_space<vmem>>) dst(%dma_wait3A_626 : memref<200x64xf32, #tpu.memory_space<hbm>>)
      %add3A_627 = arith.constant 4 : i32
      %add3A_628 = arith.addi %add3A_615, %add3A_627 : i32
      %sub3A_629 = arith.constant 1 : i32
      %sub3A_630 = arith.subi %add3A_628, %sub3A_629 : i32
      %dma_start3A_631 = arith.constant 0 : i32
      %dma_start3A_632 = arith.constant 0 : i32
      %dma_start3A_633 = arith.constant 0 : i32
      %dma_start3A_634 = tpu.memref_slice %arg8[%dma_start3A_632, %dma_start3A_633] : memref<200x64xf32, #tpu.memory_space<vmem>> -> memref<100x64xf32, #tpu.memory_space<vmem>>
      %dma_start3A_635 = arith.constant 0 : i32
      %dma_start3A_636 = tpu.memref_slice %arg6[%sub3A_630, %dma_start3A_631, %dma_start3A_635] : memref<32x2x100xi32, #tpu.memory_space<vmem>> -> memref<1x1x100xi32, #tpu.memory_space<vmem>>
      %dma_start3A_637 = tpu.memref_squeeze %dma_start3A_636 : memref<1x1x100xi32, #tpu.memory_space<vmem>> -> memref<100xi32, #tpu.memory_space<vmem>>
      %dma_start3A_638 = arith.constant 0 : i32
      %dma_start3A_639 = arith.constant 0 : i32
      %dma_start3A_640 = tpu.memref_slice %arg2[%dma_start3A_638, %dma_start3A_639] : memref<1000000x64xf32, #tpu.memory_space<hbm>> -> memref<1000000x64xf32, #tpu.memory_space<hbm>>
      tpu.enqueue_indirect_dma source(%dma_start3A_640 : memref<1000000x64xf32, #tpu.memory_space<hbm>>) target(%dma_start3A_634 : memref<100x64xf32, #tpu.memory_space<vmem>>) offsets(%dma_start3A_637 : memref<100xi32, #tpu.memory_space<vmem>>) semaphore(%arg12 : memref<!tpu.dma_semaphore, #tpu.memory_space<semaphore_mem>>)
      %dma_start3A_641 = arith.constant 1 : i32
      %dma_start3A_642 = arith.constant 100 : i32
      %dma_start3A_643 = arith.constant 0 : i32
      %dma_start3A_644 = tpu.memref_slice %arg8[%dma_start3A_642, %dma_start3A_643] : memref<200x64xf32, #tpu.memory_space<vmem>> -> memref<100x64xf32, #tpu.memory_space<vmem>>
      %dma_start3A_645 = arith.constant 0 : i32
      %dma_start3A_646 = tpu.memref_slice %arg6[%sub3A_630, %dma_start3A_641, %dma_start3A_645] : memref<32x2x100xi32, #tpu.memory_space<vmem>> -> memref<1x1x100xi32, #tpu.memory_space<vmem>>
      %dma_start3A_647 = tpu.memref_squeeze %dma_start3A_646 : memref<1x1x100xi32, #tpu.memory_space<vmem>> -> memref<100xi32, #tpu.memory_space<vmem>>
      %dma_start3A_648 = arith.constant 0 : i32
      %dma_start3A_649 = arith.constant 0 : i32
      %dma_start3A_650 = tpu.memref_slice %arg2[%dma_start3A_648, %dma_start3A_649] : memref<1000000x64xf32, #tpu.memory_space<hbm>> -> memref<1000000x64xf32, #tpu.memory_space<hbm>>
      tpu.enqueue_indirect_dma source(%dma_start3A_650 : memref<1000000x64xf32, #tpu.memory_space<hbm>>) target(%dma_start3A_644 : memref<100x64xf32, #tpu.memory_space<vmem>>) offsets(%dma_start3A_647 : memref<100xi32, #tpu.memory_space<vmem>>) semaphore(%arg12 : memref<!tpu.dma_semaphore, #tpu.memory_space<semaphore_mem>>)
      %dma_wait3A_651 = arith.constant 0 : i32
      %dma_wait3A_652 = arith.constant 0 : i32
      %dma_wait3A_653 = arith.constant 0 : i32
      %dma_wait3A_654 = tpu.memref_slice %arg9[%dma_wait3A_652, %dma_wait3A_653] : memref<200x64xf32, #tpu.memory_space<vmem>> -> memref<100x64xf32, #tpu.memory_space<vmem>>
      %dma_wait3A_655 = arith.constant 0 : i32
      %dma_wait3A_656 = tpu.memref_slice %arg6[%add3A_615, %dma_wait3A_651, %dma_wait3A_655] : memref<32x2x100xi32, #tpu.memory_space<vmem>> -> memref<1x1x100xi32, #tpu.memory_space<vmem>>
      %dma_wait3A_657 = tpu.memref_squeeze %dma_wait3A_656 : memref<1x1x100xi32, #tpu.memory_space<vmem>> -> memref<100xi32, #tpu.memory_space<vmem>>
      %dma_wait3A_658 = arith.constant 0 : i32
      %dma_wait3A_659 = arith.constant 0 : i32
      %dma_wait3A_660 = tpu.memref_slice %arg2[%dma_wait3A_658, %dma_wait3A_659] : memref<1000000x64xf32, #tpu.memory_space<hbm>> -> memref<1000000x64xf32, #tpu.memory_space<hbm>>
      tpu.wait_indirect_dma semaphore(%arg13 : memref<!tpu.dma_semaphore, #tpu.memory_space<semaphore_mem>>) src(%dma_wait3A_660 : memref<1000000x64xf32, #tpu.memory_space<hbm>>) dst(%dma_wait3A_654 : memref<100x64xf32, #tpu.memory_space<vmem>>)
      %dma_wait3A_661 = arith.constant 1 : i32
      %dma_wait3A_662 = arith.constant 100 : i32
      %dma_wait3A_663 = arith.constant 0 : i32
      %dma_wait3A_664 = tpu.memref_slice %arg9[%dma_wait3A_662, %dma_wait3A_663] : memref<200x64xf32, #tpu.memory_space<vmem>> -> memref<100x64xf32, #tpu.memory_space<vmem>>
      %dma_wait3A_665 = arith.constant 0 : i32
      %dma_wait3A_666 = tpu.memref_slice %arg6[%add3A_615, %dma_wait3A_661, %dma_wait3A_665] : memref<32x2x100xi32, #tpu.memory_space<vmem>> -> memref<1x1x100xi32, #tpu.memory_space<vmem>>
      %dma_wait3A_667 = tpu.memref_squeeze %dma_wait3A_666 : memref<1x1x100xi32, #tpu.memory_space<vmem>> -> memref<100xi32, #tpu.memory_space<vmem>>
      %dma_wait3A_668 = arith.constant 0 : i32
      %dma_wait3A_669 = arith.constant 0 : i32
      %dma_wait3A_670 = tpu.memref_slice %arg2[%dma_wait3A_668, %dma_wait3A_669] : memref<1000000x64xf32, #tpu.memory_space<hbm>> -> memref<1000000x64xf32, #tpu.memory_space<hbm>>
      tpu.wait_indirect_dma semaphore(%arg13 : memref<!tpu.dma_semaphore, #tpu.memory_space<semaphore_mem>>) src(%dma_wait3A_670 : memref<1000000x64xf32, #tpu.memory_space<hbm>>) dst(%dma_wait3A_664 : memref<100x64xf32, #tpu.memory_space<vmem>>)
      %parallel_loop3A_671 = arith.constant 0 : i32
      %parallel_loop3A_672 = arith.constant 200 : i32
      %parallel_loop3A_673 = arith.constant 1 : i32
      scf.for %parallel_loop3A_825 = %parallel_loop3A_671 to %parallel_loop3A_672 step %parallel_loop3A_673  : i32 {
        %parallel_loop3A_826 = arith.index_cast %parallel_loop3A_825 : i32 to index
        %parallel_loop3A_827 = arith.constant 0 : index
        %parallel_loop3A_828 = tpu.vector_load %arg9[%parallel_loop3A_826, %parallel_loop3A_827] {strides = array<i32>} : memref<200x64xf32, #tpu.memory_space<vmem>>, vector<1x16xf32>,
        %parallel_loop3A_829 = vector.shape_cast %parallel_loop3A_828 : vector<1x16xf32> to vector<16xf32>
        %parallel_loop3A_830 = arith.index_cast %parallel_loop3A_825 : i32 to index
        %parallel_loop3A_831 = arith.constant 0 : index
        %parallel_loop3A_832 = tpu.vector_load %arg7[%parallel_loop3A_830, %parallel_loop3A_831] {strides = array<i32>} : memref<200x64xf32, #tpu.memory_space<vmem>>, vector<1x16xf32>,
        %parallel_loop3A_833 = vector.shape_cast %parallel_loop3A_832 : vector<1x16xf32> to vector<16xf32>
        %parallel_loop3A_834 = arith.addf %parallel_loop3A_829, %parallel_loop3A_833 : vector<16xf32>
        %parallel_loop3A_835 = arith.index_cast %parallel_loop3A_825 : i32 to index
        %parallel_loop3A_836 = arith.constant 0 : index
        %parallel_loop3A_837 = tpu.vector_load %arg9[%parallel_loop3A_835, %parallel_loop3A_836] {strides = array<i32>} : memref<200x64xf32, #tpu.memory_space<vmem>>, vector<1x16xf32>,
        %parallel_loop3A_838 = vector.shape_cast %parallel_loop3A_837 : vector<1x16xf32> to vector<16xf32>
        %parallel_loop3A_839 = vector.shape_cast %parallel_loop3A_834 : vector<16xf32> to vector<1x16xf32>
        tpu.vector_store %arg9[%parallel_loop3A_835, %parallel_loop3A_836], %parallel_loop3A_839 {strides = array<i32>} : memref<200x64xf32, #tpu.memory_space<vmem>>, vector<1x16xf32>,
        %parallel_loop3A_840 = arith.index_cast %parallel_loop3A_825 : i32 to index
        %parallel_loop3A_841 = arith.constant 16 : index
        %parallel_loop3A_842 = tpu.vector_load %arg9[%parallel_loop3A_840, %parallel_loop3A_841] {strides = array<i32>} : memref<200x64xf32, #tpu.memory_space<vmem>>, vector<1x16xf32>,
        %parallel_loop3A_843 = vector.shape_cast %parallel_loop3A_842 : vector<1x16xf32> to vector<16xf32>
        %parallel_loop3A_844 = arith.index_cast %parallel_loop3A_825 : i32 to index
        %parallel_loop3A_845 = arith.constant 16 : index
        %parallel_loop3A_846 = tpu.vector_load %arg7[%parallel_loop3A_844, %parallel_loop3A_845] {strides = array<i32>} : memref<200x64xf32, #tpu.memory_space<vmem>>, vector<1x16xf32>,
        %parallel_loop3A_847 = vector.shape_cast %parallel_loop3A_846 : vector<1x16xf32> to vector<16xf32>
        %parallel_loop3A_848 = arith.addf %parallel_loop3A_843, %parallel_loop3A_847 : vector<16xf32>
        %parallel_loop3A_849 = arith.index_cast %parallel_loop3A_825 : i32 to index
        %parallel_loop3A_850 = arith.constant 16 : index
        %parallel_loop3A_851 = tpu.vector_load %arg9[%parallel_loop3A_849, %parallel_loop3A_850] {strides = array<i32>} : memref<200x64xf32, #tpu.memory_space<vmem>>, vector<1x16xf32>,
        %parallel_loop3A_852 = vector.shape_cast %parallel_loop3A_851 : vector<1x16xf32> to vector<16xf32>
        %parallel_loop3A_853 = vector.shape_cast %parallel_loop3A_848 : vector<16xf32> to vector<1x16xf32>
        tpu.vector_store %arg9[%parallel_loop3A_849, %parallel_loop3A_850], %parallel_loop3A_853 {strides = array<i32>} : memref<200x64xf32, #tpu.memory_space<vmem>>, vector<1x16xf32>,
        %parallel_loop3A_854 = arith.index_cast %parallel_loop3A_825 : i32 to index
        %parallel_loop3A_855 = arith.constant 32 : index
        %parallel_loop3A_856 = tpu.vector_load %arg9[%parallel_loop3A_854, %parallel_loop3A_855] {strides = array<i32>} : memref<200x64xf32, #tpu.memory_space<vmem>>, vector<1x16xf32>,
        %parallel_loop3A_857 = vector.shape_cast %parallel_loop3A_856 : vector<1x16xf32> to vector<16xf32>
        %parallel_loop3A_858 = arith.index_cast %parallel_loop3A_825 : i32 to index
        %parallel_loop3A_859 = arith.constant 32 : index
        %parallel_loop3A_860 = tpu.vector_load %arg7[%parallel_loop3A_858, %parallel_loop3A_859] {strides = array<i32>} : memref<200x64xf32, #tpu.memory_space<vmem>>, vector<1x16xf32>,
        %parallel_loop3A_861 = vector.shape_cast %parallel_loop3A_860 : vector<1x16xf32> to vector<16xf32>
        %parallel_loop3A_862 = arith.addf %parallel_loop3A_857, %parallel_loop3A_861 : vector<16xf32>
        %parallel_loop3A_863 = arith.index_cast %parallel_loop3A_825 : i32 to index
        %parallel_loop3A_864 = arith.constant 32 : index
        %parallel_loop3A_865 = tpu.vector_load %arg9[%parallel_loop3A_863, %parallel_loop3A_864] {strides = array<i32>} : memref<200x64xf32, #tpu.memory_space<vmem>>, vector<1x16xf32>,
        %parallel_loop3A_866 = vector.shape_cast %parallel_loop3A_865 : vector<1x16xf32> to vector<16xf32>
        %parallel_loop3A_867 = vector.shape_cast %parallel_loop3A_862 : vector<16xf32> to vector<1x16xf32>
        tpu.vector_store %arg9[%parallel_loop3A_863, %parallel_loop3A_864], %parallel_loop3A_867 {strides = array<i32>} : memref<200x64xf32, #tpu.memory_space<vmem>>, vector<1x16xf32>,
        %parallel_loop3A_868 = arith.index_cast %parallel_loop3A_825 : i32 to index
        %parallel_loop3A_869 = arith.constant 48 : index
        %parallel_loop3A_870 = tpu.vector_load %arg9[%parallel_loop3A_868, %parallel_loop3A_869] {strides = array<i32>} : memref<200x64xf32, #tpu.memory_space<vmem>>, vector<1x16xf32>,
        %parallel_loop3A_871 = vector.shape_cast %parallel_loop3A_870 : vector<1x16xf32> to vector<16xf32>
        %parallel_loop3A_872 = arith.index_cast %parallel_loop3A_825 : i32 to index
        %parallel_loop3A_873 = arith.constant 48 : index
        %parallel_loop3A_874 = tpu.vector_load %arg7[%parallel_loop3A_872, %parallel_loop3A_873] {strides = array<i32>} : memref<200x64xf32, #tpu.memory_space<vmem>>, vector<1x16xf32>,
        %parallel_loop3A_875 = vector.shape_cast %parallel_loop3A_874 : vector<1x16xf32> to vector<16xf32>
        %parallel_loop3A_876 = arith.addf %parallel_loop3A_871, %parallel_loop3A_875 : vector<16xf32>
        %parallel_loop3A_877 = arith.index_cast %parallel_loop3A_825 : i32 to index
        %parallel_loop3A_878 = arith.constant 48 : index
        %parallel_loop3A_879 = tpu.vector_load %arg9[%parallel_loop3A_877, %parallel_loop3A_878] {strides = array<i32>} : memref<200x64xf32, #tpu.memory_space<vmem>>, vector<1x16xf32>,
        %parallel_loop3A_880 = vector.shape_cast %parallel_loop3A_879 : vector<1x16xf32> to vector<16xf32>
        %parallel_loop3A_881 = vector.shape_cast %parallel_loop3A_876 : vector<16xf32> to vector<1x16xf32>
        tpu.vector_store %arg9[%parallel_loop3A_877, %parallel_loop3A_878], %parallel_loop3A_881 {strides = array<i32>} : memref<200x64xf32, #tpu.memory_space<vmem>>, vector<1x16xf32>,
      } {sc.loop_unroll_factor = 8 : i64, sc.parallel_access}
      %add3A_674 = arith.addi %mul3A_2, %add3A_615 : i32
      %dma_start3A_675 = arith.constant 0 : i32
      %dma_start3A_676 = arith.constant 0 : i32
      %dma_start3A_677 = tpu.memref_slice %arg5[%add3A_674, %dma_start3A_675, %dma_start3A_676] : memref<1024x200x64xf32, #tpu.memory_space<hbm>> -> memref<1x200x64xf32, #tpu.memory_space<hbm>>
      %dma_start3A_678 = tpu.memref_squeeze %dma_start3A_677 : memref<1x200x64xf32, #tpu.memory_space<hbm>> -> memref<200x64xf32, #tpu.memory_space<hbm>>
      %dma_start3A_679 = arith.constant 0 : i32
      %dma_start3A_680 = arith.constant 0 : i32
      %dma_start3A_681 = tpu.memref_slice %arg5[%add3A_674, %dma_start3A_679, %dma_start3A_680] : memref<1024x200x64xf32, #tpu.memory_space<hbm>> -> memref<1x200x64xf32, #tpu.memory_space<hbm>>
      %dma_start3A_682 = tpu.memref_squeeze %dma_start3A_681 : memref<1x200x64xf32, #tpu.memory_space<hbm>> -> memref<200x64xf32, #tpu.memory_space<hbm>>
      tpu.enqueue_dma source(%arg9 : memref<200x64xf32, #tpu.memory_space<vmem>>) target(%dma_start3A_682 : memref<200x64xf32, #tpu.memory_space<hbm>>) target_semaphore(%arg17 : memref<!tpu.dma_semaphore, #tpu.memory_space<semaphore_mem>>)
      %mul3A_683 = arith.constant 4 : i32
      %mul3A_684 = arith.muli %scan3A_541, %mul3A_683 : i32
      %add3A_685 = arith.constant 2 : i32
      %add3A_686 = arith.addi %mul3A_684, %add3A_685 : i32
      %sub3A_687 = arith.constant 1 : i32
      %sub3A_688 = arith.subi %add3A_686, %sub3A_687 : i32
      %add3A_689 = arith.addi %mul3A_2, %sub3A_688 : i32
      %dma_wait3A_690 = arith.constant 0 : i32
      %dma_wait3A_691 = arith.constant 0 : i32
      %dma_wait3A_692 = tpu.memref_slice %arg5[%add3A_689, %dma_wait3A_690, %dma_wait3A_691] : memref<1024x200x64xf32, #tpu.memory_space<hbm>> -> memref<1x200x64xf32, #tpu.memory_space<hbm>>
      %dma_wait3A_693 = tpu.memref_squeeze %dma_wait3A_692 : memref<1x200x64xf32, #tpu.memory_space<hbm>> -> memref<200x64xf32, #tpu.memory_space<hbm>>
      %dma_wait3A_694 = arith.constant 0 : i32
      %dma_wait3A_695 = arith.constant 0 : i32
      %dma_wait3A_696 = tpu.memref_slice %arg5[%add3A_689, %dma_wait3A_694, %dma_wait3A_695] : memref<1024x200x64xf32, #tpu.memory_space<hbm>> -> memref<1x200x64xf32, #tpu.memory_space<hbm>>
      %dma_wait3A_697 = tpu.memref_squeeze %dma_wait3A_696 : memref<1x200x64xf32, #tpu.memory_space<hbm>> -> memref<200x64xf32, #tpu.memory_space<hbm>>
      tpu.wait_dma2 semaphore(%arg17 : memref<!tpu.dma_semaphore, #tpu.memory_space<semaphore_mem>>) src(%arg9 : memref<200x64xf32, #tpu.memory_space<vmem>>) dst(%dma_wait3A_697 : memref<200x64xf32, #tpu.memory_space<hbm>>)
      %add3A_698 = arith.constant 4 : i32
      %add3A_699 = arith.addi %add3A_686, %add3A_698 : i32
      %sub3A_700 = arith.constant 1 : i32
      %sub3A_701 = arith.subi %add3A_699, %sub3A_700 : i32
      %dma_start3A_702 = arith.constant 0 : i32
      %dma_start3A_703 = arith.constant 0 : i32
      %dma_start3A_704 = arith.constant 0 : i32
      %dma_start3A_705 = tpu.memref_slice %arg9[%dma_start3A_703, %dma_start3A_704] : memref<200x64xf32, #tpu.memory_space<vmem>> -> memref<100x64xf32, #tpu.memory_space<vmem>>
      %dma_start3A_706 = arith.constant 0 : i32
      %dma_start3A_707 = tpu.memref_slice %arg6[%sub3A_701, %dma_start3A_702, %dma_start3A_706] : memref<32x2x100xi32, #tpu.memory_space<vmem>> -> memref<1x1x100xi32, #tpu.memory_space<vmem>>
      %dma_start3A_708 = tpu.memref_squeeze %dma_start3A_707 : memref<1x1x100xi32, #tpu.memory_space<vmem>> -> memref<100xi32, #tpu.memory_space<vmem>>
      %dma_start3A_709 = arith.constant 0 : i32
      %dma_start3A_710 = arith.constant 0 : i32
      %dma_start3A_711 = tpu.memref_slice %arg2[%dma_start3A_709, %dma_start3A_710] : memref<1000000x64xf32, #tpu.memory_space<hbm>> -> memref<1000000x64xf32, #tpu.memory_space<hbm>>
      tpu.enqueue_indirect_dma source(%dma_start3A_711 : memref<1000000x64xf32, #tpu.memory_space<hbm>>) target(%dma_start3A_705 : memref<100x64xf32, #tpu.memory_space<vmem>>) offsets(%dma_start3A_708 : memref<100xi32, #tpu.memory_space<vmem>>) semaphore(%arg13 : memref<!tpu.dma_semaphore, #tpu.memory_space<semaphore_mem>>)
      %dma_start3A_712 = arith.constant 1 : i32
      %dma_start3A_713 = arith.constant 100 : i32
      %dma_start3A_714 = arith.constant 0 : i32
      %dma_start3A_715 = tpu.memref_slice %arg9[%dma_start3A_713, %dma_start3A_714] : memref<200x64xf32, #tpu.memory_space<vmem>> -> memref<100x64xf32, #tpu.memory_space<vmem>>
      %dma_start3A_716 = arith.constant 0 : i32
      %dma_start3A_717 = tpu.memref_slice %arg6[%sub3A_701, %dma_start3A_712, %dma_start3A_716] : memref<32x2x100xi32, #tpu.memory_space<vmem>> -> memref<1x1x100xi32, #tpu.memory_space<vmem>>
      %dma_start3A_718 = tpu.memref_squeeze %dma_start3A_717 : memref<1x1x100xi32, #tpu.memory_space<vmem>> -> memref<100xi32, #tpu.memory_space<vmem>>
      %dma_start3A_719 = arith.constant 0 : i32
      %dma_start3A_720 = arith.constant 0 : i32
      %dma_start3A_721 = tpu.memref_slice %arg2[%dma_start3A_719, %dma_start3A_720] : memref<1000000x64xf32, #tpu.memory_space<hbm>> -> memref<1000000x64xf32, #tpu.memory_space<hbm>>
      tpu.enqueue_indirect_dma source(%dma_start3A_721 : memref<1000000x64xf32, #tpu.memory_space<hbm>>) target(%dma_start3A_715 : memref<100x64xf32, #tpu.memory_space<vmem>>) offsets(%dma_start3A_718 : memref<100xi32, #tpu.memory_space<vmem>>) semaphore(%arg13 : memref<!tpu.dma_semaphore, #tpu.memory_space<semaphore_mem>>)
      %dma_wait3A_722 = arith.constant 0 : i32
      %dma_wait3A_723 = arith.constant 0 : i32
      %dma_wait3A_724 = arith.constant 0 : i32
      %dma_wait3A_725 = tpu.memref_slice %arg10[%dma_wait3A_723, %dma_wait3A_724] : memref<200x64xf32, #tpu.memory_space<vmem>> -> memref<100x64xf32, #tpu.memory_space<vmem>>
      %dma_wait3A_726 = arith.constant 0 : i32
      %dma_wait3A_727 = tpu.memref_slice %arg6[%add3A_686, %dma_wait3A_722, %dma_wait3A_726] : memref<32x2x100xi32, #tpu.memory_space<vmem>> -> memref<1x1x100xi32, #tpu.memory_space<vmem>>
      %dma_wait3A_728 = tpu.memref_squeeze %dma_wait3A_727 : memref<1x1x100xi32, #tpu.memory_space<vmem>> -> memref<100xi32, #tpu.memory_space<vmem>>
      %dma_wait3A_729 = arith.constant 0 : i32
      %dma_wait3A_730 = arith.constant 0 : i32
      %dma_wait3A_731 = tpu.memref_slice %arg2[%dma_wait3A_729, %dma_wait3A_730] : memref<1000000x64xf32, #tpu.memory_space<hbm>> -> memref<1000000x64xf32, #tpu.memory_space<hbm>>
      tpu.wait_indirect_dma semaphore(%arg14 : memref<!tpu.dma_semaphore, #tpu.memory_space<semaphore_mem>>) src(%dma_wait3A_731 : memref<1000000x64xf32, #tpu.memory_space<hbm>>) dst(%dma_wait3A_725 : memref<100x64xf32, #tpu.memory_space<vmem>>)
      %dma_wait3A_732 = arith.constant 1 : i32
      %dma_wait3A_733 = arith.constant 100 : i32
      %dma_wait3A_734 = arith.constant 0 : i32
      %dma_wait3A_735 = tpu.memref_slice %arg10[%dma_wait3A_733, %dma_wait3A_734] : memref<200x64xf32, #tpu.memory_space<vmem>> -> memref<100x64xf32, #tpu.memory_space<vmem>>
      %dma_wait3A_736 = arith.constant 0 : i32
      %dma_wait3A_737 = tpu.memref_slice %arg6[%add3A_686, %dma_wait3A_732, %dma_wait3A_736] : memref<32x2x100xi32, #tpu.memory_space<vmem>> -> memref<1x1x100xi32, #tpu.memory_space<vmem>>
      %dma_wait3A_738 = tpu.memref_squeeze %dma_wait3A_737 : memref<1x1x100xi32, #tpu.memory_space<vmem>> -> memref<100xi32, #tpu.memory_space<vmem>>
      %dma_wait3A_739 = arith.constant 0 : i32
      %dma_wait3A_740 = arith.constant 0 : i32
      %dma_wait3A_741 = tpu.memref_slice %arg2[%dma_wait3A_739, %dma_wait3A_740] : memref<1000000x64xf32, #tpu.memory_space<hbm>> -> memref<1000000x64xf32, #tpu.memory_space<hbm>>
      tpu.wait_indirect_dma semaphore(%arg14 : memref<!tpu.dma_semaphore, #tpu.memory_space<semaphore_mem>>) src(%dma_wait3A_741 : memref<1000000x64xf32, #tpu.memory_space<hbm>>) dst(%dma_wait3A_735 : memref<100x64xf32, #tpu.memory_space<vmem>>)
      %parallel_loop3A_742 = arith.constant 0 : i32
      %parallel_loop3A_743 = arith.constant 200 : i32
      %parallel_loop3A_744 = arith.constant 1 : i32
      scf.for %parallel_loop3A_825 = %parallel_loop3A_742 to %parallel_loop3A_743 step %parallel_loop3A_744  : i32 {
        %parallel_loop3A_826 = arith.index_cast %parallel_loop3A_825 : i32 to index
        %parallel_loop3A_827 = arith.constant 0 : index
        %parallel_loop3A_828 = tpu.vector_load %arg10[%parallel_loop3A_826, %parallel_loop3A_827] {strides = array<i32>} : memref<200x64xf32, #tpu.memory_space<vmem>>, vector<1x16xf32>,
        %parallel_loop3A_829 = vector.shape_cast %parallel_loop3A_828 : vector<1x16xf32> to vector<16xf32>
        %parallel_loop3A_830 = arith.index_cast %parallel_loop3A_825 : i32 to index
        %parallel_loop3A_831 = arith.constant 0 : index
        %parallel_loop3A_832 = tpu.vector_load %arg7[%parallel_loop3A_830, %parallel_loop3A_831] {strides = array<i32>} : memref<200x64xf32, #tpu.memory_space<vmem>>, vector<1x16xf32>,
        %parallel_loop3A_833 = vector.shape_cast %parallel_loop3A_832 : vector<1x16xf32> to vector<16xf32>
        %parallel_loop3A_834 = arith.addf %parallel_loop3A_829, %parallel_loop3A_833 : vector<16xf32>
        %parallel_loop3A_835 = arith.index_cast %parallel_loop3A_825 : i32 to index
        %parallel_loop3A_836 = arith.constant 0 : index
        %parallel_loop3A_837 = tpu.vector_load %arg10[%parallel_loop3A_835, %parallel_loop3A_836] {strides = array<i32>} : memref<200x64xf32, #tpu.memory_space<vmem>>, vector<1x16xf32>,
        %parallel_loop3A_838 = vector.shape_cast %parallel_loop3A_837 : vector<1x16xf32> to vector<16xf32>
        %parallel_loop3A_839 = vector.shape_cast %parallel_loop3A_834 : vector<16xf32> to vector<1x16xf32>
        tpu.vector_store %arg10[%parallel_loop3A_835, %parallel_loop3A_836], %parallel_loop3A_839 {strides = array<i32>} : memref<200x64xf32, #tpu.memory_space<vmem>>, vector<1x16xf32>,
        %parallel_loop3A_840 = arith.index_cast %parallel_loop3A_825 : i32 to index
        %parallel_loop3A_841 = arith.constant 16 : index
        %parallel_loop3A_842 = tpu.vector_load %arg10[%parallel_loop3A_840, %parallel_loop3A_841] {strides = array<i32>} : memref<200x64xf32, #tpu.memory_space<vmem>>, vector<1x16xf32>,
        %parallel_loop3A_843 = vector.shape_cast %parallel_loop3A_842 : vector<1x16xf32> to vector<16xf32>
        %parallel_loop3A_844 = arith.index_cast %parallel_loop3A_825 : i32 to index
        %parallel_loop3A_845 = arith.constant 16 : index
        %parallel_loop3A_846 = tpu.vector_load %arg7[%parallel_loop3A_844, %parallel_loop3A_845] {strides = array<i32>} : memref<200x64xf32, #tpu.memory_space<vmem>>, vector<1x16xf32>,
        %parallel_loop3A_847 = vector.shape_cast %parallel_loop3A_846 : vector<1x16xf32> to vector<16xf32>
        %parallel_loop3A_848 = arith.addf %parallel_loop3A_843, %parallel_loop3A_847 : vector<16xf32>
        %parallel_loop3A_849 = arith.index_cast %parallel_loop3A_825 : i32 to index
        %parallel_loop3A_850 = arith.constant 16 : index
        %parallel_loop3A_851 = tpu.vector_load %arg10[%parallel_loop3A_849, %parallel_loop3A_850] {strides = array<i32>} : memref<200x64xf32, #tpu.memory_space<vmem>>, vector<1x16xf32>,
        %parallel_loop3A_852 = vector.shape_cast %parallel_loop3A_851 : vector<1x16xf32> to vector<16xf32>
        %parallel_loop3A_853 = vector.shape_cast %parallel_loop3A_848 : vector<16xf32> to vector<1x16xf32>
        tpu.vector_store %arg10[%parallel_loop3A_849, %parallel_loop3A_850], %parallel_loop3A_853 {strides = array<i32>} : memref<200x64xf32, #tpu.memory_space<vmem>>, vector<1x16xf32>,
        %parallel_loop3A_854 = arith.index_cast %parallel_loop3A_825 : i32 to index
        %parallel_loop3A_855 = arith.constant 32 : index
        %parallel_loop3A_856 = tpu.vector_load %arg10[%parallel_loop3A_854, %parallel_loop3A_855] {strides = array<i32>} : memref<200x64xf32, #tpu.memory_space<vmem>>, vector<1x16xf32>,
        %parallel_loop3A_857 = vector.shape_cast %parallel_loop3A_856 : vector<1x16xf32> to vector<16xf32>
        %parallel_loop3A_858 = arith.index_cast %parallel_loop3A_825 : i32 to index
        %parallel_loop3A_859 = arith.constant 32 : index
        %parallel_loop3A_860 = tpu.vector_load %arg7[%parallel_loop3A_858, %parallel_loop3A_859] {strides = array<i32>} : memref<200x64xf32, #tpu.memory_space<vmem>>, vector<1x16xf32>,
        %parallel_loop3A_861 = vector.shape_cast %parallel_loop3A_860 : vector<1x16xf32> to vector<16xf32>
        %parallel_loop3A_862 = arith.addf %parallel_loop3A_857, %parallel_loop3A_861 : vector<16xf32>
        %parallel_loop3A_863 = arith.index_cast %parallel_loop3A_825 : i32 to index
        %parallel_loop3A_864 = arith.constant 32 : index
        %parallel_loop3A_865 = tpu.vector_load %arg10[%parallel_loop3A_863, %parallel_loop3A_864] {strides = array<i32>} : memref<200x64xf32, #tpu.memory_space<vmem>>, vector<1x16xf32>,
        %parallel_loop3A_866 = vector.shape_cast %parallel_loop3A_865 : vector<1x16xf32> to vector<16xf32>
        %parallel_loop3A_867 = vector.shape_cast %parallel_loop3A_862 : vector<16xf32> to vector<1x16xf32>
        tpu.vector_store %arg10[%parallel_loop3A_863, %parallel_loop3A_864], %parallel_loop3A_867 {strides = array<i32>} : memref<200x64xf32, #tpu.memory_space<vmem>>, vector<1x16xf32>,
        %parallel_loop3A_868 = arith.index_cast %parallel_loop3A_825 : i32 to index
        %parallel_loop3A_869 = arith.constant 48 : index
        %parallel_loop3A_870 = tpu.vector_load %arg10[%parallel_loop3A_868, %parallel_loop3A_869] {strides = array<i32>} : memref<200x64xf32, #tpu.memory_space<vmem>>, vector<1x16xf32>,
        %parallel_loop3A_871 = vector.shape_cast %parallel_loop3A_870 : vector<1x16xf32> to vector<16xf32>
        %parallel_loop3A_872 = arith.index_cast %parallel_loop3A_825 : i32 to index
        %parallel_loop3A_873 = arith.constant 48 : index
        %parallel_loop3A_874 = tpu.vector_load %arg7[%parallel_loop3A_872, %parallel_loop3A_873] {strides = array<i32>} : memref<200x64xf32, #tpu.memory_space<vmem>>, vector<1x16xf32>,
        %parallel_loop3A_875 = vector.shape_cast %parallel_loop3A_874 : vector<1x16xf32> to vector<16xf32>
        %parallel_loop3A_876 = arith.addf %parallel_loop3A_871, %parallel_loop3A_875 : vector<16xf32>
        %parallel_loop3A_877 = arith.index_cast %parallel_loop3A_825 : i32 to index
        %parallel_loop3A_878 = arith.constant 48 : index
        %parallel_loop3A_879 = tpu.vector_load %arg10[%parallel_loop3A_877, %parallel_loop3A_878] {strides = array<i32>} : memref<200x64xf32, #tpu.memory_space<vmem>>, vector<1x16xf32>,
        %parallel_loop3A_880 = vector.shape_cast %parallel_loop3A_879 : vector<1x16xf32> to vector<16xf32>
        %parallel_loop3A_881 = vector.shape_cast %parallel_loop3A_876 : vector<16xf32> to vector<1x16xf32>
        tpu.vector_store %arg10[%parallel_loop3A_877, %parallel_loop3A_878], %parallel_loop3A_881 {strides = array<i32>} : memref<200x64xf32, #tpu.memory_space<vmem>>, vector<1x16xf32>,
      } {sc.loop_unroll_factor = 8 : i64, sc.parallel_access}
      %add3A_745 = arith.addi %mul3A_2, %add3A_686 : i32
      %dma_start3A_746 = arith.constant 0 : i32
      %dma_start3A_747 = arith.constant 0 : i32
      %dma_start3A_748 = tpu.memref_slice %arg5[%add3A_745, %dma_start3A_746, %dma_start3A_747] : memref<1024x200x64xf32, #tpu.memory_space<hbm>> -> memref<1x200x64xf32, #tpu.memory_space<hbm>>
      %dma_start3A_749 = tpu.memref_squeeze %dma_start3A_748 : memref<1x200x64xf32, #tpu.memory_space<hbm>> -> memref<200x64xf32, #tpu.memory_space<hbm>>
      %dma_start3A_750 = arith.constant 0 : i32
      %dma_start3A_751 = arith.constant 0 : i32
      %dma_start3A_752 = tpu.memref_slice %arg5[%add3A_745, %dma_start3A_750, %dma_start3A_751] : memref<1024x200x64xf32, #tpu.memory_space<hbm>> -> memref<1x200x64xf32, #tpu.memory_space<hbm>>
      %dma_start3A_753 = tpu.memref_squeeze %dma_start3A_752 : memref<1x200x64xf32, #tpu.memory_space<hbm>> -> memref<200x64xf32, #tpu.memory_space<hbm>>
      tpu.enqueue_dma source(%arg10 : memref<200x64xf32, #tpu.memory_space<vmem>>) target(%dma_start3A_753 : memref<200x64xf32, #tpu.memory_space<hbm>>) target_semaphore(%arg18 : memref<!tpu.dma_semaphore, #tpu.memory_space<semaphore_mem>>)
      %mul3A_754 = arith.constant 4 : i32
      %mul3A_755 = arith.muli %scan3A_541, %mul3A_754 : i32
      %add3A_756 = arith.constant 3 : i32
      %add3A_757 = arith.addi %mul3A_755, %add3A_756 : i32
      %sub3A_758 = arith.constant 1 : i32
      %sub3A_759 = arith.subi %add3A_757, %sub3A_758 : i32
      %add3A_760 = arith.addi %mul3A_2, %sub3A_759 : i32
      %dma_wait3A_761 = arith.constant 0 : i32
      %dma_wait3A_762 = arith.constant 0 : i32
      %dma_wait3A_763 = tpu.memref_slice %arg5[%add3A_760, %dma_wait3A_761, %dma_wait3A_762] : memref<1024x200x64xf32, #tpu.memory_space<hbm>> -> memref<1x200x64xf32, #tpu.memory_space<hbm>>
      %dma_wait3A_764 = tpu.memref_squeeze %dma_wait3A_763 : memref<1x200x64xf32, #tpu.memory_space<hbm>> -> memref<200x64xf32, #tpu.memory_space<hbm>>
      %dma_wait3A_765 = arith.constant 0 : i32
      %dma_wait3A_766 = arith.constant 0 : i32
      %dma_wait3A_767 = tpu.memref_slice %arg5[%add3A_760, %dma_wait3A_765, %dma_wait3A_766] : memref<1024x200x64xf32, #tpu.memory_space<hbm>> -> memref<1x200x64xf32, #tpu.memory_space<hbm>>
      %dma_wait3A_768 = tpu.memref_squeeze %dma_wait3A_767 : memref<1x200x64xf32, #tpu.memory_space<hbm>> -> memref<200x64xf32, #tpu.memory_space<hbm>>
      tpu.wait_dma2 semaphore(%arg18 : memref<!tpu.dma_semaphore, #tpu.memory_space<semaphore_mem>>) src(%arg10 : memref<200x64xf32, #tpu.memory_space<vmem>>) dst(%dma_wait3A_768 : memref<200x64xf32, #tpu.memory_space<hbm>>)
      %add3A_769 = arith.constant 4 : i32
      %add3A_770 = arith.addi %add3A_757, %add3A_769 : i32
      %sub3A_771 = arith.constant 1 : i32
      %sub3A_772 = arith.subi %add3A_770, %sub3A_771 : i32
      %dma_start3A_773 = arith.constant 0 : i32
      %dma_start3A_774 = arith.constant 0 : i32
      %dma_start3A_775 = arith.constant 0 : i32
      %dma_start3A_776 = tpu.memref_slice %arg10[%dma_start3A_774, %dma_start3A_775] : memref<200x64xf32, #tpu.memory_space<vmem>> -> memref<100x64xf32, #tpu.memory_space<vmem>>
      %dma_start3A_777 = arith.constant 0 : i32
      %dma_start3A_778 = tpu.memref_slice %arg6[%sub3A_772, %dma_start3A_773, %dma_start3A_777] : memref<32x2x100xi32, #tpu.memory_space<vmem>> -> memref<1x1x100xi32, #tpu.memory_space<vmem>>
      %dma_start3A_779 = tpu.memref_squeeze %dma_start3A_778 : memref<1x1x100xi32, #tpu.memory_space<vmem>> -> memref<100xi32, #tpu.memory_space<vmem>>
      %dma_start3A_780 = arith.constant 0 : i32
      %dma_start3A_781 = arith.constant 0 : i32
      %dma_start3A_782 = tpu.memref_slice %arg2[%dma_start3A_780, %dma_start3A_781] : memref<1000000x64xf32, #tpu.memory_space<hbm>> -> memref<1000000x64xf32, #tpu.memory_space<hbm>>
      tpu.enqueue_indirect_dma source(%dma_start3A_782 : memref<1000000x64xf32, #tpu.memory_space<hbm>>) target(%dma_start3A_776 : memref<100x64xf32, #tpu.memory_space<vmem>>) offsets(%dma_start3A_779 : memref<100xi32, #tpu.memory_space<vmem>>) semaphore(%arg14 : memref<!tpu.dma_semaphore, #tpu.memory_space<semaphore_mem>>)
      %dma_start3A_783 = arith.constant 1 : i32
      %dma_start3A_784 = arith.constant 100 : i32
      %dma_start3A_785 = arith.constant 0 : i32
      %dma_start3A_786 = tpu.memref_slice %arg10[%dma_start3A_784, %dma_start3A_785] : memref<200x64xf32, #tpu.memory_space<vmem>> -> memref<100x64xf32, #tpu.memory_space<vmem>>
      %dma_start3A_787 = arith.constant 0 : i32
      %dma_start3A_788 = tpu.memref_slice %arg6[%sub3A_772, %dma_start3A_783, %dma_start3A_787] : memref<32x2x100xi32, #tpu.memory_space<vmem>> -> memref<1x1x100xi32, #tpu.memory_space<vmem>>
      %dma_start3A_789 = tpu.memref_squeeze %dma_start3A_788 : memref<1x1x100xi32, #tpu.memory_space<vmem>> -> memref<100xi32, #tpu.memory_space<vmem>>
      %dma_start3A_790 = arith.constant 0 : i32
      %dma_start3A_791 = arith.constant 0 : i32
      %dma_start3A_792 = tpu.memref_slice %arg2[%dma_start3A_790, %dma_start3A_791] : memref<1000000x64xf32, #tpu.memory_space<hbm>> -> memref<1000000x64xf32, #tpu.memory_space<hbm>>
      tpu.enqueue_indirect_dma source(%dma_start3A_792 : memref<1000000x64xf32, #tpu.memory_space<hbm>>) target(%dma_start3A_786 : memref<100x64xf32, #tpu.memory_space<vmem>>) offsets(%dma_start3A_789 : memref<100xi32, #tpu.memory_space<vmem>>) semaphore(%arg14 : memref<!tpu.dma_semaphore, #tpu.memory_space<semaphore_mem>>)
      %dma_wait3A_793 = arith.constant 0 : i32
      %dma_wait3A_794 = arith.constant 0 : i32
      %dma_wait3A_795 = arith.constant 0 : i32
      %dma_wait3A_796 = tpu.memref_slice %arg11[%dma_wait3A_794, %dma_wait3A_795] : memref<200x64xf32, #tpu.memory_space<vmem>> -> memref<100x64xf32, #tpu.memory_space<vmem>>
      %dma_wait3A_797 = arith.constant 0 : i32
      %dma_wait3A_798 = tpu.memref_slice %arg6[%add3A_757, %dma_wait3A_793, %dma_wait3A_797] : memref<32x2x100xi32, #tpu.memory_space<vmem>> -> memref<1x1x100xi32, #tpu.memory_space<vmem>>
      %dma_wait3A_799 = tpu.memref_squeeze %dma_wait3A_798 : memref<1x1x100xi32, #tpu.memory_space<vmem>> -> memref<100xi32, #tpu.memory_space<vmem>>
      %dma_wait3A_800 = arith.constant 0 : i32
      %dma_wait3A_801 = arith.constant 0 : i32
      %dma_wait3A_802 = tpu.memref_slice %arg2[%dma_wait3A_800, %dma_wait3A_801] : memref<1000000x64xf32, #tpu.memory_space<hbm>> -> memref<1000000x64xf32, #tpu.memory_space<hbm>>
      tpu.wait_indirect_dma semaphore(%arg15 : memref<!tpu.dma_semaphore, #tpu.memory_space<semaphore_mem>>) src(%dma_wait3A_802 : memref<1000000x64xf32, #tpu.memory_space<hbm>>) dst(%dma_wait3A_796 : memref<100x64xf32, #tpu.memory_space<vmem>>)
      %dma_wait3A_803 = arith.constant 1 : i32
      %dma_wait3A_804 = arith.constant 100 : i32
      %dma_wait3A_805 = arith.constant 0 : i32
      %dma_wait3A_806 = tpu.memref_slice %arg11[%dma_wait3A_804, %dma_wait3A_805] : memref<200x64xf32, #tpu.memory_space<vmem>> -> memref<100x64xf32, #tpu.memory_space<vmem>>
      %dma_wait3A_807 = arith.constant 0 : i32
      %dma_wait3A_808 = tpu.memref_slice %arg6[%add3A_757, %dma_wait3A_803, %dma_wait3A_807] : memref<32x2x100xi32, #tpu.memory_space<vmem>> -> memref<1x1x100xi32, #tpu.memory_space<vmem>>
      %dma_wait3A_809 = tpu.memref_squeeze %dma_wait3A_808 : memref<1x1x100xi32, #tpu.memory_space<vmem>> -> memref<100xi32, #tpu.memory_space<vmem>>
      %dma_wait3A_810 = arith.constant 0 : i32
      %dma_wait3A_811 = arith.constant 0 : i32
      %dma_wait3A_812 = tpu.memref_slice %arg2[%dma_wait3A_810, %dma_wait3A_811] : memref<1000000x64xf32, #tpu.memory_space<hbm>> -> memref<1000000x64xf32, #tpu.memory_space<hbm>>
      tpu.wait_indirect_dma semaphore(%arg15 : memref<!tpu.dma_semaphore, #tpu.memory_space<semaphore_mem>>) src(%dma_wait3A_812 : memref<1000000x64xf32, #tpu.memory_space<hbm>>) dst(%dma_wait3A_806 : memref<100x64xf32, #tpu.memory_space<vmem>>)
      %parallel_loop3A_813 = arith.constant 0 : i32
      %parallel_loop3A_814 = arith.constant 200 : i32
      %parallel_loop3A_815 = arith.constant 1 : i32
      scf.for %parallel_loop3A_825 = %parallel_loop3A_813 to %parallel_loop3A_814 step %parallel_loop3A_815  : i32 {
        %parallel_loop3A_826 = arith.index_cast %parallel_loop3A_825 : i32 to index
        %parallel_loop3A_827 = arith.constant 0 : index
        %parallel_loop3A_828 = tpu.vector_load %arg11[%parallel_loop3A_826, %parallel_loop3A_827] {strides = array<i32>} : memref<200x64xf32, #tpu.memory_space<vmem>>, vector<1x16xf32>,
        %parallel_loop3A_829 = vector.shape_cast %parallel_loop3A_828 : vector<1x16xf32> to vector<16xf32>
        %parallel_loop3A_830 = arith.index_cast %parallel_loop3A_825 : i32 to index
        %parallel_loop3A_831 = arith.constant 0 : index
        %parallel_loop3A_832 = tpu.vector_load %arg7[%parallel_loop3A_830, %parallel_loop3A_831] {strides = array<i32>} : memref<200x64xf32, #tpu.memory_space<vmem>>, vector<1x16xf32>,
        %parallel_loop3A_833 = vector.shape_cast %parallel_loop3A_832 : vector<1x16xf32> to vector<16xf32>
        %parallel_loop3A_834 = arith.addf %parallel_loop3A_829, %parallel_loop3A_833 : vector<16xf32>
        %parallel_loop3A_835 = arith.index_cast %parallel_loop3A_825 : i32 to index
        %parallel_loop3A_836 = arith.constant 0 : index
        %parallel_loop3A_837 = tpu.vector_load %arg11[%parallel_loop3A_835, %parallel_loop3A_836] {strides = array<i32>} : memref<200x64xf32, #tpu.memory_space<vmem>>, vector<1x16xf32>,
        %parallel_loop3A_838 = vector.shape_cast %parallel_loop3A_837 : vector<1x16xf32> to vector<16xf32>
        %parallel_loop3A_839 = vector.shape_cast %parallel_loop3A_834 : vector<16xf32> to vector<1x16xf32>
        tpu.vector_store %arg11[%parallel_loop3A_835, %parallel_loop3A_836], %parallel_loop3A_839 {strides = array<i32>} : memref<200x64xf32, #tpu.memory_space<vmem>>, vector<1x16xf32>,
        %parallel_loop3A_840 = arith.index_cast %parallel_loop3A_825 : i32 to index
        %parallel_loop3A_841 = arith.constant 16 : index
        %parallel_loop3A_842 = tpu.vector_load %arg11[%parallel_loop3A_840, %parallel_loop3A_841] {strides = array<i32>} : memref<200x64xf32, #tpu.memory_space<vmem>>, vector<1x16xf32>,
        %parallel_loop3A_843 = vector.shape_cast %parallel_loop3A_842 : vector<1x16xf32> to vector<16xf32>
        %parallel_loop3A_844 = arith.index_cast %parallel_loop3A_825 : i32 to index
        %parallel_loop3A_845 = arith.constant 16 : index
        %parallel_loop3A_846 = tpu.vector_load %arg7[%parallel_loop3A_844, %parallel_loop3A_845] {strides = array<i32>} : memref<200x64xf32, #tpu.memory_space<vmem>>, vector<1x16xf32>,
        %parallel_loop3A_847 = vector.shape_cast %parallel_loop3A_846 : vector<1x16xf32> to vector<16xf32>
        %parallel_loop3A_848 = arith.addf %parallel_loop3A_843, %parallel_loop3A_847 : vector<16xf32>
        %parallel_loop3A_849 = arith.index_cast %parallel_loop3A_825 : i32 to index
        %parallel_loop3A_850 = arith.constant 16 : index
        %parallel_loop3A_851 = tpu.vector_load %arg11[%parallel_loop3A_849, %parallel_loop3A_850] {strides = array<i32>} : memref<200x64xf32, #tpu.memory_space<vmem>>, vector<1x16xf32>,
        %parallel_loop3A_852 = vector.shape_cast %parallel_loop3A_851 : vector<1x16xf32> to vector<16xf32>
        %parallel_loop3A_853 = vector.shape_cast %parallel_loop3A_848 : vector<16xf32> to vector<1x16xf32>
        tpu.vector_store %arg11[%parallel_loop3A_849, %parallel_loop3A_850], %parallel_loop3A_853 {strides = array<i32>} : memref<200x64xf32, #tpu.memory_space<vmem>>, vector<1x16xf32>,
        %parallel_loop3A_854 = arith.index_cast %parallel_loop3A_825 : i32 to index
        %parallel_loop3A_855 = arith.constant 32 : index
        %parallel_loop3A_856 = tpu.vector_load %arg11[%parallel_loop3A_854, %parallel_loop3A_855] {strides = array<i32>} : memref<200x64xf32, #tpu.memory_space<vmem>>, vector<1x16xf32>,
        %parallel_loop3A_857 = vector.shape_cast %parallel_loop3A_856 : vector<1x16xf32> to vector<16xf32>
        %parallel_loop3A_858 = arith.index_cast %parallel_loop3A_825 : i32 to index
        %parallel_loop3A_859 = arith.constant 32 : index
        %parallel_loop3A_860 = tpu.vector_load %arg7[%parallel_loop3A_858, %parallel_loop3A_859] {strides = array<i32>} : memref<200x64xf32, #tpu.memory_space<vmem>>, vector<1x16xf32>,
        %parallel_loop3A_861 = vector.shape_cast %parallel_loop3A_860 : vector<1x16xf32> to vector<16xf32>
        %parallel_loop3A_862 = arith.addf %parallel_loop3A_857, %parallel_loop3A_861 : vector<16xf32>
        %parallel_loop3A_863 = arith.index_cast %parallel_loop3A_825 : i32 to index
        %parallel_loop3A_864 = arith.constant 32 : index
        %parallel_loop3A_865 = tpu.vector_load %arg11[%parallel_loop3A_863, %parallel_loop3A_864] {strides = array<i32>} : memref<200x64xf32, #tpu.memory_space<vmem>>, vector<1x16xf32>,
        %parallel_loop3A_866 = vector.shape_cast %parallel_loop3A_865 : vector<1x16xf32> to vector<16xf32>
        %parallel_loop3A_867 = vector.shape_cast %parallel_loop3A_862 : vector<16xf32> to vector<1x16xf32>
        tpu.vector_store %arg11[%parallel_loop3A_863, %parallel_loop3A_864], %parallel_loop3A_867 {strides = array<i32>} : memref<200x64xf32, #tpu.memory_space<vmem>>, vector<1x16xf32>,
        %parallel_loop3A_868 = arith.index_cast %parallel_loop3A_825 : i32 to index
        %parallel_loop3A_869 = arith.constant 48 : index
        %parallel_loop3A_870 = tpu.vector_load %arg11[%parallel_loop3A_868, %parallel_loop3A_869] {strides = array<i32>} : memref<200x64xf32, #tpu.memory_space<vmem>>, vector<1x16xf32>,
        %parallel_loop3A_871 = vector.shape_cast %parallel_loop3A_870 : vector<1x16xf32> to vector<16xf32>
        %parallel_loop3A_872 = arith.index_cast %parallel_loop3A_825 : i32 to index
        %parallel_loop3A_873 = arith.constant 48 : index
        %parallel_loop3A_874 = tpu.vector_load %arg7[%parallel_loop3A_872, %parallel_loop3A_873] {strides = array<i32>} : memref<200x64xf32, #tpu.memory_space<vmem>>, vector<1x16xf32>,
        %parallel_loop3A_875 = vector.shape_cast %parallel_loop3A_874 : vector<1x16xf32> to vector<16xf32>
        %parallel_loop3A_876 = arith.addf %parallel_loop3A_871, %parallel_loop3A_875 : vector<16xf32>
        %parallel_loop3A_877 = arith.index_cast %parallel_loop3A_825 : i32 to index
        %parallel_loop3A_878 = arith.constant 48 : index
        %parallel_loop3A_879 = tpu.vector_load %arg11[%parallel_loop3A_877, %parallel_loop3A_878] {strides = array<i32>} : memref<200x64xf32, #tpu.memory_space<vmem>>, vector<1x16xf32>,
        %parallel_loop3A_880 = vector.shape_cast %parallel_loop3A_879 : vector<1x16xf32> to vector<16xf32>
        %parallel_loop3A_881 = vector.shape_cast %parallel_loop3A_876 : vector<16xf32> to vector<1x16xf32>
        tpu.vector_store %arg11[%parallel_loop3A_877, %parallel_loop3A_878], %parallel_loop3A_881 {strides = array<i32>} : memref<200x64xf32, #tpu.memory_space<vmem>>, vector<1x16xf32>,
      } {sc.loop_unroll_factor = 8 : i64, sc.parallel_access}
      %add3A_816 = arith.addi %mul3A_2, %add3A_757 : i32
      %dma_start3A_817 = arith.constant 0 : i32
      %dma_start3A_818 = arith.constant 0 : i32
      %dma_start3A_819 = tpu.memref_slice %arg5[%add3A_816, %dma_start3A_817, %dma_start3A_818] : memref<1024x200x64xf32, #tpu.memory_space<hbm>> -> memref<1x200x64xf32, #tpu.memory_space<hbm>>
      %dma_start3A_820 = tpu.memref_squeeze %dma_start3A_819 : memref<1x200x64xf32, #tpu.memory_space<hbm>> -> memref<200x64xf32, #tpu.memory_space<hbm>>
      %dma_start3A_821 = arith.constant 0 : i32
      %dma_start3A_822 = arith.constant 0 : i32
      %dma_start3A_823 = tpu.memref_slice %arg5[%add3A_816, %dma_start3A_821, %dma_start3A_822] : memref<1024x200x64xf32, #tpu.memory_space<hbm>> -> memref<1x200x64xf32, #tpu.memory_space<hbm>>
      %dma_start3A_824 = tpu.memref_squeeze %dma_start3A_823 : memref<1x200x64xf32, #tpu.memory_space<hbm>> -> memref<200x64xf32, #tpu.memory_space<hbm>>
      tpu.enqueue_dma source(%arg11 : memref<200x64xf32, #tpu.memory_space<vmem>>) target(%dma_start3A_824 : memref<200x64xf32, #tpu.memory_space<hbm>>) target_semaphore(%arg19 : memref<!tpu.dma_semaphore, #tpu.memory_space<semaphore_mem>>)
    }
    %scan3A_328 = arith.constant 6 : i32
    %add3A_329 = arith.constant 27 : i32
    %add3A_330 = arith.addi %mul3A_2, %add3A_329 : i32
    %dma_wait3A_331 = arith.constant 0 : i32
    %dma_wait3A_332 = arith.constant 0 : i32
    %dma_wait3A_333 = tpu.memref_slice %arg5[%add3A_330, %dma_wait3A_331, %dma_wait3A_332] : memref<1024x200x64xf32, #tpu.memory_space<hbm>> -> memref<1x200x64xf32, #tpu.memory_space<hbm>>
    %dma_wait3A_334 = tpu.memref_squeeze %dma_wait3A_333 : memref<1x200x64xf32, #tpu.memory_space<hbm>> -> memref<200x64xf32, #tpu.memory_space<hbm>>
    %dma_wait3A_335 = arith.constant 0 : i32
    %dma_wait3A_336 = arith.constant 0 : i32
    %dma_wait3A_337 = tpu.memref_slice %arg5[%add3A_330, %dma_wait3A_335, %dma_wait3A_336] : memref<1024x200x64xf32, #tpu.memory_space<hbm>> -> memref<1x200x64xf32, #tpu.memory_space<hbm>>
    %dma_wait3A_338 = tpu.memref_squeeze %dma_wait3A_337 : memref<1x200x64xf32, #tpu.memory_space<hbm>> -> memref<200x64xf32, #tpu.memory_space<hbm>>
    tpu.wait_dma2 semaphore(%arg19 : memref<!tpu.dma_semaphore, #tpu.memory_space<semaphore_mem>>) src(%arg11 : memref<200x64xf32, #tpu.memory_space<vmem>>) dst(%dma_wait3A_338 : memref<200x64xf32, #tpu.memory_space<hbm>>)
    %dma_start3A_339 = arith.constant 31 : i32
    %dma_start3A_340 = arith.constant 0 : i32
    %dma_start3A_341 = arith.constant 0 : i32
    %dma_start3A_342 = arith.constant 0 : i32
    %dma_start3A_343 = tpu.memref_slice %arg11[%dma_start3A_341, %dma_start3A_342] : memref<200x64xf32, #tpu.memory_space<vmem>> -> memref<100x64xf32, #tpu.memory_space<vmem>>
    %dma_start3A_344 = arith.constant 0 : i32
    %dma_start3A_345 = tpu.memref_slice %arg6[%dma_start3A_339, %dma_start3A_340, %dma_start3A_344] : memref<32x2x100xi32, #tpu.memory_space<vmem>> -> memref<1x1x100xi32, #tpu.memory_space<vmem>>
    %dma_start3A_346 = tpu.memref_squeeze %dma_start3A_345 : memref<1x1x100xi32, #tpu.memory_space<vmem>> -> memref<100xi32, #tpu.memory_space<vmem>>
    %dma_start3A_347 = arith.constant 0 : i32
    %dma_start3A_348 = arith.constant 0 : i32
    %dma_start3A_349 = tpu.memref_slice %arg2[%dma_start3A_347, %dma_start3A_348] : memref<1000000x64xf32, #tpu.memory_space<hbm>> -> memref<1000000x64xf32, #tpu.memory_space<hbm>>
    tpu.enqueue_indirect_dma source(%dma_start3A_349 : memref<1000000x64xf32, #tpu.memory_space<hbm>>) target(%dma_start3A_343 : memref<100x64xf32, #tpu.memory_space<vmem>>) offsets(%dma_start3A_346 : memref<100xi32, #tpu.memory_space<vmem>>) semaphore(%arg15 : memref<!tpu.dma_semaphore, #tpu.memory_space<semaphore_mem>>)
    %dma_start3A_350 = arith.constant 31 : i32
    %dma_start3A_351 = arith.constant 1 : i32
    %dma_start3A_352 = arith.constant 100 : i32
    %dma_start3A_353 = arith.constant 0 : i32
    %dma_start3A_354 = tpu.memref_slice %arg11[%dma_start3A_352, %dma_start3A_353] : memref<200x64xf32, #tpu.memory_space<vmem>> -> memref<100x64xf32, #tpu.memory_space<vmem>>
    %dma_start3A_355 = arith.constant 0 : i32
    %dma_start3A_356 = tpu.memref_slice %arg6[%dma_start3A_350, %dma_start3A_351, %dma_start3A_355] : memref<32x2x100xi32, #tpu.memory_space<vmem>> -> memref<1x1x100xi32, #tpu.memory_space<vmem>>
    %dma_start3A_357 = tpu.memref_squeeze %dma_start3A_356 : memref<1x1x100xi32, #tpu.memory_space<vmem>> -> memref<100xi32, #tpu.memory_space<vmem>>
    %dma_start3A_358 = arith.constant 0 : i32
    %dma_start3A_359 = arith.constant 0 : i32
    %dma_start3A_360 = tpu.memref_slice %arg2[%dma_start3A_358, %dma_start3A_359] : memref<1000000x64xf32, #tpu.memory_space<hbm>> -> memref<1000000x64xf32, #tpu.memory_space<hbm>>
    tpu.enqueue_indirect_dma source(%dma_start3A_360 : memref<1000000x64xf32, #tpu.memory_space<hbm>>) target(%dma_start3A_354 : memref<100x64xf32, #tpu.memory_space<vmem>>) offsets(%dma_start3A_357 : memref<100xi32, #tpu.memory_space<vmem>>) semaphore(%arg15 : memref<!tpu.dma_semaphore, #tpu.memory_space<semaphore_mem>>)
    %dma_wait3A_361 = arith.constant 28 : i32
    %dma_wait3A_362 = arith.constant 0 : i32
    %dma_wait3A_363 = arith.constant 0 : i32
    %dma_wait3A_364 = arith.constant 0 : i32
    %dma_wait3A_365 = tpu.memref_slice %arg8[%dma_wait3A_363, %dma_wait3A_364] : memref<200x64xf32, #tpu.memory_space<vmem>> -> memref<100x64xf32, #tpu.memory_space<vmem>>
    %dma_wait3A_366 = arith.constant 0 : i32
    %dma_wait3A_367 = tpu.memref_slice %arg6[%dma_wait3A_361, %dma_wait3A_362, %dma_wait3A_366] : memref<32x2x100xi32, #tpu.memory_space<vmem>> -> memref<1x1x100xi32, #tpu.memory_space<vmem>>
    %dma_wait3A_368 = tpu.memref_squeeze %dma_wait3A_367 : memref<1x1x100xi32, #tpu.memory_space<vmem>> -> memref<100xi32, #tpu.memory_space<vmem>>
    %dma_wait3A_369 = arith.constant 0 : i32
    %dma_wait3A_370 = arith.constant 0 : i32
    %dma_wait3A_371 = tpu.memref_slice %arg2[%dma_wait3A_369, %dma_wait3A_370] : memref<1000000x64xf32, #tpu.memory_space<hbm>> -> memref<1000000x64xf32, #tpu.memory_space<hbm>>
    tpu.wait_indirect_dma semaphore(%arg12 : memref<!tpu.dma_semaphore, #tpu.memory_space<semaphore_mem>>) src(%dma_wait3A_371 : memref<1000000x64xf32, #tpu.memory_space<hbm>>) dst(%dma_wait3A_365 : memref<100x64xf32, #tpu.memory_space<vmem>>)
    %dma_wait3A_372 = arith.constant 28 : i32
    %dma_wait3A_373 = arith.constant 1 : i32
    %dma_wait3A_374 = arith.constant 100 : i32
    %dma_wait3A_375 = arith.constant 0 : i32
    %dma_wait3A_376 = tpu.memref_slice %arg8[%dma_wait3A_374, %dma_wait3A_375] : memref<200x64xf32, #tpu.memory_space<vmem>> -> memref<100x64xf32, #tpu.memory_space<vmem>>
    %dma_wait3A_377 = arith.constant 0 : i32
    %dma_wait3A_378 = tpu.memref_slice %arg6[%dma_wait3A_372, %dma_wait3A_373, %dma_wait3A_377] : memref<32x2x100xi32, #tpu.memory_space<vmem>> -> memref<1x1x100xi32, #tpu.memory_space<vmem>>
    %dma_wait3A_379 = tpu.memref_squeeze %dma_wait3A_378 : memref<1x1x100xi32, #tpu.memory_space<vmem>> -> memref<100xi32, #tpu.memory_space<vmem>>
    %dma_wait3A_380 = arith.constant 0 : i32
    %dma_wait3A_381 = arith.constant 0 : i32
    %dma_wait3A_382 = tpu.memref_slice %arg2[%dma_wait3A_380, %dma_wait3A_381] : memref<1000000x64xf32, #tpu.memory_space<hbm>> -> memref<1000000x64xf32, #tpu.memory_space<hbm>>
    tpu.wait_indirect_dma semaphore(%arg12 : memref<!tpu.dma_semaphore, #tpu.memory_space<semaphore_mem>>) src(%dma_wait3A_382 : memref<1000000x64xf32, #tpu.memory_space<hbm>>) dst(%dma_wait3A_376 : memref<100x64xf32, #tpu.memory_space<vmem>>)
    %parallel_loop3A_383 = arith.constant 0 : i32
    %parallel_loop3A_384 = arith.constant 200 : i32
    %parallel_loop3A_385 = arith.constant 1 : i32
    scf.for %parallel_loop3A_541 = %parallel_loop3A_383 to %parallel_loop3A_384 step %parallel_loop3A_385  : i32 {
      %parallel_loop3A_542 = arith.index_cast %parallel_loop3A_541 : i32 to index
      %parallel_loop3A_543 = arith.constant 0 : index
      %parallel_loop3A_544 = tpu.vector_load %arg8[%parallel_loop3A_542, %parallel_loop3A_543] {strides = array<i32>} : memref<200x64xf32, #tpu.memory_space<vmem>>, vector<1x16xf32>,
      %parallel_loop3A_545 = vector.shape_cast %parallel_loop3A_544 : vector<1x16xf32> to vector<16xf32>
      %parallel_loop3A_546 = arith.index_cast %parallel_loop3A_541 : i32 to index
      %parallel_loop3A_547 = arith.constant 0 : index
      %parallel_loop3A_548 = tpu.vector_load %arg7[%parallel_loop3A_546, %parallel_loop3A_547] {strides = array<i32>} : memref<200x64xf32, #tpu.memory_space<vmem>>, vector<1x16xf32>,
      %parallel_loop3A_549 = vector.shape_cast %parallel_loop3A_548 : vector<1x16xf32> to vector<16xf32>
      %parallel_loop3A_550 = arith.addf %parallel_loop3A_545, %parallel_loop3A_549 : vector<16xf32>
      %parallel_loop3A_551 = arith.index_cast %parallel_loop3A_541 : i32 to index
      %parallel_loop3A_552 = arith.constant 0 : index
      %parallel_loop3A_553 = tpu.vector_load %arg8[%parallel_loop3A_551, %parallel_loop3A_552] {strides = array<i32>} : memref<200x64xf32, #tpu.memory_space<vmem>>, vector<1x16xf32>,
      %parallel_loop3A_554 = vector.shape_cast %parallel_loop3A_553 : vector<1x16xf32> to vector<16xf32>
      %parallel_loop3A_555 = vector.shape_cast %parallel_loop3A_550 : vector<16xf32> to vector<1x16xf32>
      tpu.vector_store %arg8[%parallel_loop3A_551, %parallel_loop3A_552], %parallel_loop3A_555 {strides = array<i32>} : memref<200x64xf32, #tpu.memory_space<vmem>>, vector<1x16xf32>,
      %parallel_loop3A_556 = arith.index_cast %parallel_loop3A_541 : i32 to index
      %parallel_loop3A_557 = arith.constant 16 : index
      %parallel_loop3A_558 = tpu.vector_load %arg8[%parallel_loop3A_556, %parallel_loop3A_557] {strides = array<i32>} : memref<200x64xf32, #tpu.memory_space<vmem>>, vector<1x16xf32>,
      %parallel_loop3A_559 = vector.shape_cast %parallel_loop3A_558 : vector<1x16xf32> to vector<16xf32>
      %parallel_loop3A_560 = arith.index_cast %parallel_loop3A_541 : i32 to index
      %parallel_loop3A_561 = arith.constant 16 : index
      %parallel_loop3A_562 = tpu.vector_load %arg7[%parallel_loop3A_560, %parallel_loop3A_561] {strides = array<i32>} : memref<200x64xf32, #tpu.memory_space<vmem>>, vector<1x16xf32>,
      %parallel_loop3A_563 = vector.shape_cast %parallel_loop3A_562 : vector<1x16xf32> to vector<16xf32>
      %parallel_loop3A_564 = arith.addf %parallel_loop3A_559, %parallel_loop3A_563 : vector<16xf32>
      %parallel_loop3A_565 = arith.index_cast %parallel_loop3A_541 : i32 to index
      %parallel_loop3A_566 = arith.constant 16 : index
      %parallel_loop3A_567 = tpu.vector_load %arg8[%parallel_loop3A_565, %parallel_loop3A_566] {strides = array<i32>} : memref<200x64xf32, #tpu.memory_space<vmem>>, vector<1x16xf32>,
      %parallel_loop3A_568 = vector.shape_cast %parallel_loop3A_567 : vector<1x16xf32> to vector<16xf32>
      %parallel_loop3A_569 = vector.shape_cast %parallel_loop3A_564 : vector<16xf32> to vector<1x16xf32>
      tpu.vector_store %arg8[%parallel_loop3A_565, %parallel_loop3A_566], %parallel_loop3A_569 {strides = array<i32>} : memref<200x64xf32, #tpu.memory_space<vmem>>, vector<1x16xf32>,
      %parallel_loop3A_570 = arith.index_cast %parallel_loop3A_541 : i32 to index
      %parallel_loop3A_571 = arith.constant 32 : index
      %parallel_loop3A_572 = tpu.vector_load %arg8[%parallel_loop3A_570, %parallel_loop3A_571] {strides = array<i32>} : memref<200x64xf32, #tpu.memory_space<vmem>>, vector<1x16xf32>,
      %parallel_loop3A_573 = vector.shape_cast %parallel_loop3A_572 : vector<1x16xf32> to vector<16xf32>
      %parallel_loop3A_574 = arith.index_cast %parallel_loop3A_541 : i32 to index
      %parallel_loop3A_575 = arith.constant 32 : index
      %parallel_loop3A_576 = tpu.vector_load %arg7[%parallel_loop3A_574, %parallel_loop3A_575] {strides = array<i32>} : memref<200x64xf32, #tpu.memory_space<vmem>>, vector<1x16xf32>,
      %parallel_loop3A_577 = vector.shape_cast %parallel_loop3A_576 : vector<1x16xf32> to vector<16xf32>
      %parallel_loop3A_578 = arith.addf %parallel_loop3A_573, %parallel_loop3A_577 : vector<16xf32>
      %parallel_loop3A_579 = arith.index_cast %parallel_loop3A_541 : i32 to index
      %parallel_loop3A_580 = arith.constant 32 : index
      %parallel_loop3A_581 = tpu.vector_load %arg8[%parallel_loop3A_579, %parallel_loop3A_580] {strides = array<i32>} : memref<200x64xf32, #tpu.memory_space<vmem>>, vector<1x16xf32>,
      %parallel_loop3A_582 = vector.shape_cast %parallel_loop3A_581 : vector<1x16xf32> to vector<16xf32>
      %parallel_loop3A_583 = vector.shape_cast %parallel_loop3A_578 : vector<16xf32> to vector<1x16xf32>
      tpu.vector_store %arg8[%parallel_loop3A_579, %parallel_loop3A_580], %parallel_loop3A_583 {strides = array<i32>} : memref<200x64xf32, #tpu.memory_space<vmem>>, vector<1x16xf32>,
      %parallel_loop3A_584 = arith.index_cast %parallel_loop3A_541 : i32 to index
      %parallel_loop3A_585 = arith.constant 48 : index
      %parallel_loop3A_586 = tpu.vector_load %arg8[%parallel_loop3A_584, %parallel_loop3A_585] {strides = array<i32>} : memref<200x64xf32, #tpu.memory_space<vmem>>, vector<1x16xf32>,
      %parallel_loop3A_587 = vector.shape_cast %parallel_loop3A_586 : vector<1x16xf32> to vector<16xf32>
      %parallel_loop3A_588 = arith.index_cast %parallel_loop3A_541 : i32 to index
      %parallel_loop3A_589 = arith.constant 48 : index
      %parallel_loop3A_590 = tpu.vector_load %arg7[%parallel_loop3A_588, %parallel_loop3A_589] {strides = array<i32>} : memref<200x64xf32, #tpu.memory_space<vmem>>, vector<1x16xf32>,
      %parallel_loop3A_591 = vector.shape_cast %parallel_loop3A_590 : vector<1x16xf32> to vector<16xf32>
      %parallel_loop3A_592 = arith.addf %parallel_loop3A_587, %parallel_loop3A_591 : vector<16xf32>
      %parallel_loop3A_593 = arith.index_cast %parallel_loop3A_541 : i32 to index
      %parallel_loop3A_594 = arith.constant 48 : index
      %parallel_loop3A_595 = tpu.vector_load %arg8[%parallel_loop3A_593, %parallel_loop3A_594] {strides = array<i32>} : memref<200x64xf32, #tpu.memory_space<vmem>>, vector<1x16xf32>,
      %parallel_loop3A_596 = vector.shape_cast %parallel_loop3A_595 : vector<1x16xf32> to vector<16xf32>
      %parallel_loop3A_597 = vector.shape_cast %parallel_loop3A_592 : vector<16xf32> to vector<1x16xf32>
      tpu.vector_store %arg8[%parallel_loop3A_593, %parallel_loop3A_594], %parallel_loop3A_597 {strides = array<i32>} : memref<200x64xf32, #tpu.memory_space<vmem>>, vector<1x16xf32>,
    } {sc.loop_unroll_factor = 8 : i64, sc.parallel_access}
    %add3A_386 = arith.constant 28 : i32
    %add3A_387 = arith.addi %mul3A_2, %add3A_386 : i32
    %dma_start3A_388 = arith.constant 0 : i32
    %dma_start3A_389 = arith.constant 0 : i32
    %dma_start3A_390 = tpu.memref_slice %arg5[%add3A_387, %dma_start3A_388, %dma_start3A_389] : memref<1024x200x64xf32, #tpu.memory_space<hbm>> -> memref<1x200x64xf32, #tpu.memory_space<hbm>>
    %dma_start3A_391 = tpu.memref_squeeze %dma_start3A_390 : memref<1x200x64xf32, #tpu.memory_space<hbm>> -> memref<200x64xf32, #tpu.memory_space<hbm>>
    %dma_start3A_392 = arith.constant 0 : i32
    %dma_start3A_393 = arith.constant 0 : i32
    %dma_start3A_394 = tpu.memref_slice %arg5[%add3A_387, %dma_start3A_392, %dma_start3A_393] : memref<1024x200x64xf32, #tpu.memory_space<hbm>> -> memref<1x200x64xf32, #tpu.memory_space<hbm>>
    %dma_start3A_395 = tpu.memref_squeeze %dma_start3A_394 : memref<1x200x64xf32, #tpu.memory_space<hbm>> -> memref<200x64xf32, #tpu.memory_space<hbm>>
    tpu.enqueue_dma source(%arg8 : memref<200x64xf32, #tpu.memory_space<vmem>>) target(%dma_start3A_395 : memref<200x64xf32, #tpu.memory_space<hbm>>) target_semaphore(%arg16 : memref<!tpu.dma_semaphore, #tpu.memory_space<semaphore_mem>>)
    %dma_wait3A_396 = arith.constant 29 : i32
    %dma_wait3A_397 = arith.constant 0 : i32
    %dma_wait3A_398 = arith.constant 0 : i32
    %dma_wait3A_399 = arith.constant 0 : i32
    %dma_wait3A_400 = tpu.memref_slice %arg9[%dma_wait3A_398, %dma_wait3A_399] : memref<200x64xf32, #tpu.memory_space<vmem>> -> memref<100x64xf32, #tpu.memory_space<vmem>>
    %dma_wait3A_401 = arith.constant 0 : i32
    %dma_wait3A_402 = tpu.memref_slice %arg6[%dma_wait3A_396, %dma_wait3A_397, %dma_wait3A_401] : memref<32x2x100xi32, #tpu.memory_space<vmem>> -> memref<1x1x100xi32, #tpu.memory_space<vmem>>
    %dma_wait3A_403 = tpu.memref_squeeze %dma_wait3A_402 : memref<1x1x100xi32, #tpu.memory_space<vmem>> -> memref<100xi32, #tpu.memory_space<vmem>>
    %dma_wait3A_404 = arith.constant 0 : i32
    %dma_wait3A_405 = arith.constant 0 : i32
    %dma_wait3A_406 = tpu.memref_slice %arg2[%dma_wait3A_404, %dma_wait3A_405] : memref<1000000x64xf32, #tpu.memory_space<hbm>> -> memref<1000000x64xf32, #tpu.memory_space<hbm>>
    tpu.wait_indirect_dma semaphore(%arg13 : memref<!tpu.dma_semaphore, #tpu.memory_space<semaphore_mem>>) src(%dma_wait3A_406 : memref<1000000x64xf32, #tpu.memory_space<hbm>>) dst(%dma_wait3A_400 : memref<100x64xf32, #tpu.memory_space<vmem>>)
    %dma_wait3A_407 = arith.constant 29 : i32
    %dma_wait3A_408 = arith.constant 1 : i32
    %dma_wait3A_409 = arith.constant 100 : i32
    %dma_wait3A_410 = arith.constant 0 : i32
    %dma_wait3A_411 = tpu.memref_slice %arg9[%dma_wait3A_409, %dma_wait3A_410] : memref<200x64xf32, #tpu.memory_space<vmem>> -> memref<100x64xf32, #tpu.memory_space<vmem>>
    %dma_wait3A_412 = arith.constant 0 : i32
    %dma_wait3A_413 = tpu.memref_slice %arg6[%dma_wait3A_407, %dma_wait3A_408, %dma_wait3A_412] : memref<32x2x100xi32, #tpu.memory_space<vmem>> -> memref<1x1x100xi32, #tpu.memory_space<vmem>>
    %dma_wait3A_414 = tpu.memref_squeeze %dma_wait3A_413 : memref<1x1x100xi32, #tpu.memory_space<vmem>> -> memref<100xi32, #tpu.memory_space<vmem>>
    %dma_wait3A_415 = arith.constant 0 : i32
    %dma_wait3A_416 = arith.constant 0 : i32
    %dma_wait3A_417 = tpu.memref_slice %arg2[%dma_wait3A_415, %dma_wait3A_416] : memref<1000000x64xf32, #tpu.memory_space<hbm>> -> memref<1000000x64xf32, #tpu.memory_space<hbm>>
    tpu.wait_indirect_dma semaphore(%arg13 : memref<!tpu.dma_semaphore, #tpu.memory_space<semaphore_mem>>) src(%dma_wait3A_417 : memref<1000000x64xf32, #tpu.memory_space<hbm>>) dst(%dma_wait3A_411 : memref<100x64xf32, #tpu.memory_space<vmem>>)
    %parallel_loop3A_418 = arith.constant 0 : i32
    %parallel_loop3A_419 = arith.constant 200 : i32
    %parallel_loop3A_420 = arith.constant 1 : i32
    scf.for %parallel_loop3A_541 = %parallel_loop3A_418 to %parallel_loop3A_419 step %parallel_loop3A_420  : i32 {
      %parallel_loop3A_542 = arith.index_cast %parallel_loop3A_541 : i32 to index
      %parallel_loop3A_543 = arith.constant 0 : index
      %parallel_loop3A_544 = tpu.vector_load %arg9[%parallel_loop3A_542, %parallel_loop3A_543] {strides = array<i32>} : memref<200x64xf32, #tpu.memory_space<vmem>>, vector<1x16xf32>,
      %parallel_loop3A_545 = vector.shape_cast %parallel_loop3A_544 : vector<1x16xf32> to vector<16xf32>
      %parallel_loop3A_546 = arith.index_cast %parallel_loop3A_541 : i32 to index
      %parallel_loop3A_547 = arith.constant 0 : index
      %parallel_loop3A_548 = tpu.vector_load %arg7[%parallel_loop3A_546, %parallel_loop3A_547] {strides = array<i32>} : memref<200x64xf32, #tpu.memory_space<vmem>>, vector<1x16xf32>,
      %parallel_loop3A_549 = vector.shape_cast %parallel_loop3A_548 : vector<1x16xf32> to vector<16xf32>
      %parallel_loop3A_550 = arith.addf %parallel_loop3A_545, %parallel_loop3A_549 : vector<16xf32>
      %parallel_loop3A_551 = arith.index_cast %parallel_loop3A_541 : i32 to index
      %parallel_loop3A_552 = arith.constant 0 : index
      %parallel_loop3A_553 = tpu.vector_load %arg9[%parallel_loop3A_551, %parallel_loop3A_552] {strides = array<i32>} : memref<200x64xf32, #tpu.memory_space<vmem>>, vector<1x16xf32>,
      %parallel_loop3A_554 = vector.shape_cast %parallel_loop3A_553 : vector<1x16xf32> to vector<16xf32>
      %parallel_loop3A_555 = vector.shape_cast %parallel_loop3A_550 : vector<16xf32> to vector<1x16xf32>
      tpu.vector_store %arg9[%parallel_loop3A_551, %parallel_loop3A_552], %parallel_loop3A_555 {strides = array<i32>} : memref<200x64xf32, #tpu.memory_space<vmem>>, vector<1x16xf32>,
      %parallel_loop3A_556 = arith.index_cast %parallel_loop3A_541 : i32 to index
      %parallel_loop3A_557 = arith.constant 16 : index
      %parallel_loop3A_558 = tpu.vector_load %arg9[%parallel_loop3A_556, %parallel_loop3A_557] {strides = array<i32>} : memref<200x64xf32, #tpu.memory_space<vmem>>, vector<1x16xf32>,
      %parallel_loop3A_559 = vector.shape_cast %parallel_loop3A_558 : vector<1x16xf32> to vector<16xf32>
      %parallel_loop3A_560 = arith.index_cast %parallel_loop3A_541 : i32 to index
      %parallel_loop3A_561 = arith.constant 16 : index
      %parallel_loop3A_562 = tpu.vector_load %arg7[%parallel_loop3A_560, %parallel_loop3A_561] {strides = array<i32>} : memref<200x64xf32, #tpu.memory_space<vmem>>, vector<1x16xf32>,
      %parallel_loop3A_563 = vector.shape_cast %parallel_loop3A_562 : vector<1x16xf32> to vector<16xf32>
      %parallel_loop3A_564 = arith.addf %parallel_loop3A_559, %parallel_loop3A_563 : vector<16xf32>
      %parallel_loop3A_565 = arith.index_cast %parallel_loop3A_541 : i32 to index
      %parallel_loop3A_566 = arith.constant 16 : index
      %parallel_loop3A_567 = tpu.vector_load %arg9[%parallel_loop3A_565, %parallel_loop3A_566] {strides = array<i32>} : memref<200x64xf32, #tpu.memory_space<vmem>>, vector<1x16xf32>,
      %parallel_loop3A_568 = vector.shape_cast %parallel_loop3A_567 : vector<1x16xf32> to vector<16xf32>
      %parallel_loop3A_569 = vector.shape_cast %parallel_loop3A_564 : vector<16xf32> to vector<1x16xf32>
      tpu.vector_store %arg9[%parallel_loop3A_565, %parallel_loop3A_566], %parallel_loop3A_569 {strides = array<i32>} : memref<200x64xf32, #tpu.memory_space<vmem>>, vector<1x16xf32>,
      %parallel_loop3A_570 = arith.index_cast %parallel_loop3A_541 : i32 to index
      %parallel_loop3A_571 = arith.constant 32 : index
      %parallel_loop3A_572 = tpu.vector_load %arg9[%parallel_loop3A_570, %parallel_loop3A_571] {strides = array<i32>} : memref<200x64xf32, #tpu.memory_space<vmem>>, vector<1x16xf32>,
      %parallel_loop3A_573 = vector.shape_cast %parallel_loop3A_572 : vector<1x16xf32> to vector<16xf32>
      %parallel_loop3A_574 = arith.index_cast %parallel_loop3A_541 : i32 to index
      %parallel_loop3A_575 = arith.constant 32 : index
      %parallel_loop3A_576 = tpu.vector_load %arg7[%parallel_loop3A_574, %parallel_loop3A_575] {strides = array<i32>} : memref<200x64xf32, #tpu.memory_space<vmem>>, vector<1x16xf32>,
      %parallel_loop3A_577 = vector.shape_cast %parallel_loop3A_576 : vector<1x16xf32> to vector<16xf32>
      %parallel_loop3A_578 = arith.addf %parallel_loop3A_573, %parallel_loop3A_577 : vector<16xf32>
      %parallel_loop3A_579 = arith.index_cast %parallel_loop3A_541 : i32 to index
      %parallel_loop3A_580 = arith.constant 32 : index
      %parallel_loop3A_581 = tpu.vector_load %arg9[%parallel_loop3A_579, %parallel_loop3A_580] {strides = array<i32>} : memref<200x64xf32, #tpu.memory_space<vmem>>, vector<1x16xf32>,
      %parallel_loop3A_582 = vector.shape_cast %parallel_loop3A_581 : vector<1x16xf32> to vector<16xf32>
      %parallel_loop3A_583 = vector.shape_cast %parallel_loop3A_578 : vector<16xf32> to vector<1x16xf32>
      tpu.vector_store %arg9[%parallel_loop3A_579, %parallel_loop3A_580], %parallel_loop3A_583 {strides = array<i32>} : memref<200x64xf32, #tpu.memory_space<vmem>>, vector<1x16xf32>,
      %parallel_loop3A_584 = arith.index_cast %parallel_loop3A_541 : i32 to index
      %parallel_loop3A_585 = arith.constant 48 : index
      %parallel_loop3A_586 = tpu.vector_load %arg9[%parallel_loop3A_584, %parallel_loop3A_585] {strides = array<i32>} : memref<200x64xf32, #tpu.memory_space<vmem>>, vector<1x16xf32>,
      %parallel_loop3A_587 = vector.shape_cast %parallel_loop3A_586 : vector<1x16xf32> to vector<16xf32>
      %parallel_loop3A_588 = arith.index_cast %parallel_loop3A_541 : i32 to index
      %parallel_loop3A_589 = arith.constant 48 : index
      %parallel_loop3A_590 = tpu.vector_load %arg7[%parallel_loop3A_588, %parallel_loop3A_589] {strides = array<i32>} : memref<200x64xf32, #tpu.memory_space<vmem>>, vector<1x16xf32>,
      %parallel_loop3A_591 = vector.shape_cast %parallel_loop3A_590 : vector<1x16xf32> to vector<16xf32>
      %parallel_loop3A_592 = arith.addf %parallel_loop3A_587, %parallel_loop3A_591 : vector<16xf32>
      %parallel_loop3A_593 = arith.index_cast %parallel_loop3A_541 : i32 to index
      %parallel_loop3A_594 = arith.constant 48 : index
      %parallel_loop3A_595 = tpu.vector_load %arg9[%parallel_loop3A_593, %parallel_loop3A_594] {strides = array<i32>} : memref<200x64xf32, #tpu.memory_space<vmem>>, vector<1x16xf32>,
      %parallel_loop3A_596 = vector.shape_cast %parallel_loop3A_595 : vector<1x16xf32> to vector<16xf32>
      %parallel_loop3A_597 = vector.shape_cast %parallel_loop3A_592 : vector<16xf32> to vector<1x16xf32>
      tpu.vector_store %arg9[%parallel_loop3A_593, %parallel_loop3A_594], %parallel_loop3A_597 {strides = array<i32>} : memref<200x64xf32, #tpu.memory_space<vmem>>, vector<1x16xf32>,
    } {sc.loop_unroll_factor = 8 : i64, sc.parallel_access}
    %add3A_421 = arith.constant 29 : i32
    %add3A_422 = arith.addi %mul3A_2, %add3A_421 : i32
    %dma_start3A_423 = arith.constant 0 : i32
    %dma_start3A_424 = arith.constant 0 : i32
    %dma_start3A_425 = tpu.memref_slice %arg5[%add3A_422, %dma_start3A_423, %dma_start3A_424] : memref<1024x200x64xf32, #tpu.memory_space<hbm>> -> memref<1x200x64xf32, #tpu.memory_space<hbm>>
    %dma_start3A_426 = tpu.memref_squeeze %dma_start3A_425 : memref<1x200x64xf32, #tpu.memory_space<hbm>> -> memref<200x64xf32, #tpu.memory_space<hbm>>
    %dma_start3A_427 = arith.constant 0 : i32
    %dma_start3A_428 = arith.constant 0 : i32
    %dma_start3A_429 = tpu.memref_slice %arg5[%add3A_422, %dma_start3A_427, %dma_start3A_428] : memref<1024x200x64xf32, #tpu.memory_space<hbm>> -> memref<1x200x64xf32, #tpu.memory_space<hbm>>
    %dma_start3A_430 = tpu.memref_squeeze %dma_start3A_429 : memref<1x200x64xf32, #tpu.memory_space<hbm>> -> memref<200x64xf32, #tpu.memory_space<hbm>>
    tpu.enqueue_dma source(%arg9 : memref<200x64xf32, #tpu.memory_space<vmem>>) target(%dma_start3A_430 : memref<200x64xf32, #tpu.memory_space<hbm>>) target_semaphore(%arg17 : memref<!tpu.dma_semaphore, #tpu.memory_space<semaphore_mem>>)
    %dma_wait3A_431 = arith.constant 30 : i32
    %dma_wait3A_432 = arith.constant 0 : i32
    %dma_wait3A_433 = arith.constant 0 : i32
    %dma_wait3A_434 = arith.constant 0 : i32
    %dma_wait3A_435 = tpu.memref_slice %arg10[%dma_wait3A_433, %dma_wait3A_434] : memref<200x64xf32, #tpu.memory_space<vmem>> -> memref<100x64xf32, #tpu.memory_space<vmem>>
    %dma_wait3A_436 = arith.constant 0 : i32
    %dma_wait3A_437 = tpu.memref_slice %arg6[%dma_wait3A_431, %dma_wait3A_432, %dma_wait3A_436] : memref<32x2x100xi32, #tpu.memory_space<vmem>> -> memref<1x1x100xi32, #tpu.memory_space<vmem>>
    %dma_wait3A_438 = tpu.memref_squeeze %dma_wait3A_437 : memref<1x1x100xi32, #tpu.memory_space<vmem>> -> memref<100xi32, #tpu.memory_space<vmem>>
    %dma_wait3A_439 = arith.constant 0 : i32
    %dma_wait3A_440 = arith.constant 0 : i32
    %dma_wait3A_441 = tpu.memref_slice %arg2[%dma_wait3A_439, %dma_wait3A_440] : memref<1000000x64xf32, #tpu.memory_space<hbm>> -> memref<1000000x64xf32, #tpu.memory_space<hbm>>
    tpu.wait_indirect_dma semaphore(%arg14 : memref<!tpu.dma_semaphore, #tpu.memory_space<semaphore_mem>>) src(%dma_wait3A_441 : memref<1000000x64xf32, #tpu.memory_space<hbm>>) dst(%dma_wait3A_435 : memref<100x64xf32, #tpu.memory_space<vmem>>)
    %dma_wait3A_442 = arith.constant 30 : i32
    %dma_wait3A_443 = arith.constant 1 : i32
    %dma_wait3A_444 = arith.constant 100 : i32
    %dma_wait3A_445 = arith.constant 0 : i32
    %dma_wait3A_446 = tpu.memref_slice %arg10[%dma_wait3A_444, %dma_wait3A_445] : memref<200x64xf32, #tpu.memory_space<vmem>> -> memref<100x64xf32, #tpu.memory_space<vmem>>
    %dma_wait3A_447 = arith.constant 0 : i32
    %dma_wait3A_448 = tpu.memref_slice %arg6[%dma_wait3A_442, %dma_wait3A_443, %dma_wait3A_447] : memref<32x2x100xi32, #tpu.memory_space<vmem>> -> memref<1x1x100xi32, #tpu.memory_space<vmem>>
    %dma_wait3A_449 = tpu.memref_squeeze %dma_wait3A_448 : memref<1x1x100xi32, #tpu.memory_space<vmem>> -> memref<100xi32, #tpu.memory_space<vmem>>
    %dma_wait3A_450 = arith.constant 0 : i32
    %dma_wait3A_451 = arith.constant 0 : i32
    %dma_wait3A_452 = tpu.memref_slice %arg2[%dma_wait3A_450, %dma_wait3A_451] : memref<1000000x64xf32, #tpu.memory_space<hbm>> -> memref<1000000x64xf32, #tpu.memory_space<hbm>>
    tpu.wait_indirect_dma semaphore(%arg14 : memref<!tpu.dma_semaphore, #tpu.memory_space<semaphore_mem>>) src(%dma_wait3A_452 : memref<1000000x64xf32, #tpu.memory_space<hbm>>) dst(%dma_wait3A_446 : memref<100x64xf32, #tpu.memory_space<vmem>>)
    %parallel_loop3A_453 = arith.constant 0 : i32
    %parallel_loop3A_454 = arith.constant 200 : i32
    %parallel_loop3A_455 = arith.constant 1 : i32
    scf.for %parallel_loop3A_541 = %parallel_loop3A_453 to %parallel_loop3A_454 step %parallel_loop3A_455  : i32 {
      %parallel_loop3A_542 = arith.index_cast %parallel_loop3A_541 : i32 to index
      %parallel_loop3A_543 = arith.constant 0 : index
      %parallel_loop3A_544 = tpu.vector_load %arg10[%parallel_loop3A_542, %parallel_loop3A_543] {strides = array<i32>} : memref<200x64xf32, #tpu.memory_space<vmem>>, vector<1x16xf32>,
      %parallel_loop3A_545 = vector.shape_cast %parallel_loop3A_544 : vector<1x16xf32> to vector<16xf32>
      %parallel_loop3A_546 = arith.index_cast %parallel_loop3A_541 : i32 to index
      %parallel_loop3A_547 = arith.constant 0 : index
      %parallel_loop3A_548 = tpu.vector_load %arg7[%parallel_loop3A_546, %parallel_loop3A_547] {strides = array<i32>} : memref<200x64xf32, #tpu.memory_space<vmem>>, vector<1x16xf32>,
      %parallel_loop3A_549 = vector.shape_cast %parallel_loop3A_548 : vector<1x16xf32> to vector<16xf32>
      %parallel_loop3A_550 = arith.addf %parallel_loop3A_545, %parallel_loop3A_549 : vector<16xf32>
      %parallel_loop3A_551 = arith.index_cast %parallel_loop3A_541 : i32 to index
      %parallel_loop3A_552 = arith.constant 0 : index
      %parallel_loop3A_553 = tpu.vector_load %arg10[%parallel_loop3A_551, %parallel_loop3A_552] {strides = array<i32>} : memref<200x64xf32, #tpu.memory_space<vmem>>, vector<1x16xf32>,
      %parallel_loop3A_554 = vector.shape_cast %parallel_loop3A_553 : vector<1x16xf32> to vector<16xf32>
      %parallel_loop3A_555 = vector.shape_cast %parallel_loop3A_550 : vector<16xf32> to vector<1x16xf32>
      tpu.vector_store %arg10[%parallel_loop3A_551, %parallel_loop3A_552], %parallel_loop3A_555 {strides = array<i32>} : memref<200x64xf32, #tpu.memory_space<vmem>>, vector<1x16xf32>,
      %parallel_loop3A_556 = arith.index_cast %parallel_loop3A_541 : i32 to index
      %parallel_loop3A_557 = arith.constant 16 : index
      %parallel_loop3A_558 = tpu.vector_load %arg10[%parallel_loop3A_556, %parallel_loop3A_557] {strides = array<i32>} : memref<200x64xf32, #tpu.memory_space<vmem>>, vector<1x16xf32>,
      %parallel_loop3A_559 = vector.shape_cast %parallel_loop3A_558 : vector<1x16xf32> to vector<16xf32>
      %parallel_loop3A_560 = arith.index_cast %parallel_loop3A_541 : i32 to index
      %parallel_loop3A_561 = arith.constant 16 : index
      %parallel_loop3A_562 = tpu.vector_load %arg7[%parallel_loop3A_560, %parallel_loop3A_561] {strides = array<i32>} : memref<200x64xf32, #tpu.memory_space<vmem>>, vector<1x16xf32>,
      %parallel_loop3A_563 = vector.shape_cast %parallel_loop3A_562 : vector<1x16xf32> to vector<16xf32>
      %parallel_loop3A_564 = arith.addf %parallel_loop3A_559, %parallel_loop3A_563 : vector<16xf32>
      %parallel_loop3A_565 = arith.index_cast %parallel_loop3A_541 : i32 to index
      %parallel_loop3A_566 = arith.constant 16 : index
      %parallel_loop3A_567 = tpu.vector_load %arg10[%parallel_loop3A_565, %parallel_loop3A_566] {strides = array<i32>} : memref<200x64xf32, #tpu.memory_space<vmem>>, vector<1x16xf32>,
      %parallel_loop3A_568 = vector.shape_cast %parallel_loop3A_567 : vector<1x16xf32> to vector<16xf32>
      %parallel_loop3A_569 = vector.shape_cast %parallel_loop3A_564 : vector<16xf32> to vector<1x16xf32>
      tpu.vector_store %arg10[%parallel_loop3A_565, %parallel_loop3A_566], %parallel_loop3A_569 {strides = array<i32>} : memref<200x64xf32, #tpu.memory_space<vmem>>, vector<1x16xf32>,
      %parallel_loop3A_570 = arith.index_cast %parallel_loop3A_541 : i32 to index
      %parallel_loop3A_571 = arith.constant 32 : index
      %parallel_loop3A_572 = tpu.vector_load %arg10[%parallel_loop3A_570, %parallel_loop3A_571] {strides = array<i32>} : memref<200x64xf32, #tpu.memory_space<vmem>>, vector<1x16xf32>,
      %parallel_loop3A_573 = vector.shape_cast %parallel_loop3A_572 : vector<1x16xf32> to vector<16xf32>
      %parallel_loop3A_574 = arith.index_cast %parallel_loop3A_541 : i32 to index
      %parallel_loop3A_575 = arith.constant 32 : index
      %parallel_loop3A_576 = tpu.vector_load %arg7[%parallel_loop3A_574, %parallel_loop3A_575] {strides = array<i32>} : memref<200x64xf32, #tpu.memory_space<vmem>>, vector<1x16xf32>,
      %parallel_loop3A_577 = vector.shape_cast %parallel_loop3A_576 : vector<1x16xf32> to vector<16xf32>
      %parallel_loop3A_578 = arith.addf %parallel_loop3A_573, %parallel_loop3A_577 : vector<16xf32>
      %parallel_loop3A_579 = arith.index_cast %parallel_loop3A_541 : i32 to index
      %parallel_loop3A_580 = arith.constant 32 : index
      %parallel_loop3A_581 = tpu.vector_load %arg10[%parallel_loop3A_579, %parallel_loop3A_580] {strides = array<i32>} : memref<200x64xf32, #tpu.memory_space<vmem>>, vector<1x16xf32>,
      %parallel_loop3A_582 = vector.shape_cast %parallel_loop3A_581 : vector<1x16xf32> to vector<16xf32>
      %parallel_loop3A_583 = vector.shape_cast %parallel_loop3A_578 : vector<16xf32> to vector<1x16xf32>
      tpu.vector_store %arg10[%parallel_loop3A_579, %parallel_loop3A_580], %parallel_loop3A_583 {strides = array<i32>} : memref<200x64xf32, #tpu.memory_space<vmem>>, vector<1x16xf32>,
      %parallel_loop3A_584 = arith.index_cast %parallel_loop3A_541 : i32 to index
      %parallel_loop3A_585 = arith.constant 48 : index
      %parallel_loop3A_586 = tpu.vector_load %arg10[%parallel_loop3A_584, %parallel_loop3A_585] {strides = array<i32>} : memref<200x64xf32, #tpu.memory_space<vmem>>, vector<1x16xf32>,
      %parallel_loop3A_587 = vector.shape_cast %parallel_loop3A_586 : vector<1x16xf32> to vector<16xf32>
      %parallel_loop3A_588 = arith.index_cast %parallel_loop3A_541 : i32 to index
      %parallel_loop3A_589 = arith.constant 48 : index
      %parallel_loop3A_590 = tpu.vector_load %arg7[%parallel_loop3A_588, %parallel_loop3A_589] {strides = array<i32>} : memref<200x64xf32, #tpu.memory_space<vmem>>, vector<1x16xf32>,
      %parallel_loop3A_591 = vector.shape_cast %parallel_loop3A_590 : vector<1x16xf32> to vector<16xf32>
      %parallel_loop3A_592 = arith.addf %parallel_loop3A_587, %parallel_loop3A_591 : vector<16xf32>
      %parallel_loop3A_593 = arith.index_cast %parallel_loop3A_541 : i32 to index
      %parallel_loop3A_594 = arith.constant 48 : index
      %parallel_loop3A_595 = tpu.vector_load %arg10[%parallel_loop3A_593, %parallel_loop3A_594] {strides = array<i32>} : memref<200x64xf32, #tpu.memory_space<vmem>>, vector<1x16xf32>,
      %parallel_loop3A_596 = vector.shape_cast %parallel_loop3A_595 : vector<1x16xf32> to vector<16xf32>
      %parallel_loop3A_597 = vector.shape_cast %parallel_loop3A_592 : vector<16xf32> to vector<1x16xf32>
      tpu.vector_store %arg10[%parallel_loop3A_593, %parallel_loop3A_594], %parallel_loop3A_597 {strides = array<i32>} : memref<200x64xf32, #tpu.memory_space<vmem>>, vector<1x16xf32>,
    } {sc.loop_unroll_factor = 8 : i64, sc.parallel_access}
    %add3A_456 = arith.constant 30 : i32
    %add3A_457 = arith.addi %mul3A_2, %add3A_456 : i32
    %dma_start3A_458 = arith.constant 0 : i32
    %dma_start3A_459 = arith.constant 0 : i32
    %dma_start3A_460 = tpu.memref_slice %arg5[%add3A_457, %dma_start3A_458, %dma_start3A_459] : memref<1024x200x64xf32, #tpu.memory_space<hbm>> -> memref<1x200x64xf32, #tpu.memory_space<hbm>>
    %dma_start3A_461 = tpu.memref_squeeze %dma_start3A_460 : memref<1x200x64xf32, #tpu.memory_space<hbm>> -> memref<200x64xf32, #tpu.memory_space<hbm>>
    %dma_start3A_462 = arith.constant 0 : i32
    %dma_start3A_463 = arith.constant 0 : i32
    %dma_start3A_464 = tpu.memref_slice %arg5[%add3A_457, %dma_start3A_462, %dma_start3A_463] : memref<1024x200x64xf32, #tpu.memory_space<hbm>> -> memref<1x200x64xf32, #tpu.memory_space<hbm>>
    %dma_start3A_465 = tpu.memref_squeeze %dma_start3A_464 : memref<1x200x64xf32, #tpu.memory_space<hbm>> -> memref<200x64xf32, #tpu.memory_space<hbm>>
    tpu.enqueue_dma source(%arg10 : memref<200x64xf32, #tpu.memory_space<vmem>>) target(%dma_start3A_465 : memref<200x64xf32, #tpu.memory_space<hbm>>) target_semaphore(%arg18 : memref<!tpu.dma_semaphore, #tpu.memory_space<semaphore_mem>>)
    %dma_wait3A_466 = arith.constant 31 : i32
    %dma_wait3A_467 = arith.constant 0 : i32
    %dma_wait3A_468 = arith.constant 0 : i32
    %dma_wait3A_469 = arith.constant 0 : i32
    %dma_wait3A_470 = tpu.memref_slice %arg11[%dma_wait3A_468, %dma_wait3A_469] : memref<200x64xf32, #tpu.memory_space<vmem>> -> memref<100x64xf32, #tpu.memory_space<vmem>>
    %dma_wait3A_471 = arith.constant 0 : i32
    %dma_wait3A_472 = tpu.memref_slice %arg6[%dma_wait3A_466, %dma_wait3A_467, %dma_wait3A_471] : memref<32x2x100xi32, #tpu.memory_space<vmem>> -> memref<1x1x100xi32, #tpu.memory_space<vmem>>
    %dma_wait3A_473 = tpu.memref_squeeze %dma_wait3A_472 : memref<1x1x100xi32, #tpu.memory_space<vmem>> -> memref<100xi32, #tpu.memory_space<vmem>>
    %dma_wait3A_474 = arith.constant 0 : i32
    %dma_wait3A_475 = arith.constant 0 : i32
    %dma_wait3A_476 = tpu.memref_slice %arg2[%dma_wait3A_474, %dma_wait3A_475] : memref<1000000x64xf32, #tpu.memory_space<hbm>> -> memref<1000000x64xf32, #tpu.memory_space<hbm>>
    tpu.wait_indirect_dma semaphore(%arg15 : memref<!tpu.dma_semaphore, #tpu.memory_space<semaphore_mem>>) src(%dma_wait3A_476 : memref<1000000x64xf32, #tpu.memory_space<hbm>>) dst(%dma_wait3A_470 : memref<100x64xf32, #tpu.memory_space<vmem>>)
    %dma_wait3A_477 = arith.constant 31 : i32
    %dma_wait3A_478 = arith.constant 1 : i32
    %dma_wait3A_479 = arith.constant 100 : i32
    %dma_wait3A_480 = arith.constant 0 : i32
    %dma_wait3A_481 = tpu.memref_slice %arg11[%dma_wait3A_479, %dma_wait3A_480] : memref<200x64xf32, #tpu.memory_space<vmem>> -> memref<100x64xf32, #tpu.memory_space<vmem>>
    %dma_wait3A_482 = arith.constant 0 : i32
    %dma_wait3A_483 = tpu.memref_slice %arg6[%dma_wait3A_477, %dma_wait3A_478, %dma_wait3A_482] : memref<32x2x100xi32, #tpu.memory_space<vmem>> -> memref<1x1x100xi32, #tpu.memory_space<vmem>>
    %dma_wait3A_484 = tpu.memref_squeeze %dma_wait3A_483 : memref<1x1x100xi32, #tpu.memory_space<vmem>> -> memref<100xi32, #tpu.memory_space<vmem>>
    %dma_wait3A_485 = arith.constant 0 : i32
    %dma_wait3A_486 = arith.constant 0 : i32
    %dma_wait3A_487 = tpu.memref_slice %arg2[%dma_wait3A_485, %dma_wait3A_486] : memref<1000000x64xf32, #tpu.memory_space<hbm>> -> memref<1000000x64xf32, #tpu.memory_space<hbm>>
    tpu.wait_indirect_dma semaphore(%arg15 : memref<!tpu.dma_semaphore, #tpu.memory_space<semaphore_mem>>) src(%dma_wait3A_487 : memref<1000000x64xf32, #tpu.memory_space<hbm>>) dst(%dma_wait3A_481 : memref<100x64xf32, #tpu.memory_space<vmem>>)
    %parallel_loop3A_488 = arith.constant 0 : i32
    %parallel_loop3A_489 = arith.constant 200 : i32
    %parallel_loop3A_490 = arith.constant 1 : i32
    scf.for %parallel_loop3A_541 = %parallel_loop3A_488 to %parallel_loop3A_489 step %parallel_loop3A_490  : i32 {
      %parallel_loop3A_542 = arith.index_cast %parallel_loop3A_541 : i32 to index
      %parallel_loop3A_543 = arith.constant 0 : index
      %parallel_loop3A_544 = tpu.vector_load %arg11[%parallel_loop3A_542, %parallel_loop3A_543] {strides = array<i32>} : memref<200x64xf32, #tpu.memory_space<vmem>>, vector<1x16xf32>,
      %parallel_loop3A_545 = vector.shape_cast %parallel_loop3A_544 : vector<1x16xf32> to vector<16xf32>
      %parallel_loop3A_546 = arith.index_cast %parallel_loop3A_541 : i32 to index
      %parallel_loop3A_547 = arith.constant 0 : index
      %parallel_loop3A_548 = tpu.vector_load %arg7[%parallel_loop3A_546, %parallel_loop3A_547] {strides = array<i32>} : memref<200x64xf32, #tpu.memory_space<vmem>>, vector<1x16xf32>,
      %parallel_loop3A_549 = vector.shape_cast %parallel_loop3A_548 : vector<1x16xf32> to vector<16xf32>
      %parallel_loop3A_550 = arith.addf %parallel_loop3A_545, %parallel_loop3A_549 : vector<16xf32>
      %parallel_loop3A_551 = arith.index_cast %parallel_loop3A_541 : i32 to index
      %parallel_loop3A_552 = arith.constant 0 : index
      %parallel_loop3A_553 = tpu.vector_load %arg11[%parallel_loop3A_551, %parallel_loop3A_552] {strides = array<i32>} : memref<200x64xf32, #tpu.memory_space<vmem>>, vector<1x16xf32>,
      %parallel_loop3A_554 = vector.shape_cast %parallel_loop3A_553 : vector<1x16xf32> to vector<16xf32>
      %parallel_loop3A_555 = vector.shape_cast %parallel_loop3A_550 : vector<16xf32> to vector<1x16xf32>
      tpu.vector_store %arg11[%parallel_loop3A_551, %parallel_loop3A_552], %parallel_loop3A_555 {strides = array<i32>} : memref<200x64xf32, #tpu.memory_space<vmem>>, vector<1x16xf32>,
      %parallel_loop3A_556 = arith.index_cast %parallel_loop3A_541 : i32 to index
      %parallel_loop3A_557 = arith.constant 16 : index
      %parallel_loop3A_558 = tpu.vector_load %arg11[%parallel_loop3A_556, %parallel_loop3A_557] {strides = array<i32>} : memref<200x64xf32, #tpu.memory_space<vmem>>, vector<1x16xf32>,
      %parallel_loop3A_559 = vector.shape_cast %parallel_loop3A_558 : vector<1x16xf32> to vector<16xf32>
      %parallel_loop3A_560 = arith.index_cast %parallel_loop3A_541 : i32 to index
      %parallel_loop3A_561 = arith.constant 16 : index
      %parallel_loop3A_562 = tpu.vector_load %arg7[%parallel_loop3A_560, %parallel_loop3A_561] {strides = array<i32>} : memref<200x64xf32, #tpu.memory_space<vmem>>, vector<1x16xf32>,
      %parallel_loop3A_563 = vector.shape_cast %parallel_loop3A_562 : vector<1x16xf32> to vector<16xf32>
      %parallel_loop3A_564 = arith.addf %parallel_loop3A_559, %parallel_loop3A_563 : vector<16xf32>
      %parallel_loop3A_565 = arith.index_cast %parallel_loop3A_541 : i32 to index
      %parallel_loop3A_566 = arith.constant 16 : index
      %parallel_loop3A_567 = tpu.vector_load %arg11[%parallel_loop3A_565, %parallel_loop3A_566] {strides = array<i32>} : memref<200x64xf32, #tpu.memory_space<vmem>>, vector<1x16xf32>,
      %parallel_loop3A_568 = vector.shape_cast %parallel_loop3A_567 : vector<1x16xf32> to vector<16xf32>
      %parallel_loop3A_569 = vector.shape_cast %parallel_loop3A_564 : vector<16xf32> to vector<1x16xf32>
      tpu.vector_store %arg11[%parallel_loop3A_565, %parallel_loop3A_566], %parallel_loop3A_569 {strides = array<i32>} : memref<200x64xf32, #tpu.memory_space<vmem>>, vector<1x16xf32>,
      %parallel_loop3A_570 = arith.index_cast %parallel_loop3A_541 : i32 to index
      %parallel_loop3A_571 = arith.constant 32 : index
      %parallel_loop3A_572 = tpu.vector_load %arg11[%parallel_loop3A_570, %parallel_loop3A_571] {strides = array<i32>} : memref<200x64xf32, #tpu.memory_space<vmem>>, vector<1x16xf32>,
      %parallel_loop3A_573 = vector.shape_cast %parallel_loop3A_572 : vector<1x16xf32> to vector<16xf32>
      %parallel_loop3A_574 = arith.index_cast %parallel_loop3A_541 : i32 to index
      %parallel_loop3A_575 = arith.constant 32 : index
      %parallel_loop3A_576 = tpu.vector_load %arg7[%parallel_loop3A_574, %parallel_loop3A_575] {strides = array<i32>} : memref<200x64xf32, #tpu.memory_space<vmem>>, vector<1x16xf32>,
      %parallel_loop3A_577 = vector.shape_cast %parallel_loop3A_576 : vector<1x16xf32> to vector<16xf32>
      %parallel_loop3A_578 = arith.addf %parallel_loop3A_573, %parallel_loop3A_577 : vector<16xf32>
      %parallel_loop3A_579 = arith.index_cast %parallel_loop3A_541 : i32 to index
      %parallel_loop3A_580 = arith.constant 32 : index
      %parallel_loop3A_581 = tpu.vector_load %arg11[%parallel_loop3A_579, %parallel_loop3A_580] {strides = array<i32>} : memref<200x64xf32, #tpu.memory_space<vmem>>, vector<1x16xf32>,
      %parallel_loop3A_582 = vector.shape_cast %parallel_loop3A_581 : vector<1x16xf32> to vector<16xf32>
      %parallel_loop3A_583 = vector.shape_cast %parallel_loop3A_578 : vector<16xf32> to vector<1x16xf32>
      tpu.vector_store %arg11[%parallel_loop3A_579, %parallel_loop3A_580], %parallel_loop3A_583 {strides = array<i32>} : memref<200x64xf32, #tpu.memory_space<vmem>>, vector<1x16xf32>,
      %parallel_loop3A_584 = arith.index_cast %parallel_loop3A_541 : i32 to index
      %parallel_loop3A_585 = arith.constant 48 : index
      %parallel_loop3A_586 = tpu.vector_load %arg11[%parallel_loop3A_584, %parallel_loop3A_585] {strides = array<i32>} : memref<200x64xf32, #tpu.memory_space<vmem>>, vector<1x16xf32>,
      %parallel_loop3A_587 = vector.shape_cast %parallel_loop3A_586 : vector<1x16xf32> to vector<16xf32>
      %parallel_loop3A_588 = arith.index_cast %parallel_loop3A_541 : i32 to index
      %parallel_loop3A_589 = arith.constant 48 : index
      %parallel_loop3A_590 = tpu.vector_load %arg7[%parallel_loop3A_588, %parallel_loop3A_589] {strides = array<i32>} : memref<200x64xf32, #tpu.memory_space<vmem>>, vector<1x16xf32>,
      %parallel_loop3A_591 = vector.shape_cast %parallel_loop3A_590 : vector<1x16xf32> to vector<16xf32>
      %parallel_loop3A_592 = arith.addf %parallel_loop3A_587, %parallel_loop3A_591 : vector<16xf32>
      %parallel_loop3A_593 = arith.index_cast %parallel_loop3A_541 : i32 to index
      %parallel_loop3A_594 = arith.constant 48 : index
      %parallel_loop3A_595 = tpu.vector_load %arg11[%parallel_loop3A_593, %parallel_loop3A_594] {strides = array<i32>} : memref<200x64xf32, #tpu.memory_space<vmem>>, vector<1x16xf32>,
      %parallel_loop3A_596 = vector.shape_cast %parallel_loop3A_595 : vector<1x16xf32> to vector<16xf32>
      %parallel_loop3A_597 = vector.shape_cast %parallel_loop3A_592 : vector<16xf32> to vector<1x16xf32>
      tpu.vector_store %arg11[%parallel_loop3A_593, %parallel_loop3A_594], %parallel_loop3A_597 {strides = array<i32>} : memref<200x64xf32, #tpu.memory_space<vmem>>, vector<1x16xf32>,
    } {sc.loop_unroll_factor = 8 : i64, sc.parallel_access}
    %add3A_491 = arith.constant 31 : i32
    %add3A_492 = arith.addi %mul3A_2, %add3A_491 : i32
    %dma_start3A_493 = arith.constant 0 : i32
    %dma_start3A_494 = arith.constant 0 : i32
    %dma_start3A_495 = tpu.memref_slice %arg5[%add3A_492, %dma_start3A_493, %dma_start3A_494] : memref<1024x200x64xf32, #tpu.memory_space<hbm>> -> memref<1x200x64xf32, #tpu.memory_space<hbm>>
    %dma_start3A_496 = tpu.memref_squeeze %dma_start3A_495 : memref<1x200x64xf32, #tpu.memory_space<hbm>> -> memref<200x64xf32, #tpu.memory_space<hbm>>
    %dma_start3A_497 = arith.constant 0 : i32
    %dma_start3A_498 = arith.constant 0 : i32
    %dma_start3A_499 = tpu.memref_slice %arg5[%add3A_492, %dma_start3A_497, %dma_start3A_498] : memref<1024x200x64xf32, #tpu.memory_space<hbm>> -> memref<1x200x64xf32, #tpu.memory_space<hbm>>
    %dma_start3A_500 = tpu.memref_squeeze %dma_start3A_499 : memref<1x200x64xf32, #tpu.memory_space<hbm>> -> memref<200x64xf32, #tpu.memory_space<hbm>>
    tpu.enqueue_dma source(%arg11 : memref<200x64xf32, #tpu.memory_space<vmem>>) target(%dma_start3A_500 : memref<200x64xf32, #tpu.memory_space<hbm>>) target_semaphore(%arg19 : memref<!tpu.dma_semaphore, #tpu.memory_space<semaphore_mem>>)
    %add3A_501 = arith.constant 28 : i32
    %add3A_502 = arith.addi %mul3A_2, %add3A_501 : i32
    %dma_wait3A_503 = arith.constant 0 : i32
    %dma_wait3A_504 = arith.constant 0 : i32
    %dma_wait3A_505 = tpu.memref_slice %arg5[%add3A_502, %dma_wait3A_503, %dma_wait3A_504] : memref<1024x200x64xf32, #tpu.memory_space<hbm>> -> memref<1x200x64xf32, #tpu.memory_space<hbm>>
    %dma_wait3A_506 = tpu.memref_squeeze %dma_wait3A_505 : memref<1x200x64xf32, #tpu.memory_space<hbm>> -> memref<200x64xf32, #tpu.memory_space<hbm>>
    %dma_wait3A_507 = arith.constant 0 : i32
    %dma_wait3A_508 = arith.constant 0 : i32
    %dma_wait3A_509 = tpu.memref_slice %arg5[%add3A_502, %dma_wait3A_507, %dma_wait3A_508] : memref<1024x200x64xf32, #tpu.memory_space<hbm>> -> memref<1x200x64xf32, #tpu.memory_space<hbm>>
    %dma_wait3A_510 = tpu.memref_squeeze %dma_wait3A_509 : memref<1x200x64xf32, #tpu.memory_space<hbm>> -> memref<200x64xf32, #tpu.memory_space<hbm>>
    tpu.wait_dma2 semaphore(%arg16 : memref<!tpu.dma_semaphore, #tpu.memory_space<semaphore_mem>>) src(%arg8 : memref<200x64xf32, #tpu.memory_space<vmem>>) dst(%dma_wait3A_510 : memref<200x64xf32, #tpu.memory_space<hbm>>)
    %add3A_511 = arith.constant 29 : i32
    %add3A_512 = arith.addi %mul3A_2, %add3A_511 : i32
    %dma_wait3A_513 = arith.constant 0 : i32
    %dma_wait3A_514 = arith.constant 0 : i32
    %dma_wait3A_515 = tpu.memref_slice %arg5[%add3A_512, %dma_wait3A_513, %dma_wait3A_514] : memref<1024x200x64xf32, #tpu.memory_space<hbm>> -> memref<1x200x64xf32, #tpu.memory_space<hbm>>
    %dma_wait3A_516 = tpu.memref_squeeze %dma_wait3A_515 : memref<1x200x64xf32, #tpu.memory_space<hbm>> -> memref<200x64xf32, #tpu.memory_space<hbm>>
    %dma_wait3A_517 = arith.constant 0 : i32
    %dma_wait3A_518 = arith.constant 0 : i32
    %dma_wait3A_519 = tpu.memref_slice %arg5[%add3A_512, %dma_wait3A_517, %dma_wait3A_518] : memref<1024x200x64xf32, #tpu.memory_space<hbm>> -> memref<1x200x64xf32, #tpu.memory_space<hbm>>
    %dma_wait3A_520 = tpu.memref_squeeze %dma_wait3A_519 : memref<1x200x64xf32, #tpu.memory_space<hbm>> -> memref<200x64xf32, #tpu.memory_space<hbm>>
    tpu.wait_dma2 semaphore(%arg17 : memref<!tpu.dma_semaphore, #tpu.memory_space<semaphore_mem>>) src(%arg9 : memref<200x64xf32, #tpu.memory_space<vmem>>) dst(%dma_wait3A_520 : memref<200x64xf32, #tpu.memory_space<hbm>>)
    %add3A_521 = arith.constant 30 : i32
    %add3A_522 = arith.addi %mul3A_2, %add3A_521 : i32
    %dma_wait3A_523 = arith.constant 0 : i32
    %dma_wait3A_524 = arith.constant 0 : i32
    %dma_wait3A_525 = tpu.memref_slice %arg5[%add3A_522, %dma_wait3A_523, %dma_wait3A_524] : memref<1024x200x64xf32, #tpu.memory_space<hbm>> -> memref<1x200x64xf32, #tpu.memory_space<hbm>>
    %dma_wait3A_526 = tpu.memref_squeeze %dma_wait3A_525 : memref<1x200x64xf32, #tpu.memory_space<hbm>> -> memref<200x64xf32, #tpu.memory_space<hbm>>
    %dma_wait3A_527 = arith.constant 0 : i32
    %dma_wait3A_528 = arith.constant 0 : i32
    %dma_wait3A_529 = tpu.memref_slice %arg5[%add3A_522, %dma_wait3A_527, %dma_wait3A_528] : memref<1024x200x64xf32, #tpu.memory_space<hbm>> -> memref<1x200x64xf32, #tpu.memory_space<hbm>>
    %dma_wait3A_530 = tpu.memref_squeeze %dma_wait3A_529 : memref<1x200x64xf32, #tpu.memory_space<hbm>> -> memref<200x64xf32, #tpu.memory_space<hbm>>
    tpu.wait_dma2 semaphore(%arg18 : memref<!tpu.dma_semaphore, #tpu.memory_space<semaphore_mem>>) src(%arg10 : memref<200x64xf32, #tpu.memory_space<vmem>>) dst(%dma_wait3A_530 : memref<200x64xf32, #tpu.memory_space<hbm>>)
    %add3A_531 = arith.constant 31 : i32
    %add3A_532 = arith.addi %mul3A_2, %add3A_531 : i32
    %dma_wait3A_533 = arith.constant 0 : i32
    %dma_wait3A_534 = arith.constant 0 : i32
    %dma_wait3A_535 = tpu.memref_slice %arg5[%add3A_532, %dma_wait3A_533, %dma_wait3A_534] : memref<1024x200x64xf32, #tpu.memory_space<hbm>> -> memref<1x200x64xf32, #tpu.memory_space<hbm>>
    %dma_wait3A_536 = tpu.memref_squeeze %dma_wait3A_535 : memref<1x200x64xf32, #tpu.memory_space<hbm>> -> memref<200x64xf32, #tpu.memory_space<hbm>>
    %dma_wait3A_537 = arith.constant 0 : i32
    %dma_wait3A_538 = arith.constant 0 : i32
    %dma_wait3A_539 = tpu.memref_slice %arg5[%add3A_532, %dma_wait3A_537, %dma_wait3A_538] : memref<1024x200x64xf32, #tpu.memory_space<hbm>> -> memref<1x200x64xf32, #tpu.memory_space<hbm>>
    %dma_wait3A_540 = tpu.memref_squeeze %dma_wait3A_539 : memref<1x200x64xf32, #tpu.memory_space<hbm>> -> memref<200x64xf32, #tpu.memory_space<hbm>>
    tpu.wait_dma2 semaphore(%arg19 : memref<!tpu.dma_semaphore, #tpu.memory_space<semaphore_mem>>) src(%arg11 : memref<200x64xf32, #tpu.memory_space<vmem>>) dst(%dma_wait3A_540 : memref<200x64xf32, #tpu.memory_space<hbm>>)
    return
  }
}

</mosaic_0001>

<sc_bundles>
// kernel: kernel.3.cloned.1.call-start
scs
__scs_entry_jumppad:
0x0: {  	(pc) =	sbr.rel $0x88, $3  }
0x1: {  	(tag) =	ssettag $0x0;
	lr =	simm.s32 $0x1  }
0x2: {  	[smem:$0x3F9F] =	sst lr;
	_ =	strace $0xD0000000  }
0x3: {  	_ = 	snop  }
0x4: {  	_ = 	snop  }
0x5: {  	_ = 	snop  }
0x6: {  	_ = 	snop  }
0x7: {  	_ = 	snop  }
__scs_overlays_trampoline_lowered:
0x8: {  	[smem:$0x3FAE] =	sst s0  }
0x9: {  	[smem:$0x3FAF] =	sst s1  }
0xa: {  	[smem:$0x3FB0] =	sst s2  }
0xb: {  	[smem:$0x3FB1] =	sst s3  }
0xc: {  	[smem:$0x3FB2] =	sst s4  }
0xd: {  	[smem:$0x3FB3] =	sst s5  }
0xe: {  	[smem:$0x3FB4] =	sst s6  }
0xf: {  	[smem:$0x3FB5] =	sst s7  }
0x10: {  	[smem:$0x3FB6] =	sst s8  }
0x11: {  	[smem:$0x3FB7] =	sst s9;
	s0 =	simm.s32 @!p0 $0x0  }
0x12: {  	s1 =	sld [smem:$0x3F9D];
	s0 =	simm.s32 @p0 $0x1  }
0x13: {  	[smem:$0x3FB8] =	sst s0;
	s0 =	simm.s32 @!p1 $0x0  }
0x14: {  	s2 =	sld [smem:$0x3F9C];
	s0 =	simm.s32 @p1 $0x1  }
0x15: {  	[smem:$0x3FB9] =	sst s0;
	s0 =	simm.s32 @!p2 $0x0  }
0x16: {  	s3 =	sld [smem:$0x3FDB];
	s0 =	simm.s32 @p2 $0x1  }
0x17: {  	s4 =	simm.s32 $0x1BF5;
	[smem:$0x3FBB] =	sst s0  }
0x18: {  	s0 =	sld [smem:$0x3F9E];
	_ =	swait.ge [sflag:s4], $0x0  }
0x19: {  	s7 =	sld [smem:$0x3F9F]  }
0x1a: {  	s8 =	sadd.s32 $0xFFFFE003, lr  }
0x1b: {  	s9 =	sadd.s32 $0xFFFFFEF7, lr;
	s5 =	simm.s32 $0xFFFFFFFF;
	p2 =	slt.u32 s8, $0xFFFFF086  }
0x1c: {  	p1 =	slt.u32 s9, $0xF7A;
	s5 =	simm.s32 @!p2 $0x0  }
0x1d: {  	s5 =	simm.s32 @p1 $0x1;
	p0 =	seq.s32 s7, s2  }
0x1e: {  	s7 =	smul.u32 @!p0 $0xF7A, s2;
	p2 =	seq.s32 @!p0 s5, $0x0  }
0x1f: {  	s9 =	smul.u32 $0xF7A, s1;
	s8 =	simm.s32 @!p0 $0x1BF5;
	p2 =	por !p2, p0  }
0x20: {  	[sflag:s8] =	ssyncset.s32 @!p0 $0xFFFFF086;
	s6 =	sadd.s32 @!p0 s3, s7;
	s7 =	simm.s32 @!p0 $0x108  }
0x21: {  	s3 =	sadd.s32 s3, s9;
	s6 =	sadd.s32 @!p0 $0x88, s6;
	s7 =	simm.s32 @p2 $0x1082  }
0x22: {  	[simem:s7], [sflag:s8] =	dma.local @!p0 [hbm:s6], $0xF7A  }
0x23: {  	s9 =	sor.u32 $0xD0000000, s2;
	s6 =	simm.s32 $0x108;
	_ =	swait.ge @!p0 [sflag:s8], $0x0  }
0x24: {  	s3 =	sadd.s32 $0x88, s3;
	s6 =	simm.s32 @!p1 $0x1082;
	[sflag:s4] =	ssyncset.s32 $0xFFFFF086  }
0x25: {  	[simem:s6], [sflag:s4] =	dma.local [hbm:s3], $0xF7A  }
0x26: {  	[smem:$0x3F9F] =	sst s1;
	(tag) =	ssettag s2;
	_ =	strace s9  }
0x27: {  	s1 =	sld [smem:$0x3FAF]  }
0x28: {  	s2 =	sld [smem:$0x3FB0]  }
0x29: {  	s4 =	sld [smem:$0x3FB2]  }
0x2a: {  	p0 =	seq.s32 s5, $0x0;
	s5 =	sld [smem:$0x3FB3]  }
0x2b: {  	s6 =	sld [smem:$0x3FB4]  }
0x2c: {  	s7 =	sld [smem:$0x3FB5]  }
0x2d: {  	s3 =	simm.s32 $0x108;
	s8 =	sld [smem:$0x3FB6]  }
0x2e: {  	s3 =	simm.s32 @!p0 $0x1082;
	s9 =	sld [smem:$0x3FB7]  }
0x2f: {  	lr =	sadd.s32 s0, s3;
	s0 =	sld [smem:$0x3FAE]  }
0x30: {  	s3 =	sld [smem:$0x3FB1]  }
0x31: {  	[smem:$0x3FBA] =	sst s10  }
0x32: {  	s10 =	sld [smem:$0x3FB8];
	_ =	sdelay $0x3  }
0x33: {  	p0 =	seq.s32 s10, $0x1;
	s10 =	sld [smem:$0x3FBA];
	_ =	sdelay $0x3  }
0x34: {  	[smem:$0x3FBA] =	sst s10  }
0x35: {  	s10 =	sld [smem:$0x3FB9];
	_ =	sdelay $0x3  }
0x36: {  	p1 =	seq.s32 s10, $0x1;
	s10 =	sld [smem:$0x3FBA];
	_ =	sdelay $0x3  }
0x37: {  	[smem:$0x3FBA] =	sst s10  }
0x38: {  	s10 =	sld [smem:$0x3FBB]  }
0x39: {  	_ = 	snop;
	(pc) =	sbr.ind lr, $3  }
0x3a: {  	_ = 	snop  }
0x3b: {  	_ = 	snop  }
0x3c: {  	p2 =	seq.s32 s10, $0x1;
	s10 =	sld [smem:$0x3FBA]  }
0x3d: {  	_ =	shalt  }
0x3e: {  	_ =	shalt  }
0x3f: {  	_ =	shalt  }
0x40: {  	_ =	shalt  }
0x41: {  	_ =	shalt  }
0x42: {  	_ =	shalt  }
0x43: {  	_ =	shalt  }
0x44: {  	_ =	shalt  }
0x45: {  	_ =	shalt  }
0x46: {  	_ =	shalt  }
0x47: {  	_ =	shalt  }
0x48: {  	_ =	shalt  }
0x49: {  	_ =	shalt  }
0x4a: {  	_ =	shalt  }
0x4b: {  	_ =	shalt  }
0x4c: {  	_ =	shalt  }
0x4d: {  	_ =	shalt  }
0x4e: {  	_ =	shalt  }
0x4f: {  	_ =	shalt  }
0x50: {  	_ =	shalt  }
0x51: {  	_ =	shalt  }
0x52: {  	_ =	shalt  }
0x53: {  	_ =	shalt  }
0x54: {  	_ =	shalt  }
0x55: {  	_ =	shalt  }
0x56: {  	_ =	shalt  }
0x57: {  	_ =	shalt  }
0x58: {  	_ =	shalt  }
0x59: {  	_ =	shalt  }
0x5a: {  	_ =	shalt  }
0x5b: {  	_ =	shalt  }
0x5c: {  	_ =	shalt  }
0x5d: {  	_ =	shalt  }
0x5e: {  	_ =	shalt  }
0x5f: {  	_ =	shalt  }
0x60: {  	_ =	shalt  }
0x61: {  	_ =	shalt  }
0x62: {  	_ =	shalt  }
0x63: {  	_ =	shalt  }
0x64: {  	_ =	shalt  }
0x65: {  	_ =	shalt  }
0x66: {  	_ =	shalt  }
0x67: {  	_ =	shalt  }
0x68: {  	_ =	shalt  }
0x69: {  	_ =	shalt  }
0x6a: {  	_ =	shalt  }
0x6b: {  	_ =	shalt  }
0x6c: {  	_ =	shalt  }
0x6d: {  	_ =	shalt  }
0x6e: {  	_ =	shalt  }
0x6f: {  	_ =	shalt  }
0x70: {  	_ =	shalt  }
0x71: {  	_ =	shalt  }
0x72: {  	_ =	shalt  }
0x73: {  	_ =	shalt  }
0x74: {  	_ =	shalt  }
0x75: {  	_ =	shalt  }
0x76: {  	_ =	shalt  }
0x77: {  	_ =	shalt  }
0x78: {  	_ =	shalt  }
0x79: {  	_ =	shalt  }
0x7a: {  	_ =	shalt  }
0x7b: {  	_ =	shalt  }
0x7c: {  	_ =	shalt  }
0x7d: {  	_ =	shalt  }
0x7e: {  	_ =	shalt  }
0x7f: {  	_ =	shalt  }
0x80: {  	_ =	shalt  }
0x81: {  	_ =	shalt  }
0x82: {  	_ =	shalt  }
0x83: {  	_ =	shalt  }
0x84: {  	_ =	shalt  }
0x85: {  	_ =	shalt  }
0x86: {  	_ =	shalt  }
0x87: {  	_ =	shalt  }
.Lfunc_end0:
.L_simem_size_0:
called_computation.1_lowered:
.L_overlay_start_0:
0x88: {  	s2 =	sld [smem:$0x3FD9]  }
0x89: {  	s3 =	sld [smem:$0x3FFE];
	_ =	sdelay $0x1  }
0x8a: {  	s1 =	srdreg.scid  }
0x8b: {  	s0 =	sand.u32 $0x1, s1  }
0x8c: {  	s17 =	sshll.u32 s0, $0xA;
	s2 =	sadd.s32 s3, s2  }
0x8d: {  	s2 =	sadd.s32 s2, s17  }
0x8e: {  	[smem:$0x3FC6] =	sst s2  }
0x8f: {  	_ = 	snop  }
0x90: {  	s2 =	sld [smem:$0x3FD0];
	(tm) =	ssettm $0x1  }
0x91: {  	s18 =	sld [smem:$0x3FFB];
	_ =	sdelay $0x3  }
0x92: {  	_ =	strace s18  }
0x93: {  	s3 =	sld [smem:$0x3FFC];
	_ =	sdelay $0x3  }
0x94: {  	_ =	strace s3  }
0x95: {  	s3 =	sld [smem:$0x3FFD];
	_ =	sdelay $0x3  }
0x96: {  	_ =	strace s3  }
0x97: {  	_ =	strace $0x8FFFFFFF  }
0x98: {  	s19 =	sld [smem:$0x3FDB];
	_ =	sdelay $0x1  }
0x99: {  	s4 =	simm.s32 $_scs_section_size  }
0x9a: {  	s5 =	simm.s32 $_size__tile_overlayer_lowered;
	s6 =	simm.s32 $_tile_overlayer_lowered  }
0x9b: {  	s22 =	simm.s32 $0x1BFF;
	s21 =	sshll.u32 s6, $0x1;
	s3 =	sadd.s32 s4, s19  }
0x9c: {  	s7 =	simm.s32 $0x0;
	s20 =	sshll.u32 s5, $0x1;
	s5 =	sadd.s32 s21, s3  }
0x9d: {  	[timem:s7], [sflag:s22] =	dma.local [hbm:s5], s20  }
0x9e: {  	_ =	swait.ge [sflag:s22], s20  }
0x9f: {  	s4 =	ssub.s32 $0x0, s20;
	[sflag:s22] =	ssyncset.done $0x0  }
0xa0: {  	[sflag:s22] =	ssyncadd.s32 s4;
	_ =	sdelay $0x1  }
0xa1: {  	s23 =	simm.s32 $0x1B8B  }
0xa2: {  	_ =	swait.ge [sflag:s23], $0x1  }
0xa3: {  	[sflag:s23] =	ssyncset.done $0x0  }
0xa4: {  	s25 =	simm.s32 $0x1B8E;
	s24 =	sld [smem:$0x3FFE];
	[sflag:s23] =	ssyncadd.s32 $0xFFFFFFFF  }
0xa5: {  	s26 =	simm.s32 $execute0_lowered;
	[smem:$0x3FD2] =	sst s25  }
0xa6: {  	s5 =	sshll.u32 s26, $0x1;
	_ =	strace $0x80000046;
	[dreg:$0x1] =	wrdreg $0xFFFFFFFF  }
0xa7: {  	s28 =	simm.s32 $_size_execute0_lowered;
	s3 =	sadd.s32 s3, s5;
	[dreg:$0x0] =	wrdreg $0x0  }
0xa8: {  	s5 =	sshll.u32 s28, $0x1;
	[dreg:$0x2] =	wrdreg s3  }
0xa9: {  	[dreg:$0x3] =	wrdreg s5  }
0xaa: {  	[dreg:$0x4] =	wrdreg $0xC0  }
0xab: {  	_ =	task [dreg:s7], $0x5FFFF  }
0xac: {  	[dreg:$0x1] =	wrdreg $0xFFFFFFFF  }
0xad: {  	[dreg:$0x0] =	wrdreg $0x60  }
0xae: {  	[dreg:$0x2] =	wrdreg s24  }
0xaf: {  	[dreg:$0x3] =	wrdreg s2  }
0xb0: {  	[dreg:$0x4] =	wrdreg $0x9  }
0xb1: {  	_ =	task.clear_ibuf [dreg:s7], $0x5FFFF;
	_ =	strace $0x90000046  }
0xb2: {  	s29 =	simm.s32 $0x9;
	_ =	strace $0x80000048  }
0xb3: {  	_ =	swait.ge [sflag:s29], $0x1  }
0xb4: {  	[sflag:s29] =	ssyncadd.s32 $0xFFFFFFFF  }
0xb5: {  	_ =	strace $0x90000048  }
0xb6: {  	_ =	sfence  }
0xb7: {  	s30 =	sld [smem:$0x0];
	_ =	sdelay $0x2  }
0xb8: {  	s31 =	sshll.u32 s1, $0xD;
	s1 =	sshrl.u32 s1, $0x2  }
0xb9: {  	s3 =	sand.u32 $0x4000, s31;
	s1 =	sadd.s32 s1, s30  }
0xba: {  	s0 =	sor.u32 s3, s0;
	s1 =	sshll.u32 s1, $0x11  }
0xbb: {  	s0 =	sor.u32 s1, s0  }
0xbc: {  	s0 =	sadd.s32 $0x8F2B, s0  }
0xbd: {  	[sflag:s0] =	ssyncadd.remote.s32 $0x1  }
0xbe: {  	_ =	sfence.sel $0xFFFF  }
0xbf: {  	[dreg:$0x0] =	wrdreg $0xFFFFFFFF;
	(pc) =	sbr.abs _section_cstart, $3  }
0xc0: {  	[dreg:$0x1] =	wrdreg $0xFFFFFFFF  }
0xc1: {  	_ =	task.clear_ibuf [dreg:s7], $0x2FFFF;
	_ =	strace $0x9FFFFFFF  }
0xc2: {  	(tm) =	ssettm $0x7FFFFFFF  }
0xc3: {  	_ =	shalt  }
tec
execute0_lowered:
.L_overlay_start_1:
0x0: {  	(tag) =	ssettag $0x1  }
0x1: {  	s0 =	srdreg.scid;
	s1 =	rddreg [dreg:$0x0]  }
0x2: {  	s3 =	stileid.u32;
	s2 =	rddreg [dreg:$0x1];
	s17 =	simm.s32 $0x9  }
0x3: {  	s29 =	simm.s32 $0xB000;
	s31 =	simm.s32 $0xC900;
	s0 =	sand.u32 $0x1, s0  }
0x4: {  	s18 =	simm.s32 $0x6;
	s4 =	sshll.u32 s3, $0x6;
	s5 =	sshll.u32 s0, $0x5  }
0x5: {  	s3 =	simm.s32 $0x0;
	s0 =	ssub.s32 $0x2, s0;
	s4 =	sor.u32 s5, s4  }
0x6: {  	[smem:$0x7FF] =	sst s3;
	s19 =	sshrl.u32 s0, $0x1;
	s6 =	smul.u32 $0x1A, s4  }
0x7: {  	_ =	strace $0x80000047;
	s7 =	smul.u32 $0x640, s4;
	s0 =	ssub.s32 s0, s19  }
0x8: {  	s5 =	sadd.s32 $0xF43000, s1;
	s8 =	smul.u32 $0x3200, s4;
	s0 =	smax.u32 s0, $0x1  }
0x9: {  	s6 =	sadd.s32 s6, s1;
	s1 =	sadd.s32 $0x7400, s1;
	[dreg:$0xd] =	wrdreg s0  }
0xa: {  	s28 =	simm.s32 $0x3;
	s7 =	sadd.s32 s2, s7;
	[dreg:$0x3] =	wrdreg s1  }
0xb: {  	s20 =	sshrl.u32 s8, $0x3;
	s6 =	sadd.s32 $0xC00, s6;
	[dreg:$0x4] =	wrdreg s7  }
0xc: {  	s21 =	sadd.s32 $0x640, s7;
	s1 =	sadd.s32 s2, s20;
	[dreg:$0x5] =	wrdreg s6  }
0xd: {  	s30 =	simm.s32 $0x7;
	[dreg:$0x6] =	wrdreg s21;
	s22 =	sadd.s32 $0xC80, s1  }
0xe: {  	s9 =	simm.s32 $0x0;
	s23 =	sadd.s32 $0x12C0, s1;
	[dreg:$0x7] =	wrdreg s22  }
0xf: {  	s19 =	simm.s32 $0x64;
	s24 =	sadd.s32 $0xAF00, s1;
	[dreg:$0x8] =	wrdreg s23  }
0x10: {  	s0 =	simm.s32 $0xE200;
	s25 =	sadd.s32 $0xB540, s1;
	[dreg:$0x9] =	wrdreg s24  }
0x11: {  	s8 =	simm.s32 $0x8;
	s26 =	sadd.s32 $0xBB80, s1;
	[dreg:$0xa] =	wrdreg s25  }
0x12: {  	s20 =	simm.s32 $0x4C00;
	s1 =	sadd.s32 $0xC1C0, s1;
	[dreg:$0xb] =	wrdreg s26  }
0x13: {  	s21 =	simm.s32 $0xFB00;
	s6 =	simm.s32 $0x4;
	[dreg:$0xc] =	wrdreg s1  }
0x14: {  	s22 =	simm.s32 $0x6500;
	s24 =	simm.s32 $0x7E00;
	s26 =	simm.s32 $0x9700  }
0x15: {  	s23 =	simm.s32 $0x1;
	s25 =	simm.s32 $0x5;
	s1 =	simm.s32 $0x2  }
.LBB2_1:
0x16: {  	s7 =	rddreg [dreg:$0x5]  }
0x17: {  	[tilespmem:s3], [sflag:$0x9] =	stream.linear.gather [hbm4b:s7+s3], $0x1A00, $0x38;
	[tilespmem:$0x11400] =	vst v63  }
0x18: {  	_ =	swait.ge [sflag:s17], $0x1A00  }
0x19: {  	[sflag:s17] =	ssyncset.done $0x0  }
0x1a: {  	s10 =	simm.s32 $0x1A00;
	s16 =	rddreg [dreg:$0x3];
	[sflag:s17] =	ssyncadd.s32 $0xFFFFE600  }
0x1b: {  	[tilespmem:s10], [sflag:$0x9] =	stream.linear.gather [hbm4b:s16+s3], $0x3200, $0x38;
	[tilespmem:$0x11400] =	vst v63  }
0x1c: {  	_ =	swait.ge [sflag:s17], $0x3200  }
0x1d: {  	[sflag:s17] =	ssyncset.done $0x0  }
0x1e: {  	[sflag:s17] =	ssyncadd.s32 $0xFFFFCE00  }
0x1f: {  	[tilespmem:s20], [sflag:$0x1] =	stream.indirect.gather [hbm4b:s5+s19], $0x40, s3, s19, $0xb8;
	[tilespmem:$0x11400] =	vst v63  }
0x20: {  	s10 =	simm.s32 $0x68  }
0x21: {  	[tilespmem:s22], [sflag:$0x1] =	stream.indirect.gather [hbm4b:s5+s19], $0x40, s10, s19, $0xb8;
	[tilespmem:$0x11400] =	vst v63  }
0x22: {  	s11 =	simm.s32 $0xD0  }
0x23: {  	[tilespmem:s24], [sflag:$0x2] =	stream.indirect.gather [hbm4b:s5+s19], $0x40, s11, s19, $0xb8;
	[tilespmem:$0x11400] =	vst v63  }
0x24: {  	s12 =	simm.s32 $0x138  }
0x25: {  	[tilespmem:s26], [sflag:$0x2] =	stream.indirect.gather [hbm4b:s5+s19], $0x40, s12, s19, $0xb8;
	[tilespmem:$0x11400] =	vst v63  }
0x26: {  	s13 =	simm.s32 $0x1A0  }
0x27: {  	[tilespmem:s29], [sflag:$0x3] =	stream.indirect.gather [hbm4b:s5+s19], $0x40, s13, s19, $0xb8;
	[tilespmem:$0x11400] =	vst v63  }
0x28: {  	s14 =	simm.s32 $0x208  }
0x29: {  	[tilespmem:s31], [sflag:$0x3] =	stream.indirect.gather [hbm4b:s5+s19], $0x40, s14, s19, $0xb8;
	[tilespmem:$0x11400] =	vst v63  }
0x2a: {  	s15 =	simm.s32 $0x270  }
0x2b: {  	[tilespmem:s0], [sflag:$0x4] =	stream.indirect.gather [hbm4b:s5+s19], $0x40, s15, s19, $0xb8;
	[tilespmem:$0x11400] =	vst v63  }
0x2c: {  	s16 =	simm.s32 $0x2D8  }
0x2d: {  	[tilespmem:s21], [sflag:$0x4] =	stream.indirect.gather [hbm4b:s5+s19], $0x40, s16, s19, $0xb8;
	[tilespmem:$0x11400] =	vst v63  }
0x2e: {  	_ =	swait.ge [sflag:s23], $0x1900  }
0x2f: {  	[sflag:s23] =	ssyncset.done $0x0  }
0x30: {  	[sflag:s23] =	ssyncadd.s32 $0xFFFFE700  }
0x31: {  	_ =	swait.ge [sflag:s23], $0x1900  }
0x32: {  	[sflag:s23] =	ssyncset.done $0x0  }
0x33: {  	s10 =	simm.s32 $0x4D00;
	[sflag:s23] =	ssyncadd.s32 $0xFFFFE700  }
0x34: {  	s11 =	simm.s32 $0x1B00;
	v0 =	vld [tilespmem:s10+$0xC0]  }
0x35: {  	v1 =	vld [tilespmem:s11+$0xC0]  }
0x36: {  	v2 =	vld [tilespmem:s11+$0xFFFFFF00]  }
0x37: {  	v3 =	vld [tilespmem:s10+$0xFFFFFF40]  }
0x38: {  	v4 =	vld [tilespmem:s10+$0xFFFFFF80]  }
0x39: {  	v6 =	vld [tilespmem:s11+$0xFFFFFF80]  }
0x3a: {  	v7 =	vld [tilespmem:s10+$0xFFFFFFC0]  }
0x3b: {  	v8 =	vld [tilespmem:s11+$0xFFFFFFC0]  }
0x3c: {  	v9 =	vld [tilespmem:s10+$0x0]  }
0x3d: {  	v10 =	vld [tilespmem:s11+$0x0]  }
0x3e: {  	v11 =	vld [tilespmem:s11+$0x40]  }
0x3f: {  	v60 =	vld [tilespmem:s10+$0xFFFFFFD0]  }
0x40: {  	v13 =	vld [tilespmem:s10+$0x10]  }
0x41: {  	v61 =	vld [tilespmem:s10+$0xFFFFFFE0]  }
0x42: {  	v62 =	vld [tilespmem:s10+$0x60];
	v0 =	vadd.f32 v1, v0  }
0x43: {  	v1 =	vld [tilespmem:s11+$0xFFFFFF40]  }
0x44: {  	[tilespmem:s10+$0xC0] =	vst v0;
	v0 =	vld [tilespmem:s10+$0xD0]  }
0x45: {  	v5 =	vld [tilespmem:s11+$0xD0]  }
0x46: {  	v63 =	vld [tilespmem:s10+$0xFFFFFF30];
	v4 =	vadd.f32 v6, v4  }
0x47: {  	v6 =	vld [tilespmem:s11+$0x80]  }
0x48: {  	[tilespmem:s10+$0xFFFFFF80] =	vst v4;
	v4 =	vadd.f32 v10, v9;
	v10 =	vld [tilespmem:s10+$0xFFFFFF50];
	v1 =	vadd.f32 v1, v3  }
0x49: {  	v3 =	vld [tilespmem:s10+$0x80]  }
0x4a: {  	[tilespmem:s10+$0xFFFFFF40] =	vst v1;
	v0 =	vadd.f32 v5, v0;
	v5 =	vld [tilespmem:s10+$0x40]  }
0x4b: {  	v1 =	vadd.f32 v8, v7;
	v8 =	vld [tilespmem:s11+$0xFFFFFF50]  }
0x4c: {  	[tilespmem:s10+$0xD0] =	vst v0;
	v0 =	vld [tilespmem:s10+$0xE0]  }
0x4d: {  	[tilespmem:s10+$0x0] =	vst v4;
	v12 =	vld [tilespmem:s11+$0xE0]  }
0x4e: {  	v9 =	vld [tilespmem:s11+$0x10]  }
0x4f: {  	v7 =	vld [tilespmem:s10+$0xFFFFFF00]  }
0x50: {  	[tilespmem:s10+$0xFFFFFFC0] =	vst v1;
	v1 =	vld [tilespmem:s11+$0xFFFFFF90]  }
0x51: {  	v4 =	vld [tilespmem:s11+$0xFFFFFFD0];
	v8 =	vadd.f32 v8, v10  }
0x52: {  	v5 =	vadd.f32 v11, v5;
	v11 =	vld [tilespmem:s10+$0xFFFFFF90];
	v0 =	vadd.f32 v12, v0  }
0x53: {  	v10 =	vld [tilespmem:s10+$0x90];
	[tilespmem:s10+$0xFFFFFF50] =	vst v8  }
0x54: {  	v8 =	vld [tilespmem:s11+$0xFFFFFF60];
	[tilespmem:s10+$0xE0] =	vst v0;
	v0 =	vadd.f32 v2, v7  }
0x55: {  	[tilespmem:s10+$0x40] =	vst v5;
	v7 =	vld [tilespmem:s10+$0xF0];
	v2 =	vadd.f32 v6, v3  }
0x56: {  	v5 =	vld [tilespmem:s11+$0xF0];
	[tilespmem:s10+$0xFFFFFF00] =	vst v0  }
0x57: {  	v1 =	vadd.f32 v1, v11;
	[tilespmem:s10+$0x80] =	vst v2;
	v2 =	vld [tilespmem:s10+$0xFFFFFF10]  }
0x58: {  	v3 =	vld [tilespmem:s11+$0xFFFFFF10]  }
0x59: {  	[tilespmem:s10+$0xFFFFFF90] =	vst v1;
	v1 =	vadd.f32 v9, v13;
	v6 =	vld [tilespmem:s11+$0x90]  }
0x5a: {  	v4 =	vadd.f32 v4, v60;
	v0 =	vld [tilespmem:s11+$0x50]  }
0x5b: {  	v9 =	vld [tilespmem:s11+$0xFFFFFFA0];
	[tilespmem:s10+$0x10] =	vst v1  }
0x5c: {  	[tilespmem:s10+$0xFFFFFFD0] =	vst v4;
	v4 =	vld [tilespmem:s11+$0x20]  }
0x5d: {  	v2 =	vadd.f32 v3, v2;
	v3 =	vld [tilespmem:s10+$0x50]  }
0x5e: {  	v1 =	vadd.f32 v6, v10;
	v10 =	vld [tilespmem:s10+$0xFFFFFFA0]  }
0x5f: {  	[tilespmem:s10+$0xFFFFFF10] =	vst v2;
	v2 =	vld [tilespmem:s10+$0xFFFFFF20]  }
0x60: {  	v11 =	vld [tilespmem:s11+$0xFFFFFF20]  }
0x61: {  	v5 =	vadd.f32 v5, v7;
	[tilespmem:s10+$0x90] =	vst v1;
	v1 =	vld [tilespmem:s10+$0xFFFFFF60]  }
0x62: {  	v7 =	vld [tilespmem:s10+$0x30]  }
0x63: {  	[tilespmem:s10+$0xF0] =	vst v5;
	v5 =	vld [tilespmem:s10+$0x70]  }
0x64: {  	v6 =	vld [tilespmem:s11+$0xA0]  }
0x65: {  	v0 =	vadd.f32 v0, v3;
	v3 =	vld [tilespmem:s11+$0xFFFFFFE0];
	v2 =	vadd.f32 v11, v2  }
0x66: {  	v1 =	vadd.f32 v8, v1;
	v8 =	vadd.f32 v9, v10;
	v9 =	vld [tilespmem:s10+$0xFFFFFFB0]  }
0x67: {  	[tilespmem:s10+$0xFFFFFF20] =	vst v2;
	v2 =	vld [tilespmem:s10+$0xA0]  }
0x68: {  	[tilespmem:s10+$0x50] =	vst v0;
	v11 =	vld [tilespmem:s10+$0x20]  }
0x69: {  	v0 =	vld [tilespmem:s11+$0x60];
	[tilespmem:s10+$0xFFFFFF60] =	vst v1  }
0x6a: {  	[tilespmem:s10+$0xFFFFFFA0] =	vst v8;
	v8 =	vld [tilespmem:s10+$0xFFFFFFF0]  }
0x6b: {  	v1 =	vadd.f32 v3, v61;
	v14 =	vld [tilespmem:s11+$0xFFFFFF70]  }
0x6c: {  	v10 =	vld [tilespmem:s11+$0xFFFFFF30];
	v6 =	vadd.f32 v6, v2  }
0x6d: {  	[tilespmem:s10+$0xFFFFFFE0] =	vst v1;
	v3 =	vadd.f32 v4, v11;
	v4 =	vld [tilespmem:s11+$0xFFFFFFB0]  }
0x6e: {  	v0 =	vadd.f32 v0, v62;
	[tilespmem:s10+$0xA0] =	vst v6;
	v6 =	vld [tilespmem:s10+$0xFFFFFF70]  }
0x6f: {  	v1 =	vld [tilespmem:s11+$0xFFFFFFF0];
	[tilespmem:s10+$0x20] =	vst v3  }
0x70: {  	[tilespmem:s10+$0x60] =	vst v0;
	v2 =	vld [tilespmem:s11+$0x30]  }
0x71: {  	v3 =	vld [tilespmem:s11+$0x70];
	v10 =	vadd.f32 v10, v63  }
0x72: {  	v0 =	vld [tilespmem:s11+$0xB0]  }
0x73: {  	s12 =	simm.s32 $0x0;
	s13 =	simm.s32 $0x4F00;
	[tilespmem:s10+$0xFFFFFF30] =	vst v10;
	v10 =	vadd.f32 v14, v6;
	v6 =	vld [tilespmem:s10+$0xB0]  }
.LBB2_2:
0x74: {  	v11 =	vld [tilespmem:s13+$0xC0];
	v4 =	vadd.f32 v4, v9;
	s11 =	sadd.s32 $0x200, s11  }
0x75: {  	s12 =	sadd.s32 $0x8, s12;
	v9 =	vld [tilespmem:s11+$0xC0];
	[tilespmem:s10+$0xFFFFFF70] =	vst v10;
	v1 =	vadd.f32 v1, v8  }
0x76: {  	p0 =	slt.u32 s12, $0xC0;
	v8 =	vld [tilespmem:s11+$0xFFFFFF00];
	[tilespmem:s10+$0xFFFFFFB0] =	vst v4;
	v2 =	vadd.f32 v2, v7  }
0x77: {  	v4 =	vld [tilespmem:s13+$0xFFFFFF40];
	[tilespmem:s10+$0xFFFFFFF0] =	vst v1;
	v1 =	vadd.f32 v3, v5  }
0x78: {  	v3 =	vld [tilespmem:s11+$0xFFFFFF40];
	[tilespmem:s10+$0x30] =	vst v2;
	v0 =	vadd.f32 v0, v6  }
0x79: {  	v2 =	vld [tilespmem:s13+$0xFFFFFF80];
	[tilespmem:s10+$0x70] =	vst v1  }
0x7a: {  	v1 =	vld [tilespmem:s11+$0xFFFFFF80];
	v5 =	vadd.f32 v9, v11;
	[tilespmem:s10+$0xB0] =	vst v0;
	s10 =	smov.u32 s13  }
0x7b: {  	v0 =	vld [tilespmem:s13+$0xFFFFFFC0]  }
0x7c: {  	[tilespmem:s13+$0xC0] =	vst v5;
	v5 =	vld [tilespmem:s13+$0xD0]  }
0x7d: {  	v3 =	vadd.f32 v3, v4;
	v4 =	vld [tilespmem:s11+$0xD0]  }
0x7e: {  	v6 =	vld [tilespmem:s11+$0xFFFFFFC0]  }
0x7f: {  	[tilespmem:s13+$0xFFFFFF40] =	vst v3;
	v1 =	vadd.f32 v1, v2;
	v2 =	vld [tilespmem:s13+$0x0]  }
0x80: {  	v3 =	vld [tilespmem:s11+$0x0]  }
0x81: {  	[tilespmem:s13+$0xFFFFFF80] =	vst v1;
	v1 =	vld [tilespmem:s13+$0x40]  }
0x82: {  	v7 =	vld [tilespmem:s11+$0x40];
	v4 =	vadd.f32 v4, v5  }
0x83: {  	v0 =	vadd.f32 v6, v0;
	v5 =	vld [tilespmem:s13+$0x80]  }
0x84: {  	[tilespmem:s13+$0xD0] =	vst v4;
	v4 =	vld [tilespmem:s13+$0xE0]  }
0x85: {  	[tilespmem:s13+$0xFFFFFFC0] =	vst v0;
	v0 =	vadd.f32 v3, v2;
	v2 =	vld [tilespmem:s11+$0xE0]  }
0x86: {  	v3 =	vld [tilespmem:s11+$0x80]  }
0x87: {  	v6 =	vld [tilespmem:s13+$0xFFFFFF00];
	[tilespmem:s13+$0x0] =	vst v0;
	v0 =	vadd.f32 v7, v1  }
0x88: {  	v1 =	vld [tilespmem:s11+$0xFFFFFF50]  }
0x89: {  	v7 =	vld [tilespmem:s11+$0xFFFFFF90];
	[tilespmem:s13+$0x40] =	vst v0  }
0x8a: {  	v0 =	vld [tilespmem:s11+$0xFFFFFFD0];
	v2 =	vadd.f32 v2, v4  }
0x8b: {  	v4 =	vld [tilespmem:s11+$0x10];
	v3 =	vadd.f32 v3, v5  }
0x8c: {  	v5 =	vadd.f32 v8, v6;
	[tilespmem:s13+$0xE0] =	vst v2;
	v2 =	vld [tilespmem:s13+$0xF0]  }
0x8d: {  	[tilespmem:s13+$0x80] =	vst v3;
	v3 =	vld [tilespmem:s11+$0xF0]  }
0x8e: {  	[tilespmem:s13+$0xFFFFFF00] =	vst v5;
	v5 =	vld [tilespmem:s11+$0x50]  }
0x8f: {  	v6 =	vld [tilespmem:s11+$0xFFFFFF10]  }
0x90: {  	v8 =	vld [tilespmem:s11+$0x90]  }
0x91: {  	v9 =	vld [tilespmem:s13+$0xFFFFFF10]  }
0x92: {  	v10 =	vld [tilespmem:s13+$0xFFFFFF50];
	v2 =	vadd.f32 v3, v2  }
0x93: {  	v3 =	vld [tilespmem:s13+$0xFFFFFF90]  }
0x94: {  	v11 =	vld [tilespmem:s13+$0xFFFFFFD0];
	[tilespmem:s13+$0xF0] =	vst v2  }
0x95: {  	v2 =	vld [tilespmem:s13+$0x10]  }
0x96: {  	v6 =	vadd.f32 v6, v9;
	v9 =	vld [tilespmem:s13+$0x50]  }
0x97: {  	v1 =	vadd.f32 v1, v10;
	v10 =	vld [tilespmem:s13+$0x90]  }
0x98: {  	[tilespmem:s13+$0xFFFFFF10] =	vst v6;
	v6 =	vld [tilespmem:s13+$0xFFFFFF20];
	v3 =	vadd.f32 v7, v3  }
0x99: {  	v7 =	vld [tilespmem:s11+$0xFFFFFF20];
	[tilespmem:s13+$0xFFFFFF50] =	vst v1;
	v0 =	vadd.f32 v0, v11  }
0x9a: {  	v1 =	vld [tilespmem:s11+$0xFFFFFF60];
	[tilespmem:s13+$0xFFFFFF90] =	vst v3;
	v2 =	vadd.f32 v4, v2  }
0x9b: {  	v3 =	vld [tilespmem:s11+$0xFFFFFFA0];
	[tilespmem:s13+$0xFFFFFFD0] =	vst v0;
	v0 =	vadd.f32 v5, v9  }
0x9c: {  	v4 =	vld [tilespmem:s11+$0xFFFFFFE0];
	[tilespmem:s13+$0x10] =	vst v2;
	v2 =	vadd.f32 v8, v10  }
0x9d: {  	v5 =	vld [tilespmem:s11+$0x20];
	[tilespmem:s13+$0x50] =	vst v0  }
0x9e: {  	v0 =	vadd.f32 v7, v6;
	v6 =	vld [tilespmem:s11+$0x60];
	[tilespmem:s13+$0x90] =	vst v2  }
0x9f: {  	v2 =	vld [tilespmem:s11+$0xA0]  }
0xa0: {  	[tilespmem:s13+$0xFFFFFF20] =	vst v0;
	v0 =	vld [tilespmem:s13+$0xFFFFFF60]  }
0xa1: {  	v7 =	vld [tilespmem:s13+$0xFFFFFFA0]  }
0xa2: {  	v8 =	vld [tilespmem:s13+$0xFFFFFFE0]  }
0xa3: {  	v9 =	vld [tilespmem:s13+$0x20]  }
0xa4: {  	v10 =	vld [tilespmem:s13+$0x60]  }
0xa5: {  	v0 =	vadd.f32 v1, v0;
	v11 =	vld [tilespmem:s13+$0xA0]  }
0xa6: {  	v12 =	vld [tilespmem:s11+$0xFFFFFF30];
	v1 =	vadd.f32 v3, v7  }
0xa7: {  	v3 =	vld [tilespmem:s13+$0xFFFFFF30];
	[tilespmem:s13+$0xFFFFFF60] =	vst v0;
	v0 =	vadd.f32 v4, v8  }
0xa8: {  	v13 =	vld [tilespmem:s11+$0xFFFFFF70];
	[tilespmem:s13+$0xFFFFFFA0] =	vst v1;
	v5 =	vadd.f32 v5, v9  }
0xa9: {  	v4 =	vld [tilespmem:s11+$0xFFFFFFB0];
	[tilespmem:s13+$0xFFFFFFE0] =	vst v0;
	v0 =	vadd.f32 v6, v10  }
0xaa: {  	v1 =	vld [tilespmem:s11+$0xFFFFFFF0];
	[tilespmem:s13+$0x20] =	vst v5;
	v5 =	vadd.f32 v2, v11  }
0xab: {  	v2 =	vld [tilespmem:s11+$0x30];
	[tilespmem:s13+$0x60] =	vst v0  }
0xac: {  	v6 =	vadd.f32 v12, v3;
	v3 =	vld [tilespmem:s11+$0x70];
	[tilespmem:s13+$0xA0] =	vst v5  }
0xad: {  	v0 =	vld [tilespmem:s11+$0xB0]  }
0xae: {  	[tilespmem:s13+$0xFFFFFF30] =	vst v6;
	v6 =	vld [tilespmem:s13+$0xFFFFFF70]  }
.Ltmp0:
0xaf: {  	v9 =	vld [tilespmem:s13+$0xFFFFFFB0];
	(pc) =	sbr.rel @p0 .LBB2_2-.Ltmp0, $4  }
0xb0: {  	v8 =	vld [tilespmem:s13+$0xFFFFFFF0]  }
0xb1: {  	v7 =	vld [tilespmem:s13+$0x30]  }
0xb2: {  	v5 =	vld [tilespmem:s13+$0x70]  }
0xb3: {  	s13 =	sadd.s32 $0x200, s13;
	v10 =	vadd.f32 v13, v6;
	v6 =	vld [tilespmem:s10+$0xB0]  }
0xb4: {  	v4 =	vadd.f32 v4, v9  }
0xb5: {  	[tilespmem:s10+$0xFFFFFF70] =	vst v10;
	v1 =	vadd.f32 v1, v8  }
0xb6: {  	[tilespmem:s10+$0xFFFFFFB0] =	vst v4;
	v2 =	vadd.f32 v2, v7  }
0xb7: {  	[tilespmem:s10+$0xFFFFFFF0] =	vst v1;
	v1 =	vadd.f32 v3, v5  }
0xb8: {  	[tilespmem:s10+$0x30] =	vst v2;
	v0 =	vadd.f32 v0, v6  }
0xb9: {  	[tilespmem:s10+$0x70] =	vst v1  }
0xba: {  	[tilespmem:s10+$0xB0] =	vst v0  }
0xbb: {  	s7 =	rddreg [dreg:$0x4]  }
0xbc: {  	[hbm4b:s7+s3] =	stream.linear.scatter [tilespmem:s20], [sflag:$0x5], $0x3200, $0x38;
	[tilespmem:$0x11400] =	vst v63  }
0xbd: {  	_ =	swait.ge [sflag:s25], $0x3200  }
0xbe: {  	[sflag:s25] =	ssyncset.done $0x0  }
0xbf: {  	s15 =	simm.s32 $0x340;
	[sflag:s25] =	ssyncadd.s32 $0xFFFFCE00  }
0xc0: {  	[tilespmem:s20], [sflag:$0x1] =	stream.indirect.gather [hbm4b:s5+s19], $0x40, s15, s19, $0xb8;
	[tilespmem:$0x11400] =	vst v63  }
0xc1: {  	s16 =	simm.s32 $0x3A8  }
0xc2: {  	[tilespmem:s22], [sflag:$0x1] =	stream.indirect.gather [hbm4b:s5+s19], $0x40, s16, s19, $0xb8;
	[tilespmem:$0x11400] =	vst v63  }
0xc3: {  	_ =	swait.ge [sflag:s1], $0x1900  }
0xc4: {  	[sflag:s1] =	ssyncset.done $0x0  }
0xc5: {  	[sflag:s1] =	ssyncadd.s32 $0xFFFFE700  }
0xc6: {  	_ =	swait.ge [sflag:s1], $0x1900  }
0xc7: {  	[sflag:s1] =	ssyncset.done $0x0  }
0xc8: {  	s10 =	simm.s32 $0x7F00;
	[sflag:s1] =	ssyncadd.s32 $0xFFFFE700  }
0xc9: {  	s11 =	simm.s32 $0x1B00;
	v0 =	vld [tilespmem:s10+$0xC0]  }
0xca: {  	v1 =	vld [tilespmem:s11+$0xC0]  }
0xcb: {  	v2 =	vld [tilespmem:s11+$0xFFFFFF00]  }
0xcc: {  	v3 =	vld [tilespmem:s10+$0xFFFFFF40]  }
0xcd: {  	v4 =	vld [tilespmem:s10+$0xFFFFFF80]  }
0xce: {  	v6 =	vld [tilespmem:s11+$0xFFFFFF80]  }
0xcf: {  	v7 =	vld [tilespmem:s10+$0xFFFFFFC0]  }
0xd0: {  	v8 =	vld [tilespmem:s11+$0xFFFFFFC0]  }
0xd1: {  	v9 =	vld [tilespmem:s10+$0x0]  }
0xd2: {  	v10 =	vld [tilespmem:s11+$0x0]  }
0xd3: {  	v11 =	vld [tilespmem:s11+$0x40]  }
0xd4: {  	v60 =	vld [tilespmem:s10+$0xFFFFFFD0]  }
0xd5: {  	v13 =	vld [tilespmem:s10+$0x10]  }
0xd6: {  	v61 =	vld [tilespmem:s10+$0xFFFFFFE0]  }
0xd7: {  	v62 =	vld [tilespmem:s10+$0x60];
	v0 =	vadd.f32 v1, v0  }
0xd8: {  	v1 =	vld [tilespmem:s11+$0xFFFFFF40]  }
0xd9: {  	[tilespmem:s10+$0xC0] =	vst v0;
	v0 =	vld [tilespmem:s10+$0xD0]  }
0xda: {  	v5 =	vld [tilespmem:s11+$0xD0]  }
0xdb: {  	v63 =	vld [tilespmem:s10+$0xFFFFFF30];
	v4 =	vadd.f32 v6, v4  }
0xdc: {  	v6 =	vld [tilespmem:s11+$0x80]  }
0xdd: {  	[tilespmem:s10+$0xFFFFFF80] =	vst v4;
	v4 =	vadd.f32 v10, v9;
	v10 =	vld [tilespmem:s10+$0xFFFFFF50];
	v1 =	vadd.f32 v1, v3  }
0xde: {  	v3 =	vld [tilespmem:s10+$0x80]  }
0xdf: {  	[tilespmem:s10+$0xFFFFFF40] =	vst v1;
	v0 =	vadd.f32 v5, v0;
	v5 =	vld [tilespmem:s10+$0x40]  }
0xe0: {  	v1 =	vadd.f32 v8, v7;
	v8 =	vld [tilespmem:s11+$0xFFFFFF50]  }
0xe1: {  	[tilespmem:s10+$0xD0] =	vst v0;
	v0 =	vld [tilespmem:s10+$0xE0]  }
0xe2: {  	[tilespmem:s10+$0x0] =	vst v4;
	v12 =	vld [tilespmem:s11+$0xE0]  }
0xe3: {  	v9 =	vld [tilespmem:s11+$0x10]  }
0xe4: {  	v7 =	vld [tilespmem:s10+$0xFFFFFF00]  }
0xe5: {  	[tilespmem:s10+$0xFFFFFFC0] =	vst v1;
	v1 =	vld [tilespmem:s11+$0xFFFFFF90]  }
0xe6: {  	v4 =	vld [tilespmem:s11+$0xFFFFFFD0];
	v8 =	vadd.f32 v8, v10  }
0xe7: {  	v5 =	vadd.f32 v11, v5;
	v11 =	vld [tilespmem:s10+$0xFFFFFF90];
	v0 =	vadd.f32 v12, v0  }
0xe8: {  	v10 =	vld [tilespmem:s10+$0x90];
	[tilespmem:s10+$0xFFFFFF50] =	vst v8  }
0xe9: {  	v8 =	vld [tilespmem:s11+$0xFFFFFF60];
	[tilespmem:s10+$0xE0] =	vst v0;
	v0 =	vadd.f32 v2, v7  }
0xea: {  	[tilespmem:s10+$0x40] =	vst v5;
	v7 =	vld [tilespmem:s10+$0xF0];
	v2 =	vadd.f32 v6, v3  }
0xeb: {  	v5 =	vld [tilespmem:s11+$0xF0];
	[tilespmem:s10+$0xFFFFFF00] =	vst v0  }
0xec: {  	v1 =	vadd.f32 v1, v11;
	[tilespmem:s10+$0x80] =	vst v2;
	v2 =	vld [tilespmem:s10+$0xFFFFFF10]  }
0xed: {  	v3 =	vld [tilespmem:s11+$0xFFFFFF10]  }
0xee: {  	[tilespmem:s10+$0xFFFFFF90] =	vst v1;
	v1 =	vadd.f32 v9, v13;
	v6 =	vld [tilespmem:s11+$0x90]  }
0xef: {  	v4 =	vadd.f32 v4, v60;
	v0 =	vld [tilespmem:s11+$0x50]  }
0xf0: {  	v9 =	vld [tilespmem:s11+$0xFFFFFFA0];
	[tilespmem:s10+$0x10] =	vst v1  }
0xf1: {  	[tilespmem:s10+$0xFFFFFFD0] =	vst v4;
	v4 =	vld [tilespmem:s11+$0x20]  }
0xf2: {  	v2 =	vadd.f32 v3, v2;
	v3 =	vld [tilespmem:s10+$0x50]  }
0xf3: {  	v1 =	vadd.f32 v6, v10;
	v10 =	vld [tilespmem:s10+$0xFFFFFFA0]  }
0xf4: {  	[tilespmem:s10+$0xFFFFFF10] =	vst v2;
	v2 =	vld [tilespmem:s10+$0xFFFFFF20]  }
0xf5: {  	v11 =	vld [tilespmem:s11+$0xFFFFFF20]  }
0xf6: {  	v5 =	vadd.f32 v5, v7;
	[tilespmem:s10+$0x90] =	vst v1;
	v1 =	vld [tilespmem:s10+$0xFFFFFF60]  }
0xf7: {  	v7 =	vld [tilespmem:s10+$0x30]  }
0xf8: {  	[tilespmem:s10+$0xF0] =	vst v5;
	v5 =	vld [tilespmem:s10+$0x70]  }
0xf9: {  	v6 =	vld [tilespmem:s11+$0xA0]  }
0xfa: {  	v0 =	vadd.f32 v0, v3;
	v3 =	vld [tilespmem:s11+$0xFFFFFFE0];
	v2 =	vadd.f32 v11, v2  }
0xfb: {  	v1 =	vadd.f32 v8, v1;
	v8 =	vadd.f32 v9, v10;
	v9 =	vld [tilespmem:s10+$0xFFFFFFB0]  }
0xfc: {  	[tilespmem:s10+$0xFFFFFF20] =	vst v2;
	v2 =	vld [tilespmem:s10+$0xA0]  }
0xfd: {  	[tilespmem:s10+$0x50] =	vst v0;
	v11 =	vld [tilespmem:s10+$0x20]  }
0xfe: {  	v0 =	vld [tilespmem:s11+$0x60];
	[tilespmem:s10+$0xFFFFFF60] =	vst v1  }
0xff: {  	[tilespmem:s10+$0xFFFFFFA0] =	vst v8;
	v8 =	vld [tilespmem:s10+$0xFFFFFFF0]  }
0x100: {  	v1 =	vadd.f32 v3, v61;
	v14 =	vld [tilespmem:s11+$0xFFFFFF70]  }
0x101: {  	v10 =	vld [tilespmem:s11+$0xFFFFFF30];
	v6 =	vadd.f32 v6, v2  }
0x102: {  	[tilespmem:s10+$0xFFFFFFE0] =	vst v1;
	v3 =	vadd.f32 v4, v11;
	v4 =	vld [tilespmem:s11+$0xFFFFFFB0]  }
0x103: {  	v0 =	vadd.f32 v0, v62;
	[tilespmem:s10+$0xA0] =	vst v6;
	v6 =	vld [tilespmem:s10+$0xFFFFFF70]  }
0x104: {  	v1 =	vld [tilespmem:s11+$0xFFFFFFF0];
	[tilespmem:s10+$0x20] =	vst v3  }
0x105: {  	[tilespmem:s10+$0x60] =	vst v0;
	v2 =	vld [tilespmem:s11+$0x30]  }
0x106: {  	v3 =	vld [tilespmem:s11+$0x70];
	v10 =	vadd.f32 v10, v63  }
0x107: {  	v0 =	vld [tilespmem:s11+$0xB0]  }
0x108: {  	s12 =	simm.s32 $0x0;
	s13 =	simm.s32 $0x8100;
	[tilespmem:s10+$0xFFFFFF30] =	vst v10;
	v10 =	vadd.f32 v14, v6;
	v6 =	vld [tilespmem:s10+$0xB0]  }
.LBB2_4:
0x109: {  	v11 =	vld [tilespmem:s13+$0xC0];
	v4 =	vadd.f32 v4, v9;
	s11 =	sadd.s32 $0x200, s11  }
0x10a: {  	s12 =	sadd.s32 $0x8, s12;
	v9 =	vld [tilespmem:s11+$0xC0];
	[tilespmem:s10+$0xFFFFFF70] =	vst v10;
	v1 =	vadd.f32 v1, v8  }
0x10b: {  	p0 =	slt.u32 s12, $0xC0;
	v8 =	vld [tilespmem:s11+$0xFFFFFF00];
	[tilespmem:s10+$0xFFFFFFB0] =	vst v4;
	v2 =	vadd.f32 v2, v7  }
0x10c: {  	v4 =	vld [tilespmem:s13+$0xFFFFFF40];
	[tilespmem:s10+$0xFFFFFFF0] =	vst v1;
	v1 =	vadd.f32 v3, v5  }
0x10d: {  	v3 =	vld [tilespmem:s11+$0xFFFFFF40];
	[tilespmem:s10+$0x30] =	vst v2;
	v0 =	vadd.f32 v0, v6  }
0x10e: {  	v2 =	vld [tilespmem:s13+$0xFFFFFF80];
	[tilespmem:s10+$0x70] =	vst v1  }
0x10f: {  	v1 =	vld [tilespmem:s11+$0xFFFFFF80];
	v5 =	vadd.f32 v9, v11;
	[tilespmem:s10+$0xB0] =	vst v0;
	s10 =	smov.u32 s13  }
0x110: {  	v0 =	vld [tilespmem:s13+$0xFFFFFFC0]  }
0x111: {  	[tilespmem:s13+$0xC0] =	vst v5;
	v5 =	vld [tilespmem:s13+$0xD0]  }
0x112: {  	v3 =	vadd.f32 v3, v4;
	v4 =	vld [tilespmem:s11+$0xD0]  }
0x113: {  	v6 =	vld [tilespmem:s11+$0xFFFFFFC0]  }
0x114: {  	[tilespmem:s13+$0xFFFFFF40] =	vst v3;
	v1 =	vadd.f32 v1, v2;
	v2 =	vld [tilespmem:s13+$0x0]  }
0x115: {  	v3 =	vld [tilespmem:s11+$0x0]  }
0x116: {  	[tilespmem:s13+$0xFFFFFF80] =	vst v1;
	v1 =	vld [tilespmem:s13+$0x40]  }
0x117: {  	v7 =	vld [tilespmem:s11+$0x40];
	v4 =	vadd.f32 v4, v5  }
0x118: {  	v0 =	vadd.f32 v6, v0;
	v5 =	vld [tilespmem:s13+$0x80]  }
0x119: {  	[tilespmem:s13+$0xD0] =	vst v4;
	v4 =	vld [tilespmem:s13+$0xE0]  }
0x11a: {  	[tilespmem:s13+$0xFFFFFFC0] =	vst v0;
	v0 =	vadd.f32 v3, v2;
	v2 =	vld [tilespmem:s11+$0xE0]  }
0x11b: {  	v3 =	vld [tilespmem:s11+$0x80]  }
0x11c: {  	v6 =	vld [tilespmem:s13+$0xFFFFFF00];
	[tilespmem:s13+$0x0] =	vst v0;
	v0 =	vadd.f32 v7, v1  }
0x11d: {  	v1 =	vld [tilespmem:s11+$0xFFFFFF50]  }
0x11e: {  	v7 =	vld [tilespmem:s11+$0xFFFFFF90];
	[tilespmem:s13+$0x40] =	vst v0  }
0x11f: {  	v0 =	vld [tilespmem:s11+$0xFFFFFFD0];
	v2 =	vadd.f32 v2, v4  }
0x120: {  	v4 =	vld [tilespmem:s11+$0x10];
	v3 =	vadd.f32 v3, v5  }
0x121: {  	v5 =	vadd.f32 v8, v6;
	[tilespmem:s13+$0xE0] =	vst v2;
	v2 =	vld [tilespmem:s13+$0xF0]  }
0x122: {  	[tilespmem:s13+$0x80] =	vst v3;
	v3 =	vld [tilespmem:s11+$0xF0]  }
0x123: {  	[tilespmem:s13+$0xFFFFFF00] =	vst v5;
	v5 =	vld [tilespmem:s11+$0x50]  }
0x124: {  	v6 =	vld [tilespmem:s11+$0xFFFFFF10]  }
0x125: {  	v8 =	vld [tilespmem:s11+$0x90]  }
0x126: {  	v9 =	vld [tilespmem:s13+$0xFFFFFF10]  }
0x127: {  	v10 =	vld [tilespmem:s13+$0xFFFFFF50];
	v2 =	vadd.f32 v3, v2  }
0x128: {  	v3 =	vld [tilespmem:s13+$0xFFFFFF90]  }
0x129: {  	v11 =	vld [tilespmem:s13+$0xFFFFFFD0];
	[tilespmem:s13+$0xF0] =	vst v2  }
0x12a: {  	v2 =	vld [tilespmem:s13+$0x10]  }
0x12b: {  	v6 =	vadd.f32 v6, v9;
	v9 =	vld [tilespmem:s13+$0x50]  }
0x12c: {  	v1 =	vadd.f32 v1, v10;
	v10 =	vld [tilespmem:s13+$0x90]  }
0x12d: {  	[tilespmem:s13+$0xFFFFFF10] =	vst v6;
	v6 =	vld [tilespmem:s13+$0xFFFFFF20];
	v3 =	vadd.f32 v7, v3  }
0x12e: {  	v7 =	vld [tilespmem:s11+$0xFFFFFF20];
	[tilespmem:s13+$0xFFFFFF50] =	vst v1;
	v0 =	vadd.f32 v0, v11  }
0x12f: {  	v1 =	vld [tilespmem:s11+$0xFFFFFF60];
	[tilespmem:s13+$0xFFFFFF90] =	vst v3;
	v2 =	vadd.f32 v4, v2  }
0x130: {  	v3 =	vld [tilespmem:s11+$0xFFFFFFA0];
	[tilespmem:s13+$0xFFFFFFD0] =	vst v0;
	v0 =	vadd.f32 v5, v9  }
0x131: {  	v4 =	vld [tilespmem:s11+$0xFFFFFFE0];
	[tilespmem:s13+$0x10] =	vst v2;
	v2 =	vadd.f32 v8, v10  }
0x132: {  	v5 =	vld [tilespmem:s11+$0x20];
	[tilespmem:s13+$0x50] =	vst v0  }
0x133: {  	v0 =	vadd.f32 v7, v6;
	v6 =	vld [tilespmem:s11+$0x60];
	[tilespmem:s13+$0x90] =	vst v2  }
0x134: {  	v2 =	vld [tilespmem:s11+$0xA0]  }
0x135: {  	[tilespmem:s13+$0xFFFFFF20] =	vst v0;
	v0 =	vld [tilespmem:s13+$0xFFFFFF60]  }
0x136: {  	v7 =	vld [tilespmem:s13+$0xFFFFFFA0]  }
0x137: {  	v8 =	vld [tilespmem:s13+$0xFFFFFFE0]  }
0x138: {  	v9 =	vld [tilespmem:s13+$0x20]  }
0x139: {  	v10 =	vld [tilespmem:s13+$0x60]  }
0x13a: {  	v0 =	vadd.f32 v1, v0;
	v11 =	vld [tilespmem:s13+$0xA0]  }
0x13b: {  	v12 =	vld [tilespmem:s11+$0xFFFFFF30];
	v1 =	vadd.f32 v3, v7  }
0x13c: {  	v3 =	vld [tilespmem:s13+$0xFFFFFF30];
	[tilespmem:s13+$0xFFFFFF60] =	vst v0;
	v0 =	vadd.f32 v4, v8  }
0x13d: {  	v13 =	vld [tilespmem:s11+$0xFFFFFF70];
	[tilespmem:s13+$0xFFFFFFA0] =	vst v1;
	v5 =	vadd.f32 v5, v9  }
0x13e: {  	v4 =	vld [tilespmem:s11+$0xFFFFFFB0];
	[tilespmem:s13+$0xFFFFFFE0] =	vst v0;
	v0 =	vadd.f32 v6, v10  }
0x13f: {  	v1 =	vld [tilespmem:s11+$0xFFFFFFF0];
	[tilespmem:s13+$0x20] =	vst v5;
	v5 =	vadd.f32 v2, v11  }
0x140: {  	v2 =	vld [tilespmem:s11+$0x30];
	[tilespmem:s13+$0x60] =	vst v0  }
0x141: {  	v6 =	vadd.f32 v12, v3;
	v3 =	vld [tilespmem:s11+$0x70];
	[tilespmem:s13+$0xA0] =	vst v5  }
0x142: {  	v0 =	vld [tilespmem:s11+$0xB0]  }
0x143: {  	[tilespmem:s13+$0xFFFFFF30] =	vst v6;
	v6 =	vld [tilespmem:s13+$0xFFFFFF70]  }
.Ltmp1:
0x144: {  	v9 =	vld [tilespmem:s13+$0xFFFFFFB0];
	(pc) =	sbr.rel @p0 .LBB2_4-.Ltmp1, $4  }
0x145: {  	v8 =	vld [tilespmem:s13+$0xFFFFFFF0]  }
0x146: {  	v7 =	vld [tilespmem:s13+$0x30]  }
0x147: {  	v5 =	vld [tilespmem:s13+$0x70]  }
0x148: {  	s13 =	sadd.s32 $0x200, s13;
	v10 =	vadd.f32 v13, v6;
	v6 =	vld [tilespmem:s10+$0xB0]  }
0x149: {  	v4 =	vadd.f32 v4, v9  }
0x14a: {  	[tilespmem:s10+$0xFFFFFF70] =	vst v10;
	v1 =	vadd.f32 v1, v8  }
0x14b: {  	[tilespmem:s10+$0xFFFFFFB0] =	vst v4;
	v2 =	vadd.f32 v2, v7  }
0x14c: {  	[tilespmem:s10+$0xFFFFFFF0] =	vst v1;
	v1 =	vadd.f32 v3, v5  }
0x14d: {  	[tilespmem:s10+$0x30] =	vst v2;
	v0 =	vadd.f32 v0, v6  }
0x14e: {  	[tilespmem:s10+$0x70] =	vst v1  }
0x14f: {  	[tilespmem:s10+$0xB0] =	vst v0  }
0x150: {  	s7 =	rddreg [dreg:$0x6]  }
0x151: {  	[hbm4b:s7+s3] =	stream.linear.scatter [tilespmem:s24], [sflag:$0x6], $0x3200, $0x38;
	[tilespmem:$0x11400] =	vst v63  }
0x152: {  	_ =	swait.ge [sflag:s18], $0x3200  }
0x153: {  	[sflag:s18] =	ssyncset.done $0x0  }
0x154: {  	s15 =	simm.s32 $0x410;
	[sflag:s18] =	ssyncadd.s32 $0xFFFFCE00  }
0x155: {  	[tilespmem:s24], [sflag:$0x2] =	stream.indirect.gather [hbm4b:s5+s19], $0x40, s15, s19, $0xb8;
	[tilespmem:$0x11400] =	vst v63  }
0x156: {  	s16 =	simm.s32 $0x478  }
0x157: {  	[tilespmem:s26], [sflag:$0x2] =	stream.indirect.gather [hbm4b:s5+s19], $0x40, s16, s19, $0xb8;
	[tilespmem:$0x11400] =	vst v63  }
0x158: {  	_ =	swait.ge [sflag:s28], $0x1900  }
0x159: {  	[sflag:s28] =	ssyncset.done $0x0  }
0x15a: {  	[sflag:s28] =	ssyncadd.s32 $0xFFFFE700  }
0x15b: {  	_ =	swait.ge [sflag:s28], $0x1900  }
0x15c: {  	[sflag:s28] =	ssyncset.done $0x0  }
0x15d: {  	s10 =	simm.s32 $0xB100;
	[sflag:s28] =	ssyncadd.s32 $0xFFFFE700  }
0x15e: {  	s11 =	simm.s32 $0x1B00;
	v0 =	vld [tilespmem:s10+$0xC0]  }
0x15f: {  	v1 =	vld [tilespmem:s11+$0xC0]  }
0x160: {  	v2 =	vld [tilespmem:s11+$0xFFFFFF00]  }
0x161: {  	v3 =	vld [tilespmem:s10+$0xFFFFFF40]  }
0x162: {  	v4 =	vld [tilespmem:s10+$0xFFFFFF80]  }
0x163: {  	v6 =	vld [tilespmem:s11+$0xFFFFFF80]  }
0x164: {  	v7 =	vld [tilespmem:s10+$0xFFFFFFC0]  }
0x165: {  	v8 =	vld [tilespmem:s11+$0xFFFFFFC0]  }
0x166: {  	v9 =	vld [tilespmem:s10+$0x0]  }
0x167: {  	v10 =	vld [tilespmem:s11+$0x0]  }
0x168: {  	v11 =	vld [tilespmem:s11+$0x40]  }
0x169: {  	v60 =	vld [tilespmem:s10+$0xFFFFFFD0]  }
0x16a: {  	v13 =	vld [tilespmem:s10+$0x10]  }
0x16b: {  	v61 =	vld [tilespmem:s10+$0xFFFFFFE0]  }
0x16c: {  	v62 =	vld [tilespmem:s10+$0x60];
	v0 =	vadd.f32 v1, v0  }
0x16d: {  	v1 =	vld [tilespmem:s11+$0xFFFFFF40]  }
0x16e: {  	[tilespmem:s10+$0xC0] =	vst v0;
	v0 =	vld [tilespmem:s10+$0xD0]  }
0x16f: {  	v5 =	vld [tilespmem:s11+$0xD0]  }
0x170: {  	v63 =	vld [tilespmem:s10+$0xFFFFFF30];
	v4 =	vadd.f32 v6, v4  }
0x171: {  	v6 =	vld [tilespmem:s11+$0x80]  }
0x172: {  	[tilespmem:s10+$0xFFFFFF80] =	vst v4;
	v4 =	vadd.f32 v10, v9;
	v10 =	vld [tilespmem:s10+$0xFFFFFF50];
	v1 =	vadd.f32 v1, v3  }
0x173: {  	v3 =	vld [tilespmem:s10+$0x80]  }
0x174: {  	[tilespmem:s10+$0xFFFFFF40] =	vst v1;
	v0 =	vadd.f32 v5, v0;
	v5 =	vld [tilespmem:s10+$0x40]  }
0x175: {  	v1 =	vadd.f32 v8, v7;
	v8 =	vld [tilespmem:s11+$0xFFFFFF50]  }
0x176: {  	[tilespmem:s10+$0xD0] =	vst v0;
	v0 =	vld [tilespmem:s10+$0xE0]  }
0x177: {  	[tilespmem:s10+$0x0] =	vst v4;
	v12 =	vld [tilespmem:s11+$0xE0]  }
0x178: {  	v9 =	vld [tilespmem:s11+$0x10]  }
0x179: {  	v7 =	vld [tilespmem:s10+$0xFFFFFF00]  }
0x17a: {  	[tilespmem:s10+$0xFFFFFFC0] =	vst v1;
	v1 =	vld [tilespmem:s11+$0xFFFFFF90]  }
0x17b: {  	v4 =	vld [tilespmem:s11+$0xFFFFFFD0];
	v8 =	vadd.f32 v8, v10  }
0x17c: {  	v5 =	vadd.f32 v11, v5;
	v11 =	vld [tilespmem:s10+$0xFFFFFF90];
	v0 =	vadd.f32 v12, v0  }
0x17d: {  	v10 =	vld [tilespmem:s10+$0x90];
	[tilespmem:s10+$0xFFFFFF50] =	vst v8  }
0x17e: {  	v8 =	vld [tilespmem:s11+$0xFFFFFF60];
	[tilespmem:s10+$0xE0] =	vst v0;
	v0 =	vadd.f32 v2, v7  }
0x17f: {  	[tilespmem:s10+$0x40] =	vst v5;
	v7 =	vld [tilespmem:s10+$0xF0];
	v2 =	vadd.f32 v6, v3  }
0x180: {  	v5 =	vld [tilespmem:s11+$0xF0];
	[tilespmem:s10+$0xFFFFFF00] =	vst v0  }
0x181: {  	v1 =	vadd.f32 v1, v11;
	[tilespmem:s10+$0x80] =	vst v2;
	v2 =	vld [tilespmem:s10+$0xFFFFFF10]  }
0x182: {  	v3 =	vld [tilespmem:s11+$0xFFFFFF10]  }
0x183: {  	[tilespmem:s10+$0xFFFFFF90] =	vst v1;
	v1 =	vadd.f32 v9, v13;
	v6 =	vld [tilespmem:s11+$0x90]  }
0x184: {  	v4 =	vadd.f32 v4, v60;
	v0 =	vld [tilespmem:s11+$0x50]  }
0x185: {  	v9 =	vld [tilespmem:s11+$0xFFFFFFA0];
	[tilespmem:s10+$0x10] =	vst v1  }
0x186: {  	[tilespmem:s10+$0xFFFFFFD0] =	vst v4;
	v4 =	vld [tilespmem:s11+$0x20]  }
0x187: {  	v2 =	vadd.f32 v3, v2;
	v3 =	vld [tilespmem:s10+$0x50]  }
0x188: {  	v1 =	vadd.f32 v6, v10;
	v10 =	vld [tilespmem:s10+$0xFFFFFFA0]  }
0x189: {  	[tilespmem:s10+$0xFFFFFF10] =	vst v2;
	v2 =	vld [tilespmem:s10+$0xFFFFFF20]  }
0x18a: {  	v11 =	vld [tilespmem:s11+$0xFFFFFF20]  }
0x18b: {  	v5 =	vadd.f32 v5, v7;
	[tilespmem:s10+$0x90] =	vst v1;
	v1 =	vld [tilespmem:s10+$0xFFFFFF60]  }
0x18c: {  	v7 =	vld [tilespmem:s10+$0x30]  }
0x18d: {  	[tilespmem:s10+$0xF0] =	vst v5;
	v5 =	vld [tilespmem:s10+$0x70]  }
0x18e: {  	v6 =	vld [tilespmem:s11+$0xA0]  }
0x18f: {  	v0 =	vadd.f32 v0, v3;
	v3 =	vld [tilespmem:s11+$0xFFFFFFE0];
	v2 =	vadd.f32 v11, v2  }
0x190: {  	v1 =	vadd.f32 v8, v1;
	v8 =	vadd.f32 v9, v10;
	v9 =	vld [tilespmem:s10+$0xFFFFFFB0]  }
0x191: {  	[tilespmem:s10+$0xFFFFFF20] =	vst v2;
	v2 =	vld [tilespmem:s10+$0xA0]  }
0x192: {  	[tilespmem:s10+$0x50] =	vst v0;
	v11 =	vld [tilespmem:s10+$0x20]  }
0x193: {  	v0 =	vld [tilespmem:s11+$0x60];
	[tilespmem:s10+$0xFFFFFF60] =	vst v1  }
0x194: {  	[tilespmem:s10+$0xFFFFFFA0] =	vst v8;
	v8 =	vld [tilespmem:s10+$0xFFFFFFF0]  }
0x195: {  	v1 =	vadd.f32 v3, v61;
	v14 =	vld [tilespmem:s11+$0xFFFFFF70]  }
0x196: {  	v10 =	vld [tilespmem:s11+$0xFFFFFF30];
	v6 =	vadd.f32 v6, v2  }
0x197: {  	[tilespmem:s10+$0xFFFFFFE0] =	vst v1;
	v3 =	vadd.f32 v4, v11;
	v4 =	vld [tilespmem:s11+$0xFFFFFFB0]  }
0x198: {  	v0 =	vadd.f32 v0, v62;
	[tilespmem:s10+$0xA0] =	vst v6;
	v6 =	vld [tilespmem:s10+$0xFFFFFF70]  }
0x199: {  	v1 =	vld [tilespmem:s11+$0xFFFFFFF0];
	[tilespmem:s10+$0x20] =	vst v3  }
0x19a: {  	[tilespmem:s10+$0x60] =	vst v0;
	v2 =	vld [tilespmem:s11+$0x30]  }
0x19b: {  	v3 =	vld [tilespmem:s11+$0x70];
	v10 =	vadd.f32 v10, v63  }
0x19c: {  	v0 =	vld [tilespmem:s11+$0xB0]  }
0x19d: {  	s12 =	simm.s32 $0x0;
	s13 =	simm.s32 $0xB300;
	[tilespmem:s10+$0xFFFFFF30] =	vst v10;
	v10 =	vadd.f32 v14, v6;
	v6 =	vld [tilespmem:s10+$0xB0]  }
.LBB2_6:
0x19e: {  	v11 =	vld [tilespmem:s13+$0xC0];
	v4 =	vadd.f32 v4, v9;
	s11 =	sadd.s32 $0x200, s11  }
0x19f: {  	s12 =	sadd.s32 $0x8, s12;
	v9 =	vld [tilespmem:s11+$0xC0];
	[tilespmem:s10+$0xFFFFFF70] =	vst v10;
	v1 =	vadd.f32 v1, v8  }
0x1a0: {  	p0 =	slt.u32 s12, $0xC0;
	v8 =	vld [tilespmem:s11+$0xFFFFFF00];
	[tilespmem:s10+$0xFFFFFFB0] =	vst v4;
	v2 =	vadd.f32 v2, v7  }
0x1a1: {  	v4 =	vld [tilespmem:s13+$0xFFFFFF40];
	[tilespmem:s10+$0xFFFFFFF0] =	vst v1;
	v1 =	vadd.f32 v3, v5  }
0x1a2: {  	v3 =	vld [tilespmem:s11+$0xFFFFFF40];
	[tilespmem:s10+$0x30] =	vst v2;
	v0 =	vadd.f32 v0, v6  }
0x1a3: {  	v2 =	vld [tilespmem:s13+$0xFFFFFF80];
	[tilespmem:s10+$0x70] =	vst v1  }
0x1a4: {  	v1 =	vld [tilespmem:s11+$0xFFFFFF80];
	v5 =	vadd.f32 v9, v11;
	[tilespmem:s10+$0xB0] =	vst v0;
	s10 =	smov.u32 s13  }
0x1a5: {  	v0 =	vld [tilespmem:s13+$0xFFFFFFC0]  }
0x1a6: {  	[tilespmem:s13+$0xC0] =	vst v5;
	v5 =	vld [tilespmem:s13+$0xD0]  }
0x1a7: {  	v3 =	vadd.f32 v3, v4;
	v4 =	vld [tilespmem:s11+$0xD0]  }
0x1a8: {  	v6 =	vld [tilespmem:s11+$0xFFFFFFC0]  }
0x1a9: {  	[tilespmem:s13+$0xFFFFFF40] =	vst v3;
	v1 =	vadd.f32 v1, v2;
	v2 =	vld [tilespmem:s13+$0x0]  }
0x1aa: {  	v3 =	vld [tilespmem:s11+$0x0]  }
0x1ab: {  	[tilespmem:s13+$0xFFFFFF80] =	vst v1;
	v1 =	vld [tilespmem:s13+$0x40]  }
0x1ac: {  	v7 =	vld [tilespmem:s11+$0x40];
	v4 =	vadd.f32 v4, v5  }
0x1ad: {  	v0 =	vadd.f32 v6, v0;
	v5 =	vld [tilespmem:s13+$0x80]  }
0x1ae: {  	[tilespmem:s13+$0xD0] =	vst v4;
	v4 =	vld [tilespmem:s13+$0xE0]  }
0x1af: {  	[tilespmem:s13+$0xFFFFFFC0] =	vst v0;
	v0 =	vadd.f32 v3, v2;
	v2 =	vld [tilespmem:s11+$0xE0]  }
0x1b0: {  	v3 =	vld [tilespmem:s11+$0x80]  }
0x1b1: {  	v6 =	vld [tilespmem:s13+$0xFFFFFF00];
	[tilespmem:s13+$0x0] =	vst v0;
	v0 =	vadd.f32 v7, v1  }
0x1b2: {  	v1 =	vld [tilespmem:s11+$0xFFFFFF50]  }
0x1b3: {  	v7 =	vld [tilespmem:s11+$0xFFFFFF90];
	[tilespmem:s13+$0x40] =	vst v0  }
0x1b4: {  	v0 =	vld [tilespmem:s11+$0xFFFFFFD0];
	v2 =	vadd.f32 v2, v4  }
0x1b5: {  	v4 =	vld [tilespmem:s11+$0x10];
	v3 =	vadd.f32 v3, v5  }
0x1b6: {  	v5 =	vadd.f32 v8, v6;
	[tilespmem:s13+$0xE0] =	vst v2;
	v2 =	vld [tilespmem:s13+$0xF0]  }
0x1b7: {  	[tilespmem:s13+$0x80] =	vst v3;
	v3 =	vld [tilespmem:s11+$0xF0]  }
0x1b8: {  	[tilespmem:s13+$0xFFFFFF00] =	vst v5;
	v5 =	vld [tilespmem:s11+$0x50]  }
0x1b9: {  	v6 =	vld [tilespmem:s11+$0xFFFFFF10]  }
0x1ba: {  	v8 =	vld [tilespmem:s11+$0x90]  }
0x1bb: {  	v9 =	vld [tilespmem:s13+$0xFFFFFF10]  }
0x1bc: {  	v10 =	vld [tilespmem:s13+$0xFFFFFF50];
	v2 =	vadd.f32 v3, v2  }
0x1bd: {  	v3 =	vld [tilespmem:s13+$0xFFFFFF90]  }
0x1be: {  	v11 =	vld [tilespmem:s13+$0xFFFFFFD0];
	[tilespmem:s13+$0xF0] =	vst v2  }
0x1bf: {  	v2 =	vld [tilespmem:s13+$0x10]  }
0x1c0: {  	v6 =	vadd.f32 v6, v9;
	v9 =	vld [tilespmem:s13+$0x50]  }
0x1c1: {  	v1 =	vadd.f32 v1, v10;
	v10 =	vld [tilespmem:s13+$0x90]  }
0x1c2: {  	[tilespmem:s13+$0xFFFFFF10] =	vst v6;
	v6 =	vld [tilespmem:s13+$0xFFFFFF20];
	v3 =	vadd.f32 v7, v3  }
0x1c3: {  	v7 =	vld [tilespmem:s11+$0xFFFFFF20];
	[tilespmem:s13+$0xFFFFFF50] =	vst v1;
	v0 =	vadd.f32 v0, v11  }
0x1c4: {  	v1 =	vld [tilespmem:s11+$0xFFFFFF60];
	[tilespmem:s13+$0xFFFFFF90] =	vst v3;
	v2 =	vadd.f32 v4, v2  }
0x1c5: {  	v3 =	vld [tilespmem:s11+$0xFFFFFFA0];
	[tilespmem:s13+$0xFFFFFFD0] =	vst v0;
	v0 =	vadd.f32 v5, v9  }
0x1c6: {  	v4 =	vld [tilespmem:s11+$0xFFFFFFE0];
	[tilespmem:s13+$0x10] =	vst v2;
	v2 =	vadd.f32 v8, v10  }
0x1c7: {  	v5 =	vld [tilespmem:s11+$0x20];
	[tilespmem:s13+$0x50] =	vst v0  }
0x1c8: {  	v0 =	vadd.f32 v7, v6;
	v6 =	vld [tilespmem:s11+$0x60];
	[tilespmem:s13+$0x90] =	vst v2  }
0x1c9: {  	v2 =	vld [tilespmem:s11+$0xA0]  }
0x1ca: {  	[tilespmem:s13+$0xFFFFFF20] =	vst v0;
	v0 =	vld [tilespmem:s13+$0xFFFFFF60]  }
0x1cb: {  	v7 =	vld [tilespmem:s13+$0xFFFFFFA0]  }
0x1cc: {  	v8 =	vld [tilespmem:s13+$0xFFFFFFE0]  }
0x1cd: {  	v9 =	vld [tilespmem:s13+$0x20]  }
0x1ce: {  	v10 =	vld [tilespmem:s13+$0x60]  }
0x1cf: {  	v0 =	vadd.f32 v1, v0;
	v11 =	vld [tilespmem:s13+$0xA0]  }
0x1d0: {  	v12 =	vld [tilespmem:s11+$0xFFFFFF30];
	v1 =	vadd.f32 v3, v7  }
0x1d1: {  	v3 =	vld [tilespmem:s13+$0xFFFFFF30];
	[tilespmem:s13+$0xFFFFFF60] =	vst v0;
	v0 =	vadd.f32 v4, v8  }
0x1d2: {  	v13 =	vld [tilespmem:s11+$0xFFFFFF70];
	[tilespmem:s13+$0xFFFFFFA0] =	vst v1;
	v5 =	vadd.f32 v5, v9  }
0x1d3: {  	v4 =	vld [tilespmem:s11+$0xFFFFFFB0];
	[tilespmem:s13+$0xFFFFFFE0] =	vst v0;
	v0 =	vadd.f32 v6, v10  }
0x1d4: {  	v1 =	vld [tilespmem:s11+$0xFFFFFFF0];
	[tilespmem:s13+$0x20] =	vst v5;
	v5 =	vadd.f32 v2, v11  }
0x1d5: {  	v2 =	vld [tilespmem:s11+$0x30];
	[tilespmem:s13+$0x60] =	vst v0  }
0x1d6: {  	v6 =	vadd.f32 v12, v3;
	v3 =	vld [tilespmem:s11+$0x70];
	[tilespmem:s13+$0xA0] =	vst v5  }
0x1d7: {  	v0 =	vld [tilespmem:s11+$0xB0]  }
0x1d8: {  	[tilespmem:s13+$0xFFFFFF30] =	vst v6;
	v6 =	vld [tilespmem:s13+$0xFFFFFF70]  }
.Ltmp2:
0x1d9: {  	v9 =	vld [tilespmem:s13+$0xFFFFFFB0];
	(pc) =	sbr.rel @p0 .LBB2_6-.Ltmp2, $4  }
0x1da: {  	v8 =	vld [tilespmem:s13+$0xFFFFFFF0]  }
0x1db: {  	v7 =	vld [tilespmem:s13+$0x30]  }
0x1dc: {  	v5 =	vld [tilespmem:s13+$0x70]  }
0x1dd: {  	s13 =	sadd.s32 $0x200, s13;
	v10 =	vadd.f32 v13, v6;
	v6 =	vld [tilespmem:s10+$0xB0]  }
0x1de: {  	v4 =	vadd.f32 v4, v9  }
0x1df: {  	[tilespmem:s10+$0xFFFFFF70] =	vst v10;
	v1 =	vadd.f32 v1, v8  }
0x1e0: {  	[tilespmem:s10+$0xFFFFFFB0] =	vst v4;
	v2 =	vadd.f32 v2, v7  }
0x1e1: {  	[tilespmem:s10+$0xFFFFFFF0] =	vst v1;
	v1 =	vadd.f32 v3, v5  }
0x1e2: {  	[tilespmem:s10+$0x30] =	vst v2;
	v0 =	vadd.f32 v0, v6  }
0x1e3: {  	[tilespmem:s10+$0x70] =	vst v1  }
0x1e4: {  	[tilespmem:s10+$0xB0] =	vst v0  }
0x1e5: {  	s7 =	rddreg [dreg:$0x7]  }
0x1e6: {  	[hbm4b:s7+s3] =	stream.linear.scatter [tilespmem:s29], [sflag:$0x7], $0x3200, $0x38;
	[tilespmem:$0x11400] =	vst v63  }
0x1e7: {  	_ =	swait.ge [sflag:s30], $0x3200  }
0x1e8: {  	[sflag:s30] =	ssyncset.done $0x0  }
0x1e9: {  	s15 =	simm.s32 $0x4E0;
	[sflag:s30] =	ssyncadd.s32 $0xFFFFCE00  }
0x1ea: {  	[tilespmem:s29], [sflag:$0x3] =	stream.indirect.gather [hbm4b:s5+s19], $0x40, s15, s19, $0xb8;
	[tilespmem:$0x11400] =	vst v63  }
0x1eb: {  	s16 =	simm.s32 $0x548  }
0x1ec: {  	[tilespmem:s31], [sflag:$0x3] =	stream.indirect.gather [hbm4b:s5+s19], $0x40, s16, s19, $0xb8;
	[tilespmem:$0x11400] =	vst v63  }
0x1ed: {  	_ =	swait.ge [sflag:s6], $0x1900  }
0x1ee: {  	[sflag:s6] =	ssyncset.done $0x0  }
0x1ef: {  	[sflag:s6] =	ssyncadd.s32 $0xFFFFE700  }
0x1f0: {  	_ =	swait.ge [sflag:s6], $0x1900  }
0x1f1: {  	[sflag:s6] =	ssyncset.done $0x0  }
0x1f2: {  	s10 =	simm.s32 $0xE300;
	[sflag:s6] =	ssyncadd.s32 $0xFFFFE700  }
0x1f3: {  	s11 =	simm.s32 $0x1B00;
	v0 =	vld [tilespmem:s10+$0xC0]  }
0x1f4: {  	v1 =	vld [tilespmem:s11+$0xC0]  }
0x1f5: {  	v2 =	vld [tilespmem:s11+$0xFFFFFF00]  }
0x1f6: {  	v3 =	vld [tilespmem:s10+$0xFFFFFF40]  }
0x1f7: {  	v4 =	vld [tilespmem:s10+$0xFFFFFF80]  }
0x1f8: {  	v6 =	vld [tilespmem:s11+$0xFFFFFF80]  }
0x1f9: {  	v7 =	vld [tilespmem:s10+$0xFFFFFFC0]  }
0x1fa: {  	v8 =	vld [tilespmem:s11+$0xFFFFFFC0]  }
0x1fb: {  	v9 =	vld [tilespmem:s10+$0x0]  }
0x1fc: {  	v10 =	vld [tilespmem:s11+$0x0]  }
0x1fd: {  	v11 =	vld [tilespmem:s11+$0x40]  }
0x1fe: {  	v60 =	vld [tilespmem:s10+$0xFFFFFFD0]  }
0x1ff: {  	v13 =	vld [tilespmem:s10+$0x10]  }
0x200: {  	v61 =	vld [tilespmem:s10+$0xFFFFFFE0]  }
0x201: {  	v62 =	vld [tilespmem:s10+$0x60];
	v0 =	vadd.f32 v1, v0  }
0x202: {  	v1 =	vld [tilespmem:s11+$0xFFFFFF40]  }
0x203: {  	[tilespmem:s10+$0xC0] =	vst v0;
	v0 =	vld [tilespmem:s10+$0xD0]  }
0x204: {  	v5 =	vld [tilespmem:s11+$0xD0]  }
0x205: {  	v63 =	vld [tilespmem:s10+$0xFFFFFF30];
	v4 =	vadd.f32 v6, v4  }
0x206: {  	v6 =	vld [tilespmem:s11+$0x80]  }
0x207: {  	[tilespmem:s10+$0xFFFFFF80] =	vst v4;
	v4 =	vadd.f32 v10, v9;
	v10 =	vld [tilespmem:s10+$0xFFFFFF50];
	v1 =	vadd.f32 v1, v3  }
0x208: {  	v3 =	vld [tilespmem:s10+$0x80]  }
0x209: {  	[tilespmem:s10+$0xFFFFFF40] =	vst v1;
	v0 =	vadd.f32 v5, v0;
	v5 =	vld [tilespmem:s10+$0x40]  }
0x20a: {  	v1 =	vadd.f32 v8, v7;
	v8 =	vld [tilespmem:s11+$0xFFFFFF50]  }
0x20b: {  	[tilespmem:s10+$0xD0] =	vst v0;
	v0 =	vld [tilespmem:s10+$0xE0]  }
0x20c: {  	[tilespmem:s10+$0x0] =	vst v4;
	v12 =	vld [tilespmem:s11+$0xE0]  }
0x20d: {  	v9 =	vld [tilespmem:s11+$0x10]  }
0x20e: {  	v7 =	vld [tilespmem:s10+$0xFFFFFF00]  }
0x20f: {  	[tilespmem:s10+$0xFFFFFFC0] =	vst v1;
	v1 =	vld [tilespmem:s11+$0xFFFFFF90]  }
0x210: {  	v4 =	vld [tilespmem:s11+$0xFFFFFFD0];
	v8 =	vadd.f32 v8, v10  }
0x211: {  	v5 =	vadd.f32 v11, v5;
	v11 =	vld [tilespmem:s10+$0xFFFFFF90];
	v0 =	vadd.f32 v12, v0  }
0x212: {  	v10 =	vld [tilespmem:s10+$0x90];
	[tilespmem:s10+$0xFFFFFF50] =	vst v8  }
0x213: {  	v8 =	vld [tilespmem:s11+$0xFFFFFF60];
	[tilespmem:s10+$0xE0] =	vst v0;
	v0 =	vadd.f32 v2, v7  }
0x214: {  	[tilespmem:s10+$0x40] =	vst v5;
	v7 =	vld [tilespmem:s10+$0xF0];
	v2 =	vadd.f32 v6, v3  }
0x215: {  	v5 =	vld [tilespmem:s11+$0xF0];
	[tilespmem:s10+$0xFFFFFF00] =	vst v0  }
0x216: {  	v1 =	vadd.f32 v1, v11;
	[tilespmem:s10+$0x80] =	vst v2;
	v2 =	vld [tilespmem:s10+$0xFFFFFF10]  }
0x217: {  	v3 =	vld [tilespmem:s11+$0xFFFFFF10]  }
0x218: {  	[tilespmem:s10+$0xFFFFFF90] =	vst v1;
	v1 =	vadd.f32 v9, v13;
	v6 =	vld [tilespmem:s11+$0x90]  }
0x219: {  	v4 =	vadd.f32 v4, v60;
	v0 =	vld [tilespmem:s11+$0x50]  }
0x21a: {  	v9 =	vld [tilespmem:s11+$0xFFFFFFA0];
	[tilespmem:s10+$0x10] =	vst v1  }
0x21b: {  	[tilespmem:s10+$0xFFFFFFD0] =	vst v4;
	v4 =	vld [tilespmem:s11+$0x20]  }
0x21c: {  	v2 =	vadd.f32 v3, v2;
	v3 =	vld [tilespmem:s10+$0x50]  }
0x21d: {  	v1 =	vadd.f32 v6, v10;
	v10 =	vld [tilespmem:s10+$0xFFFFFFA0]  }
0x21e: {  	[tilespmem:s10+$0xFFFFFF10] =	vst v2;
	v2 =	vld [tilespmem:s10+$0xFFFFFF20]  }
0x21f: {  	v11 =	vld [tilespmem:s11+$0xFFFFFF20]  }
0x220: {  	v5 =	vadd.f32 v5, v7;
	[tilespmem:s10+$0x90] =	vst v1;
	v1 =	vld [tilespmem:s10+$0xFFFFFF60]  }
0x221: {  	v7 =	vld [tilespmem:s10+$0x30]  }
0x222: {  	[tilespmem:s10+$0xF0] =	vst v5;
	v5 =	vld [tilespmem:s10+$0x70]  }
0x223: {  	v6 =	vld [tilespmem:s11+$0xA0]  }
0x224: {  	v0 =	vadd.f32 v0, v3;
	v3 =	vld [tilespmem:s11+$0xFFFFFFE0];
	v2 =	vadd.f32 v11, v2  }
0x225: {  	v1 =	vadd.f32 v8, v1;
	v8 =	vadd.f32 v9, v10;
	v9 =	vld [tilespmem:s10+$0xFFFFFFB0]  }
0x226: {  	[tilespmem:s10+$0xFFFFFF20] =	vst v2;
	v2 =	vld [tilespmem:s10+$0xA0]  }
0x227: {  	[tilespmem:s10+$0x50] =	vst v0;
	v11 =	vld [tilespmem:s10+$0x20]  }
0x228: {  	v0 =	vld [tilespmem:s11+$0x60];
	[tilespmem:s10+$0xFFFFFF60] =	vst v1  }
0x229: {  	[tilespmem:s10+$0xFFFFFFA0] =	vst v8;
	v8 =	vld [tilespmem:s10+$0xFFFFFFF0]  }
0x22a: {  	v1 =	vadd.f32 v3, v61;
	v14 =	vld [tilespmem:s11+$0xFFFFFF70]  }
0x22b: {  	v10 =	vld [tilespmem:s11+$0xFFFFFF30];
	v6 =	vadd.f32 v6, v2  }
0x22c: {  	[tilespmem:s10+$0xFFFFFFE0] =	vst v1;
	v3 =	vadd.f32 v4, v11;
	v4 =	vld [tilespmem:s11+$0xFFFFFFB0]  }
0x22d: {  	v0 =	vadd.f32 v0, v62;
	[tilespmem:s10+$0xA0] =	vst v6;
	v6 =	vld [tilespmem:s10+$0xFFFFFF70]  }
0x22e: {  	v1 =	vld [tilespmem:s11+$0xFFFFFFF0];
	[tilespmem:s10+$0x20] =	vst v3  }
0x22f: {  	[tilespmem:s10+$0x60] =	vst v0;
	v2 =	vld [tilespmem:s11+$0x30]  }
0x230: {  	v3 =	vld [tilespmem:s11+$0x70];
	v10 =	vadd.f32 v10, v63  }
0x231: {  	v0 =	vld [tilespmem:s11+$0xB0]  }
0x232: {  	s12 =	simm.s32 $0x0;
	s13 =	simm.s32 $0xE500;
	[tilespmem:s10+$0xFFFFFF30] =	vst v10;
	v10 =	vadd.f32 v14, v6;
	v6 =	vld [tilespmem:s10+$0xB0]  }
.LBB2_8:
0x233: {  	v11 =	vld [tilespmem:s13+$0xC0];
	v4 =	vadd.f32 v4, v9;
	s11 =	sadd.s32 $0x200, s11  }
0x234: {  	s12 =	sadd.s32 $0x8, s12;
	v9 =	vld [tilespmem:s11+$0xC0];
	[tilespmem:s10+$0xFFFFFF70] =	vst v10;
	v1 =	vadd.f32 v1, v8  }
0x235: {  	p0 =	slt.u32 s12, $0xC0;
	v8 =	vld [tilespmem:s11+$0xFFFFFF00];
	[tilespmem:s10+$0xFFFFFFB0] =	vst v4;
	v2 =	vadd.f32 v2, v7  }
0x236: {  	v4 =	vld [tilespmem:s13+$0xFFFFFF40];
	[tilespmem:s10+$0xFFFFFFF0] =	vst v1;
	v1 =	vadd.f32 v3, v5  }
0x237: {  	v3 =	vld [tilespmem:s11+$0xFFFFFF40];
	[tilespmem:s10+$0x30] =	vst v2;
	v0 =	vadd.f32 v0, v6  }
0x238: {  	v2 =	vld [tilespmem:s13+$0xFFFFFF80];
	[tilespmem:s10+$0x70] =	vst v1  }
0x239: {  	v1 =	vld [tilespmem:s11+$0xFFFFFF80];
	v5 =	vadd.f32 v9, v11;
	[tilespmem:s10+$0xB0] =	vst v0;
	s10 =	smov.u32 s13  }
0x23a: {  	v0 =	vld [tilespmem:s13+$0xFFFFFFC0]  }
0x23b: {  	[tilespmem:s13+$0xC0] =	vst v5;
	v5 =	vld [tilespmem:s13+$0xD0]  }
0x23c: {  	v3 =	vadd.f32 v3, v4;
	v4 =	vld [tilespmem:s11+$0xD0]  }
0x23d: {  	v6 =	vld [tilespmem:s11+$0xFFFFFFC0]  }
0x23e: {  	[tilespmem:s13+$0xFFFFFF40] =	vst v3;
	v1 =	vadd.f32 v1, v2;
	v2 =	vld [tilespmem:s13+$0x0]  }
0x23f: {  	v3 =	vld [tilespmem:s11+$0x0]  }
0x240: {  	[tilespmem:s13+$0xFFFFFF80] =	vst v1;
	v1 =	vld [tilespmem:s13+$0x40]  }
0x241: {  	v7 =	vld [tilespmem:s11+$0x40];
	v4 =	vadd.f32 v4, v5  }
0x242: {  	v0 =	vadd.f32 v6, v0;
	v5 =	vld [tilespmem:s13+$0x80]  }
0x243: {  	[tilespmem:s13+$0xD0] =	vst v4;
	v4 =	vld [tilespmem:s13+$0xE0]  }
0x244: {  	[tilespmem:s13+$0xFFFFFFC0] =	vst v0;
	v0 =	vadd.f32 v3, v2;
	v2 =	vld [tilespmem:s11+$0xE0]  }
0x245: {  	v3 =	vld [tilespmem:s11+$0x80]  }
0x246: {  	v6 =	vld [tilespmem:s13+$0xFFFFFF00];
	[tilespmem:s13+$0x0] =	vst v0;
	v0 =	vadd.f32 v7, v1  }
0x247: {  	v1 =	vld [tilespmem:s11+$0xFFFFFF50]  }
0x248: {  	v7 =	vld [tilespmem:s11+$0xFFFFFF90];
	[tilespmem:s13+$0x40] =	vst v0  }
0x249: {  	v0 =	vld [tilespmem:s11+$0xFFFFFFD0];
	v2 =	vadd.f32 v2, v4  }
0x24a: {  	v4 =	vld [tilespmem:s11+$0x10];
	v3 =	vadd.f32 v3, v5  }
0x24b: {  	v5 =	vadd.f32 v8, v6;
	[tilespmem:s13+$0xE0] =	vst v2;
	v2 =	vld [tilespmem:s13+$0xF0]  }
0x24c: {  	[tilespmem:s13+$0x80] =	vst v3;
	v3 =	vld [tilespmem:s11+$0xF0]  }
0x24d: {  	[tilespmem:s13+$0xFFFFFF00] =	vst v5;
	v5 =	vld [tilespmem:s11+$0x50]  }
0x24e: {  	v6 =	vld [tilespmem:s11+$0xFFFFFF10]  }
0x24f: {  	v8 =	vld [tilespmem:s11+$0x90]  }
0x250: {  	v9 =	vld [tilespmem:s13+$0xFFFFFF10]  }
0x251: {  	v10 =	vld [tilespmem:s13+$0xFFFFFF50];
	v2 =	vadd.f32 v3, v2  }
0x252: {  	v3 =	vld [tilespmem:s13+$0xFFFFFF90]  }
0x253: {  	v11 =	vld [tilespmem:s13+$0xFFFFFFD0];
	[tilespmem:s13+$0xF0] =	vst v2  }
0x254: {  	v2 =	vld [tilespmem:s13+$0x10]  }
0x255: {  	v6 =	vadd.f32 v6, v9;
	v9 =	vld [tilespmem:s13+$0x50]  }
0x256: {  	v1 =	vadd.f32 v1, v10;
	v10 =	vld [tilespmem:s13+$0x90]  }
0x257: {  	[tilespmem:s13+$0xFFFFFF10] =	vst v6;
	v6 =	vld [tilespmem:s13+$0xFFFFFF20];
	v3 =	vadd.f32 v7, v3  }
0x258: {  	v7 =	vld [tilespmem:s11+$0xFFFFFF20];
	[tilespmem:s13+$0xFFFFFF50] =	vst v1;
	v0 =	vadd.f32 v0, v11  }
0x259: {  	v1 =	vld [tilespmem:s11+$0xFFFFFF60];
	[tilespmem:s13+$0xFFFFFF90] =	vst v3;
	v2 =	vadd.f32 v4, v2  }
0x25a: {  	v3 =	vld [tilespmem:s11+$0xFFFFFFA0];
	[tilespmem:s13+$0xFFFFFFD0] =	vst v0;
	v0 =	vadd.f32 v5, v9  }
0x25b: {  	v4 =	vld [tilespmem:s11+$0xFFFFFFE0];
	[tilespmem:s13+$0x10] =	vst v2;
	v2 =	vadd.f32 v8, v10  }
0x25c: {  	v5 =	vld [tilespmem:s11+$0x20];
	[tilespmem:s13+$0x50] =	vst v0  }
0x25d: {  	v0 =	vadd.f32 v7, v6;
	v6 =	vld [tilespmem:s11+$0x60];
	[tilespmem:s13+$0x90] =	vst v2  }
0x25e: {  	v2 =	vld [tilespmem:s11+$0xA0]  }
0x25f: {  	[tilespmem:s13+$0xFFFFFF20] =	vst v0;
	v0 =	vld [tilespmem:s13+$0xFFFFFF60]  }
0x260: {  	v7 =	vld [tilespmem:s13+$0xFFFFFFA0]  }
0x261: {  	v8 =	vld [tilespmem:s13+$0xFFFFFFE0]  }
0x262: {  	v9 =	vld [tilespmem:s13+$0x20]  }
0x263: {  	v10 =	vld [tilespmem:s13+$0x60]  }
0x264: {  	v0 =	vadd.f32 v1, v0;
	v11 =	vld [tilespmem:s13+$0xA0]  }
0x265: {  	v12 =	vld [tilespmem:s11+$0xFFFFFF30];
	v1 =	vadd.f32 v3, v7  }
0x266: {  	v3 =	vld [tilespmem:s13+$0xFFFFFF30];
	[tilespmem:s13+$0xFFFFFF60] =	vst v0;
	v0 =	vadd.f32 v4, v8  }
0x267: {  	v13 =	vld [tilespmem:s11+$0xFFFFFF70];
	[tilespmem:s13+$0xFFFFFFA0] =	vst v1;
	v5 =	vadd.f32 v5, v9  }
0x268: {  	v4 =	vld [tilespmem:s11+$0xFFFFFFB0];
	[tilespmem:s13+$0xFFFFFFE0] =	vst v0;
	v0 =	vadd.f32 v6, v10  }
0x269: {  	v1 =	vld [tilespmem:s11+$0xFFFFFFF0];
	[tilespmem:s13+$0x20] =	vst v5;
	v5 =	vadd.f32 v2, v11  }
0x26a: {  	v2 =	vld [tilespmem:s11+$0x30];
	[tilespmem:s13+$0x60] =	vst v0  }
0x26b: {  	v6 =	vadd.f32 v12, v3;
	v3 =	vld [tilespmem:s11+$0x70];
	[tilespmem:s13+$0xA0] =	vst v5  }
0x26c: {  	v0 =	vld [tilespmem:s11+$0xB0]  }
0x26d: {  	[tilespmem:s13+$0xFFFFFF30] =	vst v6;
	v6 =	vld [tilespmem:s13+$0xFFFFFF70]  }
.Ltmp3:
0x26e: {  	v9 =	vld [tilespmem:s13+$0xFFFFFFB0];
	(pc) =	sbr.rel @p0 .LBB2_8-.Ltmp3, $4  }
0x26f: {  	v8 =	vld [tilespmem:s13+$0xFFFFFFF0]  }
0x270: {  	v7 =	vld [tilespmem:s13+$0x30]  }
0x271: {  	v5 =	vld [tilespmem:s13+$0x70]  }
0x272: {  	s13 =	sadd.s32 $0x200, s13;
	v10 =	vadd.f32 v13, v6;
	v6 =	vld [tilespmem:s10+$0xB0]  }
0x273: {  	v4 =	vadd.f32 v4, v9  }
0x274: {  	[tilespmem:s10+$0xFFFFFF70] =	vst v10;
	v1 =	vadd.f32 v1, v8  }
0x275: {  	[tilespmem:s10+$0xFFFFFFB0] =	vst v4;
	v2 =	vadd.f32 v2, v7  }
0x276: {  	[tilespmem:s10+$0xFFFFFFF0] =	vst v1;
	v63 =	vadd.f32 v3, v5  }
0x277: {  	[tilespmem:s10+$0x30] =	vst v2;
	v0 =	vadd.f32 v0, v6  }
0x278: {  	[tilespmem:s10+$0x70] =	vst v63  }
0x279: {  	[tilespmem:s10+$0xB0] =	vst v0  }
0x27a: {  	s10 =	simm.s32 $0x1;
	s7 =	rddreg [dreg:$0x8]  }
0x27b: {  	[hbm4b:s7+s3] =	stream.linear.scatter [tilespmem:s0], [sflag:$0x8], $0x3200, $0x38;
	[tilespmem:$0x11400] =	vst v63  }
.LBB2_10:
0x27c: {  	s11 =	sshllo.u32 s10, $0x2  }
0x27d: {  	_ =	swait.ge [sflag:s8], $0x3200;
	s7 =	smul.u32 $0x340, s11  }
0x27e: {  	[sflag:s8] =	ssyncset.done $0x0  }
0x27f: {  	[sflag:s8] =	ssyncadd.s32 $0xFFFFCE00;
	s7 =	sshra.s32 s7, $0x2  }
0x280: {  	[tilespmem:s0], [sflag:$0x4] =	stream.indirect.gather [hbm4b:s5+s19], $0x40, s7, s19, $0xb8;
	[tilespmem:$0x11400] =	vst v63  }
0x281: {  	s7 =	sadd.s32 $0x68, s7  }
0x282: {  	[tilespmem:s21], [sflag:$0x4] =	stream.indirect.gather [hbm4b:s5+s19], $0x40, s7, s19, $0xb8;
	[tilespmem:$0x11400] =	vst v63  }
0x283: {  	_ =	swait.ge [sflag:s23], $0x1900  }
0x284: {  	[sflag:s23] =	ssyncset.done $0x0  }
0x285: {  	[sflag:s23] =	ssyncadd.s32 $0xFFFFE700  }
0x286: {  	_ =	swait.ge [sflag:s23], $0x1900  }
0x287: {  	[sflag:s23] =	ssyncset.done $0x0  }
0x288: {  	s12 =	simm.s32 $0x4D00;
	[sflag:s23] =	ssyncadd.s32 $0xFFFFE700  }
0x289: {  	s14 =	simm.s32 $0x1B00;
	v0 =	vld [tilespmem:s12+$0xC0]  }
0x28a: {  	v1 =	vld [tilespmem:s14+$0xC0]  }
0x28b: {  	v2 =	vld [tilespmem:s14+$0xFFFFFF00]  }
0x28c: {  	v3 =	vld [tilespmem:s12+$0xFFFFFF40]  }
0x28d: {  	v4 =	vld [tilespmem:s12+$0xFFFFFF80]  }
0x28e: {  	v6 =	vld [tilespmem:s14+$0xFFFFFF80]  }
0x28f: {  	v7 =	vld [tilespmem:s12+$0xFFFFFFC0]  }
0x290: {  	v8 =	vld [tilespmem:s14+$0xFFFFFFC0]  }
0x291: {  	v9 =	vld [tilespmem:s12+$0x0]  }
0x292: {  	v10 =	vld [tilespmem:s14+$0x0]  }
0x293: {  	v11 =	vld [tilespmem:s14+$0x40]  }
0x294: {  	v60 =	vld [tilespmem:s12+$0xFFFFFFD0]  }
0x295: {  	v13 =	vld [tilespmem:s12+$0x10]  }
0x296: {  	v61 =	vld [tilespmem:s12+$0xFFFFFFE0]  }
0x297: {  	v62 =	vld [tilespmem:s12+$0x60];
	v0 =	vadd.f32 v1, v0  }
0x298: {  	v1 =	vld [tilespmem:s14+$0xFFFFFF40]  }
0x299: {  	[tilespmem:s12+$0xC0] =	vst v0;
	v0 =	vld [tilespmem:s12+$0xD0]  }
0x29a: {  	v5 =	vld [tilespmem:s14+$0xD0]  }
0x29b: {  	v63 =	vld [tilespmem:s12+$0xFFFFFF30];
	v4 =	vadd.f32 v6, v4  }
0x29c: {  	v6 =	vld [tilespmem:s14+$0x80]  }
0x29d: {  	[tilespmem:s12+$0xFFFFFF80] =	vst v4;
	v4 =	vadd.f32 v10, v9;
	v10 =	vld [tilespmem:s12+$0xFFFFFF50];
	v1 =	vadd.f32 v1, v3  }
0x29e: {  	v3 =	vld [tilespmem:s12+$0x80]  }
0x29f: {  	[tilespmem:s12+$0xFFFFFF40] =	vst v1;
	v0 =	vadd.f32 v5, v0;
	v5 =	vld [tilespmem:s12+$0x40]  }
0x2a0: {  	v1 =	vadd.f32 v8, v7;
	v8 =	vld [tilespmem:s14+$0xFFFFFF50]  }
0x2a1: {  	[tilespmem:s12+$0xD0] =	vst v0;
	v0 =	vld [tilespmem:s12+$0xE0]  }
0x2a2: {  	[tilespmem:s12+$0x0] =	vst v4;
	v12 =	vld [tilespmem:s14+$0xE0]  }
0x2a3: {  	v9 =	vld [tilespmem:s14+$0x10]  }
0x2a4: {  	v7 =	vld [tilespmem:s12+$0xFFFFFF00]  }
0x2a5: {  	[tilespmem:s12+$0xFFFFFFC0] =	vst v1;
	v1 =	vld [tilespmem:s14+$0xFFFFFF90]  }
0x2a6: {  	v4 =	vld [tilespmem:s14+$0xFFFFFFD0];
	v8 =	vadd.f32 v8, v10  }
0x2a7: {  	v5 =	vadd.f32 v11, v5;
	v11 =	vld [tilespmem:s12+$0xFFFFFF90];
	v0 =	vadd.f32 v12, v0  }
0x2a8: {  	v10 =	vld [tilespmem:s12+$0x90];
	[tilespmem:s12+$0xFFFFFF50] =	vst v8  }
0x2a9: {  	v8 =	vld [tilespmem:s14+$0xFFFFFF60];
	[tilespmem:s12+$0xE0] =	vst v0;
	v0 =	vadd.f32 v2, v7  }
0x2aa: {  	[tilespmem:s12+$0x40] =	vst v5;
	v7 =	vld [tilespmem:s12+$0xF0];
	v2 =	vadd.f32 v6, v3  }
0x2ab: {  	v5 =	vld [tilespmem:s14+$0xF0];
	[tilespmem:s12+$0xFFFFFF00] =	vst v0  }
0x2ac: {  	v1 =	vadd.f32 v1, v11;
	[tilespmem:s12+$0x80] =	vst v2;
	v2 =	vld [tilespmem:s12+$0xFFFFFF10]  }
0x2ad: {  	v3 =	vld [tilespmem:s14+$0xFFFFFF10]  }
0x2ae: {  	[tilespmem:s12+$0xFFFFFF90] =	vst v1;
	v1 =	vadd.f32 v9, v13;
	v6 =	vld [tilespmem:s14+$0x90]  }
0x2af: {  	v4 =	vadd.f32 v4, v60;
	v0 =	vld [tilespmem:s14+$0x50]  }
0x2b0: {  	v9 =	vld [tilespmem:s14+$0xFFFFFFA0];
	[tilespmem:s12+$0x10] =	vst v1  }
0x2b1: {  	[tilespmem:s12+$0xFFFFFFD0] =	vst v4;
	v4 =	vld [tilespmem:s14+$0x20]  }
0x2b2: {  	v2 =	vadd.f32 v3, v2;
	v3 =	vld [tilespmem:s12+$0x50]  }
0x2b3: {  	v1 =	vadd.f32 v6, v10;
	v10 =	vld [tilespmem:s12+$0xFFFFFFA0]  }
0x2b4: {  	[tilespmem:s12+$0xFFFFFF10] =	vst v2;
	v2 =	vld [tilespmem:s12+$0xFFFFFF20]  }
0x2b5: {  	v11 =	vld [tilespmem:s14+$0xFFFFFF20]  }
0x2b6: {  	v5 =	vadd.f32 v5, v7;
	[tilespmem:s12+$0x90] =	vst v1;
	v1 =	vld [tilespmem:s12+$0xFFFFFF60]  }
0x2b7: {  	v7 =	vld [tilespmem:s12+$0x30]  }
0x2b8: {  	[tilespmem:s12+$0xF0] =	vst v5;
	v5 =	vld [tilespmem:s12+$0x70]  }
0x2b9: {  	v6 =	vld [tilespmem:s14+$0xA0]  }
0x2ba: {  	v0 =	vadd.f32 v0, v3;
	v3 =	vld [tilespmem:s14+$0xFFFFFFE0];
	v2 =	vadd.f32 v11, v2  }
0x2bb: {  	v1 =	vadd.f32 v8, v1;
	v8 =	vadd.f32 v9, v10;
	v9 =	vld [tilespmem:s12+$0xFFFFFFB0]  }
0x2bc: {  	[tilespmem:s12+$0xFFFFFF20] =	vst v2;
	v2 =	vld [tilespmem:s12+$0xA0]  }
0x2bd: {  	[tilespmem:s12+$0x50] =	vst v0;
	v11 =	vld [tilespmem:s12+$0x20]  }
0x2be: {  	v0 =	vld [tilespmem:s14+$0x60];
	[tilespmem:s12+$0xFFFFFF60] =	vst v1  }
0x2bf: {  	[tilespmem:s12+$0xFFFFFFA0] =	vst v8;
	v8 =	vld [tilespmem:s12+$0xFFFFFFF0]  }
0x2c0: {  	v1 =	vadd.f32 v3, v61;
	v14 =	vld [tilespmem:s14+$0xFFFFFF70]  }
0x2c1: {  	v10 =	vld [tilespmem:s14+$0xFFFFFF30];
	v6 =	vadd.f32 v6, v2  }
0x2c2: {  	[tilespmem:s12+$0xFFFFFFE0] =	vst v1;
	v3 =	vadd.f32 v4, v11;
	v4 =	vld [tilespmem:s14+$0xFFFFFFB0]  }
0x2c3: {  	v0 =	vadd.f32 v0, v62;
	[tilespmem:s12+$0xA0] =	vst v6;
	v6 =	vld [tilespmem:s12+$0xFFFFFF70]  }
0x2c4: {  	v1 =	vld [tilespmem:s14+$0xFFFFFFF0];
	[tilespmem:s12+$0x20] =	vst v3  }
0x2c5: {  	[tilespmem:s12+$0x60] =	vst v0;
	v2 =	vld [tilespmem:s14+$0x30]  }
0x2c6: {  	v3 =	vld [tilespmem:s14+$0x70];
	v10 =	vadd.f32 v10, v63  }
0x2c7: {  	v0 =	vld [tilespmem:s14+$0xB0]  }
0x2c8: {  	s13 =	sshll.u32 s10, $0x2;
	s15 =	simm.s32 $0x0;
	s16 =	simm.s32 $0x4F00;
	[tilespmem:s12+$0xFFFFFF30] =	vst v10;
	v10 =	vadd.f32 v14, v6;
	v6 =	vld [tilespmem:s12+$0xB0]  }
.LBB2_11:
0x2c9: {  	v11 =	vld [tilespmem:s16+$0xC0];
	v4 =	vadd.f32 v4, v9;
	s14 =	sadd.s32 $0x200, s14  }
0x2ca: {  	s15 =	sadd.s32 $0x8, s15;
	v9 =	vld [tilespmem:s14+$0xC0];
	[tilespmem:s12+$0xFFFFFF70] =	vst v10;
	v1 =	vadd.f32 v1, v8  }
0x2cb: {  	p0 =	slt.u32 s15, $0xC0;
	v8 =	vld [tilespmem:s14+$0xFFFFFF00];
	[tilespmem:s12+$0xFFFFFFB0] =	vst v4;
	v2 =	vadd.f32 v2, v7  }
0x2cc: {  	v4 =	vld [tilespmem:s16+$0xFFFFFF40];
	[tilespmem:s12+$0xFFFFFFF0] =	vst v1;
	v1 =	vadd.f32 v3, v5  }
0x2cd: {  	v3 =	vld [tilespmem:s14+$0xFFFFFF40];
	[tilespmem:s12+$0x30] =	vst v2;
	v0 =	vadd.f32 v0, v6  }
0x2ce: {  	v2 =	vld [tilespmem:s16+$0xFFFFFF80];
	[tilespmem:s12+$0x70] =	vst v1  }
0x2cf: {  	v1 =	vld [tilespmem:s14+$0xFFFFFF80];
	v5 =	vadd.f32 v9, v11;
	[tilespmem:s12+$0xB0] =	vst v0;
	s12 =	smov.u32 s16  }
0x2d0: {  	v0 =	vld [tilespmem:s16+$0xFFFFFFC0]  }
0x2d1: {  	[tilespmem:s16+$0xC0] =	vst v5;
	v5 =	vld [tilespmem:s16+$0xD0]  }
0x2d2: {  	v3 =	vadd.f32 v3, v4;
	v4 =	vld [tilespmem:s14+$0xD0]  }
0x2d3: {  	v6 =	vld [tilespmem:s14+$0xFFFFFFC0]  }
0x2d4: {  	[tilespmem:s16+$0xFFFFFF40] =	vst v3;
	v1 =	vadd.f32 v1, v2;
	v2 =	vld [tilespmem:s16+$0x0]  }
0x2d5: {  	v3 =	vld [tilespmem:s14+$0x0]  }
0x2d6: {  	[tilespmem:s16+$0xFFFFFF80] =	vst v1;
	v1 =	vld [tilespmem:s16+$0x40]  }
0x2d7: {  	v7 =	vld [tilespmem:s14+$0x40];
	v4 =	vadd.f32 v4, v5  }
0x2d8: {  	v0 =	vadd.f32 v6, v0;
	v5 =	vld [tilespmem:s16+$0x80]  }
0x2d9: {  	[tilespmem:s16+$0xD0] =	vst v4;
	v4 =	vld [tilespmem:s16+$0xE0]  }
0x2da: {  	[tilespmem:s16+$0xFFFFFFC0] =	vst v0;
	v0 =	vadd.f32 v3, v2;
	v2 =	vld [tilespmem:s14+$0xE0]  }
0x2db: {  	v3 =	vld [tilespmem:s14+$0x80]  }
0x2dc: {  	v6 =	vld [tilespmem:s16+$0xFFFFFF00];
	[tilespmem:s16+$0x0] =	vst v0;
	v0 =	vadd.f32 v7, v1  }
0x2dd: {  	v1 =	vld [tilespmem:s14+$0xFFFFFF50]  }
0x2de: {  	v7 =	vld [tilespmem:s14+$0xFFFFFF90];
	[tilespmem:s16+$0x40] =	vst v0  }
0x2df: {  	v0 =	vld [tilespmem:s14+$0xFFFFFFD0];
	v2 =	vadd.f32 v2, v4  }
0x2e0: {  	v4 =	vld [tilespmem:s14+$0x10];
	v3 =	vadd.f32 v3, v5  }
0x2e1: {  	v5 =	vadd.f32 v8, v6;
	[tilespmem:s16+$0xE0] =	vst v2;
	v2 =	vld [tilespmem:s16+$0xF0]  }
0x2e2: {  	[tilespmem:s16+$0x80] =	vst v3;
	v3 =	vld [tilespmem:s14+$0xF0]  }
0x2e3: {  	[tilespmem:s16+$0xFFFFFF00] =	vst v5;
	v5 =	vld [tilespmem:s14+$0x50]  }
0x2e4: {  	v6 =	vld [tilespmem:s14+$0xFFFFFF10]  }
0x2e5: {  	v8 =	vld [tilespmem:s14+$0x90]  }
0x2e6: {  	v9 =	vld [tilespmem:s16+$0xFFFFFF10]  }
0x2e7: {  	v10 =	vld [tilespmem:s16+$0xFFFFFF50];
	v2 =	vadd.f32 v3, v2  }
0x2e8: {  	v3 =	vld [tilespmem:s16+$0xFFFFFF90]  }
0x2e9: {  	v11 =	vld [tilespmem:s16+$0xFFFFFFD0];
	[tilespmem:s16+$0xF0] =	vst v2  }
0x2ea: {  	v2 =	vld [tilespmem:s16+$0x10]  }
0x2eb: {  	v6 =	vadd.f32 v6, v9;
	v9 =	vld [tilespmem:s16+$0x50]  }
0x2ec: {  	v1 =	vadd.f32 v1, v10;
	v10 =	vld [tilespmem:s16+$0x90]  }
0x2ed: {  	[tilespmem:s16+$0xFFFFFF10] =	vst v6;
	v6 =	vld [tilespmem:s16+$0xFFFFFF20];
	v3 =	vadd.f32 v7, v3  }
0x2ee: {  	v7 =	vld [tilespmem:s14+$0xFFFFFF20];
	[tilespmem:s16+$0xFFFFFF50] =	vst v1;
	v0 =	vadd.f32 v0, v11  }
0x2ef: {  	v1 =	vld [tilespmem:s14+$0xFFFFFF60];
	[tilespmem:s16+$0xFFFFFF90] =	vst v3;
	v2 =	vadd.f32 v4, v2  }
0x2f0: {  	v3 =	vld [tilespmem:s14+$0xFFFFFFA0];
	[tilespmem:s16+$0xFFFFFFD0] =	vst v0;
	v0 =	vadd.f32 v5, v9  }
0x2f1: {  	v4 =	vld [tilespmem:s14+$0xFFFFFFE0];
	[tilespmem:s16+$0x10] =	vst v2;
	v2 =	vadd.f32 v8, v10  }
0x2f2: {  	v5 =	vld [tilespmem:s14+$0x20];
	[tilespmem:s16+$0x50] =	vst v0  }
0x2f3: {  	v0 =	vadd.f32 v7, v6;
	v6 =	vld [tilespmem:s14+$0x60];
	[tilespmem:s16+$0x90] =	vst v2  }
0x2f4: {  	v2 =	vld [tilespmem:s14+$0xA0]  }
0x2f5: {  	[tilespmem:s16+$0xFFFFFF20] =	vst v0;
	v0 =	vld [tilespmem:s16+$0xFFFFFF60]  }
0x2f6: {  	v7 =	vld [tilespmem:s16+$0xFFFFFFA0]  }
0x2f7: {  	v8 =	vld [tilespmem:s16+$0xFFFFFFE0]  }
0x2f8: {  	v9 =	vld [tilespmem:s16+$0x20]  }
0x2f9: {  	v10 =	vld [tilespmem:s16+$0x60]  }
0x2fa: {  	v0 =	vadd.f32 v1, v0;
	v11 =	vld [tilespmem:s16+$0xA0]  }
0x2fb: {  	v12 =	vld [tilespmem:s14+$0xFFFFFF30];
	v1 =	vadd.f32 v3, v7  }
0x2fc: {  	v3 =	vld [tilespmem:s16+$0xFFFFFF30];
	[tilespmem:s16+$0xFFFFFF60] =	vst v0;
	v0 =	vadd.f32 v4, v8  }
0x2fd: {  	v13 =	vld [tilespmem:s14+$0xFFFFFF70];
	[tilespmem:s16+$0xFFFFFFA0] =	vst v1;
	v5 =	vadd.f32 v5, v9  }
0x2fe: {  	v4 =	vld [tilespmem:s14+$0xFFFFFFB0];
	[tilespmem:s16+$0xFFFFFFE0] =	vst v0;
	v0 =	vadd.f32 v6, v10  }
0x2ff: {  	v1 =	vld [tilespmem:s14+$0xFFFFFFF0];
	[tilespmem:s16+$0x20] =	vst v5;
	v5 =	vadd.f32 v2, v11  }
0x300: {  	v2 =	vld [tilespmem:s14+$0x30];
	[tilespmem:s16+$0x60] =	vst v0  }
0x301: {  	v6 =	vadd.f32 v12, v3;
	v3 =	vld [tilespmem:s14+$0x70];
	[tilespmem:s16+$0xA0] =	vst v5  }
0x302: {  	v0 =	vld [tilespmem:s14+$0xB0]  }
0x303: {  	[tilespmem:s16+$0xFFFFFF30] =	vst v6;
	v6 =	vld [tilespmem:s16+$0xFFFFFF70]  }
.Ltmp4:
0x304: {  	v9 =	vld [tilespmem:s16+$0xFFFFFFB0];
	(pc) =	sbr.rel @p0 .LBB2_11-.Ltmp4, $4  }
0x305: {  	v8 =	vld [tilespmem:s16+$0xFFFFFFF0]  }
0x306: {  	v7 =	vld [tilespmem:s16+$0x30]  }
0x307: {  	v5 =	vld [tilespmem:s16+$0x70]  }
0x308: {  	s16 =	sadd.s32 $0x200, s16;
	v10 =	vadd.f32 v13, v6;
	v6 =	vld [tilespmem:s12+$0xB0]  }
0x309: {  	v4 =	vadd.f32 v4, v9  }
0x30a: {  	[tilespmem:s12+$0xFFFFFF70] =	vst v10;
	v1 =	vadd.f32 v1, v8  }
0x30b: {  	[tilespmem:s12+$0xFFFFFFB0] =	vst v4;
	v2 =	vadd.f32 v2, v7  }
0x30c: {  	s7 =	sadd.s32 s4, s13;
	[tilespmem:s12+$0xFFFFFFF0] =	vst v1;
	v1 =	vadd.f32 v3, v5  }
0x30d: {  	s7 =	smul.u32 $0x640, s7;
	[tilespmem:s12+$0x30] =	vst v2;
	v0 =	vadd.f32 v0, v6  }
0x30e: {  	[tilespmem:s12+$0x70] =	vst v1  }
0x30f: {  	s15 =	smul.u32 $0xD00, s10;
	s7 =	sadd.s32 s2, s7;
	[tilespmem:s12+$0xB0] =	vst v0  }
0x310: {  	[hbm4b:s7+s3] =	stream.linear.scatter [tilespmem:s20], [sflag:$0x5], $0x3200, $0x38;
	[tilespmem:$0x11400] =	vst v63  }
0x311: {  	_ =	swait.ge [sflag:s25], $0x3200  }
0x312: {  	s12 =	sshra.s32 s15, $0x2;
	[sflag:s25] =	ssyncset.done $0x0  }
0x313: {  	s7 =	sadd.s32 $0x340, s12;
	[sflag:s25] =	ssyncadd.s32 $0xFFFFCE00  }
0x314: {  	[tilespmem:s20], [sflag:$0x1] =	stream.indirect.gather [hbm4b:s5+s19], $0x40, s7, s19, $0xb8;
	[tilespmem:$0x11400] =	vst v63  }
0x315: {  	s16 =	sadd.s32 $0x3A8, s12  }
0x316: {  	[tilespmem:s22], [sflag:$0x1] =	stream.indirect.gather [hbm4b:s5+s19], $0x40, s16, s19, $0xb8;
	[tilespmem:$0x11400] =	vst v63  }
0x317: {  	_ =	swait.ge [sflag:s1], $0x1900  }
0x318: {  	[sflag:s1] =	ssyncset.done $0x0  }
0x319: {  	[sflag:s1] =	ssyncadd.s32 $0xFFFFE700  }
0x31a: {  	_ =	swait.ge [sflag:s1], $0x1900  }
0x31b: {  	[sflag:s1] =	ssyncset.done $0x0  }
0x31c: {  	s14 =	simm.s32 $0x7F00;
	[sflag:s1] =	ssyncadd.s32 $0xFFFFE700  }
0x31d: {  	s15 =	simm.s32 $0x1B00;
	v0 =	vld [tilespmem:s14+$0xC0]  }
0x31e: {  	v1 =	vld [tilespmem:s15+$0xC0]  }
0x31f: {  	v2 =	vld [tilespmem:s15+$0xFFFFFF00]  }
0x320: {  	v3 =	vld [tilespmem:s14+$0xFFFFFF40]  }
0x321: {  	v4 =	vld [tilespmem:s14+$0xFFFFFF80]  }
0x322: {  	v6 =	vld [tilespmem:s15+$0xFFFFFF80]  }
0x323: {  	v7 =	vld [tilespmem:s14+$0xFFFFFFC0]  }
0x324: {  	v8 =	vld [tilespmem:s15+$0xFFFFFFC0]  }
0x325: {  	v9 =	vld [tilespmem:s14+$0x0]  }
0x326: {  	v10 =	vld [tilespmem:s15+$0x0]  }
0x327: {  	v11 =	vld [tilespmem:s15+$0x40]  }
0x328: {  	v60 =	vld [tilespmem:s14+$0xFFFFFFD0]  }
0x329: {  	v13 =	vld [tilespmem:s14+$0x10]  }
0x32a: {  	v61 =	vld [tilespmem:s14+$0xFFFFFFE0]  }
0x32b: {  	v62 =	vld [tilespmem:s14+$0x60];
	v0 =	vadd.f32 v1, v0  }
0x32c: {  	v1 =	vld [tilespmem:s15+$0xFFFFFF40]  }
0x32d: {  	[tilespmem:s14+$0xC0] =	vst v0;
	v0 =	vld [tilespmem:s14+$0xD0]  }
0x32e: {  	v5 =	vld [tilespmem:s15+$0xD0]  }
0x32f: {  	v63 =	vld [tilespmem:s14+$0xFFFFFF30];
	v4 =	vadd.f32 v6, v4  }
0x330: {  	v6 =	vld [tilespmem:s15+$0x80]  }
0x331: {  	[tilespmem:s14+$0xFFFFFF80] =	vst v4;
	v4 =	vadd.f32 v10, v9;
	v10 =	vld [tilespmem:s14+$0xFFFFFF50];
	v1 =	vadd.f32 v1, v3  }
0x332: {  	v3 =	vld [tilespmem:s14+$0x80]  }
0x333: {  	[tilespmem:s14+$0xFFFFFF40] =	vst v1;
	v0 =	vadd.f32 v5, v0;
	v5 =	vld [tilespmem:s14+$0x40]  }
0x334: {  	v1 =	vadd.f32 v8, v7;
	v8 =	vld [tilespmem:s15+$0xFFFFFF50]  }
0x335: {  	[tilespmem:s14+$0xD0] =	vst v0;
	v0 =	vld [tilespmem:s14+$0xE0]  }
0x336: {  	[tilespmem:s14+$0x0] =	vst v4;
	v12 =	vld [tilespmem:s15+$0xE0]  }
0x337: {  	v9 =	vld [tilespmem:s15+$0x10]  }
0x338: {  	v7 =	vld [tilespmem:s14+$0xFFFFFF00]  }
0x339: {  	[tilespmem:s14+$0xFFFFFFC0] =	vst v1;
	v1 =	vld [tilespmem:s15+$0xFFFFFF90]  }
0x33a: {  	v4 =	vld [tilespmem:s15+$0xFFFFFFD0];
	v8 =	vadd.f32 v8, v10  }
0x33b: {  	v5 =	vadd.f32 v11, v5;
	v11 =	vld [tilespmem:s14+$0xFFFFFF90];
	v0 =	vadd.f32 v12, v0  }
0x33c: {  	v10 =	vld [tilespmem:s14+$0x90];
	[tilespmem:s14+$0xFFFFFF50] =	vst v8  }
0x33d: {  	v8 =	vld [tilespmem:s15+$0xFFFFFF60];
	[tilespmem:s14+$0xE0] =	vst v0;
	v0 =	vadd.f32 v2, v7  }
0x33e: {  	[tilespmem:s14+$0x40] =	vst v5;
	v7 =	vld [tilespmem:s14+$0xF0];
	v2 =	vadd.f32 v6, v3  }
0x33f: {  	v5 =	vld [tilespmem:s15+$0xF0];
	[tilespmem:s14+$0xFFFFFF00] =	vst v0  }
0x340: {  	v1 =	vadd.f32 v1, v11;
	[tilespmem:s14+$0x80] =	vst v2;
	v2 =	vld [tilespmem:s14+$0xFFFFFF10]  }
0x341: {  	v3 =	vld [tilespmem:s15+$0xFFFFFF10]  }
0x342: {  	v0 =	vld [tilespmem:s15+$0x50];
	[tilespmem:s14+$0xFFFFFF90] =	vst v1;
	v1 =	vadd.f32 v9, v13  }
0x343: {  	v4 =	vadd.f32 v4, v60;
	v6 =	vld [tilespmem:s15+$0x90]  }
0x344: {  	v9 =	vld [tilespmem:s15+$0xFFFFFFA0];
	[tilespmem:s14+$0x10] =	vst v1  }
0x345: {  	[tilespmem:s14+$0xFFFFFFD0] =	vst v4;
	v4 =	vld [tilespmem:s15+$0x20]  }
0x346: {  	v5 =	vadd.f32 v5, v7;
	v7 =	vld [tilespmem:s14+$0x30];
	v2 =	vadd.f32 v3, v2  }
0x347: {  	v3 =	vld [tilespmem:s14+$0x50]  }
0x348: {  	[tilespmem:s14+$0xFFFFFF10] =	vst v2;
	v2 =	vld [tilespmem:s14+$0xFFFFFF20]  }
0x349: {  	v11 =	vld [tilespmem:s15+$0xFFFFFF20]  }
0x34a: {  	v1 =	vadd.f32 v6, v10;
	v6 =	vld [tilespmem:s14+$0xFFFFFF60]  }
0x34b: {  	v10 =	vld [tilespmem:s14+$0xFFFFFFA0];
	[tilespmem:s14+$0xF0] =	vst v5  }
0x34c: {  	v5 =	vld [tilespmem:s14+$0x70];
	[tilespmem:s14+$0x90] =	vst v1;
	v0 =	vadd.f32 v0, v3  }
0x34d: {  	v1 =	vld [tilespmem:s15+$0xA0]  }
0x34e: {  	v3 =	vld [tilespmem:s15+$0xFFFFFFE0];
	[tilespmem:s14+$0x50] =	vst v0;
	v2 =	vadd.f32 v11, v2  }
0x34f: {  	v0 =	vld [tilespmem:s15+$0x60]  }
0x350: {  	[tilespmem:s14+$0xFFFFFF20] =	vst v2;
	v2 =	vadd.f32 v8, v6;
	v6 =	vld [tilespmem:s14+$0xA0]  }
0x351: {  	v11 =	vld [tilespmem:s14+$0x20]  }
0x352: {  	v8 =	vadd.f32 v9, v10;
	v9 =	vld [tilespmem:s14+$0xFFFFFFB0]  }
0x353: {  	v10 =	vld [tilespmem:s15+$0xFFFFFF30];
	[tilespmem:s14+$0xFFFFFF60] =	vst v2  }
0x354: {  	v2 =	vadd.f32 v3, v61;
	[tilespmem:s14+$0xFFFFFFA0] =	vst v8;
	v8 =	vld [tilespmem:s14+$0xFFFFFFF0]  }
0x355: {  	v14 =	vld [tilespmem:s15+$0xFFFFFF70];
	v6 =	vadd.f32 v1, v6  }
0x356: {  	v3 =	vadd.f32 v4, v11;
	v4 =	vld [tilespmem:s15+$0xFFFFFFB0];
	[tilespmem:s14+$0xFFFFFFE0] =	vst v2  }
0x357: {  	v0 =	vadd.f32 v0, v62;
	[tilespmem:s14+$0xA0] =	vst v6;
	v6 =	vld [tilespmem:s14+$0xFFFFFF70]  }
0x358: {  	v2 =	vld [tilespmem:s15+$0xFFFFFFF0];
	[tilespmem:s14+$0x20] =	vst v3  }
0x359: {  	[tilespmem:s14+$0x60] =	vst v0;
	v3 =	vld [tilespmem:s15+$0x30]  }
0x35a: {  	v1 =	vld [tilespmem:s15+$0x70];
	v10 =	vadd.f32 v10, v63  }
0x35b: {  	v0 =	vld [tilespmem:s15+$0xB0]  }
0x35c: {  	s7 =	simm.s32 $0x8100;
	s16 =	simm.s32 $0x0;
	[tilespmem:s14+$0xFFFFFF30] =	vst v10;
	v10 =	vadd.f32 v14, v6;
	v6 =	vld [tilespmem:s14+$0xB0]  }
.LBB2_13:
0x35d: {  	v11 =	vld [tilespmem:s7+$0xC0];
	v4 =	vadd.f32 v4, v9;
	s15 =	sadd.s32 $0x200, s15  }
0x35e: {  	s16 =	sadd.s32 $0x8, s16;
	v9 =	vld [tilespmem:s15+$0xC0];
	[tilespmem:s14+$0xFFFFFF70] =	vst v10;
	v2 =	vadd.f32 v2, v8  }
0x35f: {  	p0 =	slt.u32 s16, $0xC0;
	v8 =	vld [tilespmem:s15+$0xFFFFFF00];
	[tilespmem:s14+$0xFFFFFFB0] =	vst v4;
	v3 =	vadd.f32 v3, v7  }
0x360: {  	v4 =	vld [tilespmem:s7+$0xFFFFFF40];
	[tilespmem:s14+$0xFFFFFFF0] =	vst v2;
	v1 =	vadd.f32 v1, v5  }
0x361: {  	v2 =	vld [tilespmem:s15+$0xFFFFFF40];
	[tilespmem:s14+$0x30] =	vst v3;
	v0 =	vadd.f32 v0, v6  }
0x362: {  	v3 =	vld [tilespmem:s7+$0xFFFFFF80];
	[tilespmem:s14+$0x70] =	vst v1  }
0x363: {  	v1 =	vld [tilespmem:s15+$0xFFFFFF80];
	v5 =	vadd.f32 v9, v11;
	[tilespmem:s14+$0xB0] =	vst v0;
	s14 =	smov.u32 s7  }
0x364: {  	v0 =	vld [tilespmem:s7+$0xFFFFFFC0]  }
0x365: {  	[tilespmem:s7+$0xC0] =	vst v5;
	v5 =	vld [tilespmem:s7+$0xD0]  }
0x366: {  	v2 =	vadd.f32 v2, v4;
	v4 =	vld [tilespmem:s15+$0xD0]  }
0x367: {  	v6 =	vld [tilespmem:s15+$0xFFFFFFC0]  }
0x368: {  	[tilespmem:s7+$0xFFFFFF40] =	vst v2;
	v1 =	vadd.f32 v1, v3;
	v2 =	vld [tilespmem:s7+$0x0]  }
0x369: {  	v3 =	vld [tilespmem:s15+$0x0]  }
0x36a: {  	[tilespmem:s7+$0xFFFFFF80] =	vst v1;
	v1 =	vld [tilespmem:s7+$0x40]  }
0x36b: {  	v7 =	vld [tilespmem:s15+$0x40];
	v4 =	vadd.f32 v4, v5  }
0x36c: {  	v0 =	vadd.f32 v6, v0;
	v5 =	vld [tilespmem:s7+$0x80]  }
0x36d: {  	[tilespmem:s7+$0xD0] =	vst v4;
	v4 =	vld [tilespmem:s7+$0xE0]  }
0x36e: {  	[tilespmem:s7+$0xFFFFFFC0] =	vst v0;
	v0 =	vadd.f32 v3, v2;
	v2 =	vld [tilespmem:s15+$0xE0]  }
0x36f: {  	v3 =	vld [tilespmem:s15+$0x80]  }
0x370: {  	v6 =	vld [tilespmem:s7+$0xFFFFFF00];
	[tilespmem:s7+$0x0] =	vst v0;
	v0 =	vadd.f32 v7, v1  }
0x371: {  	v1 =	vld [tilespmem:s15+$0xFFFFFF50]  }
0x372: {  	v7 =	vld [tilespmem:s15+$0xFFFFFF90];
	[tilespmem:s7+$0x40] =	vst v0  }
0x373: {  	v0 =	vld [tilespmem:s15+$0xFFFFFFD0];
	v2 =	vadd.f32 v2, v4  }
0x374: {  	v4 =	vld [tilespmem:s15+$0x10];
	v3 =	vadd.f32 v3, v5  }
0x375: {  	v5 =	vadd.f32 v8, v6;
	[tilespmem:s7+$0xE0] =	vst v2;
	v2 =	vld [tilespmem:s7+$0xF0]  }
0x376: {  	[tilespmem:s7+$0x80] =	vst v3;
	v3 =	vld [tilespmem:s15+$0xF0]  }
0x377: {  	[tilespmem:s7+$0xFFFFFF00] =	vst v5;
	v5 =	vld [tilespmem:s15+$0x50]  }
0x378: {  	v6 =	vld [tilespmem:s15+$0xFFFFFF10]  }
0x379: {  	v8 =	vld [tilespmem:s15+$0x90]  }
0x37a: {  	v9 =	vld [tilespmem:s7+$0xFFFFFF10]  }
0x37b: {  	v10 =	vld [tilespmem:s7+$0xFFFFFF50];
	v2 =	vadd.f32 v3, v2  }
0x37c: {  	v3 =	vld [tilespmem:s7+$0xFFFFFF90]  }
0x37d: {  	v11 =	vld [tilespmem:s7+$0xFFFFFFD0];
	[tilespmem:s7+$0xF0] =	vst v2  }
0x37e: {  	v2 =	vld [tilespmem:s7+$0x10]  }
0x37f: {  	v6 =	vadd.f32 v6, v9;
	v9 =	vld [tilespmem:s7+$0x50]  }
0x380: {  	v1 =	vadd.f32 v1, v10;
	v10 =	vld [tilespmem:s7+$0x90]  }
0x381: {  	[tilespmem:s7+$0xFFFFFF10] =	vst v6;
	v6 =	vld [tilespmem:s7+$0xFFFFFF20];
	v3 =	vadd.f32 v7, v3  }
0x382: {  	v7 =	vld [tilespmem:s15+$0xFFFFFF20];
	[tilespmem:s7+$0xFFFFFF50] =	vst v1;
	v0 =	vadd.f32 v0, v11  }
0x383: {  	v1 =	vld [tilespmem:s15+$0xFFFFFF60];
	[tilespmem:s7+$0xFFFFFF90] =	vst v3;
	v2 =	vadd.f32 v4, v2  }
0x384: {  	v3 =	vld [tilespmem:s15+$0xFFFFFFA0];
	[tilespmem:s7+$0xFFFFFFD0] =	vst v0;
	v0 =	vadd.f32 v5, v9  }
0x385: {  	v4 =	vld [tilespmem:s15+$0xFFFFFFE0];
	[tilespmem:s7+$0x10] =	vst v2;
	v2 =	vadd.f32 v8, v10  }
0x386: {  	v5 =	vld [tilespmem:s15+$0x20];
	[tilespmem:s7+$0x50] =	vst v0  }
0x387: {  	v0 =	vadd.f32 v7, v6;
	v6 =	vld [tilespmem:s15+$0x60];
	[tilespmem:s7+$0x90] =	vst v2  }
0x388: {  	v7 =	vld [tilespmem:s15+$0xA0]  }
0x389: {  	[tilespmem:s7+$0xFFFFFF20] =	vst v0;
	v0 =	vld [tilespmem:s7+$0xFFFFFF60]  }
0x38a: {  	v2 =	vld [tilespmem:s7+$0xFFFFFFA0]  }
0x38b: {  	v8 =	vld [tilespmem:s7+$0xFFFFFFE0]  }
0x38c: {  	v9 =	vld [tilespmem:s7+$0x20]  }
0x38d: {  	v10 =	vld [tilespmem:s7+$0x60]  }
0x38e: {  	v0 =	vadd.f32 v1, v0;
	v1 =	vld [tilespmem:s7+$0xA0]  }
0x38f: {  	v11 =	vld [tilespmem:s15+$0xFFFFFF30];
	v2 =	vadd.f32 v3, v2  }
0x390: {  	v12 =	vld [tilespmem:s7+$0xFFFFFF30];
	[tilespmem:s7+$0xFFFFFF60] =	vst v0;
	v0 =	vadd.f32 v4, v8  }
0x391: {  	v13 =	vld [tilespmem:s15+$0xFFFFFF70];
	[tilespmem:s7+$0xFFFFFFA0] =	vst v2;
	v3 =	vadd.f32 v5, v9  }
0x392: {  	v4 =	vld [tilespmem:s15+$0xFFFFFFB0];
	[tilespmem:s7+$0xFFFFFFE0] =	vst v0;
	v0 =	vadd.f32 v6, v10  }
0x393: {  	v2 =	vld [tilespmem:s15+$0xFFFFFFF0];
	[tilespmem:s7+$0x20] =	vst v3;
	v5 =	vadd.f32 v7, v1  }
0x394: {  	v3 =	vld [tilespmem:s15+$0x30];
	[tilespmem:s7+$0x60] =	vst v0  }
0x395: {  	v6 =	vadd.f32 v11, v12;
	v1 =	vld [tilespmem:s15+$0x70];
	[tilespmem:s7+$0xA0] =	vst v5  }
0x396: {  	v0 =	vld [tilespmem:s15+$0xB0]  }
0x397: {  	[tilespmem:s7+$0xFFFFFF30] =	vst v6;
	v6 =	vld [tilespmem:s7+$0xFFFFFF70]  }
.Ltmp5:
0x398: {  	v9 =	vld [tilespmem:s7+$0xFFFFFFB0];
	(pc) =	sbr.rel @p0 .LBB2_13-.Ltmp5, $4  }
0x399: {  	v8 =	vld [tilespmem:s7+$0xFFFFFFF0]  }
0x39a: {  	v7 =	vld [tilespmem:s7+$0x30]  }
0x39b: {  	v5 =	vld [tilespmem:s7+$0x70]  }
0x39c: {  	s7 =	sadd.s32 $0x200, s7;
	v10 =	vadd.f32 v13, v6;
	v6 =	vld [tilespmem:s14+$0xB0]  }
0x39d: {  	v4 =	vadd.f32 v4, v9  }
0x39e: {  	[tilespmem:s14+$0xFFFFFF70] =	vst v10;
	v2 =	vadd.f32 v2, v8  }
0x39f: {  	s7 =	sadd.s32 s13, s4;
	[tilespmem:s14+$0xFFFFFFB0] =	vst v4;
	v3 =	vadd.f32 v3, v7  }
0x3a0: {  	s7 =	smul.u32 $0x640, s7;
	[tilespmem:s14+$0xFFFFFFF0] =	vst v2;
	v1 =	vadd.f32 v1, v5  }
0x3a1: {  	[tilespmem:s14+$0x30] =	vst v3;
	v0 =	vadd.f32 v0, v6  }
0x3a2: {  	s13 =	sadd.s32 s2, s7;
	[tilespmem:s14+$0x70] =	vst v1  }
0x3a3: {  	s7 =	sadd.s32 $0x640, s13;
	[tilespmem:s14+$0xB0] =	vst v0  }
0x3a4: {  	[hbm4b:s7+s3] =	stream.linear.scatter [tilespmem:s24], [sflag:$0x6], $0x3200, $0x38;
	[tilespmem:$0x11400] =	vst v63  }
0x3a5: {  	_ =	swait.ge [sflag:s18], $0x3200  }
0x3a6: {  	[sflag:s18] =	ssyncset.done $0x0  }
0x3a7: {  	s15 =	sadd.s32 $0x410, s12;
	[sflag:s18] =	ssyncadd.s32 $0xFFFFCE00  }
0x3a8: {  	[tilespmem:s24], [sflag:$0x2] =	stream.indirect.gather [hbm4b:s5+s19], $0x40, s15, s19, $0xb8;
	[tilespmem:$0x11400] =	vst v63  }
0x3a9: {  	s16 =	sadd.s32 $0x478, s12  }
0x3aa: {  	[tilespmem:s26], [sflag:$0x2] =	stream.indirect.gather [hbm4b:s5+s19], $0x40, s16, s19, $0xb8;
	[tilespmem:$0x11400] =	vst v63  }
0x3ab: {  	_ =	swait.ge [sflag:s28], $0x1900  }
0x3ac: {  	[sflag:s28] =	ssyncset.done $0x0  }
0x3ad: {  	[sflag:s28] =	ssyncadd.s32 $0xFFFFE700  }
0x3ae: {  	_ =	swait.ge [sflag:s28], $0x1900  }
0x3af: {  	[sflag:s28] =	ssyncset.done $0x0  }
0x3b0: {  	s14 =	simm.s32 $0xB100;
	[sflag:s28] =	ssyncadd.s32 $0xFFFFE700  }
0x3b1: {  	s15 =	simm.s32 $0x1B00;
	v0 =	vld [tilespmem:s14+$0xC0]  }
0x3b2: {  	v1 =	vld [tilespmem:s15+$0xC0]  }
0x3b3: {  	v2 =	vld [tilespmem:s15+$0xFFFFFF00]  }
0x3b4: {  	v3 =	vld [tilespmem:s14+$0xFFFFFF40]  }
0x3b5: {  	v4 =	vld [tilespmem:s14+$0xFFFFFF80]  }
0x3b6: {  	v6 =	vld [tilespmem:s15+$0xFFFFFF80]  }
0x3b7: {  	v7 =	vld [tilespmem:s14+$0xFFFFFFC0]  }
0x3b8: {  	v8 =	vld [tilespmem:s15+$0xFFFFFFC0]  }
0x3b9: {  	v9 =	vld [tilespmem:s14+$0x0]  }
0x3ba: {  	v10 =	vld [tilespmem:s15+$0x0]  }
0x3bb: {  	v11 =	vld [tilespmem:s15+$0x40]  }
0x3bc: {  	v60 =	vld [tilespmem:s14+$0xFFFFFFD0]  }
0x3bd: {  	v13 =	vld [tilespmem:s14+$0x10]  }
0x3be: {  	v61 =	vld [tilespmem:s14+$0xFFFFFFE0]  }
0x3bf: {  	v62 =	vld [tilespmem:s14+$0x60];
	v0 =	vadd.f32 v1, v0  }
0x3c0: {  	v1 =	vld [tilespmem:s15+$0xFFFFFF40]  }
0x3c1: {  	[tilespmem:s14+$0xC0] =	vst v0;
	v0 =	vld [tilespmem:s14+$0xD0]  }
0x3c2: {  	v5 =	vld [tilespmem:s15+$0xD0]  }
0x3c3: {  	v63 =	vld [tilespmem:s14+$0xFFFFFF30];
	v4 =	vadd.f32 v6, v4  }
0x3c4: {  	v6 =	vld [tilespmem:s15+$0x80]  }
0x3c5: {  	[tilespmem:s14+$0xFFFFFF80] =	vst v4;
	v4 =	vadd.f32 v10, v9;
	v10 =	vld [tilespmem:s14+$0xFFFFFF50];
	v1 =	vadd.f32 v1, v3  }
0x3c6: {  	v3 =	vld [tilespmem:s14+$0x80]  }
0x3c7: {  	[tilespmem:s14+$0xFFFFFF40] =	vst v1;
	v0 =	vadd.f32 v5, v0;
	v5 =	vld [tilespmem:s14+$0x40]  }
0x3c8: {  	v1 =	vadd.f32 v8, v7;
	v8 =	vld [tilespmem:s15+$0xFFFFFF50]  }
0x3c9: {  	[tilespmem:s14+$0xD0] =	vst v0;
	v0 =	vld [tilespmem:s14+$0xE0]  }
0x3ca: {  	[tilespmem:s14+$0x0] =	vst v4;
	v12 =	vld [tilespmem:s15+$0xE0]  }
0x3cb: {  	v9 =	vld [tilespmem:s15+$0x10]  }
0x3cc: {  	v7 =	vld [tilespmem:s14+$0xFFFFFF00]  }
0x3cd: {  	[tilespmem:s14+$0xFFFFFFC0] =	vst v1;
	v1 =	vld [tilespmem:s15+$0xFFFFFF90]  }
0x3ce: {  	v4 =	vld [tilespmem:s15+$0xFFFFFFD0];
	v8 =	vadd.f32 v8, v10  }
0x3cf: {  	v5 =	vadd.f32 v11, v5;
	v11 =	vld [tilespmem:s14+$0xFFFFFF90];
	v0 =	vadd.f32 v12, v0  }
0x3d0: {  	v10 =	vld [tilespmem:s14+$0x90];
	[tilespmem:s14+$0xFFFFFF50] =	vst v8  }
0x3d1: {  	v8 =	vld [tilespmem:s15+$0xFFFFFF60];
	[tilespmem:s14+$0xE0] =	vst v0;
	v0 =	vadd.f32 v2, v7  }
0x3d2: {  	[tilespmem:s14+$0x40] =	vst v5;
	v7 =	vld [tilespmem:s14+$0xF0];
	v2 =	vadd.f32 v6, v3  }
0x3d3: {  	v5 =	vld [tilespmem:s15+$0xF0];
	[tilespmem:s14+$0xFFFFFF00] =	vst v0  }
0x3d4: {  	v1 =	vadd.f32 v1, v11;
	[tilespmem:s14+$0x80] =	vst v2;
	v2 =	vld [tilespmem:s14+$0xFFFFFF10]  }
0x3d5: {  	v3 =	vld [tilespmem:s15+$0xFFFFFF10]  }
0x3d6: {  	[tilespmem:s14+$0xFFFFFF90] =	vst v1;
	v1 =	vadd.f32 v9, v13;
	v6 =	vld [tilespmem:s15+$0x90]  }
0x3d7: {  	v4 =	vadd.f32 v4, v60;
	v0 =	vld [tilespmem:s15+$0x50]  }
0x3d8: {  	v9 =	vld [tilespmem:s15+$0xFFFFFFA0];
	[tilespmem:s14+$0x10] =	vst v1  }
0x3d9: {  	[tilespmem:s14+$0xFFFFFFD0] =	vst v4;
	v4 =	vld [tilespmem:s15+$0x20]  }
0x3da: {  	v2 =	vadd.f32 v3, v2;
	v3 =	vld [tilespmem:s14+$0x50]  }
0x3db: {  	v1 =	vadd.f32 v6, v10;
	v10 =	vld [tilespmem:s14+$0xFFFFFFA0]  }
0x3dc: {  	[tilespmem:s14+$0xFFFFFF10] =	vst v2;
	v2 =	vld [tilespmem:s14+$0xFFFFFF20]  }
0x3dd: {  	v11 =	vld [tilespmem:s15+$0xFFFFFF20]  }
0x3de: {  	v5 =	vadd.f32 v5, v7;
	[tilespmem:s14+$0x90] =	vst v1;
	v1 =	vld [tilespmem:s14+$0xFFFFFF60]  }
0x3df: {  	v7 =	vld [tilespmem:s14+$0x30]  }
0x3e0: {  	[tilespmem:s14+$0xF0] =	vst v5;
	v5 =	vld [tilespmem:s14+$0x70]  }
0x3e1: {  	v6 =	vld [tilespmem:s15+$0xA0]  }
0x3e2: {  	v0 =	vadd.f32 v0, v3;
	v3 =	vld [tilespmem:s15+$0xFFFFFFE0];
	v2 =	vadd.f32 v11, v2  }
0x3e3: {  	v1 =	vadd.f32 v8, v1;
	v8 =	vadd.f32 v9, v10;
	v9 =	vld [tilespmem:s14+$0xFFFFFFB0]  }
0x3e4: {  	[tilespmem:s14+$0xFFFFFF20] =	vst v2;
	v2 =	vld [tilespmem:s14+$0xA0]  }
0x3e5: {  	[tilespmem:s14+$0x50] =	vst v0;
	v11 =	vld [tilespmem:s14+$0x20]  }
0x3e6: {  	v0 =	vld [tilespmem:s15+$0x60];
	[tilespmem:s14+$0xFFFFFF60] =	vst v1  }
0x3e7: {  	[tilespmem:s14+$0xFFFFFFA0] =	vst v8;
	v8 =	vld [tilespmem:s14+$0xFFFFFFF0]  }
0x3e8: {  	v1 =	vadd.f32 v3, v61;
	v14 =	vld [tilespmem:s15+$0xFFFFFF70]  }
0x3e9: {  	v10 =	vld [tilespmem:s15+$0xFFFFFF30];
	v6 =	vadd.f32 v6, v2  }
0x3ea: {  	[tilespmem:s14+$0xFFFFFFE0] =	vst v1;
	v3 =	vadd.f32 v4, v11;
	v4 =	vld [tilespmem:s15+$0xFFFFFFB0]  }
0x3eb: {  	v0 =	vadd.f32 v0, v62;
	[tilespmem:s14+$0xA0] =	vst v6;
	v6 =	vld [tilespmem:s14+$0xFFFFFF70]  }
0x3ec: {  	v1 =	vld [tilespmem:s15+$0xFFFFFFF0];
	[tilespmem:s14+$0x20] =	vst v3  }
0x3ed: {  	[tilespmem:s14+$0x60] =	vst v0;
	v2 =	vld [tilespmem:s15+$0x30]  }
0x3ee: {  	v3 =	vld [tilespmem:s15+$0x70];
	v10 =	vadd.f32 v10, v63  }
0x3ef: {  	v0 =	vld [tilespmem:s15+$0xB0]  }
0x3f0: {  	s7 =	simm.s32 $0xB300;
	s16 =	simm.s32 $0x0;
	[tilespmem:s14+$0xFFFFFF30] =	vst v10;
	v10 =	vadd.f32 v14, v6;
	v6 =	vld [tilespmem:s14+$0xB0]  }
.LBB2_15:
0x3f1: {  	v11 =	vld [tilespmem:s7+$0xC0];
	v4 =	vadd.f32 v4, v9;
	s15 =	sadd.s32 $0x200, s15  }
0x3f2: {  	s16 =	sadd.s32 $0x8, s16;
	v9 =	vld [tilespmem:s15+$0xC0];
	[tilespmem:s14+$0xFFFFFF70] =	vst v10;
	v1 =	vadd.f32 v1, v8  }
0x3f3: {  	p0 =	slt.u32 s16, $0xC0;
	v8 =	vld [tilespmem:s15+$0xFFFFFF00];
	[tilespmem:s14+$0xFFFFFFB0] =	vst v4;
	v2 =	vadd.f32 v2, v7  }
0x3f4: {  	v4 =	vld [tilespmem:s7+$0xFFFFFF40];
	[tilespmem:s14+$0xFFFFFFF0] =	vst v1;
	v1 =	vadd.f32 v3, v5  }
0x3f5: {  	v3 =	vld [tilespmem:s15+$0xFFFFFF40];
	[tilespmem:s14+$0x30] =	vst v2;
	v0 =	vadd.f32 v0, v6  }
0x3f6: {  	v2 =	vld [tilespmem:s7+$0xFFFFFF80];
	[tilespmem:s14+$0x70] =	vst v1  }
0x3f7: {  	v1 =	vld [tilespmem:s15+$0xFFFFFF80];
	v5 =	vadd.f32 v9, v11;
	[tilespmem:s14+$0xB0] =	vst v0;
	s14 =	smov.u32 s7  }
0x3f8: {  	v0 =	vld [tilespmem:s7+$0xFFFFFFC0]  }
0x3f9: {  	[tilespmem:s7+$0xC0] =	vst v5;
	v5 =	vld [tilespmem:s7+$0xD0]  }
0x3fa: {  	v3 =	vadd.f32 v3, v4;
	v4 =	vld [tilespmem:s15+$0xD0]  }
0x3fb: {  	v6 =	vld [tilespmem:s15+$0xFFFFFFC0]  }
0x3fc: {  	[tilespmem:s7+$0xFFFFFF40] =	vst v3;
	v1 =	vadd.f32 v1, v2;
	v2 =	vld [tilespmem:s7+$0x0]  }
0x3fd: {  	v3 =	vld [tilespmem:s15+$0x0]  }
0x3fe: {  	[tilespmem:s7+$0xFFFFFF80] =	vst v1;
	v1 =	vld [tilespmem:s7+$0x40]  }
0x3ff: {  	v7 =	vld [tilespmem:s15+$0x40];
	v4 =	vadd.f32 v4, v5  }
0x400: {  	v0 =	vadd.f32 v6, v0;
	v5 =	vld [tilespmem:s7+$0x80]  }
0x401: {  	[tilespmem:s7+$0xD0] =	vst v4;
	v4 =	vld [tilespmem:s7+$0xE0]  }
0x402: {  	[tilespmem:s7+$0xFFFFFFC0] =	vst v0;
	v0 =	vadd.f32 v3, v2;
	v2 =	vld [tilespmem:s15+$0xE0]  }
0x403: {  	v3 =	vld [tilespmem:s15+$0x80]  }
0x404: {  	v6 =	vld [tilespmem:s7+$0xFFFFFF00];
	[tilespmem:s7+$0x0] =	vst v0;
	v0 =	vadd.f32 v7, v1  }
0x405: {  	v1 =	vld [tilespmem:s15+$0xFFFFFF50]  }
0x406: {  	v7 =	vld [tilespmem:s15+$0xFFFFFF90];
	[tilespmem:s7+$0x40] =	vst v0  }
0x407: {  	v0 =	vld [tilespmem:s15+$0xFFFFFFD0];
	v2 =	vadd.f32 v2, v4  }
0x408: {  	v4 =	vld [tilespmem:s15+$0x10];
	v3 =	vadd.f32 v3, v5  }
0x409: {  	v5 =	vadd.f32 v8, v6;
	[tilespmem:s7+$0xE0] =	vst v2;
	v2 =	vld [tilespmem:s7+$0xF0]  }
0x40a: {  	[tilespmem:s7+$0x80] =	vst v3;
	v3 =	vld [tilespmem:s15+$0xF0]  }
0x40b: {  	[tilespmem:s7+$0xFFFFFF00] =	vst v5;
	v5 =	vld [tilespmem:s15+$0x50]  }
0x40c: {  	v6 =	vld [tilespmem:s15+$0xFFFFFF10]  }
0x40d: {  	v8 =	vld [tilespmem:s15+$0x90]  }
0x40e: {  	v9 =	vld [tilespmem:s7+$0xFFFFFF10]  }
0x40f: {  	v10 =	vld [tilespmem:s7+$0xFFFFFF50];
	v2 =	vadd.f32 v3, v2  }
0x410: {  	v3 =	vld [tilespmem:s7+$0xFFFFFF90]  }
0x411: {  	v11 =	vld [tilespmem:s7+$0xFFFFFFD0];
	[tilespmem:s7+$0xF0] =	vst v2  }
0x412: {  	v2 =	vld [tilespmem:s7+$0x10]  }
0x413: {  	v6 =	vadd.f32 v6, v9;
	v9 =	vld [tilespmem:s7+$0x50]  }
0x414: {  	v1 =	vadd.f32 v1, v10;
	v10 =	vld [tilespmem:s7+$0x90]  }
0x415: {  	[tilespmem:s7+$0xFFFFFF10] =	vst v6;
	v6 =	vld [tilespmem:s7+$0xFFFFFF20];
	v3 =	vadd.f32 v7, v3  }
0x416: {  	v7 =	vld [tilespmem:s15+$0xFFFFFF20];
	[tilespmem:s7+$0xFFFFFF50] =	vst v1;
	v0 =	vadd.f32 v0, v11  }
0x417: {  	v1 =	vld [tilespmem:s15+$0xFFFFFF60];
	[tilespmem:s7+$0xFFFFFF90] =	vst v3;
	v2 =	vadd.f32 v4, v2  }
0x418: {  	v3 =	vld [tilespmem:s15+$0xFFFFFFA0];
	[tilespmem:s7+$0xFFFFFFD0] =	vst v0;
	v0 =	vadd.f32 v5, v9  }
0x419: {  	v4 =	vld [tilespmem:s15+$0xFFFFFFE0];
	[tilespmem:s7+$0x10] =	vst v2;
	v2 =	vadd.f32 v8, v10  }
0x41a: {  	v5 =	vld [tilespmem:s15+$0x20];
	[tilespmem:s7+$0x50] =	vst v0  }
0x41b: {  	v0 =	vadd.f32 v7, v6;
	v6 =	vld [tilespmem:s15+$0x60];
	[tilespmem:s7+$0x90] =	vst v2  }
0x41c: {  	v2 =	vld [tilespmem:s15+$0xA0]  }
0x41d: {  	[tilespmem:s7+$0xFFFFFF20] =	vst v0;
	v0 =	vld [tilespmem:s7+$0xFFFFFF60]  }
0x41e: {  	v7 =	vld [tilespmem:s7+$0xFFFFFFA0]  }
0x41f: {  	v8 =	vld [tilespmem:s7+$0xFFFFFFE0]  }
0x420: {  	v9 =	vld [tilespmem:s7+$0x20]  }
0x421: {  	v10 =	vld [tilespmem:s7+$0x60]  }
0x422: {  	v0 =	vadd.f32 v1, v0;
	v11 =	vld [tilespmem:s7+$0xA0]  }
0x423: {  	v12 =	vld [tilespmem:s15+$0xFFFFFF30];
	v1 =	vadd.f32 v3, v7  }
0x424: {  	v3 =	vld [tilespmem:s7+$0xFFFFFF30];
	[tilespmem:s7+$0xFFFFFF60] =	vst v0;
	v0 =	vadd.f32 v4, v8  }
0x425: {  	v13 =	vld [tilespmem:s15+$0xFFFFFF70];
	[tilespmem:s7+$0xFFFFFFA0] =	vst v1;
	v5 =	vadd.f32 v5, v9  }
0x426: {  	v4 =	vld [tilespmem:s15+$0xFFFFFFB0];
	[tilespmem:s7+$0xFFFFFFE0] =	vst v0;
	v0 =	vadd.f32 v6, v10  }
0x427: {  	v1 =	vld [tilespmem:s15+$0xFFFFFFF0];
	[tilespmem:s7+$0x20] =	vst v5;
	v5 =	vadd.f32 v2, v11  }
0x428: {  	v2 =	vld [tilespmem:s15+$0x30];
	[tilespmem:s7+$0x60] =	vst v0  }
0x429: {  	v6 =	vadd.f32 v12, v3;
	v3 =	vld [tilespmem:s15+$0x70];
	[tilespmem:s7+$0xA0] =	vst v5  }
0x42a: {  	v0 =	vld [tilespmem:s15+$0xB0]  }
0x42b: {  	[tilespmem:s7+$0xFFFFFF30] =	vst v6;
	v6 =	vld [tilespmem:s7+$0xFFFFFF70]  }
.Ltmp6:
0x42c: {  	v9 =	vld [tilespmem:s7+$0xFFFFFFB0];
	(pc) =	sbr.rel @p0 .LBB2_15-.Ltmp6, $4  }
0x42d: {  	v8 =	vld [tilespmem:s7+$0xFFFFFFF0]  }
0x42e: {  	v7 =	vld [tilespmem:s7+$0x30]  }
0x42f: {  	v5 =	vld [tilespmem:s7+$0x70]  }
0x430: {  	s7 =	sadd.s32 $0x200, s7;
	v10 =	vadd.f32 v13, v6;
	v6 =	vld [tilespmem:s14+$0xB0]  }
0x431: {  	v4 =	vadd.f32 v4, v9  }
0x432: {  	[tilespmem:s14+$0xFFFFFF70] =	vst v10;
	v1 =	vadd.f32 v1, v8  }
0x433: {  	[tilespmem:s14+$0xFFFFFFB0] =	vst v4;
	v2 =	vadd.f32 v2, v7  }
0x434: {  	[tilespmem:s14+$0xFFFFFFF0] =	vst v1;
	v1 =	vadd.f32 v3, v5  }
0x435: {  	[tilespmem:s14+$0x30] =	vst v2;
	v0 =	vadd.f32 v0, v6  }
0x436: {  	[tilespmem:s14+$0x70] =	vst v1  }
0x437: {  	s7 =	sadd.s32 $0xC80, s13;
	[tilespmem:s14+$0xB0] =	vst v0  }
0x438: {  	[hbm4b:s7+s3] =	stream.linear.scatter [tilespmem:s29], [sflag:$0x7], $0x3200, $0x38;
	[tilespmem:$0x11400] =	vst v63  }
0x439: {  	_ =	swait.ge [sflag:s30], $0x3200  }
0x43a: {  	[sflag:s30] =	ssyncset.done $0x0  }
0x43b: {  	s15 =	sadd.s32 $0x4E0, s12;
	[sflag:s30] =	ssyncadd.s32 $0xFFFFCE00  }
0x43c: {  	[tilespmem:s29], [sflag:$0x3] =	stream.indirect.gather [hbm4b:s5+s19], $0x40, s15, s19, $0xb8;
	[tilespmem:$0x11400] =	vst v63  }
0x43d: {  	s16 =	sadd.s32 $0x548, s12  }
0x43e: {  	[tilespmem:s31], [sflag:$0x3] =	stream.indirect.gather [hbm4b:s5+s19], $0x40, s16, s19, $0xb8;
	[tilespmem:$0x11400] =	vst v63  }
0x43f: {  	_ =	swait.ge [sflag:s6], $0x1900  }
0x440: {  	[sflag:s6] =	ssyncset.done $0x0  }
0x441: {  	[sflag:s6] =	ssyncadd.s32 $0xFFFFE700  }
0x442: {  	_ =	swait.ge [sflag:s6], $0x1900  }
0x443: {  	[sflag:s6] =	ssyncset.done $0x0  }
0x444: {  	s12 =	simm.s32 $0xE300;
	[sflag:s6] =	ssyncadd.s32 $0xFFFFE700  }
0x445: {  	s13 =	simm.s32 $0x1B00;
	v0 =	vld [tilespmem:s12+$0xC0]  }
0x446: {  	v1 =	vld [tilespmem:s13+$0xC0]  }
0x447: {  	v2 =	vld [tilespmem:s13+$0xFFFFFF00]  }
0x448: {  	v3 =	vld [tilespmem:s12+$0xFFFFFF40]  }
0x449: {  	v4 =	vld [tilespmem:s12+$0xFFFFFF80]  }
0x44a: {  	v6 =	vld [tilespmem:s13+$0xFFFFFF80]  }
0x44b: {  	v7 =	vld [tilespmem:s12+$0xFFFFFFC0]  }
0x44c: {  	v8 =	vld [tilespmem:s13+$0xFFFFFFC0]  }
0x44d: {  	v9 =	vld [tilespmem:s12+$0x0]  }
0x44e: {  	v10 =	vld [tilespmem:s13+$0x0]  }
0x44f: {  	v11 =	vld [tilespmem:s13+$0x40]  }
0x450: {  	v60 =	vld [tilespmem:s12+$0xFFFFFFD0]  }
0x451: {  	v13 =	vld [tilespmem:s12+$0x10]  }
0x452: {  	v61 =	vld [tilespmem:s12+$0xFFFFFFE0]  }
0x453: {  	v62 =	vld [tilespmem:s12+$0x60];
	v0 =	vadd.f32 v1, v0  }
0x454: {  	v1 =	vld [tilespmem:s13+$0xFFFFFF40]  }
0x455: {  	[tilespmem:s12+$0xC0] =	vst v0;
	v0 =	vld [tilespmem:s12+$0xD0]  }
0x456: {  	v5 =	vld [tilespmem:s13+$0xD0]  }
0x457: {  	v63 =	vld [tilespmem:s12+$0xFFFFFF30];
	v4 =	vadd.f32 v6, v4  }
0x458: {  	v6 =	vld [tilespmem:s13+$0x80]  }
0x459: {  	[tilespmem:s12+$0xFFFFFF80] =	vst v4;
	v4 =	vadd.f32 v10, v9;
	v10 =	vld [tilespmem:s12+$0xFFFFFF50];
	v1 =	vadd.f32 v1, v3  }
0x45a: {  	v3 =	vld [tilespmem:s12+$0x80]  }
0x45b: {  	[tilespmem:s12+$0xFFFFFF40] =	vst v1;
	v0 =	vadd.f32 v5, v0;
	v5 =	vld [tilespmem:s12+$0x40]  }
0x45c: {  	v1 =	vadd.f32 v8, v7;
	v8 =	vld [tilespmem:s13+$0xFFFFFF50]  }
0x45d: {  	[tilespmem:s12+$0xD0] =	vst v0;
	v0 =	vld [tilespmem:s12+$0xE0]  }
0x45e: {  	[tilespmem:s12+$0x0] =	vst v4;
	v12 =	vld [tilespmem:s13+$0xE0]  }
0x45f: {  	v9 =	vld [tilespmem:s13+$0x10]  }
0x460: {  	v7 =	vld [tilespmem:s12+$0xFFFFFF00]  }
0x461: {  	[tilespmem:s12+$0xFFFFFFC0] =	vst v1;
	v1 =	vld [tilespmem:s13+$0xFFFFFF90]  }
0x462: {  	v4 =	vld [tilespmem:s13+$0xFFFFFFD0];
	v8 =	vadd.f32 v8, v10  }
0x463: {  	v5 =	vadd.f32 v11, v5;
	v11 =	vld [tilespmem:s12+$0xFFFFFF90];
	v0 =	vadd.f32 v12, v0  }
0x464: {  	v10 =	vld [tilespmem:s12+$0x90];
	[tilespmem:s12+$0xFFFFFF50] =	vst v8  }
0x465: {  	v8 =	vld [tilespmem:s13+$0xFFFFFF60];
	[tilespmem:s12+$0xE0] =	vst v0;
	v0 =	vadd.f32 v2, v7  }
0x466: {  	[tilespmem:s12+$0x40] =	vst v5;
	v7 =	vld [tilespmem:s12+$0xF0];
	v2 =	vadd.f32 v6, v3  }
0x467: {  	v5 =	vld [tilespmem:s13+$0xF0];
	[tilespmem:s12+$0xFFFFFF00] =	vst v0  }
0x468: {  	v1 =	vadd.f32 v1, v11;
	[tilespmem:s12+$0x80] =	vst v2;
	v2 =	vld [tilespmem:s12+$0xFFFFFF10]  }
0x469: {  	v3 =	vld [tilespmem:s13+$0xFFFFFF10]  }
0x46a: {  	[tilespmem:s12+$0xFFFFFF90] =	vst v1;
	v1 =	vadd.f32 v9, v13;
	v6 =	vld [tilespmem:s13+$0x90]  }
0x46b: {  	v4 =	vadd.f32 v4, v60;
	v0 =	vld [tilespmem:s13+$0x50]  }
0x46c: {  	v9 =	vld [tilespmem:s13+$0xFFFFFFA0];
	[tilespmem:s12+$0x10] =	vst v1  }
0x46d: {  	[tilespmem:s12+$0xFFFFFFD0] =	vst v4;
	v4 =	vld [tilespmem:s13+$0x20]  }
0x46e: {  	v2 =	vadd.f32 v3, v2;
	v3 =	vld [tilespmem:s12+$0x50]  }
0x46f: {  	v1 =	vadd.f32 v6, v10;
	v10 =	vld [tilespmem:s12+$0xFFFFFFA0]  }
0x470: {  	[tilespmem:s12+$0xFFFFFF10] =	vst v2;
	v2 =	vld [tilespmem:s12+$0xFFFFFF20]  }
0x471: {  	v11 =	vld [tilespmem:s13+$0xFFFFFF20]  }
0x472: {  	v5 =	vadd.f32 v5, v7;
	[tilespmem:s12+$0x90] =	vst v1;
	v1 =	vld [tilespmem:s12+$0xFFFFFF60]  }
0x473: {  	v7 =	vld [tilespmem:s12+$0x30]  }
0x474: {  	[tilespmem:s12+$0xF0] =	vst v5;
	v5 =	vld [tilespmem:s12+$0x70]  }
0x475: {  	v6 =	vld [tilespmem:s13+$0xA0]  }
0x476: {  	v0 =	vadd.f32 v0, v3;
	v3 =	vld [tilespmem:s13+$0xFFFFFFE0];
	v2 =	vadd.f32 v11, v2  }
0x477: {  	v1 =	vadd.f32 v8, v1;
	v8 =	vadd.f32 v9, v10;
	v9 =	vld [tilespmem:s12+$0xFFFFFFB0]  }
0x478: {  	[tilespmem:s12+$0xFFFFFF20] =	vst v2;
	v2 =	vld [tilespmem:s12+$0xA0]  }
0x479: {  	[tilespmem:s12+$0x50] =	vst v0;
	v11 =	vld [tilespmem:s12+$0x20]  }
0x47a: {  	v0 =	vld [tilespmem:s13+$0x60];
	[tilespmem:s12+$0xFFFFFF60] =	vst v1  }
0x47b: {  	[tilespmem:s12+$0xFFFFFFA0] =	vst v8;
	v8 =	vld [tilespmem:s12+$0xFFFFFFF0]  }
0x47c: {  	v1 =	vadd.f32 v3, v61;
	v14 =	vld [tilespmem:s13+$0xFFFFFF70]  }
0x47d: {  	v10 =	vld [tilespmem:s13+$0xFFFFFF30];
	v6 =	vadd.f32 v6, v2  }
0x47e: {  	[tilespmem:s12+$0xFFFFFFE0] =	vst v1;
	v3 =	vadd.f32 v4, v11;
	v4 =	vld [tilespmem:s13+$0xFFFFFFB0]  }
0x47f: {  	v0 =	vadd.f32 v0, v62;
	[tilespmem:s12+$0xA0] =	vst v6;
	v6 =	vld [tilespmem:s12+$0xFFFFFF70]  }
0x480: {  	v1 =	vld [tilespmem:s13+$0xFFFFFFF0];
	[tilespmem:s12+$0x20] =	vst v3  }
0x481: {  	[tilespmem:s12+$0x60] =	vst v0;
	v2 =	vld [tilespmem:s13+$0x30]  }
0x482: {  	v3 =	vld [tilespmem:s13+$0x70];
	v10 =	vadd.f32 v10, v63  }
0x483: {  	v0 =	vld [tilespmem:s13+$0xB0]  }
0x484: {  	s14 =	simm.s32 $0x0;
	s7 =	simm.s32 $0xE500;
	[tilespmem:s12+$0xFFFFFF30] =	vst v10;
	v10 =	vadd.f32 v14, v6;
	v6 =	vld [tilespmem:s12+$0xB0]  }
.LBB2_17:
0x485: {  	v11 =	vld [tilespmem:s7+$0xC0];
	v4 =	vadd.f32 v4, v9;
	s13 =	sadd.s32 $0x200, s13  }
0x486: {  	s14 =	sadd.s32 $0x8, s14;
	v9 =	vld [tilespmem:s13+$0xC0];
	[tilespmem:s12+$0xFFFFFF70] =	vst v10;
	v1 =	vadd.f32 v1, v8  }
0x487: {  	p0 =	slt.u32 s14, $0xC0;
	v8 =	vld [tilespmem:s13+$0xFFFFFF00];
	[tilespmem:s12+$0xFFFFFFB0] =	vst v4;
	v2 =	vadd.f32 v2, v7  }
0x488: {  	v4 =	vld [tilespmem:s7+$0xFFFFFF40];
	[tilespmem:s12+$0xFFFFFFF0] =	vst v1;
	v1 =	vadd.f32 v3, v5  }
0x489: {  	v3 =	vld [tilespmem:s13+$0xFFFFFF40];
	[tilespmem:s12+$0x30] =	vst v2;
	v0 =	vadd.f32 v0, v6  }
0x48a: {  	v2 =	vld [tilespmem:s7+$0xFFFFFF80];
	[tilespmem:s12+$0x70] =	vst v1  }
0x48b: {  	v1 =	vld [tilespmem:s13+$0xFFFFFF80];
	v5 =	vadd.f32 v9, v11;
	[tilespmem:s12+$0xB0] =	vst v0;
	s12 =	smov.u32 s7  }
0x48c: {  	v0 =	vld [tilespmem:s7+$0xFFFFFFC0]  }
0x48d: {  	[tilespmem:s7+$0xC0] =	vst v5;
	v5 =	vld [tilespmem:s7+$0xD0]  }
0x48e: {  	v3 =	vadd.f32 v3, v4;
	v4 =	vld [tilespmem:s13+$0xD0]  }
0x48f: {  	v6 =	vld [tilespmem:s13+$0xFFFFFFC0]  }
0x490: {  	[tilespmem:s7+$0xFFFFFF40] =	vst v3;
	v1 =	vadd.f32 v1, v2;
	v2 =	vld [tilespmem:s7+$0x0]  }
0x491: {  	v3 =	vld [tilespmem:s13+$0x0]  }
0x492: {  	[tilespmem:s7+$0xFFFFFF80] =	vst v1;
	v1 =	vld [tilespmem:s7+$0x40]  }
0x493: {  	v7 =	vld [tilespmem:s13+$0x40];
	v4 =	vadd.f32 v4, v5  }
0x494: {  	v0 =	vadd.f32 v6, v0;
	v5 =	vld [tilespmem:s7+$0x80]  }
0x495: {  	[tilespmem:s7+$0xD0] =	vst v4;
	v4 =	vld [tilespmem:s7+$0xE0]  }
0x496: {  	[tilespmem:s7+$0xFFFFFFC0] =	vst v0;
	v0 =	vadd.f32 v3, v2;
	v2 =	vld [tilespmem:s13+$0xE0]  }
0x497: {  	v3 =	vld [tilespmem:s13+$0x80]  }
0x498: {  	v6 =	vld [tilespmem:s7+$0xFFFFFF00];
	[tilespmem:s7+$0x0] =	vst v0;
	v0 =	vadd.f32 v7, v1  }
0x499: {  	v1 =	vld [tilespmem:s13+$0xFFFFFF50]  }
0x49a: {  	v7 =	vld [tilespmem:s13+$0xFFFFFF90];
	[tilespmem:s7+$0x40] =	vst v0  }
0x49b: {  	v0 =	vld [tilespmem:s13+$0xFFFFFFD0];
	v2 =	vadd.f32 v2, v4  }
0x49c: {  	v4 =	vld [tilespmem:s13+$0x10];
	v3 =	vadd.f32 v3, v5  }
0x49d: {  	v5 =	vadd.f32 v8, v6;
	[tilespmem:s7+$0xE0] =	vst v2;
	v2 =	vld [tilespmem:s7+$0xF0]  }
0x49e: {  	[tilespmem:s7+$0x80] =	vst v3;
	v3 =	vld [tilespmem:s13+$0xF0]  }
0x49f: {  	[tilespmem:s7+$0xFFFFFF00] =	vst v5;
	v5 =	vld [tilespmem:s13+$0x50]  }
0x4a0: {  	v6 =	vld [tilespmem:s13+$0xFFFFFF10]  }
0x4a1: {  	v8 =	vld [tilespmem:s13+$0x90]  }
0x4a2: {  	v9 =	vld [tilespmem:s7+$0xFFFFFF10]  }
0x4a3: {  	v10 =	vld [tilespmem:s7+$0xFFFFFF50];
	v2 =	vadd.f32 v3, v2  }
0x4a4: {  	v3 =	vld [tilespmem:s7+$0xFFFFFF90]  }
0x4a5: {  	v11 =	vld [tilespmem:s7+$0xFFFFFFD0];
	[tilespmem:s7+$0xF0] =	vst v2  }
0x4a6: {  	v2 =	vld [tilespmem:s7+$0x10]  }
0x4a7: {  	v6 =	vadd.f32 v6, v9;
	v9 =	vld [tilespmem:s7+$0x50]  }
0x4a8: {  	v1 =	vadd.f32 v1, v10;
	v10 =	vld [tilespmem:s7+$0x90]  }
0x4a9: {  	[tilespmem:s7+$0xFFFFFF10] =	vst v6;
	v6 =	vld [tilespmem:s7+$0xFFFFFF20];
	v3 =	vadd.f32 v7, v3  }
0x4aa: {  	v7 =	vld [tilespmem:s13+$0xFFFFFF20];
	[tilespmem:s7+$0xFFFFFF50] =	vst v1;
	v0 =	vadd.f32 v0, v11  }
0x4ab: {  	v1 =	vld [tilespmem:s13+$0xFFFFFF60];
	[tilespmem:s7+$0xFFFFFF90] =	vst v3;
	v2 =	vadd.f32 v4, v2  }
0x4ac: {  	v3 =	vld [tilespmem:s13+$0xFFFFFFA0];
	[tilespmem:s7+$0xFFFFFFD0] =	vst v0;
	v0 =	vadd.f32 v5, v9  }
0x4ad: {  	v4 =	vld [tilespmem:s13+$0xFFFFFFE0];
	[tilespmem:s7+$0x10] =	vst v2;
	v2 =	vadd.f32 v8, v10  }
0x4ae: {  	v5 =	vld [tilespmem:s13+$0x20];
	[tilespmem:s7+$0x50] =	vst v0  }
0x4af: {  	v0 =	vadd.f32 v7, v6;
	v6 =	vld [tilespmem:s13+$0x60];
	[tilespmem:s7+$0x90] =	vst v2  }
0x4b0: {  	v2 =	vld [tilespmem:s13+$0xA0]  }
0x4b1: {  	[tilespmem:s7+$0xFFFFFF20] =	vst v0;
	v0 =	vld [tilespmem:s7+$0xFFFFFF60]  }
0x4b2: {  	v7 =	vld [tilespmem:s7+$0xFFFFFFA0]  }
0x4b3: {  	v8 =	vld [tilespmem:s7+$0xFFFFFFE0]  }
0x4b4: {  	v9 =	vld [tilespmem:s7+$0x20]  }
0x4b5: {  	v10 =	vld [tilespmem:s7+$0x60]  }
0x4b6: {  	v0 =	vadd.f32 v1, v0;
	v11 =	vld [tilespmem:s7+$0xA0]  }
0x4b7: {  	v12 =	vld [tilespmem:s13+$0xFFFFFF30];
	v1 =	vadd.f32 v3, v7  }
0x4b8: {  	v3 =	vld [tilespmem:s7+$0xFFFFFF30];
	[tilespmem:s7+$0xFFFFFF60] =	vst v0;
	v0 =	vadd.f32 v4, v8  }
0x4b9: {  	v13 =	vld [tilespmem:s13+$0xFFFFFF70];
	[tilespmem:s7+$0xFFFFFFA0] =	vst v1;
	v5 =	vadd.f32 v5, v9  }
0x4ba: {  	v4 =	vld [tilespmem:s13+$0xFFFFFFB0];
	[tilespmem:s7+$0xFFFFFFE0] =	vst v0;
	v0 =	vadd.f32 v6, v10  }
0x4bb: {  	v1 =	vld [tilespmem:s13+$0xFFFFFFF0];
	[tilespmem:s7+$0x20] =	vst v5;
	v5 =	vadd.f32 v2, v11  }
0x4bc: {  	v2 =	vld [tilespmem:s13+$0x30];
	[tilespmem:s7+$0x60] =	vst v0  }
0x4bd: {  	v6 =	vadd.f32 v12, v3;
	v3 =	vld [tilespmem:s13+$0x70];
	[tilespmem:s7+$0xA0] =	vst v5  }
0x4be: {  	v0 =	vld [tilespmem:s13+$0xB0]  }
0x4bf: {  	[tilespmem:s7+$0xFFFFFF30] =	vst v6;
	v6 =	vld [tilespmem:s7+$0xFFFFFF70]  }
.Ltmp7:
0x4c0: {  	v9 =	vld [tilespmem:s7+$0xFFFFFFB0];
	(pc) =	sbr.rel @p0 .LBB2_17-.Ltmp7, $4  }
0x4c1: {  	v8 =	vld [tilespmem:s7+$0xFFFFFFF0]  }
0x4c2: {  	v7 =	vld [tilespmem:s7+$0x30]  }
0x4c3: {  	v5 =	vld [tilespmem:s7+$0x70]  }
0x4c4: {  	s7 =	sadd.s32 $0x200, s7;
	v10 =	vadd.f32 v13, v6;
	v6 =	vld [tilespmem:s12+$0xB0]  }
0x4c5: {  	v4 =	vadd.f32 v4, v9  }
0x4c6: {  	s10 =	sadd.s32 $0x1, s10;
	[tilespmem:s12+$0xFFFFFF70] =	vst v10;
	v1 =	vadd.f32 v1, v8  }
0x4c7: {  	p0 =	sne.s32 s10, $0x7;
	[tilespmem:s12+$0xFFFFFFB0] =	vst v4;
	v2 =	vadd.f32 v2, v7  }
.Ltmp8:
0x4c8: {  	s7 =	sadd.s32 s4, s11;
	[tilespmem:s12+$0xFFFFFFF0] =	vst v1;
	v63 =	vadd.f32 v3, v5;
	(pc) =	sbr.rel @p0 .LBB2_10-.Ltmp8, $4  }
0x4c9: {  	s7 =	smul.u32 $0x640, s7;
	[tilespmem:s12+$0x30] =	vst v2;
	v0 =	vadd.f32 v0, v6  }
0x4ca: {  	[tilespmem:s12+$0x70] =	vst v63  }
0x4cb: {  	s7 =	sadd.s32 s2, s7;
	[tilespmem:s12+$0xB0] =	vst v0  }
0x4cc: {  	[hbm4b:s7+s3] =	stream.linear.scatter [tilespmem:s0], [sflag:$0x8], $0x3200, $0x38;
	[tilespmem:$0x11400] =	vst v63  }
0x4cd: {  	_ =	swait.ge [sflag:s8], $0x3200  }
0x4ce: {  	[sflag:s8] =	ssyncset.done $0x0  }
0x4cf: {  	s7 =	simm.s32 $0x1930;
	[sflag:s8] =	ssyncadd.s32 $0xFFFFCE00  }
0x4d0: {  	[tilespmem:s0], [sflag:$0x4] =	stream.indirect.gather [hbm4b:s5+s19], $0x40, s7, s19, $0xb8;
	[tilespmem:$0x11400] =	vst v63  }
0x4d1: {  	s16 =	simm.s32 $0x1998  }
0x4d2: {  	[tilespmem:s21], [sflag:$0x4] =	stream.indirect.gather [hbm4b:s5+s19], $0x40, s16, s19, $0xb8;
	[tilespmem:$0x11400] =	vst v63  }
0x4d3: {  	_ =	swait.ge [sflag:s23], $0x1900  }
0x4d4: {  	[sflag:s23] =	ssyncset.done $0x0  }
0x4d5: {  	[sflag:s23] =	ssyncadd.s32 $0xFFFFE700  }
0x4d6: {  	_ =	swait.ge [sflag:s23], $0x1900  }
0x4d7: {  	[sflag:s23] =	ssyncset.done $0x0  }
0x4d8: {  	s10 =	simm.s32 $0x4D00;
	[sflag:s23] =	ssyncadd.s32 $0xFFFFE700  }
0x4d9: {  	s11 =	simm.s32 $0x1B00;
	v0 =	vld [tilespmem:s10+$0xC0]  }
0x4da: {  	v1 =	vld [tilespmem:s11+$0xC0]  }
0x4db: {  	v2 =	vld [tilespmem:s11+$0xFFFFFF00]  }
0x4dc: {  	v3 =	vld [tilespmem:s10+$0xFFFFFF40]  }
0x4dd: {  	v4 =	vld [tilespmem:s10+$0xFFFFFF80]  }
0x4de: {  	v6 =	vld [tilespmem:s11+$0xFFFFFF80]  }
0x4df: {  	v7 =	vld [tilespmem:s10+$0xFFFFFFC0]  }
0x4e0: {  	v8 =	vld [tilespmem:s11+$0xFFFFFFC0]  }
0x4e1: {  	v9 =	vld [tilespmem:s10+$0x0]  }
0x4e2: {  	v10 =	vld [tilespmem:s11+$0x0]  }
0x4e3: {  	v11 =	vld [tilespmem:s11+$0x40]  }
0x4e4: {  	v60 =	vld [tilespmem:s10+$0xFFFFFFD0]  }
0x4e5: {  	v13 =	vld [tilespmem:s10+$0x10]  }
0x4e6: {  	v61 =	vld [tilespmem:s10+$0xFFFFFFE0]  }
0x4e7: {  	v62 =	vld [tilespmem:s10+$0x60];
	v0 =	vadd.f32 v1, v0  }
0x4e8: {  	v1 =	vld [tilespmem:s11+$0xFFFFFF40]  }
0x4e9: {  	[tilespmem:s10+$0xC0] =	vst v0;
	v0 =	vld [tilespmem:s10+$0xD0]  }
0x4ea: {  	v5 =	vld [tilespmem:s11+$0xD0]  }
0x4eb: {  	v63 =	vld [tilespmem:s10+$0xFFFFFF30];
	v4 =	vadd.f32 v6, v4  }
0x4ec: {  	v6 =	vld [tilespmem:s11+$0x80]  }
0x4ed: {  	[tilespmem:s10+$0xFFFFFF80] =	vst v4;
	v4 =	vadd.f32 v10, v9;
	v10 =	vld [tilespmem:s10+$0xFFFFFF50];
	v1 =	vadd.f32 v1, v3  }
0x4ee: {  	v3 =	vld [tilespmem:s10+$0x80]  }
0x4ef: {  	[tilespmem:s10+$0xFFFFFF40] =	vst v1;
	v0 =	vadd.f32 v5, v0;
	v5 =	vld [tilespmem:s10+$0x40]  }
0x4f0: {  	v1 =	vadd.f32 v8, v7;
	v8 =	vld [tilespmem:s11+$0xFFFFFF50]  }
0x4f1: {  	[tilespmem:s10+$0xD0] =	vst v0;
	v0 =	vld [tilespmem:s10+$0xE0]  }
0x4f2: {  	[tilespmem:s10+$0x0] =	vst v4;
	v12 =	vld [tilespmem:s11+$0xE0]  }
0x4f3: {  	v9 =	vld [tilespmem:s11+$0x10]  }
0x4f4: {  	v7 =	vld [tilespmem:s10+$0xFFFFFF00]  }
0x4f5: {  	[tilespmem:s10+$0xFFFFFFC0] =	vst v1;
	v1 =	vld [tilespmem:s11+$0xFFFFFF90]  }
0x4f6: {  	v4 =	vld [tilespmem:s11+$0xFFFFFFD0];
	v8 =	vadd.f32 v8, v10  }
0x4f7: {  	v5 =	vadd.f32 v11, v5;
	v11 =	vld [tilespmem:s10+$0xFFFFFF90];
	v0 =	vadd.f32 v12, v0  }
0x4f8: {  	v10 =	vld [tilespmem:s10+$0x90];
	[tilespmem:s10+$0xFFFFFF50] =	vst v8  }
0x4f9: {  	v8 =	vld [tilespmem:s11+$0xFFFFFF60];
	[tilespmem:s10+$0xE0] =	vst v0;
	v0 =	vadd.f32 v2, v7  }
0x4fa: {  	[tilespmem:s10+$0x40] =	vst v5;
	v7 =	vld [tilespmem:s10+$0xF0];
	v2 =	vadd.f32 v6, v3  }
0x4fb: {  	v5 =	vld [tilespmem:s11+$0xF0];
	[tilespmem:s10+$0xFFFFFF00] =	vst v0  }
0x4fc: {  	v1 =	vadd.f32 v1, v11;
	[tilespmem:s10+$0x80] =	vst v2;
	v2 =	vld [tilespmem:s10+$0xFFFFFF10]  }
0x4fd: {  	v3 =	vld [tilespmem:s11+$0xFFFFFF10]  }
0x4fe: {  	[tilespmem:s10+$0xFFFFFF90] =	vst v1;
	v1 =	vadd.f32 v9, v13;
	v6 =	vld [tilespmem:s11+$0x90]  }
0x4ff: {  	v4 =	vadd.f32 v4, v60;
	v0 =	vld [tilespmem:s11+$0x50]  }
0x500: {  	v9 =	vld [tilespmem:s11+$0xFFFFFFA0];
	[tilespmem:s10+$0x10] =	vst v1  }
0x501: {  	[tilespmem:s10+$0xFFFFFFD0] =	vst v4;
	v4 =	vld [tilespmem:s11+$0x20]  }
0x502: {  	v2 =	vadd.f32 v3, v2;
	v3 =	vld [tilespmem:s10+$0x50]  }
0x503: {  	v1 =	vadd.f32 v6, v10;
	v10 =	vld [tilespmem:s10+$0xFFFFFFA0]  }
0x504: {  	[tilespmem:s10+$0xFFFFFF10] =	vst v2;
	v2 =	vld [tilespmem:s10+$0xFFFFFF20]  }
0x505: {  	v11 =	vld [tilespmem:s11+$0xFFFFFF20]  }
0x506: {  	v5 =	vadd.f32 v5, v7;
	[tilespmem:s10+$0x90] =	vst v1;
	v1 =	vld [tilespmem:s10+$0xFFFFFF60]  }
0x507: {  	v7 =	vld [tilespmem:s10+$0x30]  }
0x508: {  	[tilespmem:s10+$0xF0] =	vst v5;
	v5 =	vld [tilespmem:s10+$0x70]  }
0x509: {  	v6 =	vld [tilespmem:s11+$0xA0]  }
0x50a: {  	v0 =	vadd.f32 v0, v3;
	v3 =	vld [tilespmem:s11+$0xFFFFFFE0];
	v2 =	vadd.f32 v11, v2  }
0x50b: {  	v1 =	vadd.f32 v8, v1;
	v8 =	vadd.f32 v9, v10;
	v9 =	vld [tilespmem:s10+$0xFFFFFFB0]  }
0x50c: {  	[tilespmem:s10+$0xFFFFFF20] =	vst v2;
	v2 =	vld [tilespmem:s10+$0xA0]  }
0x50d: {  	[tilespmem:s10+$0x50] =	vst v0;
	v11 =	vld [tilespmem:s10+$0x20]  }
0x50e: {  	v0 =	vld [tilespmem:s11+$0x60];
	[tilespmem:s10+$0xFFFFFF60] =	vst v1  }
0x50f: {  	[tilespmem:s10+$0xFFFFFFA0] =	vst v8;
	v8 =	vld [tilespmem:s10+$0xFFFFFFF0]  }
0x510: {  	v1 =	vadd.f32 v3, v61;
	v14 =	vld [tilespmem:s11+$0xFFFFFF70]  }
0x511: {  	v10 =	vld [tilespmem:s11+$0xFFFFFF30];
	v6 =	vadd.f32 v6, v2  }
0x512: {  	[tilespmem:s10+$0xFFFFFFE0] =	vst v1;
	v3 =	vadd.f32 v4, v11;
	v4 =	vld [tilespmem:s11+$0xFFFFFFB0]  }
0x513: {  	v0 =	vadd.f32 v0, v62;
	[tilespmem:s10+$0xA0] =	vst v6;
	v6 =	vld [tilespmem:s10+$0xFFFFFF70]  }
0x514: {  	v1 =	vld [tilespmem:s11+$0xFFFFFFF0];
	[tilespmem:s10+$0x20] =	vst v3  }
0x515: {  	[tilespmem:s10+$0x60] =	vst v0;
	v2 =	vld [tilespmem:s11+$0x30]  }
0x516: {  	v3 =	vld [tilespmem:s11+$0x70];
	v10 =	vadd.f32 v10, v63  }
0x517: {  	v0 =	vld [tilespmem:s11+$0xB0]  }
0x518: {  	s12 =	simm.s32 $0x0;
	s7 =	simm.s32 $0x4F00;
	[tilespmem:s10+$0xFFFFFF30] =	vst v10;
	v10 =	vadd.f32 v14, v6;
	v6 =	vld [tilespmem:s10+$0xB0]  }
.LBB2_20:
0x519: {  	v11 =	vld [tilespmem:s7+$0xC0];
	v4 =	vadd.f32 v4, v9;
	s11 =	sadd.s32 $0x200, s11  }
0x51a: {  	s12 =	sadd.s32 $0x8, s12;
	v9 =	vld [tilespmem:s11+$0xC0];
	[tilespmem:s10+$0xFFFFFF70] =	vst v10;
	v1 =	vadd.f32 v1, v8  }
0x51b: {  	p0 =	slt.u32 s12, $0xC0;
	v8 =	vld [tilespmem:s11+$0xFFFFFF00];
	[tilespmem:s10+$0xFFFFFFB0] =	vst v4;
	v2 =	vadd.f32 v2, v7  }
0x51c: {  	v4 =	vld [tilespmem:s7+$0xFFFFFF40];
	[tilespmem:s10+$0xFFFFFFF0] =	vst v1;
	v1 =	vadd.f32 v3, v5  }
0x51d: {  	v3 =	vld [tilespmem:s11+$0xFFFFFF40];
	[tilespmem:s10+$0x30] =	vst v2;
	v0 =	vadd.f32 v0, v6  }
0x51e: {  	v2 =	vld [tilespmem:s7+$0xFFFFFF80];
	[tilespmem:s10+$0x70] =	vst v1  }
0x51f: {  	v1 =	vld [tilespmem:s11+$0xFFFFFF80];
	v5 =	vadd.f32 v9, v11;
	[tilespmem:s10+$0xB0] =	vst v0;
	s10 =	smov.u32 s7  }
0x520: {  	v0 =	vld [tilespmem:s7+$0xFFFFFFC0]  }
0x521: {  	[tilespmem:s7+$0xC0] =	vst v5;
	v5 =	vld [tilespmem:s7+$0xD0]  }
0x522: {  	v3 =	vadd.f32 v3, v4;
	v4 =	vld [tilespmem:s11+$0xD0]  }
0x523: {  	v6 =	vld [tilespmem:s11+$0xFFFFFFC0]  }
0x524: {  	[tilespmem:s7+$0xFFFFFF40] =	vst v3;
	v1 =	vadd.f32 v1, v2;
	v2 =	vld [tilespmem:s7+$0x0]  }
0x525: {  	v3 =	vld [tilespmem:s11+$0x0]  }
0x526: {  	[tilespmem:s7+$0xFFFFFF80] =	vst v1;
	v1 =	vld [tilespmem:s7+$0x40]  }
0x527: {  	v7 =	vld [tilespmem:s11+$0x40];
	v4 =	vadd.f32 v4, v5  }
0x528: {  	v0 =	vadd.f32 v6, v0;
	v5 =	vld [tilespmem:s7+$0x80]  }
0x529: {  	[tilespmem:s7+$0xD0] =	vst v4;
	v4 =	vld [tilespmem:s7+$0xE0]  }
0x52a: {  	[tilespmem:s7+$0xFFFFFFC0] =	vst v0;
	v0 =	vadd.f32 v3, v2;
	v2 =	vld [tilespmem:s11+$0xE0]  }
0x52b: {  	v3 =	vld [tilespmem:s11+$0x80]  }
0x52c: {  	v6 =	vld [tilespmem:s7+$0xFFFFFF00];
	[tilespmem:s7+$0x0] =	vst v0;
	v0 =	vadd.f32 v7, v1  }
0x52d: {  	v1 =	vld [tilespmem:s11+$0xFFFFFF50]  }
0x52e: {  	v7 =	vld [tilespmem:s11+$0xFFFFFF90];
	[tilespmem:s7+$0x40] =	vst v0  }
0x52f: {  	v0 =	vld [tilespmem:s11+$0xFFFFFFD0];
	v2 =	vadd.f32 v2, v4  }
0x530: {  	v4 =	vld [tilespmem:s11+$0x10];
	v3 =	vadd.f32 v3, v5  }
0x531: {  	v5 =	vadd.f32 v8, v6;
	[tilespmem:s7+$0xE0] =	vst v2;
	v2 =	vld [tilespmem:s7+$0xF0]  }
0x532: {  	[tilespmem:s7+$0x80] =	vst v3;
	v3 =	vld [tilespmem:s11+$0xF0]  }
0x533: {  	[tilespmem:s7+$0xFFFFFF00] =	vst v5;
	v5 =	vld [tilespmem:s11+$0x50]  }
0x534: {  	v6 =	vld [tilespmem:s11+$0xFFFFFF10]  }
0x535: {  	v8 =	vld [tilespmem:s11+$0x90]  }
0x536: {  	v9 =	vld [tilespmem:s7+$0xFFFFFF10]  }
0x537: {  	v10 =	vld [tilespmem:s7+$0xFFFFFF50];
	v2 =	vadd.f32 v3, v2  }
0x538: {  	v3 =	vld [tilespmem:s7+$0xFFFFFF90]  }
0x539: {  	v11 =	vld [tilespmem:s7+$0xFFFFFFD0];
	[tilespmem:s7+$0xF0] =	vst v2  }
0x53a: {  	v2 =	vld [tilespmem:s7+$0x10]  }
0x53b: {  	v6 =	vadd.f32 v6, v9;
	v9 =	vld [tilespmem:s7+$0x50]  }
0x53c: {  	v1 =	vadd.f32 v1, v10;
	v10 =	vld [tilespmem:s7+$0x90]  }
0x53d: {  	[tilespmem:s7+$0xFFFFFF10] =	vst v6;
	v6 =	vld [tilespmem:s7+$0xFFFFFF20];
	v3 =	vadd.f32 v7, v3  }
0x53e: {  	v7 =	vld [tilespmem:s11+$0xFFFFFF20];
	[tilespmem:s7+$0xFFFFFF50] =	vst v1;
	v0 =	vadd.f32 v0, v11  }
0x53f: {  	v1 =	vld [tilespmem:s11+$0xFFFFFF60];
	[tilespmem:s7+$0xFFFFFF90] =	vst v3;
	v2 =	vadd.f32 v4, v2  }
0x540: {  	v3 =	vld [tilespmem:s11+$0xFFFFFFA0];
	[tilespmem:s7+$0xFFFFFFD0] =	vst v0;
	v0 =	vadd.f32 v5, v9  }
0x541: {  	v4 =	vld [tilespmem:s11+$0xFFFFFFE0];
	[tilespmem:s7+$0x10] =	vst v2;
	v2 =	vadd.f32 v8, v10  }
0x542: {  	v5 =	vld [tilespmem:s11+$0x20];
	[tilespmem:s7+$0x50] =	vst v0  }
0x543: {  	v0 =	vadd.f32 v7, v6;
	v6 =	vld [tilespmem:s11+$0x60];
	[tilespmem:s7+$0x90] =	vst v2  }
0x544: {  	v2 =	vld [tilespmem:s11+$0xA0]  }
0x545: {  	[tilespmem:s7+$0xFFFFFF20] =	vst v0;
	v0 =	vld [tilespmem:s7+$0xFFFFFF60]  }
0x546: {  	v7 =	vld [tilespmem:s7+$0xFFFFFFA0]  }
0x547: {  	v8 =	vld [tilespmem:s7+$0xFFFFFFE0]  }
0x548: {  	v9 =	vld [tilespmem:s7+$0x20]  }
0x549: {  	v10 =	vld [tilespmem:s7+$0x60]  }
0x54a: {  	v0 =	vadd.f32 v1, v0;
	v11 =	vld [tilespmem:s7+$0xA0]  }
0x54b: {  	v12 =	vld [tilespmem:s11+$0xFFFFFF30];
	v1 =	vadd.f32 v3, v7  }
0x54c: {  	v3 =	vld [tilespmem:s7+$0xFFFFFF30];
	[tilespmem:s7+$0xFFFFFF60] =	vst v0;
	v0 =	vadd.f32 v4, v8  }
0x54d: {  	v13 =	vld [tilespmem:s11+$0xFFFFFF70];
	[tilespmem:s7+$0xFFFFFFA0] =	vst v1;
	v5 =	vadd.f32 v5, v9  }
0x54e: {  	v4 =	vld [tilespmem:s11+$0xFFFFFFB0];
	[tilespmem:s7+$0xFFFFFFE0] =	vst v0;
	v0 =	vadd.f32 v6, v10  }
0x54f: {  	v1 =	vld [tilespmem:s11+$0xFFFFFFF0];
	[tilespmem:s7+$0x20] =	vst v5;
	v5 =	vadd.f32 v2, v11  }
0x550: {  	v2 =	vld [tilespmem:s11+$0x30];
	[tilespmem:s7+$0x60] =	vst v0  }
0x551: {  	v6 =	vadd.f32 v12, v3;
	v3 =	vld [tilespmem:s11+$0x70];
	[tilespmem:s7+$0xA0] =	vst v5  }
0x552: {  	v0 =	vld [tilespmem:s11+$0xB0]  }
0x553: {  	[tilespmem:s7+$0xFFFFFF30] =	vst v6;
	v6 =	vld [tilespmem:s7+$0xFFFFFF70]  }
.Ltmp9:
0x554: {  	v9 =	vld [tilespmem:s7+$0xFFFFFFB0];
	(pc) =	sbr.rel @p0 .LBB2_20-.Ltmp9, $4  }
0x555: {  	v8 =	vld [tilespmem:s7+$0xFFFFFFF0]  }
0x556: {  	v7 =	vld [tilespmem:s7+$0x30]  }
0x557: {  	v5 =	vld [tilespmem:s7+$0x70]  }
0x558: {  	s7 =	sadd.s32 $0x200, s7;
	v10 =	vadd.f32 v13, v6;
	v6 =	vld [tilespmem:s10+$0xB0]  }
0x559: {  	v4 =	vadd.f32 v4, v9  }
0x55a: {  	[tilespmem:s10+$0xFFFFFF70] =	vst v10;
	v1 =	vadd.f32 v1, v8  }
0x55b: {  	[tilespmem:s10+$0xFFFFFFB0] =	vst v4;
	v2 =	vadd.f32 v2, v7  }
0x55c: {  	[tilespmem:s10+$0xFFFFFFF0] =	vst v1;
	v1 =	vadd.f32 v3, v5  }
0x55d: {  	[tilespmem:s10+$0x30] =	vst v2;
	v0 =	vadd.f32 v0, v6  }
0x55e: {  	[tilespmem:s10+$0x70] =	vst v1  }
0x55f: {  	[tilespmem:s10+$0xB0] =	vst v0  }
0x560: {  	s7 =	rddreg [dreg:$0x9]  }
0x561: {  	[hbm4b:s7+s3] =	stream.linear.scatter [tilespmem:s20], [sflag:$0x5], $0x3200, $0x38;
	[tilespmem:$0x11400] =	vst v63  }
0x562: {  	_ =	swait.ge [sflag:s1], $0x1900  }
0x563: {  	[sflag:s1] =	ssyncset.done $0x0  }
0x564: {  	[sflag:s1] =	ssyncadd.s32 $0xFFFFE700  }
0x565: {  	_ =	swait.ge [sflag:s1], $0x1900  }
0x566: {  	[sflag:s1] =	ssyncset.done $0x0  }
0x567: {  	s10 =	simm.s32 $0x7F00;
	[sflag:s1] =	ssyncadd.s32 $0xFFFFE700  }
0x568: {  	s11 =	simm.s32 $0x1B00;
	v0 =	vld [tilespmem:s10+$0xC0]  }
0x569: {  	v1 =	vld [tilespmem:s11+$0xC0]  }
0x56a: {  	v2 =	vld [tilespmem:s11+$0xFFFFFF00]  }
0x56b: {  	v3 =	vld [tilespmem:s10+$0xFFFFFF40]  }
0x56c: {  	v4 =	vld [tilespmem:s10+$0xFFFFFF80]  }
0x56d: {  	v6 =	vld [tilespmem:s11+$0xFFFFFF80]  }
0x56e: {  	v7 =	vld [tilespmem:s10+$0xFFFFFFC0]  }
0x56f: {  	v8 =	vld [tilespmem:s11+$0xFFFFFFC0]  }
0x570: {  	v9 =	vld [tilespmem:s10+$0x0]  }
0x571: {  	v10 =	vld [tilespmem:s11+$0x0]  }
0x572: {  	v11 =	vld [tilespmem:s11+$0x40]  }
0x573: {  	v60 =	vld [tilespmem:s10+$0xFFFFFFD0]  }
0x574: {  	v13 =	vld [tilespmem:s10+$0x10]  }
0x575: {  	v61 =	vld [tilespmem:s10+$0xFFFFFFE0]  }
0x576: {  	v62 =	vld [tilespmem:s10+$0x60];
	v0 =	vadd.f32 v1, v0  }
0x577: {  	v1 =	vld [tilespmem:s11+$0xFFFFFF40]  }
0x578: {  	[tilespmem:s10+$0xC0] =	vst v0;
	v0 =	vld [tilespmem:s10+$0xD0]  }
0x579: {  	v5 =	vld [tilespmem:s11+$0xD0]  }
0x57a: {  	v63 =	vld [tilespmem:s10+$0xFFFFFF30];
	v4 =	vadd.f32 v6, v4  }
0x57b: {  	v6 =	vld [tilespmem:s11+$0x80]  }
0x57c: {  	[tilespmem:s10+$0xFFFFFF80] =	vst v4;
	v4 =	vadd.f32 v10, v9;
	v10 =	vld [tilespmem:s10+$0xFFFFFF50];
	v1 =	vadd.f32 v1, v3  }
0x57d: {  	v3 =	vld [tilespmem:s10+$0x80]  }
0x57e: {  	[tilespmem:s10+$0xFFFFFF40] =	vst v1;
	v0 =	vadd.f32 v5, v0;
	v5 =	vld [tilespmem:s10+$0x40]  }
0x57f: {  	v1 =	vadd.f32 v8, v7;
	v8 =	vld [tilespmem:s11+$0xFFFFFF50]  }
0x580: {  	[tilespmem:s10+$0xD0] =	vst v0;
	v0 =	vld [tilespmem:s10+$0xE0]  }
0x581: {  	[tilespmem:s10+$0x0] =	vst v4;
	v12 =	vld [tilespmem:s11+$0xE0]  }
0x582: {  	v9 =	vld [tilespmem:s11+$0x10]  }
0x583: {  	v7 =	vld [tilespmem:s10+$0xFFFFFF00]  }
0x584: {  	[tilespmem:s10+$0xFFFFFFC0] =	vst v1;
	v1 =	vld [tilespmem:s11+$0xFFFFFF90]  }
0x585: {  	v4 =	vld [tilespmem:s11+$0xFFFFFFD0];
	v8 =	vadd.f32 v8, v10  }
0x586: {  	v5 =	vadd.f32 v11, v5;
	v11 =	vld [tilespmem:s10+$0xFFFFFF90];
	v0 =	vadd.f32 v12, v0  }
0x587: {  	v10 =	vld [tilespmem:s10+$0x90];
	[tilespmem:s10+$0xFFFFFF50] =	vst v8  }
0x588: {  	v8 =	vld [tilespmem:s11+$0xFFFFFF60];
	[tilespmem:s10+$0xE0] =	vst v0;
	v0 =	vadd.f32 v2, v7  }
0x589: {  	[tilespmem:s10+$0x40] =	vst v5;
	v7 =	vld [tilespmem:s10+$0xF0];
	v2 =	vadd.f32 v6, v3  }
0x58a: {  	v5 =	vld [tilespmem:s11+$0xF0];
	[tilespmem:s10+$0xFFFFFF00] =	vst v0  }
0x58b: {  	v1 =	vadd.f32 v1, v11;
	[tilespmem:s10+$0x80] =	vst v2;
	v2 =	vld [tilespmem:s10+$0xFFFFFF10]  }
0x58c: {  	v3 =	vld [tilespmem:s11+$0xFFFFFF10]  }
0x58d: {  	[tilespmem:s10+$0xFFFFFF90] =	vst v1;
	v1 =	vadd.f32 v9, v13;
	v6 =	vld [tilespmem:s11+$0x90]  }
0x58e: {  	v4 =	vadd.f32 v4, v60;
	v0 =	vld [tilespmem:s11+$0x50]  }
0x58f: {  	v9 =	vld [tilespmem:s11+$0xFFFFFFA0];
	[tilespmem:s10+$0x10] =	vst v1  }
0x590: {  	[tilespmem:s10+$0xFFFFFFD0] =	vst v4;
	v4 =	vld [tilespmem:s11+$0x20]  }
0x591: {  	v2 =	vadd.f32 v3, v2;
	v3 =	vld [tilespmem:s10+$0x50]  }
0x592: {  	v1 =	vadd.f32 v6, v10;
	v10 =	vld [tilespmem:s10+$0xFFFFFFA0]  }
0x593: {  	[tilespmem:s10+$0xFFFFFF10] =	vst v2;
	v2 =	vld [tilespmem:s10+$0xFFFFFF20]  }
0x594: {  	v11 =	vld [tilespmem:s11+$0xFFFFFF20]  }
0x595: {  	v5 =	vadd.f32 v5, v7;
	[tilespmem:s10+$0x90] =	vst v1;
	v1 =	vld [tilespmem:s10+$0xFFFFFF60]  }
0x596: {  	v7 =	vld [tilespmem:s10+$0x30]  }
0x597: {  	[tilespmem:s10+$0xF0] =	vst v5;
	v5 =	vld [tilespmem:s10+$0x70]  }
0x598: {  	v6 =	vld [tilespmem:s11+$0xA0]  }
0x599: {  	v0 =	vadd.f32 v0, v3;
	v3 =	vld [tilespmem:s11+$0xFFFFFFE0];
	v2 =	vadd.f32 v11, v2  }
0x59a: {  	v1 =	vadd.f32 v8, v1;
	v8 =	vadd.f32 v9, v10;
	v9 =	vld [tilespmem:s10+$0xFFFFFFB0]  }
0x59b: {  	[tilespmem:s10+$0xFFFFFF20] =	vst v2;
	v2 =	vld [tilespmem:s10+$0xA0]  }
0x59c: {  	[tilespmem:s10+$0x50] =	vst v0;
	v11 =	vld [tilespmem:s10+$0x20]  }
0x59d: {  	v0 =	vld [tilespmem:s11+$0x60];
	[tilespmem:s10+$0xFFFFFF60] =	vst v1  }
0x59e: {  	[tilespmem:s10+$0xFFFFFFA0] =	vst v8;
	v8 =	vld [tilespmem:s10+$0xFFFFFFF0]  }
0x59f: {  	v1 =	vadd.f32 v3, v61;
	v14 =	vld [tilespmem:s11+$0xFFFFFF70]  }
0x5a0: {  	v10 =	vld [tilespmem:s11+$0xFFFFFF30];
	v6 =	vadd.f32 v6, v2  }
0x5a1: {  	[tilespmem:s10+$0xFFFFFFE0] =	vst v1;
	v3 =	vadd.f32 v4, v11;
	v4 =	vld [tilespmem:s11+$0xFFFFFFB0]  }
0x5a2: {  	v0 =	vadd.f32 v0, v62;
	[tilespmem:s10+$0xA0] =	vst v6;
	v6 =	vld [tilespmem:s10+$0xFFFFFF70]  }
0x5a3: {  	v1 =	vld [tilespmem:s11+$0xFFFFFFF0];
	[tilespmem:s10+$0x20] =	vst v3  }
0x5a4: {  	[tilespmem:s10+$0x60] =	vst v0;
	v2 =	vld [tilespmem:s11+$0x30]  }
0x5a5: {  	v3 =	vld [tilespmem:s11+$0x70];
	v10 =	vadd.f32 v10, v63  }
0x5a6: {  	v0 =	vld [tilespmem:s11+$0xB0]  }
0x5a7: {  	s12 =	simm.s32 $0x0;
	s7 =	simm.s32 $0x8100;
	[tilespmem:s10+$0xFFFFFF30] =	vst v10;
	v10 =	vadd.f32 v14, v6;
	v6 =	vld [tilespmem:s10+$0xB0]  }
.LBB2_22:
0x5a8: {  	v11 =	vld [tilespmem:s7+$0xC0];
	v4 =	vadd.f32 v4, v9;
	s11 =	sadd.s32 $0x200, s11  }
0x5a9: {  	s12 =	sadd.s32 $0x8, s12;
	v9 =	vld [tilespmem:s11+$0xC0];
	[tilespmem:s10+$0xFFFFFF70] =	vst v10;
	v1 =	vadd.f32 v1, v8  }
0x5aa: {  	p0 =	slt.u32 s12, $0xC0;
	v8 =	vld [tilespmem:s11+$0xFFFFFF00];
	[tilespmem:s10+$0xFFFFFFB0] =	vst v4;
	v2 =	vadd.f32 v2, v7  }
0x5ab: {  	v4 =	vld [tilespmem:s7+$0xFFFFFF40];
	[tilespmem:s10+$0xFFFFFFF0] =	vst v1;
	v1 =	vadd.f32 v3, v5  }
0x5ac: {  	v3 =	vld [tilespmem:s11+$0xFFFFFF40];
	[tilespmem:s10+$0x30] =	vst v2;
	v0 =	vadd.f32 v0, v6  }
0x5ad: {  	v2 =	vld [tilespmem:s7+$0xFFFFFF80];
	[tilespmem:s10+$0x70] =	vst v1  }
0x5ae: {  	v1 =	vld [tilespmem:s11+$0xFFFFFF80];
	v5 =	vadd.f32 v9, v11;
	[tilespmem:s10+$0xB0] =	vst v0;
	s10 =	smov.u32 s7  }
0x5af: {  	v0 =	vld [tilespmem:s7+$0xFFFFFFC0]  }
0x5b0: {  	[tilespmem:s7+$0xC0] =	vst v5;
	v5 =	vld [tilespmem:s7+$0xD0]  }
0x5b1: {  	v3 =	vadd.f32 v3, v4;
	v4 =	vld [tilespmem:s11+$0xD0]  }
0x5b2: {  	v6 =	vld [tilespmem:s11+$0xFFFFFFC0]  }
0x5b3: {  	[tilespmem:s7+$0xFFFFFF40] =	vst v3;
	v1 =	vadd.f32 v1, v2;
	v2 =	vld [tilespmem:s7+$0x0]  }
0x5b4: {  	v3 =	vld [tilespmem:s11+$0x0]  }
0x5b5: {  	[tilespmem:s7+$0xFFFFFF80] =	vst v1;
	v1 =	vld [tilespmem:s7+$0x40]  }
0x5b6: {  	v7 =	vld [tilespmem:s11+$0x40];
	v4 =	vadd.f32 v4, v5  }
0x5b7: {  	v0 =	vadd.f32 v6, v0;
	v5 =	vld [tilespmem:s7+$0x80]  }
0x5b8: {  	[tilespmem:s7+$0xD0] =	vst v4;
	v4 =	vld [tilespmem:s7+$0xE0]  }
0x5b9: {  	[tilespmem:s7+$0xFFFFFFC0] =	vst v0;
	v0 =	vadd.f32 v3, v2;
	v2 =	vld [tilespmem:s11+$0xE0]  }
0x5ba: {  	v3 =	vld [tilespmem:s11+$0x80]  }
0x5bb: {  	v6 =	vld [tilespmem:s7+$0xFFFFFF00];
	[tilespmem:s7+$0x0] =	vst v0;
	v0 =	vadd.f32 v7, v1  }
0x5bc: {  	v1 =	vld [tilespmem:s11+$0xFFFFFF50]  }
0x5bd: {  	v7 =	vld [tilespmem:s11+$0xFFFFFF90];
	[tilespmem:s7+$0x40] =	vst v0  }
0x5be: {  	v0 =	vld [tilespmem:s11+$0xFFFFFFD0];
	v2 =	vadd.f32 v2, v4  }
0x5bf: {  	v4 =	vld [tilespmem:s11+$0x10];
	v3 =	vadd.f32 v3, v5  }
0x5c0: {  	v5 =	vadd.f32 v8, v6;
	[tilespmem:s7+$0xE0] =	vst v2;
	v2 =	vld [tilespmem:s7+$0xF0]  }
0x5c1: {  	[tilespmem:s7+$0x80] =	vst v3;
	v3 =	vld [tilespmem:s11+$0xF0]  }
0x5c2: {  	[tilespmem:s7+$0xFFFFFF00] =	vst v5;
	v5 =	vld [tilespmem:s11+$0x50]  }
0x5c3: {  	v6 =	vld [tilespmem:s11+$0xFFFFFF10]  }
0x5c4: {  	v8 =	vld [tilespmem:s11+$0x90]  }
0x5c5: {  	v9 =	vld [tilespmem:s7+$0xFFFFFF10]  }
0x5c6: {  	v10 =	vld [tilespmem:s7+$0xFFFFFF50];
	v2 =	vadd.f32 v3, v2  }
0x5c7: {  	v3 =	vld [tilespmem:s7+$0xFFFFFF90]  }
0x5c8: {  	v11 =	vld [tilespmem:s7+$0xFFFFFFD0];
	[tilespmem:s7+$0xF0] =	vst v2  }
0x5c9: {  	v2 =	vld [tilespmem:s7+$0x10]  }
0x5ca: {  	v6 =	vadd.f32 v6, v9;
	v9 =	vld [tilespmem:s7+$0x50]  }
0x5cb: {  	v1 =	vadd.f32 v1, v10;
	v10 =	vld [tilespmem:s7+$0x90]  }
0x5cc: {  	[tilespmem:s7+$0xFFFFFF10] =	vst v6;
	v6 =	vld [tilespmem:s7+$0xFFFFFF20];
	v3 =	vadd.f32 v7, v3  }
0x5cd: {  	v7 =	vld [tilespmem:s11+$0xFFFFFF20];
	[tilespmem:s7+$0xFFFFFF50] =	vst v1;
	v0 =	vadd.f32 v0, v11  }
0x5ce: {  	v1 =	vld [tilespmem:s11+$0xFFFFFF60];
	[tilespmem:s7+$0xFFFFFF90] =	vst v3;
	v2 =	vadd.f32 v4, v2  }
0x5cf: {  	v3 =	vld [tilespmem:s11+$0xFFFFFFA0];
	[tilespmem:s7+$0xFFFFFFD0] =	vst v0;
	v0 =	vadd.f32 v5, v9  }
0x5d0: {  	v4 =	vld [tilespmem:s11+$0xFFFFFFE0];
	[tilespmem:s7+$0x10] =	vst v2;
	v2 =	vadd.f32 v8, v10  }
0x5d1: {  	v5 =	vld [tilespmem:s11+$0x20];
	[tilespmem:s7+$0x50] =	vst v0  }
0x5d2: {  	v0 =	vadd.f32 v7, v6;
	v6 =	vld [tilespmem:s11+$0x60];
	[tilespmem:s7+$0x90] =	vst v2  }
0x5d3: {  	v2 =	vld [tilespmem:s11+$0xA0]  }
0x5d4: {  	[tilespmem:s7+$0xFFFFFF20] =	vst v0;
	v0 =	vld [tilespmem:s7+$0xFFFFFF60]  }
0x5d5: {  	v7 =	vld [tilespmem:s7+$0xFFFFFFA0]  }
0x5d6: {  	v8 =	vld [tilespmem:s7+$0xFFFFFFE0]  }
0x5d7: {  	v9 =	vld [tilespmem:s7+$0x20]  }
0x5d8: {  	v10 =	vld [tilespmem:s7+$0x60]  }
0x5d9: {  	v0 =	vadd.f32 v1, v0;
	v11 =	vld [tilespmem:s7+$0xA0]  }
0x5da: {  	v12 =	vld [tilespmem:s11+$0xFFFFFF30];
	v1 =	vadd.f32 v3, v7  }
0x5db: {  	v3 =	vld [tilespmem:s7+$0xFFFFFF30];
	[tilespmem:s7+$0xFFFFFF60] =	vst v0;
	v0 =	vadd.f32 v4, v8  }
0x5dc: {  	v13 =	vld [tilespmem:s11+$0xFFFFFF70];
	[tilespmem:s7+$0xFFFFFFA0] =	vst v1;
	v5 =	vadd.f32 v5, v9  }
0x5dd: {  	v4 =	vld [tilespmem:s11+$0xFFFFFFB0];
	[tilespmem:s7+$0xFFFFFFE0] =	vst v0;
	v0 =	vadd.f32 v6, v10  }
0x5de: {  	v1 =	vld [tilespmem:s11+$0xFFFFFFF0];
	[tilespmem:s7+$0x20] =	vst v5;
	v5 =	vadd.f32 v2, v11  }
0x5df: {  	v2 =	vld [tilespmem:s11+$0x30];
	[tilespmem:s7+$0x60] =	vst v0  }
0x5e0: {  	v6 =	vadd.f32 v12, v3;
	v3 =	vld [tilespmem:s11+$0x70];
	[tilespmem:s7+$0xA0] =	vst v5  }
0x5e1: {  	v0 =	vld [tilespmem:s11+$0xB0]  }
0x5e2: {  	[tilespmem:s7+$0xFFFFFF30] =	vst v6;
	v6 =	vld [tilespmem:s7+$0xFFFFFF70]  }
.Ltmp10:
0x5e3: {  	v9 =	vld [tilespmem:s7+$0xFFFFFFB0];
	(pc) =	sbr.rel @p0 .LBB2_22-.Ltmp10, $4  }
0x5e4: {  	v8 =	vld [tilespmem:s7+$0xFFFFFFF0]  }
0x5e5: {  	v7 =	vld [tilespmem:s7+$0x30]  }
0x5e6: {  	v5 =	vld [tilespmem:s7+$0x70]  }
0x5e7: {  	s7 =	sadd.s32 $0x200, s7;
	v10 =	vadd.f32 v13, v6;
	v6 =	vld [tilespmem:s10+$0xB0]  }
0x5e8: {  	v4 =	vadd.f32 v4, v9  }
0x5e9: {  	[tilespmem:s10+$0xFFFFFF70] =	vst v10;
	v1 =	vadd.f32 v1, v8  }
0x5ea: {  	[tilespmem:s10+$0xFFFFFFB0] =	vst v4;
	v2 =	vadd.f32 v2, v7  }
0x5eb: {  	[tilespmem:s10+$0xFFFFFFF0] =	vst v1;
	v1 =	vadd.f32 v3, v5  }
0x5ec: {  	[tilespmem:s10+$0x30] =	vst v2;
	v0 =	vadd.f32 v0, v6  }
0x5ed: {  	[tilespmem:s10+$0x70] =	vst v1  }
0x5ee: {  	[tilespmem:s10+$0xB0] =	vst v0  }
0x5ef: {  	s7 =	rddreg [dreg:$0xa]  }
0x5f0: {  	[hbm4b:s7+s3] =	stream.linear.scatter [tilespmem:s24], [sflag:$0x6], $0x3200, $0x38;
	[tilespmem:$0x11400] =	vst v63  }
0x5f1: {  	_ =	swait.ge [sflag:s28], $0x1900  }
0x5f2: {  	[sflag:s28] =	ssyncset.done $0x0  }
0x5f3: {  	[sflag:s28] =	ssyncadd.s32 $0xFFFFE700  }
0x5f4: {  	_ =	swait.ge [sflag:s28], $0x1900  }
0x5f5: {  	[sflag:s28] =	ssyncset.done $0x0  }
0x5f6: {  	s10 =	simm.s32 $0xB100;
	[sflag:s28] =	ssyncadd.s32 $0xFFFFE700  }
0x5f7: {  	s11 =	simm.s32 $0x1B00;
	v0 =	vld [tilespmem:s10+$0xC0]  }
0x5f8: {  	v1 =	vld [tilespmem:s11+$0xC0]  }
0x5f9: {  	v2 =	vld [tilespmem:s11+$0xFFFFFF00]  }
0x5fa: {  	v3 =	vld [tilespmem:s10+$0xFFFFFF40]  }
0x5fb: {  	v4 =	vld [tilespmem:s10+$0xFFFFFF80]  }
0x5fc: {  	v6 =	vld [tilespmem:s11+$0xFFFFFF80]  }
0x5fd: {  	v7 =	vld [tilespmem:s10+$0xFFFFFFC0]  }
0x5fe: {  	v8 =	vld [tilespmem:s11+$0xFFFFFFC0]  }
0x5ff: {  	v9 =	vld [tilespmem:s10+$0x0]  }
0x600: {  	v10 =	vld [tilespmem:s11+$0x0]  }
0x601: {  	v11 =	vld [tilespmem:s11+$0x40]  }
0x602: {  	v60 =	vld [tilespmem:s10+$0xFFFFFFD0]  }
0x603: {  	v13 =	vld [tilespmem:s10+$0x10]  }
0x604: {  	v61 =	vld [tilespmem:s10+$0xFFFFFFE0]  }
0x605: {  	v62 =	vld [tilespmem:s10+$0x60];
	v0 =	vadd.f32 v1, v0  }
0x606: {  	v1 =	vld [tilespmem:s11+$0xFFFFFF40]  }
0x607: {  	[tilespmem:s10+$0xC0] =	vst v0;
	v0 =	vld [tilespmem:s10+$0xD0]  }
0x608: {  	v5 =	vld [tilespmem:s11+$0xD0]  }
0x609: {  	v63 =	vld [tilespmem:s10+$0xFFFFFF30];
	v4 =	vadd.f32 v6, v4  }
0x60a: {  	v6 =	vld [tilespmem:s11+$0x80]  }
0x60b: {  	[tilespmem:s10+$0xFFFFFF80] =	vst v4;
	v4 =	vadd.f32 v10, v9;
	v10 =	vld [tilespmem:s10+$0xFFFFFF50];
	v1 =	vadd.f32 v1, v3  }
0x60c: {  	v3 =	vld [tilespmem:s10+$0x80]  }
0x60d: {  	[tilespmem:s10+$0xFFFFFF40] =	vst v1;
	v0 =	vadd.f32 v5, v0;
	v5 =	vld [tilespmem:s10+$0x40]  }
0x60e: {  	v1 =	vadd.f32 v8, v7;
	v8 =	vld [tilespmem:s11+$0xFFFFFF50]  }
0x60f: {  	[tilespmem:s10+$0xD0] =	vst v0;
	v0 =	vld [tilespmem:s10+$0xE0]  }
0x610: {  	[tilespmem:s10+$0x0] =	vst v4;
	v12 =	vld [tilespmem:s11+$0xE0]  }
0x611: {  	v9 =	vld [tilespmem:s11+$0x10]  }
0x612: {  	v7 =	vld [tilespmem:s10+$0xFFFFFF00]  }
0x613: {  	[tilespmem:s10+$0xFFFFFFC0] =	vst v1;
	v1 =	vld [tilespmem:s11+$0xFFFFFF90]  }
0x614: {  	v4 =	vld [tilespmem:s11+$0xFFFFFFD0];
	v8 =	vadd.f32 v8, v10  }
0x615: {  	v5 =	vadd.f32 v11, v5;
	v11 =	vld [tilespmem:s10+$0xFFFFFF90];
	v0 =	vadd.f32 v12, v0  }
0x616: {  	v10 =	vld [tilespmem:s10+$0x90];
	[tilespmem:s10+$0xFFFFFF50] =	vst v8  }
0x617: {  	v8 =	vld [tilespmem:s11+$0xFFFFFF60];
	[tilespmem:s10+$0xE0] =	vst v0;
	v0 =	vadd.f32 v2, v7  }
0x618: {  	[tilespmem:s10+$0x40] =	vst v5;
	v7 =	vld [tilespmem:s10+$0xF0];
	v2 =	vadd.f32 v6, v3  }
0x619: {  	v5 =	vld [tilespmem:s11+$0xF0];
	[tilespmem:s10+$0xFFFFFF00] =	vst v0  }
0x61a: {  	v1 =	vadd.f32 v1, v11;
	[tilespmem:s10+$0x80] =	vst v2;
	v2 =	vld [tilespmem:s10+$0xFFFFFF10]  }
0x61b: {  	v3 =	vld [tilespmem:s11+$0xFFFFFF10]  }
0x61c: {  	[tilespmem:s10+$0xFFFFFF90] =	vst v1;
	v1 =	vadd.f32 v9, v13;
	v6 =	vld [tilespmem:s11+$0x90]  }
0x61d: {  	v4 =	vadd.f32 v4, v60;
	v0 =	vld [tilespmem:s11+$0x50]  }
0x61e: {  	v9 =	vld [tilespmem:s11+$0xFFFFFFA0];
	[tilespmem:s10+$0x10] =	vst v1  }
0x61f: {  	[tilespmem:s10+$0xFFFFFFD0] =	vst v4;
	v4 =	vld [tilespmem:s11+$0x20]  }
0x620: {  	v2 =	vadd.f32 v3, v2;
	v3 =	vld [tilespmem:s10+$0x50]  }
0x621: {  	v1 =	vadd.f32 v6, v10;
	v10 =	vld [tilespmem:s10+$0xFFFFFFA0]  }
0x622: {  	[tilespmem:s10+$0xFFFFFF10] =	vst v2;
	v2 =	vld [tilespmem:s10+$0xFFFFFF20]  }
0x623: {  	v11 =	vld [tilespmem:s11+$0xFFFFFF20]  }
0x624: {  	v5 =	vadd.f32 v5, v7;
	[tilespmem:s10+$0x90] =	vst v1;
	v1 =	vld [tilespmem:s10+$0xFFFFFF60]  }
0x625: {  	v7 =	vld [tilespmem:s10+$0x30]  }
0x626: {  	[tilespmem:s10+$0xF0] =	vst v5;
	v5 =	vld [tilespmem:s10+$0x70]  }
0x627: {  	v6 =	vld [tilespmem:s11+$0xA0]  }
0x628: {  	v0 =	vadd.f32 v0, v3;
	v3 =	vld [tilespmem:s11+$0xFFFFFFE0];
	v2 =	vadd.f32 v11, v2  }
0x629: {  	v1 =	vadd.f32 v8, v1;
	v8 =	vadd.f32 v9, v10;
	v9 =	vld [tilespmem:s10+$0xFFFFFFB0]  }
0x62a: {  	[tilespmem:s10+$0xFFFFFF20] =	vst v2;
	v2 =	vld [tilespmem:s10+$0xA0]  }
0x62b: {  	[tilespmem:s10+$0x50] =	vst v0;
	v11 =	vld [tilespmem:s10+$0x20]  }
0x62c: {  	v0 =	vld [tilespmem:s11+$0x60];
	[tilespmem:s10+$0xFFFFFF60] =	vst v1  }
0x62d: {  	[tilespmem:s10+$0xFFFFFFA0] =	vst v8;
	v8 =	vld [tilespmem:s10+$0xFFFFFFF0]  }
0x62e: {  	v1 =	vadd.f32 v3, v61;
	v14 =	vld [tilespmem:s11+$0xFFFFFF70]  }
0x62f: {  	v10 =	vld [tilespmem:s11+$0xFFFFFF30];
	v6 =	vadd.f32 v6, v2  }
0x630: {  	[tilespmem:s10+$0xFFFFFFE0] =	vst v1;
	v3 =	vadd.f32 v4, v11;
	v4 =	vld [tilespmem:s11+$0xFFFFFFB0]  }
0x631: {  	v0 =	vadd.f32 v0, v62;
	[tilespmem:s10+$0xA0] =	vst v6;
	v6 =	vld [tilespmem:s10+$0xFFFFFF70]  }
0x632: {  	v1 =	vld [tilespmem:s11+$0xFFFFFFF0];
	[tilespmem:s10+$0x20] =	vst v3  }
0x633: {  	[tilespmem:s10+$0x60] =	vst v0;
	v2 =	vld [tilespmem:s11+$0x30]  }
0x634: {  	v3 =	vld [tilespmem:s11+$0x70];
	v10 =	vadd.f32 v10, v63  }
0x635: {  	v0 =	vld [tilespmem:s11+$0xB0]  }
0x636: {  	s12 =	simm.s32 $0x0;
	s7 =	simm.s32 $0xB300;
	[tilespmem:s10+$0xFFFFFF30] =	vst v10;
	v10 =	vadd.f32 v14, v6;
	v6 =	vld [tilespmem:s10+$0xB0]  }
.LBB2_24:
0x637: {  	v11 =	vld [tilespmem:s7+$0xC0];
	v4 =	vadd.f32 v4, v9;
	s11 =	sadd.s32 $0x200, s11  }
0x638: {  	s12 =	sadd.s32 $0x8, s12;
	v9 =	vld [tilespmem:s11+$0xC0];
	[tilespmem:s10+$0xFFFFFF70] =	vst v10;
	v1 =	vadd.f32 v1, v8  }
0x639: {  	p0 =	slt.u32 s12, $0xC0;
	v8 =	vld [tilespmem:s11+$0xFFFFFF00];
	[tilespmem:s10+$0xFFFFFFB0] =	vst v4;
	v2 =	vadd.f32 v2, v7  }
0x63a: {  	v4 =	vld [tilespmem:s7+$0xFFFFFF40];
	[tilespmem:s10+$0xFFFFFFF0] =	vst v1;
	v1 =	vadd.f32 v3, v5  }
0x63b: {  	v3 =	vld [tilespmem:s11+$0xFFFFFF40];
	[tilespmem:s10+$0x30] =	vst v2;
	v0 =	vadd.f32 v0, v6  }
0x63c: {  	v2 =	vld [tilespmem:s7+$0xFFFFFF80];
	[tilespmem:s10+$0x70] =	vst v1  }
0x63d: {  	v1 =	vld [tilespmem:s11+$0xFFFFFF80];
	v5 =	vadd.f32 v9, v11;
	[tilespmem:s10+$0xB0] =	vst v0;
	s10 =	smov.u32 s7  }
0x63e: {  	v0 =	vld [tilespmem:s7+$0xFFFFFFC0]  }
0x63f: {  	[tilespmem:s7+$0xC0] =	vst v5;
	v5 =	vld [tilespmem:s7+$0xD0]  }
0x640: {  	v3 =	vadd.f32 v3, v4;
	v4 =	vld [tilespmem:s11+$0xD0]  }
0x641: {  	v6 =	vld [tilespmem:s11+$0xFFFFFFC0]  }
0x642: {  	[tilespmem:s7+$0xFFFFFF40] =	vst v3;
	v1 =	vadd.f32 v1, v2;
	v2 =	vld [tilespmem:s7+$0x0]  }
0x643: {  	v3 =	vld [tilespmem:s11+$0x0]  }
0x644: {  	[tilespmem:s7+$0xFFFFFF80] =	vst v1;
	v1 =	vld [tilespmem:s7+$0x40]  }
0x645: {  	v7 =	vld [tilespmem:s11+$0x40];
	v4 =	vadd.f32 v4, v5  }
0x646: {  	v0 =	vadd.f32 v6, v0;
	v5 =	vld [tilespmem:s7+$0x80]  }
0x647: {  	[tilespmem:s7+$0xD0] =	vst v4;
	v4 =	vld [tilespmem:s7+$0xE0]  }
0x648: {  	[tilespmem:s7+$0xFFFFFFC0] =	vst v0;
	v0 =	vadd.f32 v3, v2;
	v2 =	vld [tilespmem:s11+$0xE0]  }
0x649: {  	v3 =	vld [tilespmem:s11+$0x80]  }
0x64a: {  	v6 =	vld [tilespmem:s7+$0xFFFFFF00];
	[tilespmem:s7+$0x0] =	vst v0;
	v0 =	vadd.f32 v7, v1  }
0x64b: {  	v1 =	vld [tilespmem:s11+$0xFFFFFF50]  }
0x64c: {  	v7 =	vld [tilespmem:s11+$0xFFFFFF90];
	[tilespmem:s7+$0x40] =	vst v0  }
0x64d: {  	v0 =	vld [tilespmem:s11+$0xFFFFFFD0];
	v2 =	vadd.f32 v2, v4  }
0x64e: {  	v4 =	vld [tilespmem:s11+$0x10];
	v3 =	vadd.f32 v3, v5  }
0x64f: {  	v5 =	vadd.f32 v8, v6;
	[tilespmem:s7+$0xE0] =	vst v2;
	v2 =	vld [tilespmem:s7+$0xF0]  }
0x650: {  	[tilespmem:s7+$0x80] =	vst v3;
	v3 =	vld [tilespmem:s11+$0xF0]  }
0x651: {  	[tilespmem:s7+$0xFFFFFF00] =	vst v5;
	v5 =	vld [tilespmem:s11+$0x50]  }
0x652: {  	v6 =	vld [tilespmem:s11+$0xFFFFFF10]  }
0x653: {  	v8 =	vld [tilespmem:s11+$0x90]  }
0x654: {  	v9 =	vld [tilespmem:s7+$0xFFFFFF10]  }
0x655: {  	v10 =	vld [tilespmem:s7+$0xFFFFFF50];
	v2 =	vadd.f32 v3, v2  }
0x656: {  	v3 =	vld [tilespmem:s7+$0xFFFFFF90]  }
0x657: {  	v11 =	vld [tilespmem:s7+$0xFFFFFFD0];
	[tilespmem:s7+$0xF0] =	vst v2  }
0x658: {  	v2 =	vld [tilespmem:s7+$0x10]  }
0x659: {  	v6 =	vadd.f32 v6, v9;
	v9 =	vld [tilespmem:s7+$0x50]  }
0x65a: {  	v1 =	vadd.f32 v1, v10;
	v10 =	vld [tilespmem:s7+$0x90]  }
0x65b: {  	[tilespmem:s7+$0xFFFFFF10] =	vst v6;
	v6 =	vld [tilespmem:s7+$0xFFFFFF20];
	v3 =	vadd.f32 v7, v3  }
0x65c: {  	v7 =	vld [tilespmem:s11+$0xFFFFFF20];
	[tilespmem:s7+$0xFFFFFF50] =	vst v1;
	v0 =	vadd.f32 v0, v11  }
0x65d: {  	v1 =	vld [tilespmem:s11+$0xFFFFFF60];
	[tilespmem:s7+$0xFFFFFF90] =	vst v3;
	v2 =	vadd.f32 v4, v2  }
0x65e: {  	v3 =	vld [tilespmem:s11+$0xFFFFFFA0];
	[tilespmem:s7+$0xFFFFFFD0] =	vst v0;
	v0 =	vadd.f32 v5, v9  }
0x65f: {  	v4 =	vld [tilespmem:s11+$0xFFFFFFE0];
	[tilespmem:s7+$0x10] =	vst v2;
	v2 =	vadd.f32 v8, v10  }
0x660: {  	v5 =	vld [tilespmem:s11+$0x20];
	[tilespmem:s7+$0x50] =	vst v0  }
0x661: {  	v0 =	vadd.f32 v7, v6;
	v6 =	vld [tilespmem:s11+$0x60];
	[tilespmem:s7+$0x90] =	vst v2  }
0x662: {  	v2 =	vld [tilespmem:s11+$0xA0]  }
0x663: {  	[tilespmem:s7+$0xFFFFFF20] =	vst v0;
	v0 =	vld [tilespmem:s7+$0xFFFFFF60]  }
0x664: {  	v7 =	vld [tilespmem:s7+$0xFFFFFFA0]  }
0x665: {  	v8 =	vld [tilespmem:s7+$0xFFFFFFE0]  }
0x666: {  	v9 =	vld [tilespmem:s7+$0x20]  }
0x667: {  	v10 =	vld [tilespmem:s7+$0x60]  }
0x668: {  	v0 =	vadd.f32 v1, v0;
	v11 =	vld [tilespmem:s7+$0xA0]  }
0x669: {  	v12 =	vld [tilespmem:s11+$0xFFFFFF30];
	v1 =	vadd.f32 v3, v7  }
0x66a: {  	v3 =	vld [tilespmem:s7+$0xFFFFFF30];
	[tilespmem:s7+$0xFFFFFF60] =	vst v0;
	v0 =	vadd.f32 v4, v8  }
0x66b: {  	v13 =	vld [tilespmem:s11+$0xFFFFFF70];
	[tilespmem:s7+$0xFFFFFFA0] =	vst v1;
	v5 =	vadd.f32 v5, v9  }
0x66c: {  	v4 =	vld [tilespmem:s11+$0xFFFFFFB0];
	[tilespmem:s7+$0xFFFFFFE0] =	vst v0;
	v0 =	vadd.f32 v6, v10  }
0x66d: {  	v1 =	vld [tilespmem:s11+$0xFFFFFFF0];
	[tilespmem:s7+$0x20] =	vst v5;
	v5 =	vadd.f32 v2, v11  }
0x66e: {  	v2 =	vld [tilespmem:s11+$0x30];
	[tilespmem:s7+$0x60] =	vst v0  }
0x66f: {  	v6 =	vadd.f32 v12, v3;
	v3 =	vld [tilespmem:s11+$0x70];
	[tilespmem:s7+$0xA0] =	vst v5  }
0x670: {  	v0 =	vld [tilespmem:s11+$0xB0]  }
0x671: {  	[tilespmem:s7+$0xFFFFFF30] =	vst v6;
	v6 =	vld [tilespmem:s7+$0xFFFFFF70]  }
.Ltmp11:
0x672: {  	v9 =	vld [tilespmem:s7+$0xFFFFFFB0];
	(pc) =	sbr.rel @p0 .LBB2_24-.Ltmp11, $4  }
0x673: {  	v8 =	vld [tilespmem:s7+$0xFFFFFFF0]  }
0x674: {  	v7 =	vld [tilespmem:s7+$0x30]  }
0x675: {  	v5 =	vld [tilespmem:s7+$0x70]  }
0x676: {  	s7 =	sadd.s32 $0x200, s7;
	v10 =	vadd.f32 v13, v6;
	v6 =	vld [tilespmem:s10+$0xB0]  }
0x677: {  	v4 =	vadd.f32 v4, v9  }
0x678: {  	[tilespmem:s10+$0xFFFFFF70] =	vst v10;
	v1 =	vadd.f32 v1, v8  }
0x679: {  	[tilespmem:s10+$0xFFFFFFB0] =	vst v4;
	v2 =	vadd.f32 v2, v7  }
0x67a: {  	[tilespmem:s10+$0xFFFFFFF0] =	vst v1;
	v1 =	vadd.f32 v3, v5  }
0x67b: {  	[tilespmem:s10+$0x30] =	vst v2;
	v0 =	vadd.f32 v0, v6  }
0x67c: {  	[tilespmem:s10+$0x70] =	vst v1  }
0x67d: {  	[tilespmem:s10+$0xB0] =	vst v0  }
0x67e: {  	s7 =	rddreg [dreg:$0xb]  }
0x67f: {  	[hbm4b:s7+s3] =	stream.linear.scatter [tilespmem:s29], [sflag:$0x7], $0x3200, $0x38;
	[tilespmem:$0x11400] =	vst v63  }
0x680: {  	_ =	swait.ge [sflag:s6], $0x1900  }
0x681: {  	[sflag:s6] =	ssyncset.done $0x0  }
0x682: {  	[sflag:s6] =	ssyncadd.s32 $0xFFFFE700  }
0x683: {  	_ =	swait.ge [sflag:s6], $0x1900  }
0x684: {  	[sflag:s6] =	ssyncset.done $0x0  }
0x685: {  	s10 =	simm.s32 $0xE300;
	[sflag:s6] =	ssyncadd.s32 $0xFFFFE700  }
0x686: {  	s11 =	simm.s32 $0x1B00;
	v0 =	vld [tilespmem:s10+$0xC0]  }
0x687: {  	v1 =	vld [tilespmem:s11+$0xC0]  }
0x688: {  	v2 =	vld [tilespmem:s11+$0xFFFFFF00]  }
0x689: {  	v3 =	vld [tilespmem:s10+$0xFFFFFF40]  }
0x68a: {  	v4 =	vld [tilespmem:s10+$0xFFFFFF80]  }
0x68b: {  	v6 =	vld [tilespmem:s11+$0xFFFFFF80]  }
0x68c: {  	v7 =	vld [tilespmem:s10+$0xFFFFFFC0]  }
0x68d: {  	v8 =	vld [tilespmem:s11+$0xFFFFFFC0]  }
0x68e: {  	v9 =	vld [tilespmem:s10+$0x0]  }
0x68f: {  	v10 =	vld [tilespmem:s11+$0x0]  }
0x690: {  	v11 =	vld [tilespmem:s11+$0x40]  }
0x691: {  	v60 =	vld [tilespmem:s10+$0xFFFFFFD0]  }
0x692: {  	v13 =	vld [tilespmem:s10+$0x10]  }
0x693: {  	v61 =	vld [tilespmem:s10+$0xFFFFFFE0]  }
0x694: {  	v62 =	vld [tilespmem:s10+$0x60];
	v0 =	vadd.f32 v1, v0  }
0x695: {  	v1 =	vld [tilespmem:s11+$0xFFFFFF40]  }
0x696: {  	[tilespmem:s10+$0xC0] =	vst v0;
	v0 =	vld [tilespmem:s10+$0xD0]  }
0x697: {  	v5 =	vld [tilespmem:s11+$0xD0]  }
0x698: {  	v63 =	vld [tilespmem:s10+$0xFFFFFF30];
	v4 =	vadd.f32 v6, v4  }
0x699: {  	v6 =	vld [tilespmem:s11+$0x80]  }
0x69a: {  	[tilespmem:s10+$0xFFFFFF80] =	vst v4;
	v4 =	vadd.f32 v10, v9;
	v10 =	vld [tilespmem:s10+$0xFFFFFF50];
	v1 =	vadd.f32 v1, v3  }
0x69b: {  	v3 =	vld [tilespmem:s10+$0x80]  }
0x69c: {  	[tilespmem:s10+$0xFFFFFF40] =	vst v1;
	v0 =	vadd.f32 v5, v0;
	v5 =	vld [tilespmem:s10+$0x40]  }
0x69d: {  	v1 =	vadd.f32 v8, v7;
	v8 =	vld [tilespmem:s11+$0xFFFFFF50]  }
0x69e: {  	[tilespmem:s10+$0xD0] =	vst v0;
	v0 =	vld [tilespmem:s10+$0xE0]  }
0x69f: {  	[tilespmem:s10+$0x0] =	vst v4;
	v12 =	vld [tilespmem:s11+$0xE0]  }
0x6a0: {  	v9 =	vld [tilespmem:s11+$0x10]  }
0x6a1: {  	v7 =	vld [tilespmem:s10+$0xFFFFFF00]  }
0x6a2: {  	[tilespmem:s10+$0xFFFFFFC0] =	vst v1;
	v1 =	vld [tilespmem:s11+$0xFFFFFF90]  }
0x6a3: {  	v4 =	vld [tilespmem:s11+$0xFFFFFFD0];
	v8 =	vadd.f32 v8, v10  }
0x6a4: {  	v5 =	vadd.f32 v11, v5;
	v11 =	vld [tilespmem:s10+$0xFFFFFF90];
	v0 =	vadd.f32 v12, v0  }
0x6a5: {  	v10 =	vld [tilespmem:s10+$0x90];
	[tilespmem:s10+$0xFFFFFF50] =	vst v8  }
0x6a6: {  	v8 =	vld [tilespmem:s11+$0xFFFFFF60];
	[tilespmem:s10+$0xE0] =	vst v0;
	v0 =	vadd.f32 v2, v7  }
0x6a7: {  	[tilespmem:s10+$0x40] =	vst v5;
	v7 =	vld [tilespmem:s10+$0xF0];
	v2 =	vadd.f32 v6, v3  }
0x6a8: {  	v5 =	vld [tilespmem:s11+$0xF0];
	[tilespmem:s10+$0xFFFFFF00] =	vst v0  }
0x6a9: {  	v1 =	vadd.f32 v1, v11;
	[tilespmem:s10+$0x80] =	vst v2;
	v2 =	vld [tilespmem:s10+$0xFFFFFF10]  }
0x6aa: {  	v3 =	vld [tilespmem:s11+$0xFFFFFF10]  }
0x6ab: {  	[tilespmem:s10+$0xFFFFFF90] =	vst v1;
	v1 =	vadd.f32 v9, v13;
	v6 =	vld [tilespmem:s11+$0x90]  }
0x6ac: {  	v4 =	vadd.f32 v4, v60;
	v0 =	vld [tilespmem:s11+$0x50]  }
0x6ad: {  	v9 =	vld [tilespmem:s11+$0xFFFFFFA0];
	[tilespmem:s10+$0x10] =	vst v1  }
0x6ae: {  	[tilespmem:s10+$0xFFFFFFD0] =	vst v4;
	v4 =	vld [tilespmem:s11+$0x20]  }
0x6af: {  	v2 =	vadd.f32 v3, v2;
	v3 =	vld [tilespmem:s10+$0x50]  }
0x6b0: {  	v1 =	vadd.f32 v6, v10;
	v10 =	vld [tilespmem:s10+$0xFFFFFFA0]  }
0x6b1: {  	[tilespmem:s10+$0xFFFFFF10] =	vst v2;
	v2 =	vld [tilespmem:s10+$0xFFFFFF20]  }
0x6b2: {  	v11 =	vld [tilespmem:s11+$0xFFFFFF20]  }
0x6b3: {  	v5 =	vadd.f32 v5, v7;
	[tilespmem:s10+$0x90] =	vst v1;
	v1 =	vld [tilespmem:s10+$0xFFFFFF60]  }
0x6b4: {  	v7 =	vld [tilespmem:s10+$0x30]  }
0x6b5: {  	[tilespmem:s10+$0xF0] =	vst v5;
	v5 =	vld [tilespmem:s10+$0x70]  }
0x6b6: {  	v6 =	vld [tilespmem:s11+$0xA0]  }
0x6b7: {  	v0 =	vadd.f32 v0, v3;
	v3 =	vld [tilespmem:s11+$0xFFFFFFE0];
	v2 =	vadd.f32 v11, v2  }
0x6b8: {  	v1 =	vadd.f32 v8, v1;
	v8 =	vadd.f32 v9, v10;
	v9 =	vld [tilespmem:s10+$0xFFFFFFB0]  }
0x6b9: {  	[tilespmem:s10+$0xFFFFFF20] =	vst v2;
	v2 =	vld [tilespmem:s10+$0xA0]  }
0x6ba: {  	[tilespmem:s10+$0x50] =	vst v0;
	v11 =	vld [tilespmem:s10+$0x20]  }
0x6bb: {  	v0 =	vld [tilespmem:s11+$0x60];
	[tilespmem:s10+$0xFFFFFF60] =	vst v1  }
0x6bc: {  	[tilespmem:s10+$0xFFFFFFA0] =	vst v8;
	v8 =	vld [tilespmem:s10+$0xFFFFFFF0]  }
0x6bd: {  	v1 =	vadd.f32 v3, v61;
	v14 =	vld [tilespmem:s11+$0xFFFFFF70]  }
0x6be: {  	v10 =	vld [tilespmem:s11+$0xFFFFFF30];
	v6 =	vadd.f32 v6, v2  }
0x6bf: {  	[tilespmem:s10+$0xFFFFFFE0] =	vst v1;
	v3 =	vadd.f32 v4, v11;
	v4 =	vld [tilespmem:s11+$0xFFFFFFB0]  }
0x6c0: {  	v0 =	vadd.f32 v0, v62;
	[tilespmem:s10+$0xA0] =	vst v6;
	v6 =	vld [tilespmem:s10+$0xFFFFFF70]  }
0x6c1: {  	v1 =	vld [tilespmem:s11+$0xFFFFFFF0];
	[tilespmem:s10+$0x20] =	vst v3  }
0x6c2: {  	[tilespmem:s10+$0x60] =	vst v0;
	v2 =	vld [tilespmem:s11+$0x30]  }
0x6c3: {  	v3 =	vld [tilespmem:s11+$0x70];
	v10 =	vadd.f32 v10, v63  }
0x6c4: {  	v0 =	vld [tilespmem:s11+$0xB0]  }
0x6c5: {  	s12 =	simm.s32 $0x0;
	s7 =	simm.s32 $0xE500;
	[tilespmem:s10+$0xFFFFFF30] =	vst v10;
	v10 =	vadd.f32 v14, v6;
	v6 =	vld [tilespmem:s10+$0xB0]  }
.LBB2_26:
0x6c6: {  	v11 =	vld [tilespmem:s7+$0xC0];
	v4 =	vadd.f32 v4, v9;
	s11 =	sadd.s32 $0x200, s11  }
0x6c7: {  	s12 =	sadd.s32 $0x8, s12;
	v9 =	vld [tilespmem:s11+$0xC0];
	[tilespmem:s10+$0xFFFFFF70] =	vst v10;
	v1 =	vadd.f32 v1, v8  }
0x6c8: {  	p0 =	slt.u32 s12, $0xC0;
	v8 =	vld [tilespmem:s11+$0xFFFFFF00];
	[tilespmem:s10+$0xFFFFFFB0] =	vst v4;
	v2 =	vadd.f32 v2, v7  }
0x6c9: {  	v4 =	vld [tilespmem:s7+$0xFFFFFF40];
	[tilespmem:s10+$0xFFFFFFF0] =	vst v1;
	v1 =	vadd.f32 v3, v5  }
0x6ca: {  	v3 =	vld [tilespmem:s11+$0xFFFFFF40];
	[tilespmem:s10+$0x30] =	vst v2;
	v0 =	vadd.f32 v0, v6  }
0x6cb: {  	v2 =	vld [tilespmem:s7+$0xFFFFFF80];
	[tilespmem:s10+$0x70] =	vst v1  }
0x6cc: {  	v1 =	vld [tilespmem:s11+$0xFFFFFF80];
	v5 =	vadd.f32 v9, v11;
	[tilespmem:s10+$0xB0] =	vst v0;
	s10 =	smov.u32 s7  }
0x6cd: {  	v0 =	vld [tilespmem:s7+$0xFFFFFFC0]  }
0x6ce: {  	[tilespmem:s7+$0xC0] =	vst v5;
	v5 =	vld [tilespmem:s7+$0xD0]  }
0x6cf: {  	v3 =	vadd.f32 v3, v4;
	v4 =	vld [tilespmem:s11+$0xD0]  }
0x6d0: {  	v6 =	vld [tilespmem:s11+$0xFFFFFFC0]  }
0x6d1: {  	[tilespmem:s7+$0xFFFFFF40] =	vst v3;
	v1 =	vadd.f32 v1, v2;
	v2 =	vld [tilespmem:s7+$0x0]  }
0x6d2: {  	v3 =	vld [tilespmem:s11+$0x0]  }
0x6d3: {  	[tilespmem:s7+$0xFFFFFF80] =	vst v1;
	v1 =	vld [tilespmem:s7+$0x40]  }
0x6d4: {  	v7 =	vld [tilespmem:s11+$0x40];
	v4 =	vadd.f32 v4, v5  }
0x6d5: {  	v0 =	vadd.f32 v6, v0;
	v5 =	vld [tilespmem:s7+$0x80]  }
0x6d6: {  	[tilespmem:s7+$0xD0] =	vst v4;
	v4 =	vld [tilespmem:s7+$0xE0]  }
0x6d7: {  	[tilespmem:s7+$0xFFFFFFC0] =	vst v0;
	v0 =	vadd.f32 v3, v2;
	v2 =	vld [tilespmem:s11+$0xE0]  }
0x6d8: {  	v3 =	vld [tilespmem:s11+$0x80]  }
0x6d9: {  	v6 =	vld [tilespmem:s7+$0xFFFFFF00];
	[tilespmem:s7+$0x0] =	vst v0;
	v0 =	vadd.f32 v7, v1  }
0x6da: {  	v1 =	vld [tilespmem:s11+$0xFFFFFF50]  }
0x6db: {  	v7 =	vld [tilespmem:s11+$0xFFFFFF90];
	[tilespmem:s7+$0x40] =	vst v0  }
0x6dc: {  	v0 =	vld [tilespmem:s11+$0xFFFFFFD0];
	v2 =	vadd.f32 v2, v4  }
0x6dd: {  	v4 =	vld [tilespmem:s11+$0x10];
	v3 =	vadd.f32 v3, v5  }
0x6de: {  	v5 =	vadd.f32 v8, v6;
	[tilespmem:s7+$0xE0] =	vst v2;
	v2 =	vld [tilespmem:s7+$0xF0]  }
0x6df: {  	[tilespmem:s7+$0x80] =	vst v3;
	v3 =	vld [tilespmem:s11+$0xF0]  }
0x6e0: {  	[tilespmem:s7+$0xFFFFFF00] =	vst v5;
	v5 =	vld [tilespmem:s11+$0x50]  }
0x6e1: {  	v6 =	vld [tilespmem:s11+$0xFFFFFF10]  }
0x6e2: {  	v8 =	vld [tilespmem:s11+$0x90]  }
0x6e3: {  	v9 =	vld [tilespmem:s7+$0xFFFFFF10]  }
0x6e4: {  	v10 =	vld [tilespmem:s7+$0xFFFFFF50];
	v2 =	vadd.f32 v3, v2  }
0x6e5: {  	v3 =	vld [tilespmem:s7+$0xFFFFFF90]  }
0x6e6: {  	v11 =	vld [tilespmem:s7+$0xFFFFFFD0];
	[tilespmem:s7+$0xF0] =	vst v2  }
0x6e7: {  	v2 =	vld [tilespmem:s7+$0x10]  }
0x6e8: {  	v6 =	vadd.f32 v6, v9;
	v9 =	vld [tilespmem:s7+$0x50]  }
0x6e9: {  	v1 =	vadd.f32 v1, v10;
	v10 =	vld [tilespmem:s7+$0x90]  }
0x6ea: {  	[tilespmem:s7+$0xFFFFFF10] =	vst v6;
	v6 =	vld [tilespmem:s7+$0xFFFFFF20];
	v3 =	vadd.f32 v7, v3  }
0x6eb: {  	v7 =	vld [tilespmem:s11+$0xFFFFFF20];
	[tilespmem:s7+$0xFFFFFF50] =	vst v1;
	v0 =	vadd.f32 v0, v11  }
0x6ec: {  	v1 =	vld [tilespmem:s11+$0xFFFFFF60];
	[tilespmem:s7+$0xFFFFFF90] =	vst v3;
	v2 =	vadd.f32 v4, v2  }
0x6ed: {  	v3 =	vld [tilespmem:s11+$0xFFFFFFA0];
	[tilespmem:s7+$0xFFFFFFD0] =	vst v0;
	v0 =	vadd.f32 v5, v9  }
0x6ee: {  	v4 =	vld [tilespmem:s11+$0xFFFFFFE0];
	[tilespmem:s7+$0x10] =	vst v2;
	v2 =	vadd.f32 v8, v10  }
0x6ef: {  	v5 =	vld [tilespmem:s11+$0x20];
	[tilespmem:s7+$0x50] =	vst v0  }
0x6f0: {  	v0 =	vadd.f32 v7, v6;
	v6 =	vld [tilespmem:s11+$0x60];
	[tilespmem:s7+$0x90] =	vst v2  }
0x6f1: {  	v2 =	vld [tilespmem:s11+$0xA0]  }
0x6f2: {  	[tilespmem:s7+$0xFFFFFF20] =	vst v0;
	v0 =	vld [tilespmem:s7+$0xFFFFFF60]  }
0x6f3: {  	v7 =	vld [tilespmem:s7+$0xFFFFFFA0]  }
0x6f4: {  	v8 =	vld [tilespmem:s7+$0xFFFFFFE0]  }
0x6f5: {  	v9 =	vld [tilespmem:s7+$0x20]  }
0x6f6: {  	v10 =	vld [tilespmem:s7+$0x60]  }
0x6f7: {  	v0 =	vadd.f32 v1, v0;
	v11 =	vld [tilespmem:s7+$0xA0]  }
0x6f8: {  	v12 =	vld [tilespmem:s11+$0xFFFFFF30];
	v1 =	vadd.f32 v3, v7  }
0x6f9: {  	v3 =	vld [tilespmem:s7+$0xFFFFFF30];
	[tilespmem:s7+$0xFFFFFF60] =	vst v0;
	v0 =	vadd.f32 v4, v8  }
0x6fa: {  	v13 =	vld [tilespmem:s11+$0xFFFFFF70];
	[tilespmem:s7+$0xFFFFFFA0] =	vst v1;
	v5 =	vadd.f32 v5, v9  }
0x6fb: {  	v4 =	vld [tilespmem:s11+$0xFFFFFFB0];
	[tilespmem:s7+$0xFFFFFFE0] =	vst v0;
	v0 =	vadd.f32 v6, v10  }
0x6fc: {  	v1 =	vld [tilespmem:s11+$0xFFFFFFF0];
	[tilespmem:s7+$0x20] =	vst v5;
	v5 =	vadd.f32 v2, v11  }
0x6fd: {  	v2 =	vld [tilespmem:s11+$0x30];
	[tilespmem:s7+$0x60] =	vst v0  }
0x6fe: {  	v6 =	vadd.f32 v12, v3;
	v3 =	vld [tilespmem:s11+$0x70];
	[tilespmem:s7+$0xA0] =	vst v5  }
0x6ff: {  	v0 =	vld [tilespmem:s11+$0xB0]  }
0x700: {  	[tilespmem:s7+$0xFFFFFF30] =	vst v6;
	v6 =	vld [tilespmem:s7+$0xFFFFFF70]  }
.Ltmp12:
0x701: {  	v9 =	vld [tilespmem:s7+$0xFFFFFFB0];
	(pc) =	sbr.rel @p0 .LBB2_26-.Ltmp12, $4  }
0x702: {  	v8 =	vld [tilespmem:s7+$0xFFFFFFF0]  }
0x703: {  	v7 =	vld [tilespmem:s7+$0x30]  }
0x704: {  	v5 =	vld [tilespmem:s7+$0x70]  }
0x705: {  	s7 =	sadd.s32 $0x200, s7;
	v10 =	vadd.f32 v13, v6;
	v6 =	vld [tilespmem:s10+$0xB0]  }
0x706: {  	v4 =	vadd.f32 v4, v9  }
0x707: {  	[tilespmem:s10+$0xFFFFFF70] =	vst v10;
	v1 =	vadd.f32 v1, v8  }
0x708: {  	[tilespmem:s10+$0xFFFFFFB0] =	vst v4;
	v2 =	vadd.f32 v2, v7  }
0x709: {  	[tilespmem:s10+$0xFFFFFFF0] =	vst v1;
	v63 =	vadd.f32 v3, v5  }
0x70a: {  	[tilespmem:s10+$0x30] =	vst v2;
	v0 =	vadd.f32 v0, v6  }
0x70b: {  	[tilespmem:s10+$0x70] =	vst v63  }
0x70c: {  	[tilespmem:s10+$0xB0] =	vst v0  }
0x70d: {  	s7 =	rddreg [dreg:$0xc]  }
0x70e: {  	[hbm4b:s7+s3] =	stream.linear.scatter [tilespmem:s0], [sflag:$0x8], $0x3200, $0x38;
	[tilespmem:$0x11400] =	vst v63  }
0x70f: {  	_ =	swait.ge [sflag:s25], $0x3200  }
0x710: {  	[sflag:s25] =	ssyncset.done $0x0  }
0x711: {  	[sflag:s25] =	ssyncadd.s32 $0xFFFFCE00  }
0x712: {  	_ =	swait.ge [sflag:s18], $0x3200  }
0x713: {  	[sflag:s18] =	ssyncset.done $0x0  }
0x714: {  	[sflag:s18] =	ssyncadd.s32 $0xFFFFCE00  }
0x715: {  	_ =	swait.ge [sflag:s30], $0x3200  }
0x716: {  	[sflag:s30] =	ssyncset.done $0x0  }
0x717: {  	[sflag:s30] =	ssyncadd.s32 $0xFFFFCE00  }
0x718: {  	_ =	swait.ge [sflag:s8], $0x3200  }
0x719: {  	s9 =	sadd.s32 $0x1, s9;
	s16 =	rddreg [dreg:$0xd]  }
0x71a: {  	p0 =	sne.s32 s9, s16  }
.Ltmp13:
0x71b: {  	_ = 	snop;
	(pc) =	sbr.rel @p0 .LBB2_1-.Ltmp13, $3  }
0x71c: {  	_ =	sdelay $0x1  }
0x71d: {  	[sflag:s8] =	ssyncset.done $0x0  }
0x71e: {  	[sflag:s8] =	ssyncadd.s32 $0xFFFFCE00  }
0x71f: {  	_ =	sfence.sel $0x180000  }
0x720: {  	[bflag:$0x0] =	sbarrier.arrive $0xFFFF  }
0x721: {  	_ =	strace $0x90000047  }
0x722: {  	s0 =	stileid.u32;
	[bflag:$0x2] =	sbarrier.arrive $0xFFFF  }
0x723: {  	p0 =	sne.s32 s0, $0x0;
	s0 =	rddreg [dreg:$0x2]  }
0x724: {  	s0 =	sadd.s32 @!p0 $0x100000, s0  }
0x725: {  	[sflag:s0] =	ssyncadd.tile.s32 @!p0 $0x1;
	_ =	shalt  }
.Lfunc_end2:
_tile_overlayer_lowered:
.L_overlay_start_2:
0x726: {  	(tag) =	ssettag $0x2  }
0x727: {  	s0 =	rddreg [dreg:$0x0];
	s2 =	stileid.u32  }
0x728: {  	s1 =	rddreg [dreg:$0x1];
	p0 =	sne.s32 s2, $0x0  }
0x729: {  	s3 =	rddreg [dreg:$0x2];
	[bflag:$0x3] =	sbarrier.arrive $0xFFFF;
	s2 =	simm.s32 @!p0 $0x1C09  }
0x72a: {  	[timem:s3], [sflag:s2] =	dma.local @!p0 [hbm:s0], s1  }
0x72b: {  	s0 =	simm.s32 @!p0 $0x9  }
0x72c: {  	_ =	swait.ge @!p0 [sflag:s0], s1  }
0x72d: {  	s1 =	ssub.s32 @!p0 $0x0, s1;
	[sflag:s0] =	ssyncset.done @!p0 $0x0  }
0x72e: {  	[sflag:s0] =	ssyncadd.s32 @!p0 s1  }
0x72f: {  	[bflag:$0x3] =	sbarrier.arrive $0xFFFF  }
0x730: {  	_ =	shalt  }

// kernel: sparse-core-data-format-call.cloned.1.call-start
scs
called_computation_lowered:
.L_overlay_start_0:
0x0: {  	s2 =	sld [smem:$0x3FD9]  }
0x1: {  	s3 =	sld [smem:$0x3FFE];
	_ =	sdelay $0x1  }
0x2: {  	s1 =	srdreg.scid  }
0x3: {  	s0 =	sand.u32 $0x1, s1  }
0x4: {  	s18 =	sshll.u32 s0, $0xA;
	s2 =	sadd.s32 s3, s2  }
0x5: {  	s2 =	sadd.s32 s2, s18  }
0x6: {  	[smem:$0x3FC6] =	sst s2  }
0x7: {  	_ = 	snop  }
0x8: {  	s2 =	sld [smem:$0x3FD0];
	(tm) =	ssettm $0x1  }
0x9: {  	s19 =	sld [smem:$0x3FFB];
	_ =	sdelay $0x3  }
0xa: {  	_ =	strace s19  }
0xb: {  	s3 =	sld [smem:$0x3FFC];
	_ =	sdelay $0x3  }
0xc: {  	_ =	strace s3  }
0xd: {  	s3 =	sld [smem:$0x3FFD];
	_ =	sdelay $0x3  }
0xe: {  	_ =	strace s3  }
0xf: {  	_ =	strace $0x8FFFFFFF  }
0x10: {  	s20 =	sld [smem:$0x3FDB];
	_ =	sdelay $0x1  }
0x11: {  	s4 =	simm.s32 $_scs_section_size  }
0x12: {  	s5 =	simm.s32 $_size__tile_overlayer_lowered;
	s6 =	simm.s32 $_tile_overlayer_lowered  }
0x13: {  	s23 =	simm.s32 $0x1BFF;
	s22 =	sshll.u32 s6, $0x1;
	s3 =	sadd.s32 s4, s20  }
0x14: {  	s7 =	simm.s32 $0x0;
	s21 =	sshll.u32 s5, $0x1;
	s5 =	sadd.s32 s22, s3  }
0x15: {  	[timem:s7], [sflag:s23] =	dma.local [hbm:s5], s21  }
0x16: {  	_ =	swait.ge [sflag:s23], s21  }
0x17: {  	s4 =	ssub.s32 $0x0, s21;
	[sflag:s23] =	ssyncset.done $0x0  }
0x18: {  	[sflag:s23] =	ssyncadd.s32 s4;
	_ =	sdelay $0x1  }
0x19: {  	s24 =	simm.s32 $0x1B8B  }
0x1a: {  	_ =	swait.ge [sflag:s24], $0x1  }
0x1b: {  	[sflag:s24] =	ssyncset.done $0x0  }
0x1c: {  	s26 =	simm.s32 $0x1B8E;
	s25 =	sld [smem:$0x3FFE];
	[sflag:s24] =	ssyncadd.s32 $0xFFFFFFFF  }
0x1d: {  	s27 =	simm.s32 $execute0_lowered;
	[smem:$0x3FD2] =	sst s26  }
0x1e: {  	s5 =	sshll.u32 s27, $0x1;
	_ =	strace $0x80000049;
	[dreg:$0x1] =	wrdreg $0xFFFFFFFF  }
0x1f: {  	s28 =	simm.s32 $_size_execute0_lowered;
	s3 =	sadd.s32 s3, s5;
	[dreg:$0x0] =	wrdreg $0x0  }
0x20: {  	s5 =	sshll.u32 s28, $0x1;
	[dreg:$0x2] =	wrdreg s3  }
0x21: {  	[dreg:$0x3] =	wrdreg s5  }
0x22: {  	[dreg:$0x4] =	wrdreg $0xC0  }
0x23: {  	_ =	task [dreg:s7], $0x5FFFF  }
0x24: {  	[dreg:$0x1] =	wrdreg $0xFFFFFFFF  }
0x25: {  	[dreg:$0x0] =	wrdreg $0x60  }
0x26: {  	[dreg:$0x2] =	wrdreg s25  }
0x27: {  	[dreg:$0x3] =	wrdreg s2  }
0x28: {  	[dreg:$0x4] =	wrdreg $0x9  }
0x29: {  	_ =	task.clear_ibuf [dreg:s7], $0x5FFFF;
	_ =	strace $0x90000049  }
0x2a: {  	s29 =	simm.s32 $0x9;
	_ =	strace $0x8000004B  }
0x2b: {  	_ =	swait.ge [sflag:s29], $0x1  }
0x2c: {  	[sflag:s29] =	ssyncadd.s32 $0xFFFFFFFF  }
0x2d: {  	_ =	strace $0x9000004B  }
0x2e: {  	_ =	sfence  }
0x2f: {  	s30 =	sld [smem:$0x0];
	_ =	sdelay $0x2  }
0x30: {  	s31 =	sshll.u32 s1, $0xD;
	s1 =	sshrl.u32 s1, $0x2  }
0x31: {  	s3 =	sand.u32 $0x4000, s31;
	s1 =	sadd.s32 s1, s30  }
0x32: {  	s0 =	sor.u32 s3, s0;
	s1 =	sshll.u32 s1, $0x11  }
0x33: {  	s0 =	sor.u32 s1, s0  }
0x34: {  	s0 =	sadd.s32 $0x8F2B, s0  }
0x35: {  	[sflag:s0] =	ssyncadd.remote.s32 $0x1  }
0x36: {  	_ =	sfence.sel $0xFFFF  }
0x37: {  	[dreg:$0x0] =	wrdreg $0xFFFFFFFF;
	(pc) =	sbr.abs _section_cstart, $3  }
0x38: {  	[dreg:$0x1] =	wrdreg $0xFFFFFFFF  }
0x39: {  	_ =	task.clear_ibuf [dreg:s7], $0x2FFFF;
	_ =	strace $0x9FFFFFFF  }
0x3a: {  	(tm) =	ssettm $0x7FFFFFFF  }
0x3b: {  	_ =	shalt  }
tec
execute0_lowered:
.L_overlay_start_1:
0x0: {  	(tag) =	ssettag $0x1  }
0x1: {  	s0 =	stileid.u32;
	s6 =	rddreg [dreg:$0x0]  }
0x2: {  	s2 =	rddreg [dreg:$0x1];
	s5 =	srdreg.scid  }
0x3: {  	s31 =	simm.s32 $0x2;
	s13 =	simm.s32 $0x0;
	s1 =	sshll.u32 s0, $0x7  }
0x4: {  	s14 =	simm.s32 $0x0;
	s12 =	simm.s32 $0x0;
	s3 =	sand.u32 $0x380, s1  }
0x5: {  	s5 =	sshll.u32 s5, $0x4;
	s6 =	sadd.s32 $0xC00, s6;
	s4 =	ssub.s32 $0x400, s3  }
0x6: {  	s1 =	rddreg [dreg:$0x2];
	_ =	strace $0x8000004A;
	s7 =	sand.u32 $0x380, s4  }
0x7: {  	s5 =	sand.u32 $0x10, s5;
	p0 =	sne.s32 s7, $0x0;
	s7 =	simm.s32 $0x1  }
.Ltmp0:
0x8: {  	s8 =	sshrl.u32 s4, $0xA;
	s7 =	simm.s32 @!p0 $0x0;
	(pc) =	sbr.rel .LBB1_1-.Ltmp0, $4  }
0x9: {  	s9 =	sor.u32 s0, s5;
	s4 =	simm.s32 $0x1;
	s30 =	sadd.s32 s7, s8  }
0xa: {  	s11 =	smov.u32 s3;
	[sflag:s4] =	ssyncpa.u1 $0x0;
	s5 =	smul.u32 $0x32, s30  }
0xb: {  	[sflag:s31] =	ssyncpa.u1 $0x0;
	p0 =	por $0x0, $0x0;
	s7 =	sshrl.u32 s9, $0x3  }
0xc: {  	s9 =	simm.s32 $0x2000;
	s10 =	smov.u32 s7;
	s8 =	sor.u32 $0x1, s5  }
.LBB1_4:
0xd: {  	s17 =	sand.u32 $0x1F80, s14;
	s13 =	sshll.u32 s13, $0xD  }
0xe: {  	[tilespmem:s16+$0x810 ss:$0x81] =	vst.msk $0xffff, v2;
	s18 =	sshrl.u32 s14, $0x3;
	s31 =	sand.u32 $0x7, s14;
	s17 =	sadd.s32 s2, s17  }
0xf: {  	[tilespmem:s16+$0x1020 ss:$0x81] =	vst.msk $0xffff, v0;
	s18 =	sand.u32 $0xF, s18;
	s14 =	sshll.u32 s31, $0x12;
	s13 =	sadd.s32 s13, s17  }
0x10: {  	[tilespmem:s16+$0x0 ss:$0x81] =	vst.msk $0xffff, v1;
	s14 =	sor.u32 $0x400, s14;
	s13 =	sadd.s32 s18, s13  }
0x11: {  	[hbm4b:s13+s14] =	stream.strided.scatter [tilespmem:s15], [sflag:$0x2], $0x2000, s9, s14, $0x20;
	[tilespmem:$0x8080] =	vst v63  }
.LBB1_5:
0x12: {  	s15 =	sadd.s32 $0x4, s10  }
0x13: {  	s13 =	sadd.s32 $0x400, s11;
	s17 =	smov.u32 s11;
	p2 =	sgt.s32 s15, $0xC7  }
0x14: {  	s17 =	smov.u32 @p2 s13  }
0x15: {  	s15 =	smov.u32 @p2 s7;
	p2 =	sgt.s32 s17, $0x3FF  }
0x16: {  	s17 =	smov.u32 @p2 s3;
	p2 =	sne.s32 s12, s8  }
.Ltmp1:
0x17: {  	p1 =	slt.u32 s12, $0x2;
	(pc) =	sbr.rel @!p2 .LBB1_6-.Ltmp1, $4  }
0x18: {  	s16 =	simm.s32 @!p1 $0x2  }
0x19: {  	s14 =	smov.u32 s11;
	p0 =	por !p0, !p0;
	_ =	swait.ge @!p1 [sflag:s16], $0x2000  }
0x1a: {  	s13 =	smov.u32 s10;
	[sflag:s16] =	ssyncset.done @!p1 $0x0;
	s10 =	smov.u32 s15  }
0x1b: {  	s12 =	sadd.s32 $0x1, s12;
	[sflag:s16] =	ssyncadd.s32 @!p1 $0xFFFFE000;
	s11 =	smov.u32 s17  }
.LBB1_1:
0x1c: {  	p1 =	sge.u32 s12, s5  }
0x1d: {  	s15 =	sand.u32 @!p1 $0x1FFFFFF, s10  }
0x1e: {  	s16 =	smulhi.u32 @!p1 $0x147AE15, s15;
	_ =	sdelay $0x1  }
0x1f: {  	s16 =	smul.u32 @!p1 $0xC8, s16  }
0x20: {  	s17 =	sxor.u32 @!p1 $0xFFFFFFFF, s12;
	s18 =	smul.u32 @!p1 $0xC80, s11  }
0x21: {  	s31 =	sadd.s32 $0xFFFFFFFF, s12;
	s17 =	sshll.u32 @!p1 s17, $0xD;
	s15 =	ssub.s32 @!p1 s15, s16  }
0x22: {  	s16 =	sand.u32 @!p1 $0x2000, s17;
	s17 =	sadd.s32 @!p1 s6, s18;
	s15 =	sshll.u32 @!p1 s15, $0x4  }
0x23: {  	s18 =	simm.s32 @!p1 $0x6400;
	s15 =	sadd.s32 @!p1 s15, s17;
	s17 =	simm.s32 @!p1 $0x40  }
0x24: {  	[tilespmem:s16], [sflag:$0x1] =	stream.strided.gather @!p1 [hbm4b:s15+s17], $0x2000, s18, s17, $0x38;
	[tilespmem:$0x8080] =	vst v63  }
0x25: {  	p1 =	sge.u32 s31, s5  }
.Ltmp2:
0x26: {  	_ = 	snop;
	(pc) =	sbr.rel @p1 .LBB1_5-.Ltmp2, $1  }
0x27: {  	_ =	sdelay $0x3  }
0x28: {  	s15 =	simm.s32 $0x1  }
0x29: {  	_ =	swait.ge [sflag:s4], $0x2000;
	s15 =	simm.s32 @!p0 $0x0  }
0x2a: {  	[sflag:s4] =	ssyncset.done $0x0;
	s16 =	sshll.u32 s15, $0xD  }
0x2b: {  	[sflag:s4] =	ssyncadd.s32 $0xFFFFE000;
	s19 =	sor.u32 $0x20, s16  }
0x2c: {  	s15 =	smul.u32 $0x8100, s15;
	v3 =	vld [tilespmem:s19+$0x10]  }
0x2d: {  	s30 =	sand.u32 $0x1, s12;
	v2 =	vld [tilespmem:s19+$0xFFFFFFF0]  }
0x2e: {  	s16 =	smul.u32 $0x8100, s30;
	s15 =	sshrl.u32 s15, $0x2;
	v0 =	vld [tilespmem:s19+$0x0]  }
0x2f: {  	v1 =	vld [tilespmem:s19+$0xFFFFFFE0];
	s17 =	sor.u32 $0x4000, s15  }
0x30: {  	s31 =	sshrl.u32 s16, $0x2;
	s16 =	sadd.s32 $0x0, s17  }
0x31: {  	s18 =	simm.s32 $0x4;
	s19 =	sadd.s32 $0x40, s19;
	s15 =	sor.u32 $0x4000, s31;
	[tilespmem:s16+$0x1830 ss:$0x81] =	vst.msk $0xffff, v3  }
.LBB1_3:
0x32: {  	v3 =	vld [tilespmem:s19+$0x10];
	p1 =	sne.s32 s18, $0x1FC;
	[tilespmem:s16+$0x810 ss:$0x81] =	vst.msk $0xffff, v2;
	s20 =	smov.u32 s18;
	s18 =	sadd.s32 $0x4, s18  }
.Ltmp3:
0x33: {  	v2 =	vld [tilespmem:s19+$0xFFFFFFF0];
	[tilespmem:s16+$0x1020 ss:$0x81] =	vst.msk $0xffff, v0;
	(pc) =	sbr.rel @p1 .LBB1_3-.Ltmp3, $4  }
0x34: {  	v0 =	vld [tilespmem:s19+$0x0];
	[tilespmem:s16+$0x0 ss:$0x81] =	vst.msk $0xffff, v1  }
0x35: {  	s16 =	sshra.s32 s20, $0x2;
	v1 =	vld [tilespmem:s19+$0xFFFFFFE0]  }
0x36: {  	s16 =	sadd.s32 s16, s17  }
0x37: {  	s19 =	sadd.s32 $0x40, s19;
	[tilespmem:s16+$0x1830 ss:$0x81] =	vst.msk $0xffff, v3  }
.Ltmp4:
0x38: {  	_ = 	snop;
	(pc) =	sbr.rel .LBB1_4-.Ltmp4, $1  }
0x39: {  	_ =	sdelay $0x3  }
.LBB1_6:
0x3a: {  	_ =	sfence.sel $0x180000  }
0x3b: {  	s2 =	simm.s32 $0x1;
	[bflag:$0x0] =	sbarrier.arrive $0xFFFF  }
0x3c: {  	s31 =	simm.s32 $0x2;
	[sflag:s2] =	ssyncpa.u1 $0x1  }
0x3d: {  	[sflag:s31] =	ssyncpa.u1 $0x1  }
0x3e: {  	p0 =	sne.s32 s0, $0x0;
	_ =	strace $0x9000004A  }
0x3f: {  	s0 =	sadd.s32 @!p0 $0x100000, s1;
	[bflag:$0x2] =	sbarrier.arrive $0xFFFF  }
0x40: {  	[sflag:s0] =	ssyncadd.tile.s32 @!p0 $0x1;
	_ =	shalt  }
.Lfunc_end1:
_tile_overlayer_lowered:
.L_overlay_start_2:
0x41: {  	(tag) =	ssettag $0x2  }
0x42: {  	s0 =	rddreg [dreg:$0x0];
	s2 =	stileid.u32  }
0x43: {  	s1 =	rddreg [dreg:$0x1];
	p0 =	sne.s32 s2, $0x0  }
0x44: {  	s3 =	rddreg [dreg:$0x2];
	[bflag:$0x3] =	sbarrier.arrive $0xFFFF;
	s2 =	simm.s32 @!p0 $0x1C01  }
0x45: {  	[timem:s3], [sflag:s2] =	dma.local @!p0 [hbm:s0], s1  }
0x46: {  	s0 =	simm.s32 @!p0 $0x1  }
0x47: {  	_ =	swait.ge @!p0 [sflag:s0], s1  }
0x48: {  	s1 =	ssub.s32 @!p0 $0x0, s1;
	[sflag:s0] =	ssyncset.done @!p0 $0x0  }
0x49: {  	[sflag:s0] =	ssyncadd.s32 @!p0 s1  }
0x4a: {  	[bflag:$0x3] =	sbarrier.arrive $0xFFFF  }
0x4b: {  	_ =	shalt  }

</sc_bundles>
